<compile_context>
chip_gen: v7x
topology: tpu7x:2x2x1
jax: 0.10.2.dev20260603
libtpu: 0.0.44.dev20260713+nightly
codegen_flags: <defaults>
</compile_context>

<pallas_src>
import functools

import jax
import jax.numpy as jnp
from jax import lax
from jax.experimental import pallas as pl
from jax.experimental.pallas import tpu as pltpu
from jax.experimental.pallas import tpu_sc as plsc

N = 10000
E = 320000
H = 128
AF = 7
NPAD = 10240
NC, NS = 2, 16
NW = NC * NS

_mesh = plsc.VectorSubcoreMesh(core_axis_name="c", subcore_axis_name="s")
_CP = pltpu.CompilerParams(needs_layout_passes=False)


def _tc_edge_mlp_body(attr16, w1big, b1big, w2big, b2, out):
    h = jax.nn.relu(
        lax.dot_general(attr16[...], w1big[...], (((1,), (0,)), ((), ())),
                        preferred_element_type=jnp.float32) + b1big[...])
    t = lax.dot_general(h, w2big[...], (((1,), (0,)), ((), ())),
                        preferred_element_type=jnp.float32)
    out[...] = jax.nn.sigmoid(t + b2[...])


def _tc_edge_mlp(attr16, w1big, b1big, w2big, b2):
    return pl.pallas_call(
        _tc_edge_mlp_body,
        out_shape=jax.ShapeDtypeStruct((E // 16, 16), jnp.float32),
    )(attr16, w1big, b1big, w2big, b2)


_EPT = E // NW
_NPT = NPAD // NW
_ACH = 240
_DCH = 2000
_EB8 = E // 8


@functools.partial(
    pl.kernel, mesh=_mesh, compiler_params=_CP,
    out_type=(jax.ShapeDtypeStruct((NPAD, H), jnp.float32),
              jax.ShapeDtypeStruct((NW, 8, NPAD), jnp.float32)),
    scratch_types=[
        pltpu.VMEM((_NPT, H), jnp.float32),
        pltpu.VMEM((_ACH, H), jnp.float32),
        pltpu.VMEM((_ACH, H), jnp.float32),
        pltpu.VMEM((NPAD,), jnp.float32),
        pltpu.VMEM((_DCH,), jnp.int32),
        pltpu.VMEM((_DCH,), jnp.float32),
        pltpu.VMEM((16,), jnp.int32),
        pltpu.VMEM((_ACH + 16,), jnp.int32),
        pltpu.VMEM((_ACH + 16,), jnp.int32),
        pltpu.SemaphoreType.DMA,
        pltpu.SemaphoreType.DMA,
    ],
)
def _sc_agg(e_hbm, i_hbm, col_hbm, w_hbm, zn_hbm, zr_hbm, v0_hbm, degp_hbm,
            acc_v, ebuf0, ebuf1, deg_v, cbuf, wbuf, probe_v, ibuf0, ibuf1,
            sem0, sem1):
    ebufs, ibufs, sems = (ebuf0, ebuf1), (ibuf0, ibuf1), (sem0, sem1)
    cid = lax.axis_index("c")
    sid = lax.axis_index("s")
    wid = cid * NS + sid

    def _lower_bound(target):
        def _cond(st):
            lo, hi = st
            return lo < hi
        def _body(st):
            lo, hi = st
            mid = (lo + hi) // 2
            off = pl.multiple_of(mid * 8, 8)
            pltpu.sync_copy(i_hbm.at[pl.ds(off, 8)], probe_v.at[pl.ds(0, 8)])
            pv = probe_v[...]
            geq = pv[7] >= target
            return (jnp.where(geq, lo, mid + 1), jnp.where(geq, mid, hi))
        fb, _ = lax.while_loop(_cond, _body, (jnp.int32(0), jnp.int32(_EB8)))

        def _refine(fb):
            off = pl.multiple_of(fb * 8, 8)
            pltpu.sync_copy(i_hbm.at[pl.ds(off, 8)], probe_v.at[pl.ds(0, 8)])
            pv = probe_v[...]
            lt = jnp.where((pv < target) & (lax.iota(jnp.int32, 16) < 8), 1, 0)
            return fb * 8 + jnp.sum(lt).astype(jnp.int32)
        return jnp.where(fb >= _EB8, jnp.int32(E), _refine(jnp.minimum(fb, _EB8 - 1)))

    nbase = wid * _NPT
    lo = _lower_bound(nbase)
    hi = _lower_bound(nbase + _NPT)

    pltpu.sync_copy(zr_hbm, acc_v)

    lo8 = pl.multiple_of((lo // 8) * 8, 8)
    nch = (hi - lo8 + _ACH - 1) // _ACH
    iota16 = lax.iota(jnp.int32, 16)

    def _koff(k):
        off = lo8 + k * _ACH
        off = jnp.minimum(off, E - _ACH)
        return pl.multiple_of((off // 8) * 8, 8)

    def _issue(k, par):
        off = _koff(k)
        pltpu.async_copy(e_hbm.at[1, pl.ds(off, _ACH)], ebufs[par], sems[par])
        pltpu.async_copy(i_hbm.at[pl.ds(off, _ACH)],
                         ibufs[par].at[pl.ds(0, _ACH)], sems[par])

    def _wait(par):
        pltpu.make_async_copy(e_hbm.at[1, pl.ds(0, _ACH)], ebufs[par],
                              sems[par]).wait()
        pltpu.make_async_copy(i_hbm.at[pl.ds(0, _ACH)],
                              ibufs[par].at[pl.ds(0, _ACH)], sems[par]).wait()

    @pl.when(nch > 0)
    def _():
        _issue(0, 0)

    def _chunk(k, done):
        off = _koff(k)
        par = lax.rem(k, 2)

        @pl.when(k + 1 < nch)
        def _():
            for q in range(2):
                @pl.when(1 - par == q)
                def _():
                    _issue(k + 1, q)

        j0 = jnp.maximum(done - off, 0)
        j1 = jnp.maximum(jnp.minimum(hi - off, _ACH), j0)

        for q in range(2):
            @pl.when(par == q)
            def _():
                _wait(q)

                def _edge(j, _):
                    ib = plsc.load_gather(ibufs[q],
                                          [jnp.full((16,), j, jnp.int32)])
                    ib0 = ib - nbase
                    evs = []
                    for c in range(H // 16):
                        evs.append(ebufs[q][j, pl.ds(c * 16, 16)])
                    for c in range(H // 16):
                        plsc.addupdate_scatter(
                            acc_v, [ib0, iota16 + (c * 16)], evs[c])
                    return 0
                lax.fori_loop(j0, j1, _edge, 0)
        return off + j1
    lax.fori_loop(0, nch, _chunk, lo)
    pltpu.sync_copy(acc_v, v0_hbm.at[pl.ds(nbase, _NPT)])

    pltpu.sync_copy(zn_hbm, deg_v)
    ebase = wid * _EPT

    def _dchunk(k, _):
        off = ebase + k * _DCH
        pltpu.sync_copy(col_hbm.at[pl.ds(off, _DCH)], cbuf)
        pltpu.sync_copy(w_hbm.at[pl.ds(off, _DCH)], wbuf)

        def _grp(g, _):
            pairs = []
            for u in range(5):
                b = g * 80 + u * 16
                pairs.append((cbuf[pl.ds(b, 16)], wbuf[pl.ds(b, 16)]))
            for cv, wv in pairs:
                plsc.addupdate_scatter(deg_v, [cv], wv)
            return 0
        lax.fori_loop(0, _DCH // 80, _grp, 0)
        return 0
    lax.fori_loop(0, _EPT // _DCH, _dchunk, 0)
    pltpu.sync_copy(deg_v, degp_hbm.at[wid, 0])


def _tc_pre_body(v0, degp, afe, wva, wvb, blv, wconv, xsT, dis_out):
    v1 = (lax.dot_general(v0[...], wva[...], (((1,), (1,)), ((), ())),
                          preferred_element_type=jnp.float32)
          + lax.dot_general(afe[...], wvb[...], (((1,), (1,)), ((), ())),
                            preferred_element_type=jnp.float32)
          + blv[...])
    deg = jnp.sum(degp[:, 0, :], axis=0)
    dis = jnp.where(deg > 0.0, lax.rsqrt(jnp.maximum(deg, 1e-30)), 0.0)
    x1T = lax.dot_general(wconv[...], v1, (((1,), (1,)), ((), ())),
                          preferred_element_type=jnp.float32)
    xsT[...] = (x1T * dis[None, :]).reshape(NW, H // NW, NPAD)
    dis_out[...] = dis[None, :]


def _tc_pre(v0, degp, afe, wva, wvb, blv, wconv):
    return pl.pallas_call(
        _tc_pre_body,
        out_shape=(jax.ShapeDtypeStruct((NW, H // NW, NPAD), jnp.float32),
                   jax.ShapeDtypeStruct((1, NPAD), jnp.float32)),
    )(v0, degp, afe, wva, wvb, blv, wconv)


_FPT = H // NW
_CCH = 4000
_UNR = 2


_HPC = H // NC
_NCH = E // _CCH


@functools.partial(
    pl.kernel, mesh=_mesh, compiler_params=_CP,
    out_type=jax.ShapeDtypeStruct((NW, _FPT, NPAD), jnp.float32),
    scratch_types=[
        pltpu.VMEM((_FPT, NPAD), jnp.float32),
        pltpu.VMEM((_FPT, NPAD), jnp.float32),
        pltpu.VMEM((_CCH,), jnp.int32),
        pltpu.VMEM((_CCH,), jnp.int32),
        pltpu.VMEM((_CCH,), jnp.int32),
        pltpu.VMEM((_CCH,), jnp.int32),
        pltpu.VMEM((_CCH,), jnp.float32),
        pltpu.VMEM((_CCH,), jnp.float32),
        pltpu.SemaphoreType.DMA,
        pltpu.SemaphoreType.DMA,
    ],
)
def _sc_conv(xsT3_hbm, row_hbm, col_hbm, w_hbm, zc_hbm, out_hbm,
             x_v, acc_v, rbuf0, rbuf1, cbuf0, cbuf1, wbuf0, wbuf1,
             sem0, sem1):
    rbufs, cbufs, wbufs = (rbuf0, rbuf1), (cbuf0, cbuf1), (wbuf0, wbuf1)
    cid = lax.axis_index("c")
    sid = lax.axis_index("s")
    wid = cid * NS + sid

    pltpu.sync_copy(xsT3_hbm.at[wid], x_v)
    pltpu.sync_copy(zc_hbm, acc_v)

    def _koff(k):
        kk = k + wid * 2
        kk = jnp.where(kk >= _NCH, kk - _NCH, kk)
        return pl.multiple_of(kk * _CCH, 8)

    def _issue(k, par):
        off = _koff(k)
        sem = (sem0, sem1)[par]
        pltpu.async_copy(row_hbm.at[pl.ds(off, _CCH)], rbufs[par], sem)
        pltpu.async_copy(col_hbm.at[pl.ds(off, _CCH)], cbufs[par], sem)
        pltpu.async_copy(w_hbm.at[pl.ds(off, _CCH)], wbufs[par], sem)

    def _wait(par):
        sem = (sem0, sem1)[par]
        pltpu.make_async_copy(row_hbm.at[pl.ds(0, _CCH)], rbufs[par], sem).wait()
        pltpu.make_async_copy(col_hbm.at[pl.ds(0, _CCH)], cbufs[par], sem).wait()
        pltpu.make_async_copy(w_hbm.at[pl.ds(0, _CCH)], wbufs[par], sem).wait()

    _issue(0, 0)

    def _chunk(k, _):
        par = lax.rem(k, 2)

        @pl.when(k + 1 < _NCH)
        def _():
            for p in range(2):
                @pl.when(1 - par == p)
                def _():
                    _issue(k + 1, p)

        for p in range(2):
            @pl.when(par == p)
            def _():
                _wait(p)

                def _grp(g, _):
                    msgs = []
                    for u in range(_UNR):
                        b = g * (16 * _UNR) + u * 16
                        rv = rbufs[p][pl.ds(b, 16)]
                        cv = cbufs[p][pl.ds(b, 16)]
                        wv = wbufs[p][pl.ds(b, 16)]
                        for c in range(_FPT):
                            ci = jnp.full((16,), c, jnp.int32)
                            xg = plsc.load_gather(x_v, [ci, rv])
                            msgs.append((ci, cv, xg * wv))
                    for ci, cv, m in msgs:
                        plsc.addupdate_scatter(acc_v, [ci, cv], m)
                    return 0
                lax.fori_loop(0, _CCH // (16 * _UNR), _grp, 0)
        return 0
    lax.fori_loop(0, _NCH, _chunk, 0)

    pltpu.sync_copy(acc_v, out_hbm.at[wid])


def _tc_mid_body(acc3, dis, bconv, wconv, xsT):
    accT = acc3[...].reshape(H, NPAD)
    out1T = accT * dis[...] + bconv[...]
    x2T = lax.dot_general(wconv[...], out1T, (((1,), (0,)), ((), ())),
                          preferred_element_type=jnp.float32)
    xsT[...] = (x2T * dis[...]).reshape(NW, H // NW, NPAD)


def _tc_mid(acc3, dis, bconv, wconv):
    return pl.pallas_call(
        _tc_mid_body,
        out_shape=jax.ShapeDtypeStruct((NW, H // NW, NPAD), jnp.float32),
    )(acc3, dis, bconv, wconv)


def _tc_head_body(acc3, dis, bconv, wup, bup, wl0, bl0, wl1, bl1, wl2, bl2,
                  wout, yT):
    out2T = acc3[...].reshape(H, NPAD) * dis[...] + bconv[...]
    g = jax.nn.relu(out2T)
    u = lax.dot_general(wup[...], g, (((1,), (0,)), ((), ())),
                        preferred_element_type=jnp.float32) + bup[...]
    for wref, bref in ((wl0, bl0), (wl1, bl1), (wl2, bl2)):
        u = jax.nn.relu(
            lax.dot_general(wref[...], u, (((1,), (0,)), ((), ())),
                            preferred_element_type=jnp.float32) + bref[...])
    yT[...] = lax.dot_general(wout[...], u, (((1,), (0,)), ((), ())),
                              preferred_element_type=jnp.float32)


def _tc_head(acc3, dis, bconv, wup, bup, wl0, bl0, wl1, bl1, wl2, bl2, wout):
    return pl.pallas_call(
        _tc_head_body,
        out_shape=jax.ShapeDtypeStruct((1, NPAD), jnp.float32),
    )(acc3, dis, bconv, wup, bup, wl0, bl0, wl1, bl1, wl2, bl2, wout)


def kernel(e, i, afe, b_edge_index, b_edge_attr, W_lin_v, b_lin_v, W_conv,
           b_conv, W_mlp1, b_mlp1, W_mlp2, b_mlp2, W_up, b_up, W_l0, b_l0,
           W_l1, b_l1, W_l2, b_l2, W_out):
    e2 = e[1]
    i32 = i.astype(jnp.int32)
    row = b_edge_index[0].astype(jnp.int32)
    col = b_edge_index[1].astype(jnp.int32)
    afe_pad = jnp.pad(afe, ((0, NPAD - N), (0, 0)))

    eye16 = jnp.eye(16, dtype=jnp.float32)
    attr16 = b_edge_attr.reshape(E // 16, 128)
    w1big = jnp.kron(eye16, W_mlp1.T)
    b1big = jnp.tile(b_mlp1, 16)[None, :]
    w2big = jnp.kron(eye16, W_mlp2.T)
    w = _tc_edge_mlp(attr16, w1big, b1big, w2big, b_mlp2.reshape(1, 1))
    w_flat = w.reshape(E)

    zn = jnp.zeros((NPAD,), jnp.float32)
    zr = jnp.zeros((_NPT, H), jnp.float32)
    zc = jnp.zeros((_FPT, NPAD), jnp.float32)

    v0, degp = _sc_agg(e, i32, col, w_flat, zn, zr)

    xs1T, dis = _tc_pre(v0, degp, afe_pad,
                        W_lin_v[:, :H], W_lin_v[:, H:], b_lin_v[None, :],
                        W_conv)

    acc1 = _sc_conv(xs1T, row, col, w_flat, zc)
    xs2T = _tc_mid(acc1, dis, b_conv.reshape(H, 1), W_conv)
    acc2 = _sc_conv(xs2T, row, col, w_flat, zc)

    yT = _tc_head(acc2, dis, b_conv.reshape(H, 1),
                  W_up, b_up.reshape(-1, 1), W_l0, b_l0.reshape(-1, 1),
                  W_l1, b_l1.reshape(-1, 1), W_l2, b_l2.reshape(-1, 1),
                  W_out)
    return yT.reshape(NPAD, 1)[:N]

# --- scband reference (transcript-rebuilt; emitter-appended) ---
"""Pipeline reference for scband-update-v-40638980555086 (READ-ONLY COPY).

The authoritative reference and input builder live on the scoring server;
editing this copy changes nothing except your own understanding.
"""

import jax, jax.numpy as jnp
import numpy as np

N = 10000; E = 320000; H = 128; AF = 7; ED = 8; HC = 8; OE = 256; OC = 1

def _glorot(k, shape):
    fi, fo = shape[1], shape[0]
    s = (6.0 / (fi + fo)) ** 0.5
    return jax.random.uniform(k, shape, jnp.float32, -s, s)

def setup_inputs(seed: int = 0):
    key = jax.random.key(seed)
    ks = jax.random.split(key, 16)
    inp = {}
    inp["e"] = jax.random.normal(ks[0], (2, E, H), dtype=jnp.float32)
    inp["i"] = jnp.sort(jax.random.randint(ks[1], (E,), 0, N))
    inp["afe"] = jax.random.normal(ks[2], (N, AF), dtype=jnp.float32)
    inp["b_edge_index"] = jax.random.randint(ks[3], (2, E), 0, N)
    inp["b_edge_attr"] = jax.random.normal(ks[4], (E, ED), dtype=jnp.float32)
    inp["W_lin_v"] = _glorot(ks[5], (H, H + AF)); inp["b_lin_v"] = jnp.zeros((H,), jnp.float32)
    inp["W_conv"] = _glorot(ks[6], (H, H)); inp["b_conv"] = jnp.zeros((H,), jnp.float32)
    inp["W_mlp1"] = _glorot(ks[7], (HC, ED)); inp["b_mlp1"] = jnp.zeros((HC,), jnp.float32)
    inp["W_mlp2"] = _glorot(ks[8], (1, HC)); inp["b_mlp2"] = jnp.zeros((1,), jnp.float32)
    inp["W_up"] = _glorot(ks[9], (OE, H)); inp["b_up"] = jnp.zeros((OE,), jnp.float32)
    inp["W_l0"] = _glorot(ks[10], (OE, OE)); inp["b_l0"] = jnp.zeros((OE,), jnp.float32)
    inp["W_l1"] = _glorot(ks[11], (OE, OE)); inp["b_l1"] = jnp.zeros((OE,), jnp.float32)
    inp["W_l2"] = _glorot(ks[12], (OE, OE)); inp["b_l2"] = jnp.zeros((OE,), jnp.float32)
    inp["W_out"] = _glorot(ks[13], (OC, OE))
    return inp

def _pdn_conv(x, edge_index, edge_attr, W, b, W1, b1, W2, b2):
    # PDNConv: edge MLP -> scalar weight, gcn_norm (no self loops), weighted scatter-add
    w = jax.nn.relu(edge_attr @ W1.T + b1)
    w = jax.nn.sigmoid(w @ W2.T + b2)[:, 0]
    row, col = edge_index[0], edge_index[1]
    deg = jax.ops.segment_sum(w, col, num_segments=N)
    deg_safe = jnp.where(deg > 0, deg, 1.0)
    dis = jnp.where(deg > 0, deg_safe ** -0.5, 0.0)
    norm = dis[row] * w * dis[col]
    x = x @ W.T
    msg = x[row] * norm[:, None]
    out = jax.ops.segment_sum(msg, col, num_segments=N)
    return out + b

def reference(e, i, afe, b_edge_index, b_edge_attr, W_lin_v, b_lin_v, W_conv, b_conv, W_mlp1, b_mlp1, W_mlp2, b_mlp2, W_up, b_up, W_l0, b_l0, W_l1, b_l1, W_l2, b_l2, W_out):
    e2 = e[1]
    v = jax.ops.segment_sum(e2, i, num_segments=N)
    v = jnp.concatenate([v, afe], axis=1) @ W_lin_v.T + b_lin_v
    v = _pdn_conv(v, b_edge_index, b_edge_attr, W_conv, b_conv, W_mlp1, b_mlp1, W_mlp2, b_mlp2)
    v = _pdn_conv(v, b_edge_index, b_edge_attr, W_conv, b_conv, W_mlp1, b_mlp1, W_mlp2, b_mlp2)
    v = jax.nn.relu(v)
    v = v @ W_up.T + b_up
    for W, b in ((W_l0, b_l0), (W_l1, b_l1), (W_l2, b_l2)):
        v = jax.nn.relu(v @ W.T + b)
    return v @ W_out.T

if __name__ == "__main__":
    import jax
    _d = setup_inputs()
    print(jax.jit(kernel)(*tuple(_d.values())))

</pallas_src>

<mosaic_0001>
#map = affine_map<(d0, d1) -> (0, 0, 0)>
#map1 = affine_map<(d0, d1) -> (0)>
#map2 = affine_map<(d0, d1) -> (0, 0)>
module attributes {stable_mosaic.version = 14 : i64} {
  func.func @_sc_conv(%arg0: i32, %arg1: i32, %arg2: memref<32x4x10240xf32, #tpu.memory_space<hbm>>, %arg3: memref<320000xi32, #tpu.memory_space<hbm>>, %arg4: memref<320000xi32, #tpu.memory_space<hbm>>, %arg5: memref<320000xf32, #tpu.memory_space<hbm>>, %arg6: memref<4x10240xf32, #tpu.memory_space<hbm>>, %arg7: memref<32x4x10240xf32, #tpu.memory_space<hbm>>, %arg8: memref<4x10240xf32, #tpu.memory_space<vmem>>, %arg9: memref<4x10240xf32, #tpu.memory_space<vmem>>, %arg10: memref<4000xi32, #tpu.memory_space<vmem>>, %arg11: memref<4000xi32, #tpu.memory_space<vmem>>, %arg12: memref<4000xi32, #tpu.memory_space<vmem>>, %arg13: memref<4000xi32, #tpu.memory_space<vmem>>, %arg14: memref<4000xf32, #tpu.memory_space<vmem>>, %arg15: memref<4000xf32, #tpu.memory_space<vmem>>, %arg16: memref<!tpu.dma_semaphore, #tpu.memory_space<semaphore_mem>>, %arg17: memref<!tpu.dma_semaphore, #tpu.memory_space<semaphore_mem>>) attributes {dimension_semantics = [#tpu.dimension_semantics<core_parallel>, #tpu.dimension_semantics<subcore_parallel>], iteration_bounds = array<i64: 2, 16>, scalar_prefetch = 0 : i64, scratch_operands = 10 : i64, tpu.core_type = #tpu.core_type<sc_vector_subcore>, window_params = [{transform_indices = #map}, {transform_indices = #map1}, {transform_indices = #map1}, {transform_indices = #map1}, {transform_indices = #map2}, {transform_indices = #map}]} {
    %mul3A = arith.constant 16 : i32
    %mul3A_0 = arith.muli %arg0, %mul3A : i32
    %add3A = arith.addi %mul3A_0, %arg1 : i32
    "tpu.region"() ({
      %run_scoped3A = tpu.sem_alloc : memref<!tpu.dma_semaphore, #tpu.memory_space<semaphore_mem>>
      %dma_start3A_20 = arith.constant 0 : i32
      %dma_start3A_21 = arith.constant 0 : i32
      %dma_start3A_22 = tpu.memref_slice %arg2[%add3A, %dma_start3A_20, %dma_start3A_21] : memref<32x4x10240xf32, #tpu.memory_space<hbm>> -> memref<1x4x10240xf32, #tpu.memory_space<hbm>>
      %dma_start3A_23 = tpu.memref_squeeze %dma_start3A_22 : memref<1x4x10240xf32, #tpu.memory_space<hbm>> -> memref<4x10240xf32, #tpu.memory_space<hbm>>
      %dma_start3A_24 = arith.constant 0 : i32
      %dma_start3A_25 = arith.constant 0 : i32
      %dma_start3A_26 = tpu.memref_slice %arg2[%add3A, %dma_start3A_24, %dma_start3A_25] : memref<32x4x10240xf32, #tpu.memory_space<hbm>> -> memref<1x4x10240xf32, #tpu.memory_space<hbm>>
      %dma_start3A_27 = tpu.memref_squeeze %dma_start3A_26 : memref<1x4x10240xf32, #tpu.memory_space<hbm>> -> memref<4x10240xf32, #tpu.memory_space<hbm>>
      tpu.enqueue_dma source(%dma_start3A_27 : memref<4x10240xf32, #tpu.memory_space<hbm>>) target(%arg8 : memref<4x10240xf32, #tpu.memory_space<vmem>>) target_semaphore(%run_scoped3A : memref<!tpu.dma_semaphore, #tpu.memory_space<semaphore_mem>>)
      %dma_wait3A = arith.constant 0 : i32
      %dma_wait3A_28 = arith.constant 0 : i32
      %dma_wait3A_29 = tpu.memref_slice %arg2[%add3A, %dma_wait3A, %dma_wait3A_28] : memref<32x4x10240xf32, #tpu.memory_space<hbm>> -> memref<1x4x10240xf32, #tpu.memory_space<hbm>>
      %dma_wait3A_30 = tpu.memref_squeeze %dma_wait3A_29 : memref<1x4x10240xf32, #tpu.memory_space<hbm>> -> memref<4x10240xf32, #tpu.memory_space<hbm>>
      %dma_wait3A_31 = arith.constant 0 : i32
      %dma_wait3A_32 = arith.constant 0 : i32
      %dma_wait3A_33 = tpu.memref_slice %arg2[%add3A, %dma_wait3A_31, %dma_wait3A_32] : memref<32x4x10240xf32, #tpu.memory_space<hbm>> -> memref<1x4x10240xf32, #tpu.memory_space<hbm>>
      %dma_wait3A_34 = tpu.memref_squeeze %dma_wait3A_33 : memref<1x4x10240xf32, #tpu.memory_space<hbm>> -> memref<4x10240xf32, #tpu.memory_space<hbm>>
      tpu.wait_dma2 semaphore(%run_scoped3A : memref<!tpu.dma_semaphore, #tpu.memory_space<semaphore_mem>>) src(%dma_wait3A_34 : memref<4x10240xf32, #tpu.memory_space<hbm>>) dst(%arg8 : memref<4x10240xf32, #tpu.memory_space<vmem>>)
      tpu.yield
    }) : () -> ()
    "tpu.region"() ({
      %run_scoped3A = tpu.sem_alloc : memref<!tpu.dma_semaphore, #tpu.memory_space<semaphore_mem>>
      tpu.enqueue_dma source(%arg6 : memref<4x10240xf32, #tpu.memory_space<hbm>>) target(%arg9 : memref<4x10240xf32, #tpu.memory_space<vmem>>) target_semaphore(%run_scoped3A : memref<!tpu.dma_semaphore, #tpu.memory_space<semaphore_mem>>)
      tpu.wait_dma2 semaphore(%run_scoped3A : memref<!tpu.dma_semaphore, #tpu.memory_space<semaphore_mem>>) src(%arg6 : memref<4x10240xf32, #tpu.memory_space<hbm>>) dst(%arg9 : memref<4x10240xf32, #tpu.memory_space<vmem>>)
      tpu.yield
    }) : () -> ()
    %mul3A_1 = arith.constant 2 : i32
    %mul3A_2 = arith.muli %add3A, %mul3A_1 : i32
    %add3A_3 = arith.constant 0 : i32
    %add3A_4 = arith.addi %add3A_3, %mul3A_2 : i32
    %ge3A = arith.constant 80 : i32
    %ge3A_5 = arith.cmpi sge, %add3A_4, %ge3A : i32
    %sub3A = arith.constant 80 : i32
    %sub3A_6 = arith.subi %add3A_4, %sub3A : i32
    %select_n3A = arith.select %ge3A_5, %sub3A_6, %add3A_4 : i32
    %mul3A_7 = arith.constant 4000 : i32
    %mul3A_8 = arith.muli %select_n3A, %mul3A_7 : i32
    %multiple_of3A = tpu.assume_multiple %mul3A_8, 8 : i32
    %dma_start3A = tpu.memref_slice %arg3[%multiple_of3A] : memref<320000xi32, #tpu.memory_space<hbm>> -> memref<4000xi32, #tpu.memory_space<hbm>>
    %dma_start3A_9 = tpu.memref_slice %arg3[%multiple_of3A] : memref<320000xi32, #tpu.memory_space<hbm>> -> memref<4000xi32, #tpu.memory_space<hbm>>
    tpu.enqueue_dma source(%dma_start3A_9 : memref<4000xi32, #tpu.memory_space<hbm>>) target(%arg10 : memref<4000xi32, #tpu.memory_space<vmem>>) target_semaphore(%arg16 : memref<!tpu.dma_semaphore, #tpu.memory_space<semaphore_mem>>)
    %dma_start3A_10 = tpu.memref_slice %arg4[%multiple_of3A] : memref<320000xi32, #tpu.memory_space<hbm>> -> memref<4000xi32, #tpu.memory_space<hbm>>
    %dma_start3A_11 = tpu.memref_slice %arg4[%multiple_of3A] : memref<320000xi32, #tpu.memory_space<hbm>> -> memref<4000xi32, #tpu.memory_space<hbm>>
    tpu.enqueue_dma source(%dma_start3A_11 : memref<4000xi32, #tpu.memory_space<hbm>>) target(%arg12 : memref<4000xi32, #tpu.memory_space<vmem>>) target_semaphore(%arg16 : memref<!tpu.dma_semaphore, #tpu.memory_space<semaphore_mem>>)
    %dma_start3A_12 = tpu.memref_slice %arg5[%multiple_of3A] : memref<320000xf32, #tpu.memory_space<hbm>> -> memref<4000xf32, #tpu.memory_space<hbm>>
    %dma_start3A_13 = tpu.memref_slice %arg5[%multiple_of3A] : memref<320000xf32, #tpu.memory_space<hbm>> -> memref<4000xf32, #tpu.memory_space<hbm>>
    tpu.enqueue_dma source(%dma_start3A_13 : memref<4000xf32, #tpu.memory_space<hbm>>) target(%arg14 : memref<4000xf32, #tpu.memory_space<vmem>>) target_semaphore(%arg16 : memref<!tpu.dma_semaphore, #tpu.memory_space<semaphore_mem>>)
    %scan3A = arith.constant 0 : i32
    %scan3A_14 = arith.constant 0 : i32
    %scan3A_15 = arith.constant 80 : i32
    %scan3A_16 = arith.addi %scan3A_14, %scan3A_15 : i32
    %scan3A_17 = arith.constant 1 : i32
    %scan3A_18 = scf.for %scan3A_20 = %scan3A_14 to %scan3A_16 step %scan3A_17 iter_args(%scan3A_21 = %scan3A) -> (i32)  : i32 {
      %rem3A = arith.constant 2 : i32
      %rem3A_22 = arith.remsi %scan3A_20, %rem3A : i32
      %add3A_23 = arith.constant 1 : i32
      %add3A_24 = arith.addi %scan3A_20, %add3A_23 : i32
      %lt3A = arith.constant 80 : i32
      %lt3A_25 = arith.cmpi slt, %add3A_24, %lt3A : i32
      %convert_element_type3A = arith.extui %lt3A_25 : i1 to i32
      %cond3A = arith.constant 0 : i32
      %cond3A_26 = arith.cmpi ne, %convert_element_type3A, %cond3A : i32
      scf.if %cond3A_26 {
        %sub3A_37 = arith.constant 1 : i32
        %sub3A_38 = arith.subi %sub3A_37, %rem3A_22 : i32
        %eq3A_39 = arith.constant 0 : i32
        %eq3A_40 = arith.cmpi eq, %sub3A_38, %eq3A_39 : i32
        %convert_element_type3A_41 = arith.extui %eq3A_40 : i1 to i32
        %cond3A_42 = arith.constant 0 : i32
        %cond3A_43 = arith.cmpi ne, %convert_element_type3A_41, %cond3A_42 : i32
        scf.if %cond3A_43 {
          %add3A_51 = arith.constant 1 : i32
          %add3A_52 = arith.addi %scan3A_20, %add3A_51 : i32
          %mul3A_53 = arith.constant 2 : i32
          %mul3A_54 = arith.muli %add3A, %mul3A_53 : i32
          %add3A_55 = arith.addi %add3A_52, %mul3A_54 : i32
          %ge3A_56 = arith.constant 80 : i32
          %ge3A_57 = arith.cmpi sge, %add3A_55, %ge3A_56 : i32
          %sub3A_58 = arith.constant 80 : i32
          %sub3A_59 = arith.subi %add3A_55, %sub3A_58 : i32
          %select_n3A_60 = arith.select %ge3A_57, %sub3A_59, %add3A_55 : i32
          %mul3A_61 = arith.constant 4000 : i32
          %mul3A_62 = arith.muli %select_n3A_60, %mul3A_61 : i32
          %multiple_of3A_63 = tpu.assume_multiple %mul3A_62, 8 : i32
          %dma_start3A_64 = tpu.memref_slice %arg3[%multiple_of3A_63] : memref<320000xi32, #tpu.memory_space<hbm>> -> memref<4000xi32, #tpu.memory_space<hbm>>
          %dma_start3A_65 = tpu.memref_slice %arg3[%multiple_of3A_63] : memref<320000xi32, #tpu.memory_space<hbm>> -> memref<4000xi32, #tpu.memory_space<hbm>>
          tpu.enqueue_dma source(%dma_start3A_65 : memref<4000xi32, #tpu.memory_space<hbm>>) target(%arg10 : memref<4000xi32, #tpu.memory_space<vmem>>) target_semaphore(%arg16 : memref<!tpu.dma_semaphore, #tpu.memory_space<semaphore_mem>>)
          %dma_start3A_66 = tpu.memref_slice %arg4[%multiple_of3A_63] : memref<320000xi32, #tpu.memory_space<hbm>> -> memref<4000xi32, #tpu.memory_space<hbm>>
          %dma_start3A_67 = tpu.memref_slice %arg4[%multiple_of3A_63] : memref<320000xi32, #tpu.memory_space<hbm>> -> memref<4000xi32, #tpu.memory_space<hbm>>
          tpu.enqueue_dma source(%dma_start3A_67 : memref<4000xi32, #tpu.memory_space<hbm>>) target(%arg12 : memref<4000xi32, #tpu.memory_space<vmem>>) target_semaphore(%arg16 : memref<!tpu.dma_semaphore, #tpu.memory_space<semaphore_mem>>)
          %dma_start3A_68 = tpu.memref_slice %arg5[%multiple_of3A_63] : memref<320000xf32, #tpu.memory_space<hbm>> -> memref<4000xf32, #tpu.memory_space<hbm>>
          %dma_start3A_69 = tpu.memref_slice %arg5[%multiple_of3A_63] : memref<320000xf32, #tpu.memory_space<hbm>> -> memref<4000xf32, #tpu.memory_space<hbm>>
          tpu.enqueue_dma source(%dma_start3A_69 : memref<4000xf32, #tpu.memory_space<hbm>>) target(%arg14 : memref<4000xf32, #tpu.memory_space<vmem>>) target_semaphore(%arg16 : memref<!tpu.dma_semaphore, #tpu.memory_space<semaphore_mem>>)
        } else {
        }
        %sub3A_44 = arith.constant 1 : i32
        %sub3A_45 = arith.subi %sub3A_44, %rem3A_22 : i32
        %eq3A_46 = arith.constant 1 : i32
        %eq3A_47 = arith.cmpi eq, %sub3A_45, %eq3A_46 : i32
        %convert_element_type3A_48 = arith.extui %eq3A_47 : i1 to i32
        %cond3A_49 = arith.constant 0 : i32
        %cond3A_50 = arith.cmpi ne, %convert_element_type3A_48, %cond3A_49 : i32
        scf.if %cond3A_50 {
          %add3A_51 = arith.constant 1 : i32
          %add3A_52 = arith.addi %scan3A_20, %add3A_51 : i32
          %mul3A_53 = arith.constant 2 : i32
          %mul3A_54 = arith.muli %add3A, %mul3A_53 : i32
          %add3A_55 = arith.addi %add3A_52, %mul3A_54 : i32
          %ge3A_56 = arith.constant 80 : i32
          %ge3A_57 = arith.cmpi sge, %add3A_55, %ge3A_56 : i32
          %sub3A_58 = arith.constant 80 : i32
          %sub3A_59 = arith.subi %add3A_55, %sub3A_58 : i32
          %select_n3A_60 = arith.select %ge3A_57, %sub3A_59, %add3A_55 : i32
          %mul3A_61 = arith.constant 4000 : i32
          %mul3A_62 = arith.muli %select_n3A_60, %mul3A_61 : i32
          %multiple_of3A_63 = tpu.assume_multiple %mul3A_62, 8 : i32
          %dma_start3A_64 = tpu.memref_slice %arg3[%multiple_of3A_63] : memref<320000xi32, #tpu.memory_space<hbm>> -> memref<4000xi32, #tpu.memory_space<hbm>>
          %dma_start3A_65 = tpu.memref_slice %arg3[%multiple_of3A_63] : memref<320000xi32, #tpu.memory_space<hbm>> -> memref<4000xi32, #tpu.memory_space<hbm>>
          tpu.enqueue_dma source(%dma_start3A_65 : memref<4000xi32, #tpu.memory_space<hbm>>) target(%arg11 : memref<4000xi32, #tpu.memory_space<vmem>>) target_semaphore(%arg17 : memref<!tpu.dma_semaphore, #tpu.memory_space<semaphore_mem>>)
          %dma_start3A_66 = tpu.memref_slice %arg4[%multiple_of3A_63] : memref<320000xi32, #tpu.memory_space<hbm>> -> memref<4000xi32, #tpu.memory_space<hbm>>
          %dma_start3A_67 = tpu.memref_slice %arg4[%multiple_of3A_63] : memref<320000xi32, #tpu.memory_space<hbm>> -> memref<4000xi32, #tpu.memory_space<hbm>>
          tpu.enqueue_dma source(%dma_start3A_67 : memref<4000xi32, #tpu.memory_space<hbm>>) target(%arg13 : memref<4000xi32, #tpu.memory_space<vmem>>) target_semaphore(%arg17 : memref<!tpu.dma_semaphore, #tpu.memory_space<semaphore_mem>>)
          %dma_start3A_68 = tpu.memref_slice %arg5[%multiple_of3A_63] : memref<320000xf32, #tpu.memory_space<hbm>> -> memref<4000xf32, #tpu.memory_space<hbm>>
          %dma_start3A_69 = tpu.memref_slice %arg5[%multiple_of3A_63] : memref<320000xf32, #tpu.memory_space<hbm>> -> memref<4000xf32, #tpu.memory_space<hbm>>
          tpu.enqueue_dma source(%dma_start3A_69 : memref<4000xf32, #tpu.memory_space<hbm>>) target(%arg15 : memref<4000xf32, #tpu.memory_space<vmem>>) target_semaphore(%arg17 : memref<!tpu.dma_semaphore, #tpu.memory_space<semaphore_mem>>)
        } else {
        }
      } else {
      }
      %eq3A = arith.constant 0 : i32
      %eq3A_27 = arith.cmpi eq, %rem3A_22, %eq3A : i32
      %convert_element_type3A_28 = arith.extui %eq3A_27 : i1 to i32
      %cond3A_29 = arith.constant 0 : i32
      %cond3A_30 = arith.cmpi ne, %convert_element_type3A_28, %cond3A_29 : i32
      scf.if %cond3A_30 {
        %dma_wait3A = arith.constant 0 : i32
        %dma_wait3A_37 = tpu.memref_slice %arg3[%dma_wait3A] : memref<320000xi32, #tpu.memory_space<hbm>> -> memref<4000xi32, #tpu.memory_space<hbm>>
        %dma_wait3A_38 = arith.constant 0 : i32
        %dma_wait3A_39 = tpu.memref_slice %arg3[%dma_wait3A_38] : memref<320000xi32, #tpu.memory_space<hbm>> -> memref<4000xi32, #tpu.memory_space<hbm>>
        tpu.wait_dma2 semaphore(%arg16 : memref<!tpu.dma_semaphore, #tpu.memory_space<semaphore_mem>>) src(%dma_wait3A_39 : memref<4000xi32, #tpu.memory_space<hbm>>) dst(%arg10 : memref<4000xi32, #tpu.memory_space<vmem>>)
        %dma_wait3A_40 = arith.constant 0 : i32
        %dma_wait3A_41 = tpu.memref_slice %arg4[%dma_wait3A_40] : memref<320000xi32, #tpu.memory_space<hbm>> -> memref<4000xi32, #tpu.memory_space<hbm>>
        %dma_wait3A_42 = arith.constant 0 : i32
        %dma_wait3A_43 = tpu.memref_slice %arg4[%dma_wait3A_42] : memref<320000xi32, #tpu.memory_space<hbm>> -> memref<4000xi32, #tpu.memory_space<hbm>>
        tpu.wait_dma2 semaphore(%arg16 : memref<!tpu.dma_semaphore, #tpu.memory_space<semaphore_mem>>) src(%dma_wait3A_43 : memref<4000xi32, #tpu.memory_space<hbm>>) dst(%arg12 : memref<4000xi32, #tpu.memory_space<vmem>>)
        %dma_wait3A_44 = arith.constant 0 : i32
        %dma_wait3A_45 = tpu.memref_slice %arg5[%dma_wait3A_44] : memref<320000xf32, #tpu.memory_space<hbm>> -> memref<4000xf32, #tpu.memory_space<hbm>>
        %dma_wait3A_46 = arith.constant 0 : i32
        %dma_wait3A_47 = tpu.memref_slice %arg5[%dma_wait3A_46] : memref<320000xf32, #tpu.memory_space<hbm>> -> memref<4000xf32, #tpu.memory_space<hbm>>
        tpu.wait_dma2 semaphore(%arg16 : memref<!tpu.dma_semaphore, #tpu.memory_space<semaphore_mem>>) src(%dma_wait3A_47 : memref<4000xf32, #tpu.memory_space<hbm>>) dst(%arg14 : memref<4000xf32, #tpu.memory_space<vmem>>)
        %scan3A_48 = arith.constant 0 : i32
        %scan3A_49 = arith.constant 0 : i32
        %scan3A_50 = arith.constant 125 : i32
        %scan3A_51 = arith.addi %scan3A_49, %scan3A_50 : i32
        %scan3A_52 = arith.constant 1 : i32
        %scan3A_53 = scf.for %scan3A_55 = %scan3A_49 to %scan3A_51 step %scan3A_52 iter_args(%scan3A_56 = %scan3A_48) -> (i32)  : i32 {
          %mul3A_57 = arith.constant 32 : i32
          %mul3A_58 = arith.muli %scan3A_55, %mul3A_57 : i32
          %add3A_59 = arith.constant 0 : i32
          %add3A_60 = arith.addi %mul3A_58, %add3A_59 : i32
          %get3A = arith.index_cast %add3A_60 : i32 to index
          %get3A_61 = tpu.vector_load %arg10[%get3A] {strides = array<i32>} : memref<4000xi32, #tpu.memory_space<vmem>>, vector<16xi32>,
          %get3A_62 = arith.index_cast %add3A_60 : i32 to index
          %get3A_63 = tpu.vector_load %arg12[%get3A_62] {strides = array<i32>} : memref<4000xi32, #tpu.memory_space<vmem>>, vector<16xi32>,
          %get3A_64 = arith.index_cast %add3A_60 : i32 to index
          %get3A_65 = tpu.vector_load %arg14[%get3A_64] {strides = array<i32>} : memref<4000xf32, #tpu.memory_space<vmem>>, vector<16xf32>,
          %broadcast_in_dim3A = arith.constant 0 : i32
          %broadcast_in_dim3A_66 = vector.broadcast %broadcast_in_dim3A : i32 to vector<16xi32>
          %gather3A = tpu.vector_load_idx %arg8[%broadcast_in_dim3A_66, %get3A_61] : memref<4x10240xf32, #tpu.memory_space<vmem>>[vector<16xi32>, vector<16xi32>], vector<16xf32>,
          %mul3A_67 = arith.mulf %gather3A, %get3A_65 : vector<16xf32>
          %broadcast_in_dim3A_68 = arith.constant 1 : i32
          %broadcast_in_dim3A_69 = vector.broadcast %broadcast_in_dim3A_68 : i32 to vector<16xi32>
          %gather3A_70 = tpu.vector_load_idx %arg8[%broadcast_in_dim3A_69, %get3A_61] : memref<4x10240xf32, #tpu.memory_space<vmem>>[vector<16xi32>, vector<16xi32>], vector<16xf32>,
          %mul3A_71 = arith.mulf %gather3A_70, %get3A_65 : vector<16xf32>
          %broadcast_in_dim3A_72 = arith.constant 2 : i32
          %broadcast_in_dim3A_73 = vector.broadcast %broadcast_in_dim3A_72 : i32 to vector<16xi32>
          %gather3A_74 = tpu.vector_load_idx %arg8[%broadcast_in_dim3A_73, %get3A_61] : memref<4x10240xf32, #tpu.memory_space<vmem>>[vector<16xi32>, vector<16xi32>], vector<16xf32>,
          %mul3A_75 = arith.mulf %gather3A_74, %get3A_65 : vector<16xf32>
          %broadcast_in_dim3A_76 = arith.constant 3 : i32
          %broadcast_in_dim3A_77 = vector.broadcast %broadcast_in_dim3A_76 : i32 to vector<16xi32>
          %gather3A_78 = tpu.vector_load_idx %arg8[%broadcast_in_dim3A_77, %get3A_61] : memref<4x10240xf32, #tpu.memory_space<vmem>>[vector<16xi32>, vector<16xi32>], vector<16xf32>,
          %mul3A_79 = arith.mulf %gather3A_78, %get3A_65 : vector<16xf32>
          %mul3A_80 = arith.constant 32 : i32
          %mul3A_81 = arith.muli %scan3A_55, %mul3A_80 : i32
          %add3A_82 = arith.constant 16 : i32
          %add3A_83 = arith.addi %mul3A_81, %add3A_82 : i32
          %get3A_84 = arith.index_cast %add3A_83 : i32 to index
          %get3A_85 = tpu.vector_load %arg10[%get3A_84] {strides = array<i32>} : memref<4000xi32, #tpu.memory_space<vmem>>, vector<16xi32>,
          %get3A_86 = arith.index_cast %add3A_83 : i32 to index
          %get3A_87 = tpu.vector_load %arg12[%get3A_86] {strides = array<i32>} : memref<4000xi32, #tpu.memory_space<vmem>>, vector<16xi32>,
          %get3A_88 = arith.index_cast %add3A_83 : i32 to index
          %get3A_89 = tpu.vector_load %arg14[%get3A_88] {strides = array<i32>} : memref<4000xf32, #tpu.memory_space<vmem>>, vector<16xf32>,
          %broadcast_in_dim3A_90 = arith.constant 0 : i32
          %broadcast_in_dim3A_91 = vector.broadcast %broadcast_in_dim3A_90 : i32 to vector<16xi32>
          %gather3A_92 = tpu.vector_load_idx %arg8[%broadcast_in_dim3A_91, %get3A_85] : memref<4x10240xf32, #tpu.memory_space<vmem>>[vector<16xi32>, vector<16xi32>], vector<16xf32>,
          %mul3A_93 = arith.mulf %gather3A_92, %get3A_89 : vector<16xf32>
          %broadcast_in_dim3A_94 = arith.constant 1 : i32
          %broadcast_in_dim3A_95 = vector.broadcast %broadcast_in_dim3A_94 : i32 to vector<16xi32>
          %gather3A_96 = tpu.vector_load_idx %arg8[%broadcast_in_dim3A_95, %get3A_85] : memref<4x10240xf32, #tpu.memory_space<vmem>>[vector<16xi32>, vector<16xi32>], vector<16xf32>,
          %mul3A_97 = arith.mulf %gather3A_96, %get3A_89 : vector<16xf32>
          %broadcast_in_dim3A_98 = arith.constant 2 : i32
          %broadcast_in_dim3A_99 = vector.broadcast %broadcast_in_dim3A_98 : i32 to vector<16xi32>
          %gather3A_100 = tpu.vector_load_idx %arg8[%broadcast_in_dim3A_99, %get3A_85] : memref<4x10240xf32, #tpu.memory_space<vmem>>[vector<16xi32>, vector<16xi32>], vector<16xf32>,
          %mul3A_101 = arith.mulf %gather3A_100, %get3A_89 : vector<16xf32>
          %broadcast_in_dim3A_102 = arith.constant 3 : i32
          %broadcast_in_dim3A_103 = vector.broadcast %broadcast_in_dim3A_102 : i32 to vector<16xi32>
          %gather3A_104 = tpu.vector_load_idx %arg8[%broadcast_in_dim3A_103, %get3A_85] : memref<4x10240xf32, #tpu.memory_space<vmem>>[vector<16xi32>, vector<16xi32>], vector<16xf32>,
          %mul3A_105 = arith.mulf %gather3A_104, %get3A_89 : vector<16xf32>
          tpu.vector_store_idx %arg9[%broadcast_in_dim3A_66, %get3A_63], %mul3A_67 {add = true} : memref<4x10240xf32, #tpu.memory_space<vmem>>[vector<16xi32>, vector<16xi32>], vector<16xf32>,
          tpu.vector_store_idx %arg9[%broadcast_in_dim3A_69, %get3A_63], %mul3A_71 {add = true} : memref<4x10240xf32, #tpu.memory_space<vmem>>[vector<16xi32>, vector<16xi32>], vector<16xf32>,
          tpu.vector_store_idx %arg9[%broadcast_in_dim3A_73, %get3A_63], %mul3A_75 {add = true} : memref<4x10240xf32, #tpu.memory_space<vmem>>[vector<16xi32>, vector<16xi32>], vector<16xf32>,
          tpu.vector_store_idx %arg9[%broadcast_in_dim3A_77, %get3A_63], %mul3A_79 {add = true} : memref<4x10240xf32, #tpu.memory_space<vmem>>[vector<16xi32>, vector<16xi32>], vector<16xf32>,
          tpu.vector_store_idx %arg9[%broadcast_in_dim3A_91, %get3A_87], %mul3A_93 {add = true} : memref<4x10240xf32, #tpu.memory_space<vmem>>[vector<16xi32>, vector<16xi32>], vector<16xf32>,
          tpu.vector_store_idx %arg9[%broadcast_in_dim3A_95, %get3A_87], %mul3A_97 {add = true} : memref<4x10240xf32, #tpu.memory_space<vmem>>[vector<16xi32>, vector<16xi32>], vector<16xf32>,
          tpu.vector_store_idx %arg9[%broadcast_in_dim3A_99, %get3A_87], %mul3A_101 {add = true} : memref<4x10240xf32, #tpu.memory_space<vmem>>[vector<16xi32>, vector<16xi32>], vector<16xf32>,
          tpu.vector_store_idx %arg9[%broadcast_in_dim3A_103, %get3A_87], %mul3A_105 {add = true} : memref<4x10240xf32, #tpu.memory_space<vmem>>[vector<16xi32>, vector<16xi32>], vector<16xf32>,
          %scan3A_106 = arith.constant 0 : i32
          scf.yield %scan3A_106 : i32
        }
        %scan3A_54 = arith.constant 125 : i32
      } else {
      }
      %eq3A_31 = arith.constant 1 : i32
      %eq3A_32 = arith.cmpi eq, %rem3A_22, %eq3A_31 : i32
      %convert_element_type3A_33 = arith.extui %eq3A_32 : i1 to i32
      %cond3A_34 = arith.constant 0 : i32
      %cond3A_35 = arith.cmpi ne, %convert_element_type3A_33, %cond3A_34 : i32
      scf.if %cond3A_35 {
        %dma_wait3A = arith.constant 0 : i32
        %dma_wait3A_37 = tpu.memref_slice %arg3[%dma_wait3A] : memref<320000xi32, #tpu.memory_space<hbm>> -> memref<4000xi32, #tpu.memory_space<hbm>>
        %dma_wait3A_38 = arith.constant 0 : i32
        %dma_wait3A_39 = tpu.memref_slice %arg3[%dma_wait3A_38] : memref<320000xi32, #tpu.memory_space<hbm>> -> memref<4000xi32, #tpu.memory_space<hbm>>
        tpu.wait_dma2 semaphore(%arg17 : memref<!tpu.dma_semaphore, #tpu.memory_space<semaphore_mem>>) src(%dma_wait3A_39 : memref<4000xi32, #tpu.memory_space<hbm>>) dst(%arg11 : memref<4000xi32, #tpu.memory_space<vmem>>)
        %dma_wait3A_40 = arith.constant 0 : i32
        %dma_wait3A_41 = tpu.memref_slice %arg4[%dma_wait3A_40] : memref<320000xi32, #tpu.memory_space<hbm>> -> memref<4000xi32, #tpu.memory_space<hbm>>
        %dma_wait3A_42 = arith.constant 0 : i32
        %dma_wait3A_43 = tpu.memref_slice %arg4[%dma_wait3A_42] : memref<320000xi32, #tpu.memory_space<hbm>> -> memref<4000xi32, #tpu.memory_space<hbm>>
        tpu.wait_dma2 semaphore(%arg17 : memref<!tpu.dma_semaphore, #tpu.memory_space<semaphore_mem>>) src(%dma_wait3A_43 : memref<4000xi32, #tpu.memory_space<hbm>>) dst(%arg13 : memref<4000xi32, #tpu.memory_space<vmem>>)
        %dma_wait3A_44 = arith.constant 0 : i32
        %dma_wait3A_45 = tpu.memref_slice %arg5[%dma_wait3A_44] : memref<320000xf32, #tpu.memory_space<hbm>> -> memref<4000xf32, #tpu.memory_space<hbm>>
        %dma_wait3A_46 = arith.constant 0 : i32
        %dma_wait3A_47 = tpu.memref_slice %arg5[%dma_wait3A_46] : memref<320000xf32, #tpu.memory_space<hbm>> -> memref<4000xf32, #tpu.memory_space<hbm>>
        tpu.wait_dma2 semaphore(%arg17 : memref<!tpu.dma_semaphore, #tpu.memory_space<semaphore_mem>>) src(%dma_wait3A_47 : memref<4000xf32, #tpu.memory_space<hbm>>) dst(%arg15 : memref<4000xf32, #tpu.memory_space<vmem>>)
        %scan3A_48 = arith.constant 0 : i32
        %scan3A_49 = arith.constant 0 : i32
        %scan3A_50 = arith.constant 125 : i32
        %scan3A_51 = arith.addi %scan3A_49, %scan3A_50 : i32
        %scan3A_52 = arith.constant 1 : i32
        %scan3A_53 = scf.for %scan3A_55 = %scan3A_49 to %scan3A_51 step %scan3A_52 iter_args(%scan3A_56 = %scan3A_48) -> (i32)  : i32 {
          %mul3A_57 = arith.constant 32 : i32
          %mul3A_58 = arith.muli %scan3A_55, %mul3A_57 : i32
          %add3A_59 = arith.constant 0 : i32
          %add3A_60 = arith.addi %mul3A_58, %add3A_59 : i32
          %get3A = arith.index_cast %add3A_60 : i32 to index
          %get3A_61 = tpu.vector_load %arg11[%get3A] {strides = array<i32>} : memref<4000xi32, #tpu.memory_space<vmem>>, vector<16xi32>,
          %get3A_62 = arith.index_cast %add3A_60 : i32 to index
          %get3A_63 = tpu.vector_load %arg13[%get3A_62] {strides = array<i32>} : memref<4000xi32, #tpu.memory_space<vmem>>, vector<16xi32>,
          %get3A_64 = arith.index_cast %add3A_60 : i32 to index
          %get3A_65 = tpu.vector_load %arg15[%get3A_64] {strides = array<i32>} : memref<4000xf32, #tpu.memory_space<vmem>>, vector<16xf32>,
          %broadcast_in_dim3A = arith.constant 0 : i32
          %broadcast_in_dim3A_66 = vector.broadcast %broadcast_in_dim3A : i32 to vector<16xi32>
          %gather3A = tpu.vector_load_idx %arg8[%broadcast_in_dim3A_66, %get3A_61] : memref<4x10240xf32, #tpu.memory_space<vmem>>[vector<16xi32>, vector<16xi32>], vector<16xf32>,
          %mul3A_67 = arith.mulf %gather3A, %get3A_65 : vector<16xf32>
          %broadcast_in_dim3A_68 = arith.constant 1 : i32
          %broadcast_in_dim3A_69 = vector.broadcast %broadcast_in_dim3A_68 : i32 to vector<16xi32>
          %gather3A_70 = tpu.vector_load_idx %arg8[%broadcast_in_dim3A_69, %get3A_61] : memref<4x10240xf32, #tpu.memory_space<vmem>>[vector<16xi32>, vector<16xi32>], vector<16xf32>,
          %mul3A_71 = arith.mulf %gather3A_70, %get3A_65 : vector<16xf32>
          %broadcast_in_dim3A_72 = arith.constant 2 : i32
          %broadcast_in_dim3A_73 = vector.broadcast %broadcast_in_dim3A_72 : i32 to vector<16xi32>
          %gather3A_74 = tpu.vector_load_idx %arg8[%broadcast_in_dim3A_73, %get3A_61] : memref<4x10240xf32, #tpu.memory_space<vmem>>[vector<16xi32>, vector<16xi32>], vector<16xf32>,
          %mul3A_75 = arith.mulf %gather3A_74, %get3A_65 : vector<16xf32>
          %broadcast_in_dim3A_76 = arith.constant 3 : i32
          %broadcast_in_dim3A_77 = vector.broadcast %broadcast_in_dim3A_76 : i32 to vector<16xi32>
          %gather3A_78 = tpu.vector_load_idx %arg8[%broadcast_in_dim3A_77, %get3A_61] : memref<4x10240xf32, #tpu.memory_space<vmem>>[vector<16xi32>, vector<16xi32>], vector<16xf32>,
          %mul3A_79 = arith.mulf %gather3A_78, %get3A_65 : vector<16xf32>
          %mul3A_80 = arith.constant 32 : i32
          %mul3A_81 = arith.muli %scan3A_55, %mul3A_80 : i32
          %add3A_82 = arith.constant 16 : i32
          %add3A_83 = arith.addi %mul3A_81, %add3A_82 : i32
          %get3A_84 = arith.index_cast %add3A_83 : i32 to index
          %get3A_85 = tpu.vector_load %arg11[%get3A_84] {strides = array<i32>} : memref<4000xi32, #tpu.memory_space<vmem>>, vector<16xi32>,
          %get3A_86 = arith.index_cast %add3A_83 : i32 to index
          %get3A_87 = tpu.vector_load %arg13[%get3A_86] {strides = array<i32>} : memref<4000xi32, #tpu.memory_space<vmem>>, vector<16xi32>,
          %get3A_88 = arith.index_cast %add3A_83 : i32 to index
          %get3A_89 = tpu.vector_load %arg15[%get3A_88] {strides = array<i32>} : memref<4000xf32, #tpu.memory_space<vmem>>, vector<16xf32>,
          %broadcast_in_dim3A_90 = arith.constant 0 : i32
          %broadcast_in_dim3A_91 = vector.broadcast %broadcast_in_dim3A_90 : i32 to vector<16xi32>
          %gather3A_92 = tpu.vector_load_idx %arg8[%broadcast_in_dim3A_91, %get3A_85] : memref<4x10240xf32, #tpu.memory_space<vmem>>[vector<16xi32>, vector<16xi32>], vector<16xf32>,
          %mul3A_93 = arith.mulf %gather3A_92, %get3A_89 : vector<16xf32>
          %broadcast_in_dim3A_94 = arith.constant 1 : i32
          %broadcast_in_dim3A_95 = vector.broadcast %broadcast_in_dim3A_94 : i32 to vector<16xi32>
          %gather3A_96 = tpu.vector_load_idx %arg8[%broadcast_in_dim3A_95, %get3A_85] : memref<4x10240xf32, #tpu.memory_space<vmem>>[vector<16xi32>, vector<16xi32>], vector<16xf32>,
          %mul3A_97 = arith.mulf %gather3A_96, %get3A_89 : vector<16xf32>
          %broadcast_in_dim3A_98 = arith.constant 2 : i32
          %broadcast_in_dim3A_99 = vector.broadcast %broadcast_in_dim3A_98 : i32 to vector<16xi32>
          %gather3A_100 = tpu.vector_load_idx %arg8[%broadcast_in_dim3A_99, %get3A_85] : memref<4x10240xf32, #tpu.memory_space<vmem>>[vector<16xi32>, vector<16xi32>], vector<16xf32>,
          %mul3A_101 = arith.mulf %gather3A_100, %get3A_89 : vector<16xf32>
          %broadcast_in_dim3A_102 = arith.constant 3 : i32
          %broadcast_in_dim3A_103 = vector.broadcast %broadcast_in_dim3A_102 : i32 to vector<16xi32>
          %gather3A_104 = tpu.vector_load_idx %arg8[%broadcast_in_dim3A_103, %get3A_85] : memref<4x10240xf32, #tpu.memory_space<vmem>>[vector<16xi32>, vector<16xi32>], vector<16xf32>,
          %mul3A_105 = arith.mulf %gather3A_104, %get3A_89 : vector<16xf32>
          tpu.vector_store_idx %arg9[%broadcast_in_dim3A_66, %get3A_63], %mul3A_67 {add = true} : memref<4x10240xf32, #tpu.memory_space<vmem>>[vector<16xi32>, vector<16xi32>], vector<16xf32>,
          tpu.vector_store_idx %arg9[%broadcast_in_dim3A_69, %get3A_63], %mul3A_71 {add = true} : memref<4x10240xf32, #tpu.memory_space<vmem>>[vector<16xi32>, vector<16xi32>], vector<16xf32>,
          tpu.vector_store_idx %arg9[%broadcast_in_dim3A_73, %get3A_63], %mul3A_75 {add = true} : memref<4x10240xf32, #tpu.memory_space<vmem>>[vector<16xi32>, vector<16xi32>], vector<16xf32>,
          tpu.vector_store_idx %arg9[%broadcast_in_dim3A_77, %get3A_63], %mul3A_79 {add = true} : memref<4x10240xf32, #tpu.memory_space<vmem>>[vector<16xi32>, vector<16xi32>], vector<16xf32>,
          tpu.vector_store_idx %arg9[%broadcast_in_dim3A_91, %get3A_87], %mul3A_93 {add = true} : memref<4x10240xf32, #tpu.memory_space<vmem>>[vector<16xi32>, vector<16xi32>], vector<16xf32>,
          tpu.vector_store_idx %arg9[%broadcast_in_dim3A_95, %get3A_87], %mul3A_97 {add = true} : memref<4x10240xf32, #tpu.memory_space<vmem>>[vector<16xi32>, vector<16xi32>], vector<16xf32>,
          tpu.vector_store_idx %arg9[%broadcast_in_dim3A_99, %get3A_87], %mul3A_101 {add = true} : memref<4x10240xf32, #tpu.memory_space<vmem>>[vector<16xi32>, vector<16xi32>], vector<16xf32>,
          tpu.vector_store_idx %arg9[%broadcast_in_dim3A_103, %get3A_87], %mul3A_105 {add = true} : memref<4x10240xf32, #tpu.memory_space<vmem>>[vector<16xi32>, vector<16xi32>], vector<16xf32>,
          %scan3A_106 = arith.constant 0 : i32
          scf.yield %scan3A_106 : i32
        }
        %scan3A_54 = arith.constant 125 : i32
      } else {
      }
      %scan3A_36 = arith.constant 0 : i32
      scf.yield %scan3A_36 : i32
    }
    %scan3A_19 = arith.constant 80 : i32
    "tpu.region"() ({
      %run_scoped3A = tpu.sem_alloc : memref<!tpu.dma_semaphore, #tpu.memory_space<semaphore_mem>>
      %dma_start3A_20 = arith.constant 0 : i32
      %dma_start3A_21 = arith.constant 0 : i32
      %dma_start3A_22 = tpu.memref_slice %arg7[%add3A, %dma_start3A_20, %dma_start3A_21] : memref<32x4x10240xf32, #tpu.memory_space<hbm>> -> memref<1x4x10240xf32, #tpu.memory_space<hbm>>
      %dma_start3A_23 = tpu.memref_squeeze %dma_start3A_22 : memref<1x4x10240xf32, #tpu.memory_space<hbm>> -> memref<4x10240xf32, #tpu.memory_space<hbm>>
      %dma_start3A_24 = arith.constant 0 : i32
      %dma_start3A_25 = arith.constant 0 : i32
      %dma_start3A_26 = tpu.memref_slice %arg7[%add3A, %dma_start3A_24, %dma_start3A_25] : memref<32x4x10240xf32, #tpu.memory_space<hbm>> -> memref<1x4x10240xf32, #tpu.memory_space<hbm>>
      %dma_start3A_27 = tpu.memref_squeeze %dma_start3A_26 : memref<1x4x10240xf32, #tpu.memory_space<hbm>> -> memref<4x10240xf32, #tpu.memory_space<hbm>>
      tpu.enqueue_dma source(%arg9 : memref<4x10240xf32, #tpu.memory_space<vmem>>) target(%dma_start3A_27 : memref<4x10240xf32, #tpu.memory_space<hbm>>) target_semaphore(%run_scoped3A : memref<!tpu.dma_semaphore, #tpu.memory_space<semaphore_mem>>)
      %dma_wait3A = arith.constant 0 : i32
      %dma_wait3A_28 = arith.constant 0 : i32
      %dma_wait3A_29 = tpu.memref_slice %arg7[%add3A, %dma_wait3A, %dma_wait3A_28] : memref<32x4x10240xf32, #tpu.memory_space<hbm>> -> memref<1x4x10240xf32, #tpu.memory_space<hbm>>
      %dma_wait3A_30 = tpu.memref_squeeze %dma_wait3A_29 : memref<1x4x10240xf32, #tpu.memory_space<hbm>> -> memref<4x10240xf32, #tpu.memory_space<hbm>>
      %dma_wait3A_31 = arith.constant 0 : i32
      %dma_wait3A_32 = arith.constant 0 : i32
      %dma_wait3A_33 = tpu.memref_slice %arg7[%add3A, %dma_wait3A_31, %dma_wait3A_32] : memref<32x4x10240xf32, #tpu.memory_space<hbm>> -> memref<1x4x10240xf32, #tpu.memory_space<hbm>>
      %dma_wait3A_34 = tpu.memref_squeeze %dma_wait3A_33 : memref<1x4x10240xf32, #tpu.memory_space<hbm>> -> memref<4x10240xf32, #tpu.memory_space<hbm>>
      tpu.wait_dma2 semaphore(%run_scoped3A : memref<!tpu.dma_semaphore, #tpu.memory_space<semaphore_mem>>) src(%arg9 : memref<4x10240xf32, #tpu.memory_space<vmem>>) dst(%dma_wait3A_34 : memref<4x10240xf32, #tpu.memory_space<hbm>>)
      tpu.yield
    }) : () -> ()
    return
  }
}

#map = affine_map<(d0, d1) -> (0, 0, 0)>
#map1 = affine_map<(d0, d1) -> (0)>
#map2 = affine_map<(d0, d1) -> (0, 0)>
module attributes {stable_mosaic.version = 14 : i64} {
  func.func @_sc_conv(%arg0: i32, %arg1: i32, %arg2: memref<32x4x10240xf32, #tpu.memory_space<hbm>>, %arg3: memref<320000xi32, #tpu.memory_space<hbm>>, %arg4: memref<320000xi32, #tpu.memory_space<hbm>>, %arg5: memref<320000xf32, #tpu.memory_space<hbm>>, %arg6: memref<4x10240xf32, #tpu.memory_space<hbm>>, %arg7: memref<32x4x10240xf32, #tpu.memory_space<hbm>>, %arg8: memref<4x10240xf32, #tpu.memory_space<vmem>>, %arg9: memref<4x10240xf32, #tpu.memory_space<vmem>>, %arg10: memref<4000xi32, #tpu.memory_space<vmem>>, %arg11: memref<4000xi32, #tpu.memory_space<vmem>>, %arg12: memref<4000xi32, #tpu.memory_space<vmem>>, %arg13: memref<4000xi32, #tpu.memory_space<vmem>>, %arg14: memref<4000xf32, #tpu.memory_space<vmem>>, %arg15: memref<4000xf32, #tpu.memory_space<vmem>>, %arg16: memref<!tpu.dma_semaphore, #tpu.memory_space<semaphore_mem>>, %arg17: memref<!tpu.dma_semaphore, #tpu.memory_space<semaphore_mem>>) attributes {dimension_semantics = [#tpu.dimension_semantics<core_parallel>, #tpu.dimension_semantics<subcore_parallel>], iteration_bounds = array<i64: 2, 16>, scalar_prefetch = 0 : i64, scratch_operands = 10 : i64, tpu.core_type = #tpu.core_type<sc_vector_subcore>, window_params = [{transform_indices = #map}, {transform_indices = #map1}, {transform_indices = #map1}, {transform_indices = #map1}, {transform_indices = #map2}, {transform_indices = #map}]} {
    %mul3A = arith.constant 16 : i32
    %mul3A_0 = arith.muli %arg0, %mul3A : i32
    %add3A = arith.addi %mul3A_0, %arg1 : i32
    "tpu.region"() ({
      %run_scoped3A = tpu.sem_alloc : memref<!tpu.dma_semaphore, #tpu.memory_space<semaphore_mem>>
      %dma_start3A_20 = arith.constant 0 : i32
      %dma_start3A_21 = arith.constant 0 : i32
      %dma_start3A_22 = tpu.memref_slice %arg2[%add3A, %dma_start3A_20, %dma_start3A_21] : memref<32x4x10240xf32, #tpu.memory_space<hbm>> -> memref<1x4x10240xf32, #tpu.memory_space<hbm>>
      %dma_start3A_23 = tpu.memref_squeeze %dma_start3A_22 : memref<1x4x10240xf32, #tpu.memory_space<hbm>> -> memref<4x10240xf32, #tpu.memory_space<hbm>>
      %dma_start3A_24 = arith.constant 0 : i32
      %dma_start3A_25 = arith.constant 0 : i32
      %dma_start3A_26 = tpu.memref_slice %arg2[%add3A, %dma_start3A_24, %dma_start3A_25] : memref<32x4x10240xf32, #tpu.memory_space<hbm>> -> memref<1x4x10240xf32, #tpu.memory_space<hbm>>
      %dma_start3A_27 = tpu.memref_squeeze %dma_start3A_26 : memref<1x4x10240xf32, #tpu.memory_space<hbm>> -> memref<4x10240xf32, #tpu.memory_space<hbm>>
      tpu.enqueue_dma source(%dma_start3A_27 : memref<4x10240xf32, #tpu.memory_space<hbm>>) target(%arg8 : memref<4x10240xf32, #tpu.memory_space<vmem>>) target_semaphore(%run_scoped3A : memref<!tpu.dma_semaphore, #tpu.memory_space<semaphore_mem>>)
      %dma_wait3A = arith.constant 0 : i32
      %dma_wait3A_28 = arith.constant 0 : i32
      %dma_wait3A_29 = tpu.memref_slice %arg2[%add3A, %dma_wait3A, %dma_wait3A_28] : memref<32x4x10240xf32, #tpu.memory_space<hbm>> -> memref<1x4x10240xf32, #tpu.memory_space<hbm>>
      %dma_wait3A_30 = tpu.memref_squeeze %dma_wait3A_29 : memref<1x4x10240xf32, #tpu.memory_space<hbm>> -> memref<4x10240xf32, #tpu.memory_space<hbm>>
      %dma_wait3A_31 = arith.constant 0 : i32
      %dma_wait3A_32 = arith.constant 0 : i32
      %dma_wait3A_33 = tpu.memref_slice %arg2[%add3A, %dma_wait3A_31, %dma_wait3A_32] : memref<32x4x10240xf32, #tpu.memory_space<hbm>> -> memref<1x4x10240xf32, #tpu.memory_space<hbm>>
      %dma_wait3A_34 = tpu.memref_squeeze %dma_wait3A_33 : memref<1x4x10240xf32, #tpu.memory_space<hbm>> -> memref<4x10240xf32, #tpu.memory_space<hbm>>
      tpu.wait_dma2 semaphore(%run_scoped3A : memref<!tpu.dma_semaphore, #tpu.memory_space<semaphore_mem>>) src(%dma_wait3A_34 : memref<4x10240xf32, #tpu.memory_space<hbm>>) dst(%arg8 : memref<4x10240xf32, #tpu.memory_space<vmem>>)
      tpu.yield
    }) : () -> ()
    "tpu.region"() ({
      %run_scoped3A = tpu.sem_alloc : memref<!tpu.dma_semaphore, #tpu.memory_space<semaphore_mem>>
      tpu.enqueue_dma source(%arg6 : memref<4x10240xf32, #tpu.memory_space<hbm>>) target(%arg9 : memref<4x10240xf32, #tpu.memory_space<vmem>>) target_semaphore(%run_scoped3A : memref<!tpu.dma_semaphore, #tpu.memory_space<semaphore_mem>>)
      tpu.wait_dma2 semaphore(%run_scoped3A : memref<!tpu.dma_semaphore, #tpu.memory_space<semaphore_mem>>) src(%arg6 : memref<4x10240xf32, #tpu.memory_space<hbm>>) dst(%arg9 : memref<4x10240xf32, #tpu.memory_space<vmem>>)
      tpu.yield
    }) : () -> ()
    %mul3A_1 = arith.constant 2 : i32
    %mul3A_2 = arith.muli %add3A, %mul3A_1 : i32
    %add3A_3 = arith.constant 0 : i32
    %add3A_4 = arith.addi %add3A_3, %mul3A_2 : i32
    %ge3A = arith.constant 80 : i32
    %ge3A_5 = arith.cmpi sge, %add3A_4, %ge3A : i32
    %sub3A = arith.constant 80 : i32
    %sub3A_6 = arith.subi %add3A_4, %sub3A : i32
    %select_n3A = arith.select %ge3A_5, %sub3A_6, %add3A_4 : i32
    %mul3A_7 = arith.constant 4000 : i32
    %mul3A_8 = arith.muli %select_n3A, %mul3A_7 : i32
    %multiple_of3A = tpu.assume_multiple %mul3A_8, 8 : i32
    %dma_start3A = tpu.memref_slice %arg3[%multiple_of3A] : memref<320000xi32, #tpu.memory_space<hbm>> -> memref<4000xi32, #tpu.memory_space<hbm>>
    %dma_start3A_9 = tpu.memref_slice %arg3[%multiple_of3A] : memref<320000xi32, #tpu.memory_space<hbm>> -> memref<4000xi32, #tpu.memory_space<hbm>>
    tpu.enqueue_dma source(%dma_start3A_9 : memref<4000xi32, #tpu.memory_space<hbm>>) target(%arg10 : memref<4000xi32, #tpu.memory_space<vmem>>) target_semaphore(%arg16 : memref<!tpu.dma_semaphore, #tpu.memory_space<semaphore_mem>>)
    %dma_start3A_10 = tpu.memref_slice %arg4[%multiple_of3A] : memref<320000xi32, #tpu.memory_space<hbm>> -> memref<4000xi32, #tpu.memory_space<hbm>>
    %dma_start3A_11 = tpu.memref_slice %arg4[%multiple_of3A] : memref<320000xi32, #tpu.memory_space<hbm>> -> memref<4000xi32, #tpu.memory_space<hbm>>
    tpu.enqueue_dma source(%dma_start3A_11 : memref<4000xi32, #tpu.memory_space<hbm>>) target(%arg12 : memref<4000xi32, #tpu.memory_space<vmem>>) target_semaphore(%arg16 : memref<!tpu.dma_semaphore, #tpu.memory_space<semaphore_mem>>)
    %dma_start3A_12 = tpu.memref_slice %arg5[%multiple_of3A] : memref<320000xf32, #tpu.memory_space<hbm>> -> memref<4000xf32, #tpu.memory_space<hbm>>
    %dma_start3A_13 = tpu.memref_slice %arg5[%multiple_of3A] : memref<320000xf32, #tpu.memory_space<hbm>> -> memref<4000xf32, #tpu.memory_space<hbm>>
    tpu.enqueue_dma source(%dma_start3A_13 : memref<4000xf32, #tpu.memory_space<hbm>>) target(%arg14 : memref<4000xf32, #tpu.memory_space<vmem>>) target_semaphore(%arg16 : memref<!tpu.dma_semaphore, #tpu.memory_space<semaphore_mem>>)
    %scan3A = arith.constant 0 : i32
    %scan3A_14 = arith.constant 0 : i32
    %scan3A_15 = arith.constant 80 : i32
    %scan3A_16 = arith.addi %scan3A_14, %scan3A_15 : i32
    %scan3A_17 = arith.constant 1 : i32
    %scan3A_18 = scf.for %scan3A_20 = %scan3A_14 to %scan3A_16 step %scan3A_17 iter_args(%scan3A_21 = %scan3A) -> (i32)  : i32 {
      %rem3A = arith.constant 2 : i32
      %rem3A_22 = arith.remsi %scan3A_20, %rem3A : i32
      %add3A_23 = arith.constant 1 : i32
      %add3A_24 = arith.addi %scan3A_20, %add3A_23 : i32
      %lt3A = arith.constant 80 : i32
      %lt3A_25 = arith.cmpi slt, %add3A_24, %lt3A : i32
      %convert_element_type3A = arith.extui %lt3A_25 : i1 to i32
      %cond3A = arith.constant 0 : i32
      %cond3A_26 = arith.cmpi ne, %convert_element_type3A, %cond3A : i32
      scf.if %cond3A_26 {
        %sub3A_37 = arith.constant 1 : i32
        %sub3A_38 = arith.subi %sub3A_37, %rem3A_22 : i32
        %eq3A_39 = arith.constant 0 : i32
        %eq3A_40 = arith.cmpi eq, %sub3A_38, %eq3A_39 : i32
        %convert_element_type3A_41 = arith.extui %eq3A_40 : i1 to i32
        %cond3A_42 = arith.constant 0 : i32
        %cond3A_43 = arith.cmpi ne, %convert_element_type3A_41, %cond3A_42 : i32
        scf.if %cond3A_43 {
          %add3A_51 = arith.constant 1 : i32
          %add3A_52 = arith.addi %scan3A_20, %add3A_51 : i32
          %mul3A_53 = arith.constant 2 : i32
          %mul3A_54 = arith.muli %add3A, %mul3A_53 : i32
          %add3A_55 = arith.addi %add3A_52, %mul3A_54 : i32
          %ge3A_56 = arith.constant 80 : i32
          %ge3A_57 = arith.cmpi sge, %add3A_55, %ge3A_56 : i32
          %sub3A_58 = arith.constant 80 : i32
          %sub3A_59 = arith.subi %add3A_55, %sub3A_58 : i32
          %select_n3A_60 = arith.select %ge3A_57, %sub3A_59, %add3A_55 : i32
          %mul3A_61 = arith.constant 4000 : i32
          %mul3A_62 = arith.muli %select_n3A_60, %mul3A_61 : i32
          %multiple_of3A_63 = tpu.assume_multiple %mul3A_62, 8 : i32
          %dma_start3A_64 = tpu.memref_slice %arg3[%multiple_of3A_63] : memref<320000xi32, #tpu.memory_space<hbm>> -> memref<4000xi32, #tpu.memory_space<hbm>>
          %dma_start3A_65 = tpu.memref_slice %arg3[%multiple_of3A_63] : memref<320000xi32, #tpu.memory_space<hbm>> -> memref<4000xi32, #tpu.memory_space<hbm>>
          tpu.enqueue_dma source(%dma_start3A_65 : memref<4000xi32, #tpu.memory_space<hbm>>) target(%arg10 : memref<4000xi32, #tpu.memory_space<vmem>>) target_semaphore(%arg16 : memref<!tpu.dma_semaphore, #tpu.memory_space<semaphore_mem>>)
          %dma_start3A_66 = tpu.memref_slice %arg4[%multiple_of3A_63] : memref<320000xi32, #tpu.memory_space<hbm>> -> memref<4000xi32, #tpu.memory_space<hbm>>
          %dma_start3A_67 = tpu.memref_slice %arg4[%multiple_of3A_63] : memref<320000xi32, #tpu.memory_space<hbm>> -> memref<4000xi32, #tpu.memory_space<hbm>>
          tpu.enqueue_dma source(%dma_start3A_67 : memref<4000xi32, #tpu.memory_space<hbm>>) target(%arg12 : memref<4000xi32, #tpu.memory_space<vmem>>) target_semaphore(%arg16 : memref<!tpu.dma_semaphore, #tpu.memory_space<semaphore_mem>>)
          %dma_start3A_68 = tpu.memref_slice %arg5[%multiple_of3A_63] : memref<320000xf32, #tpu.memory_space<hbm>> -> memref<4000xf32, #tpu.memory_space<hbm>>
          %dma_start3A_69 = tpu.memref_slice %arg5[%multiple_of3A_63] : memref<320000xf32, #tpu.memory_space<hbm>> -> memref<4000xf32, #tpu.memory_space<hbm>>
          tpu.enqueue_dma source(%dma_start3A_69 : memref<4000xf32, #tpu.memory_space<hbm>>) target(%arg14 : memref<4000xf32, #tpu.memory_space<vmem>>) target_semaphore(%arg16 : memref<!tpu.dma_semaphore, #tpu.memory_space<semaphore_mem>>)
        } else {
        }
        %sub3A_44 = arith.constant 1 : i32
        %sub3A_45 = arith.subi %sub3A_44, %rem3A_22 : i32
        %eq3A_46 = arith.constant 1 : i32
        %eq3A_47 = arith.cmpi eq, %sub3A_45, %eq3A_46 : i32
        %convert_element_type3A_48 = arith.extui %eq3A_47 : i1 to i32
        %cond3A_49 = arith.constant 0 : i32
        %cond3A_50 = arith.cmpi ne, %convert_element_type3A_48, %cond3A_49 : i32
        scf.if %cond3A_50 {
          %add3A_51 = arith.constant 1 : i32
          %add3A_52 = arith.addi %scan3A_20, %add3A_51 : i32
          %mul3A_53 = arith.constant 2 : i32
          %mul3A_54 = arith.muli %add3A, %mul3A_53 : i32
          %add3A_55 = arith.addi %add3A_52, %mul3A_54 : i32
          %ge3A_56 = arith.constant 80 : i32
          %ge3A_57 = arith.cmpi sge, %add3A_55, %ge3A_56 : i32
          %sub3A_58 = arith.constant 80 : i32
          %sub3A_59 = arith.subi %add3A_55, %sub3A_58 : i32
          %select_n3A_60 = arith.select %ge3A_57, %sub3A_59, %add3A_55 : i32
          %mul3A_61 = arith.constant 4000 : i32
          %mul3A_62 = arith.muli %select_n3A_60, %mul3A_61 : i32
          %multiple_of3A_63 = tpu.assume_multiple %mul3A_62, 8 : i32
          %dma_start3A_64 = tpu.memref_slice %arg3[%multiple_of3A_63] : memref<320000xi32, #tpu.memory_space<hbm>> -> memref<4000xi32, #tpu.memory_space<hbm>>
          %dma_start3A_65 = tpu.memref_slice %arg3[%multiple_of3A_63] : memref<320000xi32, #tpu.memory_space<hbm>> -> memref<4000xi32, #tpu.memory_space<hbm>>
          tpu.enqueue_dma source(%dma_start3A_65 : memref<4000xi32, #tpu.memory_space<hbm>>) target(%arg11 : memref<4000xi32, #tpu.memory_space<vmem>>) target_semaphore(%arg17 : memref<!tpu.dma_semaphore, #tpu.memory_space<semaphore_mem>>)
          %dma_start3A_66 = tpu.memref_slice %arg4[%multiple_of3A_63] : memref<320000xi32, #tpu.memory_space<hbm>> -> memref<4000xi32, #tpu.memory_space<hbm>>
          %dma_start3A_67 = tpu.memref_slice %arg4[%multiple_of3A_63] : memref<320000xi32, #tpu.memory_space<hbm>> -> memref<4000xi32, #tpu.memory_space<hbm>>
          tpu.enqueue_dma source(%dma_start3A_67 : memref<4000xi32, #tpu.memory_space<hbm>>) target(%arg13 : memref<4000xi32, #tpu.memory_space<vmem>>) target_semaphore(%arg17 : memref<!tpu.dma_semaphore, #tpu.memory_space<semaphore_mem>>)
          %dma_start3A_68 = tpu.memref_slice %arg5[%multiple_of3A_63] : memref<320000xf32, #tpu.memory_space<hbm>> -> memref<4000xf32, #tpu.memory_space<hbm>>
          %dma_start3A_69 = tpu.memref_slice %arg5[%multiple_of3A_63] : memref<320000xf32, #tpu.memory_space<hbm>> -> memref<4000xf32, #tpu.memory_space<hbm>>
          tpu.enqueue_dma source(%dma_start3A_69 : memref<4000xf32, #tpu.memory_space<hbm>>) target(%arg15 : memref<4000xf32, #tpu.memory_space<vmem>>) target_semaphore(%arg17 : memref<!tpu.dma_semaphore, #tpu.memory_space<semaphore_mem>>)
        } else {
        }
      } else {
      }
      %eq3A = arith.constant 0 : i32
      %eq3A_27 = arith.cmpi eq, %rem3A_22, %eq3A : i32
      %convert_element_type3A_28 = arith.extui %eq3A_27 : i1 to i32
      %cond3A_29 = arith.constant 0 : i32
      %cond3A_30 = arith.cmpi ne, %convert_element_type3A_28, %cond3A_29 : i32
      scf.if %cond3A_30 {
        %dma_wait3A = arith.constant 0 : i32
        %dma_wait3A_37 = tpu.memref_slice %arg3[%dma_wait3A] : memref<320000xi32, #tpu.memory_space<hbm>> -> memref<4000xi32, #tpu.memory_space<hbm>>
        %dma_wait3A_38 = arith.constant 0 : i32
        %dma_wait3A_39 = tpu.memref_slice %arg3[%dma_wait3A_38] : memref<320000xi32, #tpu.memory_space<hbm>> -> memref<4000xi32, #tpu.memory_space<hbm>>
        tpu.wait_dma2 semaphore(%arg16 : memref<!tpu.dma_semaphore, #tpu.memory_space<semaphore_mem>>) src(%dma_wait3A_39 : memref<4000xi32, #tpu.memory_space<hbm>>) dst(%arg10 : memref<4000xi32, #tpu.memory_space<vmem>>)
        %dma_wait3A_40 = arith.constant 0 : i32
        %dma_wait3A_41 = tpu.memref_slice %arg4[%dma_wait3A_40] : memref<320000xi32, #tpu.memory_space<hbm>> -> memref<4000xi32, #tpu.memory_space<hbm>>
        %dma_wait3A_42 = arith.constant 0 : i32
        %dma_wait3A_43 = tpu.memref_slice %arg4[%dma_wait3A_42] : memref<320000xi32, #tpu.memory_space<hbm>> -> memref<4000xi32, #tpu.memory_space<hbm>>
        tpu.wait_dma2 semaphore(%arg16 : memref<!tpu.dma_semaphore, #tpu.memory_space<semaphore_mem>>) src(%dma_wait3A_43 : memref<4000xi32, #tpu.memory_space<hbm>>) dst(%arg12 : memref<4000xi32, #tpu.memory_space<vmem>>)
        %dma_wait3A_44 = arith.constant 0 : i32
        %dma_wait3A_45 = tpu.memref_slice %arg5[%dma_wait3A_44] : memref<320000xf32, #tpu.memory_space<hbm>> -> memref<4000xf32, #tpu.memory_space<hbm>>
        %dma_wait3A_46 = arith.constant 0 : i32
        %dma_wait3A_47 = tpu.memref_slice %arg5[%dma_wait3A_46] : memref<320000xf32, #tpu.memory_space<hbm>> -> memref<4000xf32, #tpu.memory_space<hbm>>
        tpu.wait_dma2 semaphore(%arg16 : memref<!tpu.dma_semaphore, #tpu.memory_space<semaphore_mem>>) src(%dma_wait3A_47 : memref<4000xf32, #tpu.memory_space<hbm>>) dst(%arg14 : memref<4000xf32, #tpu.memory_space<vmem>>)
        %scan3A_48 = arith.constant 0 : i32
        %scan3A_49 = arith.constant 0 : i32
        %scan3A_50 = arith.constant 125 : i32
        %scan3A_51 = arith.addi %scan3A_49, %scan3A_50 : i32
        %scan3A_52 = arith.constant 1 : i32
        %scan3A_53 = scf.for %scan3A_55 = %scan3A_49 to %scan3A_51 step %scan3A_52 iter_args(%scan3A_56 = %scan3A_48) -> (i32)  : i32 {
          %mul3A_57 = arith.constant 32 : i32
          %mul3A_58 = arith.muli %scan3A_55, %mul3A_57 : i32
          %add3A_59 = arith.constant 0 : i32
          %add3A_60 = arith.addi %mul3A_58, %add3A_59 : i32
          %get3A = arith.index_cast %add3A_60 : i32 to index
          %get3A_61 = tpu.vector_load %arg10[%get3A] {strides = array<i32>} : memref<4000xi32, #tpu.memory_space<vmem>>, vector<16xi32>,
          %get3A_62 = arith.index_cast %add3A_60 : i32 to index
          %get3A_63 = tpu.vector_load %arg12[%get3A_62] {strides = array<i32>} : memref<4000xi32, #tpu.memory_space<vmem>>, vector<16xi32>,
          %get3A_64 = arith.index_cast %add3A_60 : i32 to index
          %get3A_65 = tpu.vector_load %arg14[%get3A_64] {strides = array<i32>} : memref<4000xf32, #tpu.memory_space<vmem>>, vector<16xf32>,
          %broadcast_in_dim3A = arith.constant 0 : i32
          %broadcast_in_dim3A_66 = vector.broadcast %broadcast_in_dim3A : i32 to vector<16xi32>
          %gather3A = tpu.vector_load_idx %arg8[%broadcast_in_dim3A_66, %get3A_61] : memref<4x10240xf32, #tpu.memory_space<vmem>>[vector<16xi32>, vector<16xi32>], vector<16xf32>,
          %mul3A_67 = arith.mulf %gather3A, %get3A_65 : vector<16xf32>
          %broadcast_in_dim3A_68 = arith.constant 1 : i32
          %broadcast_in_dim3A_69 = vector.broadcast %broadcast_in_dim3A_68 : i32 to vector<16xi32>
          %gather3A_70 = tpu.vector_load_idx %arg8[%broadcast_in_dim3A_69, %get3A_61] : memref<4x10240xf32, #tpu.memory_space<vmem>>[vector<16xi32>, vector<16xi32>], vector<16xf32>,
          %mul3A_71 = arith.mulf %gather3A_70, %get3A_65 : vector<16xf32>
          %broadcast_in_dim3A_72 = arith.constant 2 : i32
          %broadcast_in_dim3A_73 = vector.broadcast %broadcast_in_dim3A_72 : i32 to vector<16xi32>
          %gather3A_74 = tpu.vector_load_idx %arg8[%broadcast_in_dim3A_73, %get3A_61] : memref<4x10240xf32, #tpu.memory_space<vmem>>[vector<16xi32>, vector<16xi32>], vector<16xf32>,
          %mul3A_75 = arith.mulf %gather3A_74, %get3A_65 : vector<16xf32>
          %broadcast_in_dim3A_76 = arith.constant 3 : i32
          %broadcast_in_dim3A_77 = vector.broadcast %broadcast_in_dim3A_76 : i32 to vector<16xi32>
          %gather3A_78 = tpu.vector_load_idx %arg8[%broadcast_in_dim3A_77, %get3A_61] : memref<4x10240xf32, #tpu.memory_space<vmem>>[vector<16xi32>, vector<16xi32>], vector<16xf32>,
          %mul3A_79 = arith.mulf %gather3A_78, %get3A_65 : vector<16xf32>
          %mul3A_80 = arith.constant 32 : i32
          %mul3A_81 = arith.muli %scan3A_55, %mul3A_80 : i32
          %add3A_82 = arith.constant 16 : i32
          %add3A_83 = arith.addi %mul3A_81, %add3A_82 : i32
          %get3A_84 = arith.index_cast %add3A_83 : i32 to index
          %get3A_85 = tpu.vector_load %arg10[%get3A_84] {strides = array<i32>} : memref<4000xi32, #tpu.memory_space<vmem>>, vector<16xi32>,
          %get3A_86 = arith.index_cast %add3A_83 : i32 to index
          %get3A_87 = tpu.vector_load %arg12[%get3A_86] {strides = array<i32>} : memref<4000xi32, #tpu.memory_space<vmem>>, vector<16xi32>,
          %get3A_88 = arith.index_cast %add3A_83 : i32 to index
          %get3A_89 = tpu.vector_load %arg14[%get3A_88] {strides = array<i32>} : memref<4000xf32, #tpu.memory_space<vmem>>, vector<16xf32>,
          %broadcast_in_dim3A_90 = arith.constant 0 : i32
          %broadcast_in_dim3A_91 = vector.broadcast %broadcast_in_dim3A_90 : i32 to vector<16xi32>
          %gather3A_92 = tpu.vector_load_idx %arg8[%broadcast_in_dim3A_91, %get3A_85] : memref<4x10240xf32, #tpu.memory_space<vmem>>[vector<16xi32>, vector<16xi32>], vector<16xf32>,
          %mul3A_93 = arith.mulf %gather3A_92, %get3A_89 : vector<16xf32>
          %broadcast_in_dim3A_94 = arith.constant 1 : i32
          %broadcast_in_dim3A_95 = vector.broadcast %broadcast_in_dim3A_94 : i32 to vector<16xi32>
          %gather3A_96 = tpu.vector_load_idx %arg8[%broadcast_in_dim3A_95, %get3A_85] : memref<4x10240xf32, #tpu.memory_space<vmem>>[vector<16xi32>, vector<16xi32>], vector<16xf32>,
          %mul3A_97 = arith.mulf %gather3A_96, %get3A_89 : vector<16xf32>
          %broadcast_in_dim3A_98 = arith.constant 2 : i32
          %broadcast_in_dim3A_99 = vector.broadcast %broadcast_in_dim3A_98 : i32 to vector<16xi32>
          %gather3A_100 = tpu.vector_load_idx %arg8[%broadcast_in_dim3A_99, %get3A_85] : memref<4x10240xf32, #tpu.memory_space<vmem>>[vector<16xi32>, vector<16xi32>], vector<16xf32>,
          %mul3A_101 = arith.mulf %gather3A_100, %get3A_89 : vector<16xf32>
          %broadcast_in_dim3A_102 = arith.constant 3 : i32
          %broadcast_in_dim3A_103 = vector.broadcast %broadcast_in_dim3A_102 : i32 to vector<16xi32>
          %gather3A_104 = tpu.vector_load_idx %arg8[%broadcast_in_dim3A_103, %get3A_85] : memref<4x10240xf32, #tpu.memory_space<vmem>>[vector<16xi32>, vector<16xi32>], vector<16xf32>,
          %mul3A_105 = arith.mulf %gather3A_104, %get3A_89 : vector<16xf32>
          tpu.vector_store_idx %arg9[%broadcast_in_dim3A_66, %get3A_63], %mul3A_67 {add = true} : memref<4x10240xf32, #tpu.memory_space<vmem>>[vector<16xi32>, vector<16xi32>], vector<16xf32>,
          tpu.vector_store_idx %arg9[%broadcast_in_dim3A_69, %get3A_63], %mul3A_71 {add = true} : memref<4x10240xf32, #tpu.memory_space<vmem>>[vector<16xi32>, vector<16xi32>], vector<16xf32>,
          tpu.vector_store_idx %arg9[%broadcast_in_dim3A_73, %get3A_63], %mul3A_75 {add = true} : memref<4x10240xf32, #tpu.memory_space<vmem>>[vector<16xi32>, vector<16xi32>], vector<16xf32>,
          tpu.vector_store_idx %arg9[%broadcast_in_dim3A_77, %get3A_63], %mul3A_79 {add = true} : memref<4x10240xf32, #tpu.memory_space<vmem>>[vector<16xi32>, vector<16xi32>], vector<16xf32>,
          tpu.vector_store_idx %arg9[%broadcast_in_dim3A_91, %get3A_87], %mul3A_93 {add = true} : memref<4x10240xf32, #tpu.memory_space<vmem>>[vector<16xi32>, vector<16xi32>], vector<16xf32>,
          tpu.vector_store_idx %arg9[%broadcast_in_dim3A_95, %get3A_87], %mul3A_97 {add = true} : memref<4x10240xf32, #tpu.memory_space<vmem>>[vector<16xi32>, vector<16xi32>], vector<16xf32>,
          tpu.vector_store_idx %arg9[%broadcast_in_dim3A_99, %get3A_87], %mul3A_101 {add = true} : memref<4x10240xf32, #tpu.memory_space<vmem>>[vector<16xi32>, vector<16xi32>], vector<16xf32>,
          tpu.vector_store_idx %arg9[%broadcast_in_dim3A_103, %get3A_87], %mul3A_105 {add = true} : memref<4x10240xf32, #tpu.memory_space<vmem>>[vector<16xi32>, vector<16xi32>], vector<16xf32>,
          %scan3A_106 = arith.constant 0 : i32
          scf.yield %scan3A_106 : i32
        }
        %scan3A_54 = arith.constant 125 : i32
      } else {
      }
      %eq3A_31 = arith.constant 1 : i32
      %eq3A_32 = arith.cmpi eq, %rem3A_22, %eq3A_31 : i32
      %convert_element_type3A_33 = arith.extui %eq3A_32 : i1 to i32
      %cond3A_34 = arith.constant 0 : i32
      %cond3A_35 = arith.cmpi ne, %convert_element_type3A_33, %cond3A_34 : i32
      scf.if %cond3A_35 {
        %dma_wait3A = arith.constant 0 : i32
        %dma_wait3A_37 = tpu.memref_slice %arg3[%dma_wait3A] : memref<320000xi32, #tpu.memory_space<hbm>> -> memref<4000xi32, #tpu.memory_space<hbm>>
        %dma_wait3A_38 = arith.constant 0 : i32
        %dma_wait3A_39 = tpu.memref_slice %arg3[%dma_wait3A_38] : memref<320000xi32, #tpu.memory_space<hbm>> -> memref<4000xi32, #tpu.memory_space<hbm>>
        tpu.wait_dma2 semaphore(%arg17 : memref<!tpu.dma_semaphore, #tpu.memory_space<semaphore_mem>>) src(%dma_wait3A_39 : memref<4000xi32, #tpu.memory_space<hbm>>) dst(%arg11 : memref<4000xi32, #tpu.memory_space<vmem>>)
        %dma_wait3A_40 = arith.constant 0 : i32
        %dma_wait3A_41 = tpu.memref_slice %arg4[%dma_wait3A_40] : memref<320000xi32, #tpu.memory_space<hbm>> -> memref<4000xi32, #tpu.memory_space<hbm>>
        %dma_wait3A_42 = arith.constant 0 : i32
        %dma_wait3A_43 = tpu.memref_slice %arg4[%dma_wait3A_42] : memref<320000xi32, #tpu.memory_space<hbm>> -> memref<4000xi32, #tpu.memory_space<hbm>>
        tpu.wait_dma2 semaphore(%arg17 : memref<!tpu.dma_semaphore, #tpu.memory_space<semaphore_mem>>) src(%dma_wait3A_43 : memref<4000xi32, #tpu.memory_space<hbm>>) dst(%arg13 : memref<4000xi32, #tpu.memory_space<vmem>>)
        %dma_wait3A_44 = arith.constant 0 : i32
        %dma_wait3A_45 = tpu.memref_slice %arg5[%dma_wait3A_44] : memref<320000xf32, #tpu.memory_space<hbm>> -> memref<4000xf32, #tpu.memory_space<hbm>>
        %dma_wait3A_46 = arith.constant 0 : i32
        %dma_wait3A_47 = tpu.memref_slice %arg5[%dma_wait3A_46] : memref<320000xf32, #tpu.memory_space<hbm>> -> memref<4000xf32, #tpu.memory_space<hbm>>
        tpu.wait_dma2 semaphore(%arg17 : memref<!tpu.dma_semaphore, #tpu.memory_space<semaphore_mem>>) src(%dma_wait3A_47 : memref<4000xf32, #tpu.memory_space<hbm>>) dst(%arg15 : memref<4000xf32, #tpu.memory_space<vmem>>)
        %scan3A_48 = arith.constant 0 : i32
        %scan3A_49 = arith.constant 0 : i32
        %scan3A_50 = arith.constant 125 : i32
        %scan3A_51 = arith.addi %scan3A_49, %scan3A_50 : i32
        %scan3A_52 = arith.constant 1 : i32
        %scan3A_53 = scf.for %scan3A_55 = %scan3A_49 to %scan3A_51 step %scan3A_52 iter_args(%scan3A_56 = %scan3A_48) -> (i32)  : i32 {
          %mul3A_57 = arith.constant 32 : i32
          %mul3A_58 = arith.muli %scan3A_55, %mul3A_57 : i32
          %add3A_59 = arith.constant 0 : i32
          %add3A_60 = arith.addi %mul3A_58, %add3A_59 : i32
          %get3A = arith.index_cast %add3A_60 : i32 to index
          %get3A_61 = tpu.vector_load %arg11[%get3A] {strides = array<i32>} : memref<4000xi32, #tpu.memory_space<vmem>>, vector<16xi32>,
          %get3A_62 = arith.index_cast %add3A_60 : i32 to index
          %get3A_63 = tpu.vector_load %arg13[%get3A_62] {strides = array<i32>} : memref<4000xi32, #tpu.memory_space<vmem>>, vector<16xi32>,
          %get3A_64 = arith.index_cast %add3A_60 : i32 to index
          %get3A_65 = tpu.vector_load %arg15[%get3A_64] {strides = array<i32>} : memref<4000xf32, #tpu.memory_space<vmem>>, vector<16xf32>,
          %broadcast_in_dim3A = arith.constant 0 : i32
          %broadcast_in_dim3A_66 = vector.broadcast %broadcast_in_dim3A : i32 to vector<16xi32>
          %gather3A = tpu.vector_load_idx %arg8[%broadcast_in_dim3A_66, %get3A_61] : memref<4x10240xf32, #tpu.memory_space<vmem>>[vector<16xi32>, vector<16xi32>], vector<16xf32>,
          %mul3A_67 = arith.mulf %gather3A, %get3A_65 : vector<16xf32>
          %broadcast_in_dim3A_68 = arith.constant 1 : i32
          %broadcast_in_dim3A_69 = vector.broadcast %broadcast_in_dim3A_68 : i32 to vector<16xi32>
          %gather3A_70 = tpu.vector_load_idx %arg8[%broadcast_in_dim3A_69, %get3A_61] : memref<4x10240xf32, #tpu.memory_space<vmem>>[vector<16xi32>, vector<16xi32>], vector<16xf32>,
          %mul3A_71 = arith.mulf %gather3A_70, %get3A_65 : vector<16xf32>
          %broadcast_in_dim3A_72 = arith.constant 2 : i32
          %broadcast_in_dim3A_73 = vector.broadcast %broadcast_in_dim3A_72 : i32 to vector<16xi32>
          %gather3A_74 = tpu.vector_load_idx %arg8[%broadcast_in_dim3A_73, %get3A_61] : memref<4x10240xf32, #tpu.memory_space<vmem>>[vector<16xi32>, vector<16xi32>], vector<16xf32>,
          %mul3A_75 = arith.mulf %gather3A_74, %get3A_65 : vector<16xf32>
          %broadcast_in_dim3A_76 = arith.constant 3 : i32
          %broadcast_in_dim3A_77 = vector.broadcast %broadcast_in_dim3A_76 : i32 to vector<16xi32>
          %gather3A_78 = tpu.vector_load_idx %arg8[%broadcast_in_dim3A_77, %get3A_61] : memref<4x10240xf32, #tpu.memory_space<vmem>>[vector<16xi32>, vector<16xi32>], vector<16xf32>,
          %mul3A_79 = arith.mulf %gather3A_78, %get3A_65 : vector<16xf32>
          %mul3A_80 = arith.constant 32 : i32
          %mul3A_81 = arith.muli %scan3A_55, %mul3A_80 : i32
          %add3A_82 = arith.constant 16 : i32
          %add3A_83 = arith.addi %mul3A_81, %add3A_82 : i32
          %get3A_84 = arith.index_cast %add3A_83 : i32 to index
          %get3A_85 = tpu.vector_load %arg11[%get3A_84] {strides = array<i32>} : memref<4000xi32, #tpu.memory_space<vmem>>, vector<16xi32>,
          %get3A_86 = arith.index_cast %add3A_83 : i32 to index
          %get3A_87 = tpu.vector_load %arg13[%get3A_86] {strides = array<i32>} : memref<4000xi32, #tpu.memory_space<vmem>>, vector<16xi32>,
          %get3A_88 = arith.index_cast %add3A_83 : i32 to index
          %get3A_89 = tpu.vector_load %arg15[%get3A_88] {strides = array<i32>} : memref<4000xf32, #tpu.memory_space<vmem>>, vector<16xf32>,
          %broadcast_in_dim3A_90 = arith.constant 0 : i32
          %broadcast_in_dim3A_91 = vector.broadcast %broadcast_in_dim3A_90 : i32 to vector<16xi32>
          %gather3A_92 = tpu.vector_load_idx %arg8[%broadcast_in_dim3A_91, %get3A_85] : memref<4x10240xf32, #tpu.memory_space<vmem>>[vector<16xi32>, vector<16xi32>], vector<16xf32>,
          %mul3A_93 = arith.mulf %gather3A_92, %get3A_89 : vector<16xf32>
          %broadcast_in_dim3A_94 = arith.constant 1 : i32
          %broadcast_in_dim3A_95 = vector.broadcast %broadcast_in_dim3A_94 : i32 to vector<16xi32>
          %gather3A_96 = tpu.vector_load_idx %arg8[%broadcast_in_dim3A_95, %get3A_85] : memref<4x10240xf32, #tpu.memory_space<vmem>>[vector<16xi32>, vector<16xi32>], vector<16xf32>,
          %mul3A_97 = arith.mulf %gather3A_96, %get3A_89 : vector<16xf32>
          %broadcast_in_dim3A_98 = arith.constant 2 : i32
          %broadcast_in_dim3A_99 = vector.broadcast %broadcast_in_dim3A_98 : i32 to vector<16xi32>
          %gather3A_100 = tpu.vector_load_idx %arg8[%broadcast_in_dim3A_99, %get3A_85] : memref<4x10240xf32, #tpu.memory_space<vmem>>[vector<16xi32>, vector<16xi32>], vector<16xf32>,
          %mul3A_101 = arith.mulf %gather3A_100, %get3A_89 : vector<16xf32>
          %broadcast_in_dim3A_102 = arith.constant 3 : i32
          %broadcast_in_dim3A_103 = vector.broadcast %broadcast_in_dim3A_102 : i32 to vector<16xi32>
          %gather3A_104 = tpu.vector_load_idx %arg8[%broadcast_in_dim3A_103, %get3A_85] : memref<4x10240xf32, #tpu.memory_space<vmem>>[vector<16xi32>, vector<16xi32>], vector<16xf32>,
          %mul3A_105 = arith.mulf %gather3A_104, %get3A_89 : vector<16xf32>
          tpu.vector_store_idx %arg9[%broadcast_in_dim3A_66, %get3A_63], %mul3A_67 {add = true} : memref<4x10240xf32, #tpu.memory_space<vmem>>[vector<16xi32>, vector<16xi32>], vector<16xf32>,
          tpu.vector_store_idx %arg9[%broadcast_in_dim3A_69, %get3A_63], %mul3A_71 {add = true} : memref<4x10240xf32, #tpu.memory_space<vmem>>[vector<16xi32>, vector<16xi32>], vector<16xf32>,
          tpu.vector_store_idx %arg9[%broadcast_in_dim3A_73, %get3A_63], %mul3A_75 {add = true} : memref<4x10240xf32, #tpu.memory_space<vmem>>[vector<16xi32>, vector<16xi32>], vector<16xf32>,
          tpu.vector_store_idx %arg9[%broadcast_in_dim3A_77, %get3A_63], %mul3A_79 {add = true} : memref<4x10240xf32, #tpu.memory_space<vmem>>[vector<16xi32>, vector<16xi32>], vector<16xf32>,
          tpu.vector_store_idx %arg9[%broadcast_in_dim3A_91, %get3A_87], %mul3A_93 {add = true} : memref<4x10240xf32, #tpu.memory_space<vmem>>[vector<16xi32>, vector<16xi32>], vector<16xf32>,
          tpu.vector_store_idx %arg9[%broadcast_in_dim3A_95, %get3A_87], %mul3A_97 {add = true} : memref<4x10240xf32, #tpu.memory_space<vmem>>[vector<16xi32>, vector<16xi32>], vector<16xf32>,
          tpu.vector_store_idx %arg9[%broadcast_in_dim3A_99, %get3A_87], %mul3A_101 {add = true} : memref<4x10240xf32, #tpu.memory_space<vmem>>[vector<16xi32>, vector<16xi32>], vector<16xf32>,
          tpu.vector_store_idx %arg9[%broadcast_in_dim3A_103, %get3A_87], %mul3A_105 {add = true} : memref<4x10240xf32, #tpu.memory_space<vmem>>[vector<16xi32>, vector<16xi32>], vector<16xf32>,
          %scan3A_106 = arith.constant 0 : i32
          scf.yield %scan3A_106 : i32
        }
        %scan3A_54 = arith.constant 125 : i32
      } else {
      }
      %scan3A_36 = arith.constant 0 : i32
      scf.yield %scan3A_36 : i32
    }
    %scan3A_19 = arith.constant 80 : i32
    "tpu.region"() ({
      %run_scoped3A = tpu.sem_alloc : memref<!tpu.dma_semaphore, #tpu.memory_space<semaphore_mem>>
      %dma_start3A_20 = arith.constant 0 : i32
      %dma_start3A_21 = arith.constant 0 : i32
      %dma_start3A_22 = tpu.memref_slice %arg7[%add3A, %dma_start3A_20, %dma_start3A_21] : memref<32x4x10240xf32, #tpu.memory_space<hbm>> -> memref<1x4x10240xf32, #tpu.memory_space<hbm>>
      %dma_start3A_23 = tpu.memref_squeeze %dma_start3A_22 : memref<1x4x10240xf32, #tpu.memory_space<hbm>> -> memref<4x10240xf32, #tpu.memory_space<hbm>>
      %dma_start3A_24 = arith.constant 0 : i32
      %dma_start3A_25 = arith.constant 0 : i32
      %dma_start3A_26 = tpu.memref_slice %arg7[%add3A, %dma_start3A_24, %dma_start3A_25] : memref<32x4x10240xf32, #tpu.memory_space<hbm>> -> memref<1x4x10240xf32, #tpu.memory_space<hbm>>
      %dma_start3A_27 = tpu.memref_squeeze %dma_start3A_26 : memref<1x4x10240xf32, #tpu.memory_space<hbm>> -> memref<4x10240xf32, #tpu.memory_space<hbm>>
      tpu.enqueue_dma source(%arg9 : memref<4x10240xf32, #tpu.memory_space<vmem>>) target(%dma_start3A_27 : memref<4x10240xf32, #tpu.memory_space<hbm>>) target_semaphore(%run_scoped3A : memref<!tpu.dma_semaphore, #tpu.memory_space<semaphore_mem>>)
      %dma_wait3A = arith.constant 0 : i32
      %dma_wait3A_28 = arith.constant 0 : i32
      %dma_wait3A_29 = tpu.memref_slice %arg7[%add3A, %dma_wait3A, %dma_wait3A_28] : memref<32x4x10240xf32, #tpu.memory_space<hbm>> -> memref<1x4x10240xf32, #tpu.memory_space<hbm>>
      %dma_wait3A_30 = tpu.memref_squeeze %dma_wait3A_29 : memref<1x4x10240xf32, #tpu.memory_space<hbm>> -> memref<4x10240xf32, #tpu.memory_space<hbm>>
      %dma_wait3A_31 = arith.constant 0 : i32
      %dma_wait3A_32 = arith.constant 0 : i32
      %dma_wait3A_33 = tpu.memref_slice %arg7[%add3A, %dma_wait3A_31, %dma_wait3A_32] : memref<32x4x10240xf32, #tpu.memory_space<hbm>> -> memref<1x4x10240xf32, #tpu.memory_space<hbm>>
      %dma_wait3A_34 = tpu.memref_squeeze %dma_wait3A_33 : memref<1x4x10240xf32, #tpu.memory_space<hbm>> -> memref<4x10240xf32, #tpu.memory_space<hbm>>
      tpu.wait_dma2 semaphore(%run_scoped3A : memref<!tpu.dma_semaphore, #tpu.memory_space<semaphore_mem>>) src(%arg9 : memref<4x10240xf32, #tpu.memory_space<vmem>>) dst(%dma_wait3A_34 : memref<4x10240xf32, #tpu.memory_space<hbm>>)
      tpu.yield
    }) : () -> ()
    return
  }
}

#map = affine_map<(d0, d1) -> (0, 0, 0)>
#map1 = affine_map<(d0, d1) -> (0)>
#map2 = affine_map<(d0, d1) -> (0, 0)>
module attributes {stable_mosaic.version = 14 : i64} {
  func.func @_sc_agg(%arg0: i32, %arg1: i32, %arg2: memref<2x320000x128xf32, #tpu.memory_space<hbm>>, %arg3: memref<320000xi32, #tpu.memory_space<hbm>>, %arg4: memref<320000xi32, #tpu.memory_space<hbm>>, %arg5: memref<320000xf32, #tpu.memory_space<hbm>>, %arg6: memref<10240xf32, #tpu.memory_space<hbm>>, %arg7: memref<320x128xf32, #tpu.memory_space<hbm>>, %arg8: memref<10240x128xf32, #tpu.memory_space<hbm>>, %arg9: memref<32x8x10240xf32, #tpu.memory_space<hbm>>, %arg10: memref<320x128xf32, #tpu.memory_space<vmem>>, %arg11: memref<240x128xf32, #tpu.memory_space<vmem>>, %arg12: memref<240x128xf32, #tpu.memory_space<vmem>>, %arg13: memref<10240xf32, #tpu.memory_space<vmem>>, %arg14: memref<2000xi32, #tpu.memory_space<vmem>>, %arg15: memref<2000xf32, #tpu.memory_space<vmem>>, %arg16: memref<16xi32, #tpu.memory_space<vmem>>, %arg17: memref<256xi32, #tpu.memory_space<vmem>>, %arg18: memref<256xi32, #tpu.memory_space<vmem>>, %arg19: memref<!tpu.dma_semaphore, #tpu.memory_space<semaphore_mem>>, %arg20: memref<!tpu.dma_semaphore, #tpu.memory_space<semaphore_mem>>) attributes {dimension_semantics = [#tpu.dimension_semantics<core_parallel>, #tpu.dimension_semantics<subcore_parallel>], iteration_bounds = array<i64: 2, 16>, scalar_prefetch = 0 : i64, scratch_operands = 11 : i64, tpu.core_type = #tpu.core_type<sc_vector_subcore>, window_params = [{transform_indices = #map}, {transform_indices = #map1}, {transform_indices = #map1}, {transform_indices = #map1}, {transform_indices = #map1}, {transform_indices = #map2}, {transform_indices = #map2}, {transform_indices = #map}]} {
    %mul3A = arith.constant 16 : i32
    %mul3A_0 = arith.muli %arg0, %mul3A : i32
    %add3A = arith.addi %mul3A_0, %arg1 : i32
    %mul3A_1 = arith.constant 320 : i32
    %mul3A_2 = arith.muli %add3A, %mul3A_1 : i32
    %while3A = arith.constant 0 : i32
    %while3A_3 = arith.constant 40000 : i32
    %while3A_4:2 = scf.while (%while3A_132 = %while3A, %while3A_133 = %while3A_3) : (i32, i32) -> (i32, i32) {
      %lt3A_134 = arith.cmpi slt, %while3A_132, %while3A_133 : i32
      scf.condition(%lt3A_134) %while3A_132, %while3A_133 : i32, i32
    } do {
    ^bb0(%while3A_132: i32, %while3A_133: i32):
      %add3A_134 = arith.addi %while3A_132, %while3A_133 : i32
      %jit3A_135 = arith.constant 2 : i32
      %div3A_136 = arith.divsi %add3A_134, %jit3A_135 : i32
      %sign3A_137 = arith.constant 0 : i32
      %sign3A_138 = arith.cmpi sgt, %add3A_134, %sign3A_137 : i32
      %sign3A_139 = arith.extui %sign3A_138 : i1 to i32
      %sign3A_140 = arith.constant 0 : i32
      %sign3A_141 = arith.cmpi slt, %add3A_134, %sign3A_140 : i32
      %sign3A_142 = arith.extui %sign3A_141 : i1 to i32
      %sign3A_143 = arith.subi %sign3A_139, %sign3A_142 : i32
      %sign3A_144 = arith.constant 0 : i32
      %sign3A_145 = arith.cmpi sgt, %jit3A_135, %sign3A_144 : i32
      %sign3A_146 = arith.extui %sign3A_145 : i1 to i32
      %sign3A_147 = arith.constant 0 : i32
      %sign3A_148 = arith.cmpi slt, %jit3A_135, %sign3A_147 : i32
      %sign3A_149 = arith.extui %sign3A_148 : i1 to i32
      %sign3A_150 = arith.subi %sign3A_146, %sign3A_149 : i32
      %ne3A_151 = arith.cmpi ne, %sign3A_143, %sign3A_150 : i32
      %rem3A_152 = arith.remsi %add3A_134, %jit3A_135 : i32
      %ne3A_153 = arith.constant 0 : i32
      %ne3A_154 = arith.cmpi ne, %rem3A_152, %ne3A_153 : i32
      %and3A_155 = arith.andi %ne3A_151, %ne3A_154 : i1
      %sub3A_156 = arith.constant 1 : i32
      %sub3A_157 = arith.subi %div3A_136, %sub3A_156 : i32
      %select_n3A_158 = arith.select %and3A_155, %sub3A_157, %div3A_136 : i32
      %mul3A_159 = arith.constant 8 : i32
      %mul3A_160 = arith.muli %select_n3A_158, %mul3A_159 : i32
      %multiple_of3A_161 = tpu.assume_multiple %mul3A_160, 8 : i32
      "tpu.region"() ({
        %run_scoped3A_169 = tpu.sem_alloc : memref<!tpu.dma_semaphore, #tpu.memory_space<semaphore_mem>>
        %dma_start3A = arith.constant 0 : i32
        %dma_start3A_170 = tpu.memref_slice %arg16[%dma_start3A] : memref<16xi32, #tpu.memory_space<vmem>> -> memref<8xi32, #tpu.memory_space<vmem>>
        %dma_start3A_171 = tpu.memref_slice %arg3[%multiple_of3A_161] : memref<320000xi32, #tpu.memory_space<hbm>> -> memref<8xi32, #tpu.memory_space<hbm>>
        %dma_start3A_172 = arith.constant 0 : i32
        %dma_start3A_173 = tpu.memref_slice %arg16[%dma_start3A_172] : memref<16xi32, #tpu.memory_space<vmem>> -> memref<8xi32, #tpu.memory_space<vmem>>
        %dma_start3A_174 = tpu.memref_slice %arg3[%multiple_of3A_161] : memref<320000xi32, #tpu.memory_space<hbm>> -> memref<8xi32, #tpu.memory_space<hbm>>
        tpu.enqueue_dma source(%dma_start3A_174 : memref<8xi32, #tpu.memory_space<hbm>>) target(%dma_start3A_173 : memref<8xi32, #tpu.memory_space<vmem>>) target_semaphore(%run_scoped3A_169 : memref<!tpu.dma_semaphore, #tpu.memory_space<semaphore_mem>>)
        %dma_wait3A = arith.constant 0 : i32
        %dma_wait3A_175 = tpu.memref_slice %arg16[%dma_wait3A] : memref<16xi32, #tpu.memory_space<vmem>> -> memref<8xi32, #tpu.memory_space<vmem>>
        %dma_wait3A_176 = tpu.memref_slice %arg3[%multiple_of3A_161] : memref<320000xi32, #tpu.memory_space<hbm>> -> memref<8xi32, #tpu.memory_space<hbm>>
        %dma_wait3A_177 = arith.constant 0 : i32
        %dma_wait3A_178 = tpu.memref_slice %arg16[%dma_wait3A_177] : memref<16xi32, #tpu.memory_space<vmem>> -> memref<8xi32, #tpu.memory_space<vmem>>
        %dma_wait3A_179 = tpu.memref_slice %arg3[%multiple_of3A_161] : memref<320000xi32, #tpu.memory_space<hbm>> -> memref<8xi32, #tpu.memory_space<hbm>>
        tpu.wait_dma2 semaphore(%run_scoped3A_169 : memref<!tpu.dma_semaphore, #tpu.memory_space<semaphore_mem>>) src(%dma_wait3A_179 : memref<8xi32, #tpu.memory_space<hbm>>) dst(%dma_wait3A_178 : memref<8xi32, #tpu.memory_space<vmem>>)
        tpu.yield
      }) : () -> ()
      %get3A_162 = arith.constant 0 : index
      %get3A_163 = tpu.vector_load %arg16[%get3A_162] {strides = array<i32>} : memref<16xi32, #tpu.memory_space<vmem>>, vector<16xi32>,
      %slice3A = vector.extract_strided_slice %get3A_163 {offsets = [7], sizes = [1], strides = [1]} : vector<16xi32> to vector<1xi32>
      %squeeze3A = vector.extract %slice3A[0] : i32 from vector<1xi32>
      %ge3A_164 = arith.cmpi sge, %squeeze3A, %mul3A_2 : i32
      %add3A_165 = arith.constant 1 : i32
      %add3A_166 = arith.addi %select_n3A_158, %add3A_165 : i32
      %select_n3A_167 = arith.select %ge3A_164, %while3A_132, %add3A_166 : i32
      %select_n3A_168 = arith.select %ge3A_164, %select_n3A_158, %while3A_133 : i32
      scf.yield %select_n3A_167, %select_n3A_168 : i32, i32
    }
    %ge3A = arith.constant 40000 : i32
    %ge3A_5 = arith.cmpi sge, %while3A_4#0, %ge3A : i32
    %min3A = arith.constant 39999 : i32
    %min3A_6 = arith.minsi %while3A_4#0, %min3A : i32
    %mul3A_7 = arith.constant 8 : i32
    %mul3A_8 = arith.muli %min3A_6, %mul3A_7 : i32
    %multiple_of3A = tpu.assume_multiple %mul3A_8, 8 : i32
    "tpu.region"() ({
      %run_scoped3A_132 = tpu.sem_alloc : memref<!tpu.dma_semaphore, #tpu.memory_space<semaphore_mem>>
      %dma_start3A = arith.constant 0 : i32
      %dma_start3A_133 = tpu.memref_slice %arg16[%dma_start3A] : memref<16xi32, #tpu.memory_space<vmem>> -> memref<8xi32, #tpu.memory_space<vmem>>
      %dma_start3A_134 = tpu.memref_slice %arg3[%multiple_of3A] : memref<320000xi32, #tpu.memory_space<hbm>> -> memref<8xi32, #tpu.memory_space<hbm>>
      %dma_start3A_135 = arith.constant 0 : i32
      %dma_start3A_136 = tpu.memref_slice %arg16[%dma_start3A_135] : memref<16xi32, #tpu.memory_space<vmem>> -> memref<8xi32, #tpu.memory_space<vmem>>
      %dma_start3A_137 = tpu.memref_slice %arg3[%multiple_of3A] : memref<320000xi32, #tpu.memory_space<hbm>> -> memref<8xi32, #tpu.memory_space<hbm>>
      tpu.enqueue_dma source(%dma_start3A_137 : memref<8xi32, #tpu.memory_space<hbm>>) target(%dma_start3A_136 : memref<8xi32, #tpu.memory_space<vmem>>) target_semaphore(%run_scoped3A_132 : memref<!tpu.dma_semaphore, #tpu.memory_space<semaphore_mem>>)
      %dma_wait3A = arith.constant 0 : i32
      %dma_wait3A_138 = tpu.memref_slice %arg16[%dma_wait3A] : memref<16xi32, #tpu.memory_space<vmem>> -> memref<8xi32, #tpu.memory_space<vmem>>
      %dma_wait3A_139 = tpu.memref_slice %arg3[%multiple_of3A] : memref<320000xi32, #tpu.memory_space<hbm>> -> memref<8xi32, #tpu.memory_space<hbm>>
      %dma_wait3A_140 = arith.constant 0 : i32
      %dma_wait3A_141 = tpu.memref_slice %arg16[%dma_wait3A_140] : memref<16xi32, #tpu.memory_space<vmem>> -> memref<8xi32, #tpu.memory_space<vmem>>
      %dma_wait3A_142 = tpu.memref_slice %arg3[%multiple_of3A] : memref<320000xi32, #tpu.memory_space<hbm>> -> memref<8xi32, #tpu.memory_space<hbm>>
      tpu.wait_dma2 semaphore(%run_scoped3A_132 : memref<!tpu.dma_semaphore, #tpu.memory_space<semaphore_mem>>) src(%dma_wait3A_142 : memref<8xi32, #tpu.memory_space<hbm>>) dst(%dma_wait3A_141 : memref<8xi32, #tpu.memory_space<vmem>>)
      tpu.yield
    }) : () -> ()
    %get3A = arith.constant 0 : index
    %get3A_9 = tpu.vector_load %arg16[%get3A] {strides = array<i32>} : memref<16xi32, #tpu.memory_space<vmem>>, vector<16xi32>,
    %lt3A = vector.broadcast %mul3A_2 : i32 to vector<16xi32>
    %lt3A_10 = arith.cmpi slt, %get3A_9, %lt3A : vector<16xi32>
    %iota3A = tpu.iota {dimensions = array<i32: 0>} : vector<16xi32>
    %lt3A_11 = arith.constant 8 : i32
    %lt3A_12 = vector.broadcast %lt3A_11 : i32 to vector<16xi32>
    %lt3A_13 = arith.cmpi slt, %iota3A, %lt3A_12 : vector<16xi32>
    %and3A = arith.andi %lt3A_10, %lt3A_13 : vector<16xi1>
    %jit3A = arith.constant 1 : i32
    %jit3A_14 = arith.constant 0 : i32
    %broadcast_in_dim3A = vector.broadcast %jit3A : i32 to vector<16xi32>
    %broadcast_in_dim3A_15 = vector.broadcast %jit3A_14 : i32 to vector<16xi32>
    %select_n3A = arith.select %and3A, %broadcast_in_dim3A, %broadcast_in_dim3A_15 : vector<16xi1>, vector<16xi32>
    %mul3A_16 = arith.constant 8 : i32
    %mul3A_17 = arith.muli %min3A_6, %mul3A_16 : i32
    %reduce_sum3A = arith.constant true
    %reduce_sum3A_18 = vector.broadcast %reduce_sum3A : i1 to vector<16xi1>
    %reduce_sum3A_19 = tpu.scan <sum>, %select_n3A masked %reduce_sum3A_18 : vector<16xi32>, vector<16xi1> -> vector<16xi32>
    %reduce_sum3A_20 = vector.extract %reduce_sum3A_19[15] : i32 from vector<16xi32>
    %add3A_21 = arith.addi %mul3A_17, %reduce_sum3A_20 : i32
    %jit3A_22 = arith.constant 320000 : i32
    %select_n3A_23 = arith.select %ge3A_5, %jit3A_22, %add3A_21 : i32
    %add3A_24 = arith.constant 320 : i32
    %add3A_25 = arith.addi %mul3A_2, %add3A_24 : i32
    %while3A_26 = arith.constant 0 : i32
    %while3A_27 = arith.constant 40000 : i32
    %while3A_28:2 = scf.while (%while3A_132 = %while3A_26, %while3A_133 = %while3A_27) : (i32, i32) -> (i32, i32) {
      %lt3A_134 = arith.cmpi slt, %while3A_132, %while3A_133 : i32
      scf.condition(%lt3A_134) %while3A_132, %while3A_133 : i32, i32
    } do {
    ^bb0(%while3A_132: i32, %while3A_133: i32):
      %add3A_134 = arith.addi %while3A_132, %while3A_133 : i32
      %jit3A_135 = arith.constant 2 : i32
      %div3A_136 = arith.divsi %add3A_134, %jit3A_135 : i32
      %sign3A_137 = arith.constant 0 : i32
      %sign3A_138 = arith.cmpi sgt, %add3A_134, %sign3A_137 : i32
      %sign3A_139 = arith.extui %sign3A_138 : i1 to i32
      %sign3A_140 = arith.constant 0 : i32
      %sign3A_141 = arith.cmpi slt, %add3A_134, %sign3A_140 : i32
      %sign3A_142 = arith.extui %sign3A_141 : i1 to i32
      %sign3A_143 = arith.subi %sign3A_139, %sign3A_142 : i32
      %sign3A_144 = arith.constant 0 : i32
      %sign3A_145 = arith.cmpi sgt, %jit3A_135, %sign3A_144 : i32
      %sign3A_146 = arith.extui %sign3A_145 : i1 to i32
      %sign3A_147 = arith.constant 0 : i32
      %sign3A_148 = arith.cmpi slt, %jit3A_135, %sign3A_147 : i32
      %sign3A_149 = arith.extui %sign3A_148 : i1 to i32
      %sign3A_150 = arith.subi %sign3A_146, %sign3A_149 : i32
      %ne3A_151 = arith.cmpi ne, %sign3A_143, %sign3A_150 : i32
      %rem3A_152 = arith.remsi %add3A_134, %jit3A_135 : i32
      %ne3A_153 = arith.constant 0 : i32
      %ne3A_154 = arith.cmpi ne, %rem3A_152, %ne3A_153 : i32
      %and3A_155 = arith.andi %ne3A_151, %ne3A_154 : i1
      %sub3A_156 = arith.constant 1 : i32
      %sub3A_157 = arith.subi %div3A_136, %sub3A_156 : i32
      %select_n3A_158 = arith.select %and3A_155, %sub3A_157, %div3A_136 : i32
      %mul3A_159 = arith.constant 8 : i32
      %mul3A_160 = arith.muli %select_n3A_158, %mul3A_159 : i32
      %multiple_of3A_161 = tpu.assume_multiple %mul3A_160, 8 : i32
      "tpu.region"() ({
        %run_scoped3A_169 = tpu.sem_alloc : memref<!tpu.dma_semaphore, #tpu.memory_space<semaphore_mem>>
        %dma_start3A = arith.constant 0 : i32
        %dma_start3A_170 = tpu.memref_slice %arg16[%dma_start3A] : memref<16xi32, #tpu.memory_space<vmem>> -> memref<8xi32, #tpu.memory_space<vmem>>
        %dma_start3A_171 = tpu.memref_slice %arg3[%multiple_of3A_161] : memref<320000xi32, #tpu.memory_space<hbm>> -> memref<8xi32, #tpu.memory_space<hbm>>
        %dma_start3A_172 = arith.constant 0 : i32
        %dma_start3A_173 = tpu.memref_slice %arg16[%dma_start3A_172] : memref<16xi32, #tpu.memory_space<vmem>> -> memref<8xi32, #tpu.memory_space<vmem>>
        %dma_start3A_174 = tpu.memref_slice %arg3[%multiple_of3A_161] : memref<320000xi32, #tpu.memory_space<hbm>> -> memref<8xi32, #tpu.memory_space<hbm>>
        tpu.enqueue_dma source(%dma_start3A_174 : memref<8xi32, #tpu.memory_space<hbm>>) target(%dma_start3A_173 : memref<8xi32, #tpu.memory_space<vmem>>) target_semaphore(%run_scoped3A_169 : memref<!tpu.dma_semaphore, #tpu.memory_space<semaphore_mem>>)
        %dma_wait3A = arith.constant 0 : i32
        %dma_wait3A_175 = tpu.memref_slice %arg16[%dma_wait3A] : memref<16xi32, #tpu.memory_space<vmem>> -> memref<8xi32, #tpu.memory_space<vmem>>
        %dma_wait3A_176 = tpu.memref_slice %arg3[%multiple_of3A_161] : memref<320000xi32, #tpu.memory_space<hbm>> -> memref<8xi32, #tpu.memory_space<hbm>>
        %dma_wait3A_177 = arith.constant 0 : i32
        %dma_wait3A_178 = tpu.memref_slice %arg16[%dma_wait3A_177] : memref<16xi32, #tpu.memory_space<vmem>> -> memref<8xi32, #tpu.memory_space<vmem>>
        %dma_wait3A_179 = tpu.memref_slice %arg3[%multiple_of3A_161] : memref<320000xi32, #tpu.memory_space<hbm>> -> memref<8xi32, #tpu.memory_space<hbm>>
        tpu.wait_dma2 semaphore(%run_scoped3A_169 : memref<!tpu.dma_semaphore, #tpu.memory_space<semaphore_mem>>) src(%dma_wait3A_179 : memref<8xi32, #tpu.memory_space<hbm>>) dst(%dma_wait3A_178 : memref<8xi32, #tpu.memory_space<vmem>>)
        tpu.yield
      }) : () -> ()
      %get3A_162 = arith.constant 0 : index
      %get3A_163 = tpu.vector_load %arg16[%get3A_162] {strides = array<i32>} : memref<16xi32, #tpu.memory_space<vmem>>, vector<16xi32>,
      %slice3A = vector.extract_strided_slice %get3A_163 {offsets = [7], sizes = [1], strides = [1]} : vector<16xi32> to vector<1xi32>
      %squeeze3A = vector.extract %slice3A[0] : i32 from vector<1xi32>
      %ge3A_164 = arith.cmpi sge, %squeeze3A, %add3A_25 : i32
      %add3A_165 = arith.constant 1 : i32
      %add3A_166 = arith.addi %select_n3A_158, %add3A_165 : i32
      %select_n3A_167 = arith.select %ge3A_164, %while3A_132, %add3A_166 : i32
      %select_n3A_168 = arith.select %ge3A_164, %select_n3A_158, %while3A_133 : i32
      scf.yield %select_n3A_167, %select_n3A_168 : i32, i32
    }
    %ge3A_29 = arith.constant 40000 : i32
    %ge3A_30 = arith.cmpi sge, %while3A_28#0, %ge3A_29 : i32
    %min3A_31 = arith.constant 39999 : i32
    %min3A_32 = arith.minsi %while3A_28#0, %min3A_31 : i32
    %mul3A_33 = arith.constant 8 : i32
    %mul3A_34 = arith.muli %min3A_32, %mul3A_33 : i32
    %multiple_of3A_35 = tpu.assume_multiple %mul3A_34, 8 : i32
    "tpu.region"() ({
      %run_scoped3A_132 = tpu.sem_alloc : memref<!tpu.dma_semaphore, #tpu.memory_space<semaphore_mem>>
      %dma_start3A = arith.constant 0 : i32
      %dma_start3A_133 = tpu.memref_slice %arg16[%dma_start3A] : memref<16xi32, #tpu.memory_space<vmem>> -> memref<8xi32, #tpu.memory_space<vmem>>
      %dma_start3A_134 = tpu.memref_slice %arg3[%multiple_of3A_35] : memref<320000xi32, #tpu.memory_space<hbm>> -> memref<8xi32, #tpu.memory_space<hbm>>
      %dma_start3A_135 = arith.constant 0 : i32
      %dma_start3A_136 = tpu.memref_slice %arg16[%dma_start3A_135] : memref<16xi32, #tpu.memory_space<vmem>> -> memref<8xi32, #tpu.memory_space<vmem>>
      %dma_start3A_137 = tpu.memref_slice %arg3[%multiple_of3A_35] : memref<320000xi32, #tpu.memory_space<hbm>> -> memref<8xi32, #tpu.memory_space<hbm>>
      tpu.enqueue_dma source(%dma_start3A_137 : memref<8xi32, #tpu.memory_space<hbm>>) target(%dma_start3A_136 : memref<8xi32, #tpu.memory_space<vmem>>) target_semaphore(%run_scoped3A_132 : memref<!tpu.dma_semaphore, #tpu.memory_space<semaphore_mem>>)
      %dma_wait3A = arith.constant 0 : i32
      %dma_wait3A_138 = tpu.memref_slice %arg16[%dma_wait3A] : memref<16xi32, #tpu.memory_space<vmem>> -> memref<8xi32, #tpu.memory_space<vmem>>
      %dma_wait3A_139 = tpu.memref_slice %arg3[%multiple_of3A_35] : memref<320000xi32, #tpu.memory_space<hbm>> -> memref<8xi32, #tpu.memory_space<hbm>>
      %dma_wait3A_140 = arith.constant 0 : i32
      %dma_wait3A_141 = tpu.memref_slice %arg16[%dma_wait3A_140] : memref<16xi32, #tpu.memory_space<vmem>> -> memref<8xi32, #tpu.memory_space<vmem>>
      %dma_wait3A_142 = tpu.memref_slice %arg3[%multiple_of3A_35] : memref<320000xi32, #tpu.memory_space<hbm>> -> memref<8xi32, #tpu.memory_space<hbm>>
      tpu.wait_dma2 semaphore(%run_scoped3A_132 : memref<!tpu.dma_semaphore, #tpu.memory_space<semaphore_mem>>) src(%dma_wait3A_142 : memref<8xi32, #tpu.memory_space<hbm>>) dst(%dma_wait3A_141 : memref<8xi32, #tpu.memory_space<vmem>>)
      tpu.yield
    }) : () -> ()
    %get3A_36 = arith.constant 0 : index
    %get3A_37 = tpu.vector_load %arg16[%get3A_36] {strides = array<i32>} : memref<16xi32, #tpu.memory_space<vmem>>, vector<16xi32>,
    %lt3A_38 = vector.broadcast %add3A_25 : i32 to vector<16xi32>
    %lt3A_39 = arith.cmpi slt, %get3A_37, %lt3A_38 : vector<16xi32>
    %iota3A_40 = tpu.iota {dimensions = array<i32: 0>} : vector<16xi32>
    %lt3A_41 = arith.constant 8 : i32
    %lt3A_42 = vector.broadcast %lt3A_41 : i32 to vector<16xi32>
    %lt3A_43 = arith.cmpi slt, %iota3A_40, %lt3A_42 : vector<16xi32>
    %and3A_44 = arith.andi %lt3A_39, %lt3A_43 : vector<16xi1>
    %jit3A_45 = arith.constant 1 : i32
    %jit3A_46 = arith.constant 0 : i32
    %broadcast_in_dim3A_47 = vector.broadcast %jit3A_45 : i32 to vector<16xi32>
    %broadcast_in_dim3A_48 = vector.broadcast %jit3A_46 : i32 to vector<16xi32>
    %select_n3A_49 = arith.select %and3A_44, %broadcast_in_dim3A_47, %broadcast_in_dim3A_48 : vector<16xi1>, vector<16xi32>
    %mul3A_50 = arith.constant 8 : i32
    %mul3A_51 = arith.muli %min3A_32, %mul3A_50 : i32
    %reduce_sum3A_52 = arith.constant true
    %reduce_sum3A_53 = vector.broadcast %reduce_sum3A_52 : i1 to vector<16xi1>
    %reduce_sum3A_54 = tpu.scan <sum>, %select_n3A_49 masked %reduce_sum3A_53 : vector<16xi32>, vector<16xi1> -> vector<16xi32>
    %reduce_sum3A_55 = vector.extract %reduce_sum3A_54[15] : i32 from vector<16xi32>
    %add3A_56 = arith.addi %mul3A_51, %reduce_sum3A_55 : i32
    %jit3A_57 = arith.constant 320000 : i32
    %select_n3A_58 = arith.select %ge3A_30, %jit3A_57, %add3A_56 : i32
    "tpu.region"() ({
      %run_scoped3A_132 = tpu.sem_alloc : memref<!tpu.dma_semaphore, #tpu.memory_space<semaphore_mem>>
      tpu.enqueue_dma source(%arg7 : memref<320x128xf32, #tpu.memory_space<hbm>>) target(%arg10 : memref<320x128xf32, #tpu.memory_space<vmem>>) target_semaphore(%run_scoped3A_132 : memref<!tpu.dma_semaphore, #tpu.memory_space<semaphore_mem>>)
      tpu.wait_dma2 semaphore(%run_scoped3A_132 : memref<!tpu.dma_semaphore, #tpu.memory_space<semaphore_mem>>) src(%arg7 : memref<320x128xf32, #tpu.memory_space<hbm>>) dst(%arg10 : memref<320x128xf32, #tpu.memory_space<vmem>>)
      tpu.yield
    }) : () -> ()
    %jit3A_59 = arith.constant 8 : i32
    %div3A = arith.divsi %select_n3A_23, %jit3A_59 : i32
    %sign3A = arith.constant 0 : i32
    %sign3A_60 = arith.cmpi sgt, %select_n3A_23, %sign3A : i32
    %sign3A_61 = arith.extui %sign3A_60 : i1 to i32
    %sign3A_62 = arith.constant 0 : i32
    %sign3A_63 = arith.cmpi slt, %select_n3A_23, %sign3A_62 : i32
    %sign3A_64 = arith.extui %sign3A_63 : i1 to i32
    %sign3A_65 = arith.subi %sign3A_61, %sign3A_64 : i32
    %sign3A_66 = arith.constant 0 : i32
    %sign3A_67 = arith.cmpi sgt, %jit3A_59, %sign3A_66 : i32
    %sign3A_68 = arith.extui %sign3A_67 : i1 to i32
    %sign3A_69 = arith.constant 0 : i32
    %sign3A_70 = arith.cmpi slt, %jit3A_59, %sign3A_69 : i32
    %sign3A_71 = arith.extui %sign3A_70 : i1 to i32
    %sign3A_72 = arith.subi %sign3A_68, %sign3A_71 : i32
    %ne3A = arith.cmpi ne, %sign3A_65, %sign3A_72 : i32
    %rem3A = arith.remsi %select_n3A_23, %jit3A_59 : i32
    %ne3A_73 = arith.constant 0 : i32
    %ne3A_74 = arith.cmpi ne, %rem3A, %ne3A_73 : i32
    %and3A_75 = arith.andi %ne3A, %ne3A_74 : i1
    %sub3A = arith.constant 1 : i32
    %sub3A_76 = arith.subi %div3A, %sub3A : i32
    %select_n3A_77 = arith.select %and3A_75, %sub3A_76, %div3A : i32
    %mul3A_78 = arith.constant 8 : i32
    %mul3A_79 = arith.muli %select_n3A_77, %mul3A_78 : i32
    %multiple_of3A_80 = tpu.assume_multiple %mul3A_79, 8 : i32
    %sub3A_81 = arith.subi %select_n3A_58, %multiple_of3A_80 : i32
    %add3A_82 = arith.constant 240 : i32
    %add3A_83 = arith.addi %sub3A_81, %add3A_82 : i32
    %sub3A_84 = arith.constant 1 : i32
    %sub3A_85 = arith.subi %add3A_83, %sub3A_84 : i32
    %jit3A_86 = arith.constant 240 : i32
    %div3A_87 = arith.divsi %sub3A_85, %jit3A_86 : i32
    %sign3A_88 = arith.constant 0 : i32
    %sign3A_89 = arith.cmpi sgt, %sub3A_85, %sign3A_88 : i32
    %sign3A_90 = arith.extui %sign3A_89 : i1 to i32
    %sign3A_91 = arith.constant 0 : i32
    %sign3A_92 = arith.cmpi slt, %sub3A_85, %sign3A_91 : i32
    %sign3A_93 = arith.extui %sign3A_92 : i1 to i32
    %sign3A_94 = arith.subi %sign3A_90, %sign3A_93 : i32
    %sign3A_95 = arith.constant 0 : i32
    %sign3A_96 = arith.cmpi sgt, %jit3A_86, %sign3A_95 : i32
    %sign3A_97 = arith.extui %sign3A_96 : i1 to i32
    %sign3A_98 = arith.constant 0 : i32
    %sign3A_99 = arith.cmpi slt, %jit3A_86, %sign3A_98 : i32
    %sign3A_100 = arith.extui %sign3A_99 : i1 to i32
    %sign3A_101 = arith.subi %sign3A_97, %sign3A_100 : i32
    %ne3A_102 = arith.cmpi ne, %sign3A_94, %sign3A_101 : i32
    %rem3A_103 = arith.remsi %sub3A_85, %jit3A_86 : i32
    %ne3A_104 = arith.constant 0 : i32
    %ne3A_105 = arith.cmpi ne, %rem3A_103, %ne3A_104 : i32
    %and3A_106 = arith.andi %ne3A_102, %ne3A_105 : i1
    %sub3A_107 = arith.constant 1 : i32
    %sub3A_108 = arith.subi %div3A_87, %sub3A_107 : i32
    %select_n3A_109 = arith.select %and3A_106, %sub3A_108, %div3A_87 : i32
    %iota3A_110 = tpu.iota {dimensions = array<i32: 0>} : vector<16xi32>
    %gt3A = arith.constant 0 : i32
    %gt3A_111 = arith.cmpi sgt, %select_n3A_109, %gt3A : i32
    %convert_element_type3A = arith.extui %gt3A_111 : i1 to i32
    %cond3A = arith.constant 0 : i32
    %cond3A_112 = arith.cmpi ne, %convert_element_type3A, %cond3A : i32
    scf.if %cond3A_112 {
      %add3A_132 = arith.constant 0 : i32
      %add3A_133 = arith.addi %multiple_of3A_80, %add3A_132 : i32
      %min3A_134 = arith.constant 319760 : i32
      %min3A_135 = arith.minsi %add3A_133, %min3A_134 : i32
      %jit3A_136 = arith.constant 8 : i32
      %div3A_137 = arith.divsi %min3A_135, %jit3A_136 : i32
      %sign3A_138 = arith.constant 0 : i32
      %sign3A_139 = arith.cmpi sgt, %min3A_135, %sign3A_138 : i32
      %sign3A_140 = arith.extui %sign3A_139 : i1 to i32
      %sign3A_141 = arith.constant 0 : i32
      %sign3A_142 = arith.cmpi slt, %min3A_135, %sign3A_141 : i32
      %sign3A_143 = arith.extui %sign3A_142 : i1 to i32
      %sign3A_144 = arith.subi %sign3A_140, %sign3A_143 : i32
      %sign3A_145 = arith.constant 0 : i32
      %sign3A_146 = arith.cmpi sgt, %jit3A_136, %sign3A_145 : i32
      %sign3A_147 = arith.extui %sign3A_146 : i1 to i32
      %sign3A_148 = arith.constant 0 : i32
      %sign3A_149 = arith.cmpi slt, %jit3A_136, %sign3A_148 : i32
      %sign3A_150 = arith.extui %sign3A_149 : i1 to i32
      %sign3A_151 = arith.subi %sign3A_147, %sign3A_150 : i32
      %ne3A_152 = arith.cmpi ne, %sign3A_144, %sign3A_151 : i32
      %rem3A_153 = arith.remsi %min3A_135, %jit3A_136 : i32
      %ne3A_154 = arith.constant 0 : i32
      %ne3A_155 = arith.cmpi ne, %rem3A_153, %ne3A_154 : i32
      %and3A_156 = arith.andi %ne3A_152, %ne3A_155 : i1
      %sub3A_157 = arith.constant 1 : i32
      %sub3A_158 = arith.subi %div3A_137, %sub3A_157 : i32
      %select_n3A_159 = arith.select %and3A_156, %sub3A_158, %div3A_137 : i32
      %mul3A_160 = arith.constant 8 : i32
      %mul3A_161 = arith.muli %select_n3A_159, %mul3A_160 : i32
      %multiple_of3A_162 = tpu.assume_multiple %mul3A_161, 8 : i32
      %dma_start3A = arith.constant 1 : i32
      %dma_start3A_163 = arith.constant 0 : i32
      %dma_start3A_164 = tpu.memref_slice %arg2[%dma_start3A, %multiple_of3A_162, %dma_start3A_163] : memref<2x320000x128xf32, #tpu.memory_space<hbm>> -> memref<1x240x128xf32, #tpu.memory_space<hbm>>
      %dma_start3A_165 = tpu.memref_squeeze %dma_start3A_164 : memref<1x240x128xf32, #tpu.memory_space<hbm>> -> memref<240x128xf32, #tpu.memory_space<hbm>>
      %dma_start3A_166 = arith.constant 0 : i32
      %dma_start3A_167 = tpu.memref_slice %arg2[%dma_start3A, %multiple_of3A_162, %dma_start3A_166] : memref<2x320000x128xf32, #tpu.memory_space<hbm>> -> memref<1x240x128xf32, #tpu.memory_space<hbm>>
      %dma_start3A_168 = tpu.memref_squeeze %dma_start3A_167 : memref<1x240x128xf32, #tpu.memory_space<hbm>> -> memref<240x128xf32, #tpu.memory_space<hbm>>
      tpu.enqueue_dma source(%dma_start3A_168 : memref<240x128xf32, #tpu.memory_space<hbm>>) target(%arg11 : memref<240x128xf32, #tpu.memory_space<vmem>>) target_semaphore(%arg19 : memref<!tpu.dma_semaphore, #tpu.memory_space<semaphore_mem>>)
      %dma_start3A_169 = arith.constant 0 : i32
      %dma_start3A_170 = tpu.memref_slice %arg17[%dma_start3A_169] : memref<256xi32, #tpu.memory_space<vmem>> -> memref<240xi32, #tpu.memory_space<vmem>>
      %dma_start3A_171 = tpu.memref_slice %arg3[%multiple_of3A_162] : memref<320000xi32, #tpu.memory_space<hbm>> -> memref<240xi32, #tpu.memory_space<hbm>>
      %dma_start3A_172 = arith.constant 0 : i32
      %dma_start3A_173 = tpu.memref_slice %arg17[%dma_start3A_172] : memref<256xi32, #tpu.memory_space<vmem>> -> memref<240xi32, #tpu.memory_space<vmem>>
      %dma_start3A_174 = tpu.memref_slice %arg3[%multiple_of3A_162] : memref<320000xi32, #tpu.memory_space<hbm>> -> memref<240xi32, #tpu.memory_space<hbm>>
      tpu.enqueue_dma source(%dma_start3A_174 : memref<240xi32, #tpu.memory_space<hbm>>) target(%dma_start3A_173 : memref<240xi32, #tpu.memory_space<vmem>>) target_semaphore(%arg19 : memref<!tpu.dma_semaphore, #tpu.memory_space<semaphore_mem>>)
    } else {
    }
    %while3A_113 = arith.constant 0 : i32
    %while3A_114 = arith.subi %select_n3A_109, %while3A_113 : i32
    %while3A_115 = arith.addi %while3A_113, %while3A_114 : i32
    %while3A_116 = arith.constant 1 : i32
    %while3A_117 = arith.divsi %while3A_114, %while3A_116 : i32
    %while3A_118 = arith.muli %while3A_117, %while3A_116 : i32
    %while3A_119 = arith.addi %while3A_113, %while3A_118 : i32
    %while3A_120 = arith.constant 1 : i32
    %while3A_121 = scf.for %while3A_132 = %while3A_113 to %while3A_119 step %while3A_120 iter_args(%while3A_133 = %select_n3A_23) -> (i32)  : i32 {
      %mul3A_134 = arith.constant 240 : i32
      %mul3A_135 = arith.muli %while3A_132, %mul3A_134 : i32
      %add3A_136 = arith.addi %multiple_of3A_80, %mul3A_135 : i32
      %min3A_137 = arith.constant 319760 : i32
      %min3A_138 = arith.minsi %add3A_136, %min3A_137 : i32
      %jit3A_139 = arith.constant 8 : i32
      %div3A_140 = arith.divsi %min3A_138, %jit3A_139 : i32
      %sign3A_141 = arith.constant 0 : i32
      %sign3A_142 = arith.cmpi sgt, %min3A_138, %sign3A_141 : i32
      %sign3A_143 = arith.extui %sign3A_142 : i1 to i32
      %sign3A_144 = arith.constant 0 : i32
      %sign3A_145 = arith.cmpi slt, %min3A_138, %sign3A_144 : i32
      %sign3A_146 = arith.extui %sign3A_145 : i1 to i32
      %sign3A_147 = arith.subi %sign3A_143, %sign3A_146 : i32
      %sign3A_148 = arith.constant 0 : i32
      %sign3A_149 = arith.cmpi sgt, %jit3A_139, %sign3A_148 : i32
      %sign3A_150 = arith.extui %sign3A_149 : i1 to i32
      %sign3A_151 = arith.constant 0 : i32
      %sign3A_152 = arith.cmpi slt, %jit3A_139, %sign3A_151 : i32
      %sign3A_153 = arith.extui %sign3A_152 : i1 to i32
      %sign3A_154 = arith.subi %sign3A_150, %sign3A_153 : i32
      %ne3A_155 = arith.cmpi ne, %sign3A_147, %sign3A_154 : i32
      %rem3A_156 = arith.remsi %min3A_138, %jit3A_139 : i32
      %ne3A_157 = arith.constant 0 : i32
      %ne3A_158 = arith.cmpi ne, %rem3A_156, %ne3A_157 : i32
      %and3A_159 = arith.andi %ne3A_155, %ne3A_158 : i1
      %sub3A_160 = arith.constant 1 : i32
      %sub3A_161 = arith.subi %div3A_140, %sub3A_160 : i32
      %select_n3A_162 = arith.select %and3A_159, %sub3A_161, %div3A_140 : i32
      %mul3A_163 = arith.constant 8 : i32
      %mul3A_164 = arith.muli %select_n3A_162, %mul3A_163 : i32
      %multiple_of3A_165 = tpu.assume_multiple %mul3A_164, 8 : i32
      %rem3A_166 = arith.constant 2 : i32
      %rem3A_167 = arith.remsi %while3A_132, %rem3A_166 : i32
      %add3A_168 = arith.constant 1 : i32
      %add3A_169 = arith.addi %while3A_132, %add3A_168 : i32
      %lt3A_170 = arith.cmpi slt, %add3A_169, %select_n3A_109 : i32
      %convert_element_type3A_171 = arith.extui %lt3A_170 : i1 to i32
      %cond3A_172 = arith.constant 0 : i32
      %cond3A_173 = arith.cmpi ne, %convert_element_type3A_171, %cond3A_172 : i32
      scf.if %cond3A_173 {
        %sub3A_190 = arith.constant 1 : i32
        %sub3A_191 = arith.subi %sub3A_190, %rem3A_167 : i32
        %eq3A_192 = arith.constant 0 : i32
        %eq3A_193 = arith.cmpi eq, %sub3A_191, %eq3A_192 : i32
        %convert_element_type3A_194 = arith.extui %eq3A_193 : i1 to i32
        %cond3A_195 = arith.constant 0 : i32
        %cond3A_196 = arith.cmpi ne, %convert_element_type3A_194, %cond3A_195 : i32
        scf.if %cond3A_196 {
          %add3A_204 = arith.constant 1 : i32
          %add3A_205 = arith.addi %while3A_132, %add3A_204 : i32
          %mul3A_206 = arith.constant 240 : i32
          %mul3A_207 = arith.muli %add3A_205, %mul3A_206 : i32
          %add3A_208 = arith.addi %multiple_of3A_80, %mul3A_207 : i32
          %min3A_209 = arith.constant 319760 : i32
          %min3A_210 = arith.minsi %add3A_208, %min3A_209 : i32
          %jit3A_211 = arith.constant 8 : i32
          %div3A_212 = arith.divsi %min3A_210, %jit3A_211 : i32
          %sign3A_213 = arith.constant 0 : i32
          %sign3A_214 = arith.cmpi sgt, %min3A_210, %sign3A_213 : i32
          %sign3A_215 = arith.extui %sign3A_214 : i1 to i32
          %sign3A_216 = arith.constant 0 : i32
          %sign3A_217 = arith.cmpi slt, %min3A_210, %sign3A_216 : i32
          %sign3A_218 = arith.extui %sign3A_217 : i1 to i32
          %sign3A_219 = arith.subi %sign3A_215, %sign3A_218 : i32
          %sign3A_220 = arith.constant 0 : i32
          %sign3A_221 = arith.cmpi sgt, %jit3A_211, %sign3A_220 : i32
          %sign3A_222 = arith.extui %sign3A_221 : i1 to i32
          %sign3A_223 = arith.constant 0 : i32
          %sign3A_224 = arith.cmpi slt, %jit3A_211, %sign3A_223 : i32
          %sign3A_225 = arith.extui %sign3A_224 : i1 to i32
          %sign3A_226 = arith.subi %sign3A_222, %sign3A_225 : i32
          %ne3A_227 = arith.cmpi ne, %sign3A_219, %sign3A_226 : i32
          %rem3A_228 = arith.remsi %min3A_210, %jit3A_211 : i32
          %ne3A_229 = arith.constant 0 : i32
          %ne3A_230 = arith.cmpi ne, %rem3A_228, %ne3A_229 : i32
          %and3A_231 = arith.andi %ne3A_227, %ne3A_230 : i1
          %sub3A_232 = arith.constant 1 : i32
          %sub3A_233 = arith.subi %div3A_212, %sub3A_232 : i32
          %select_n3A_234 = arith.select %and3A_231, %sub3A_233, %div3A_212 : i32
          %mul3A_235 = arith.constant 8 : i32
          %mul3A_236 = arith.muli %select_n3A_234, %mul3A_235 : i32
          %multiple_of3A_237 = tpu.assume_multiple %mul3A_236, 8 : i32
          %dma_start3A = arith.constant 1 : i32
          %dma_start3A_238 = arith.constant 0 : i32
          %dma_start3A_239 = tpu.memref_slice %arg2[%dma_start3A, %multiple_of3A_237, %dma_start3A_238] : memref<2x320000x128xf32, #tpu.memory_space<hbm>> -> memref<1x240x128xf32, #tpu.memory_space<hbm>>
          %dma_start3A_240 = tpu.memref_squeeze %dma_start3A_239 : memref<1x240x128xf32, #tpu.memory_space<hbm>> -> memref<240x128xf32, #tpu.memory_space<hbm>>
          %dma_start3A_241 = arith.constant 0 : i32
          %dma_start3A_242 = tpu.memref_slice %arg2[%dma_start3A, %multiple_of3A_237, %dma_start3A_241] : memref<2x320000x128xf32, #tpu.memory_space<hbm>> -> memref<1x240x128xf32, #tpu.memory_space<hbm>>
          %dma_start3A_243 = tpu.memref_squeeze %dma_start3A_242 : memref<1x240x128xf32, #tpu.memory_space<hbm>> -> memref<240x128xf32, #tpu.memory_space<hbm>>
          tpu.enqueue_dma source(%dma_start3A_243 : memref<240x128xf32, #tpu.memory_space<hbm>>) target(%arg11 : memref<240x128xf32, #tpu.memory_space<vmem>>) target_semaphore(%arg19 : memref<!tpu.dma_semaphore, #tpu.memory_space<semaphore_mem>>)
          %dma_start3A_244 = arith.constant 0 : i32
          %dma_start3A_245 = tpu.memref_slice %arg17[%dma_start3A_244] : memref<256xi32, #tpu.memory_space<vmem>> -> memref<240xi32, #tpu.memory_space<vmem>>
          %dma_start3A_246 = tpu.memref_slice %arg3[%multiple_of3A_237] : memref<320000xi32, #tpu.memory_space<hbm>> -> memref<240xi32, #tpu.memory_space<hbm>>
          %dma_start3A_247 = arith.constant 0 : i32
          %dma_start3A_248 = tpu.memref_slice %arg17[%dma_start3A_247] : memref<256xi32, #tpu.memory_space<vmem>> -> memref<240xi32, #tpu.memory_space<vmem>>
          %dma_start3A_249 = tpu.memref_slice %arg3[%multiple_of3A_237] : memref<320000xi32, #tpu.memory_space<hbm>> -> memref<240xi32, #tpu.memory_space<hbm>>
          tpu.enqueue_dma source(%dma_start3A_249 : memref<240xi32, #tpu.memory_space<hbm>>) target(%dma_start3A_248 : memref<240xi32, #tpu.memory_space<vmem>>) target_semaphore(%arg19 : memref<!tpu.dma_semaphore, #tpu.memory_space<semaphore_mem>>)
        } else {
        }
        %sub3A_197 = arith.constant 1 : i32
        %sub3A_198 = arith.subi %sub3A_197, %rem3A_167 : i32
        %eq3A_199 = arith.constant 1 : i32
        %eq3A_200 = arith.cmpi eq, %sub3A_198, %eq3A_199 : i32
        %convert_element_type3A_201 = arith.extui %eq3A_200 : i1 to i32
        %cond3A_202 = arith.constant 0 : i32
        %cond3A_203 = arith.cmpi ne, %convert_element_type3A_201, %cond3A_202 : i32
        scf.if %cond3A_203 {
          %add3A_204 = arith.constant 1 : i32
          %add3A_205 = arith.addi %while3A_132, %add3A_204 : i32
          %mul3A_206 = arith.constant 240 : i32
          %mul3A_207 = arith.muli %add3A_205, %mul3A_206 : i32
          %add3A_208 = arith.addi %multiple_of3A_80, %mul3A_207 : i32
          %min3A_209 = arith.constant 319760 : i32
          %min3A_210 = arith.minsi %add3A_208, %min3A_209 : i32
          %jit3A_211 = arith.constant 8 : i32
          %div3A_212 = arith.divsi %min3A_210, %jit3A_211 : i32
          %sign3A_213 = arith.constant 0 : i32
          %sign3A_214 = arith.cmpi sgt, %min3A_210, %sign3A_213 : i32
          %sign3A_215 = arith.extui %sign3A_214 : i1 to i32
          %sign3A_216 = arith.constant 0 : i32
          %sign3A_217 = arith.cmpi slt, %min3A_210, %sign3A_216 : i32
          %sign3A_218 = arith.extui %sign3A_217 : i1 to i32
          %sign3A_219 = arith.subi %sign3A_215, %sign3A_218 : i32
          %sign3A_220 = arith.constant 0 : i32
          %sign3A_221 = arith.cmpi sgt, %jit3A_211, %sign3A_220 : i32
          %sign3A_222 = arith.extui %sign3A_221 : i1 to i32
          %sign3A_223 = arith.constant 0 : i32
          %sign3A_224 = arith.cmpi slt, %jit3A_211, %sign3A_223 : i32
          %sign3A_225 = arith.extui %sign3A_224 : i1 to i32
          %sign3A_226 = arith.subi %sign3A_222, %sign3A_225 : i32
          %ne3A_227 = arith.cmpi ne, %sign3A_219, %sign3A_226 : i32
          %rem3A_228 = arith.remsi %min3A_210, %jit3A_211 : i32
          %ne3A_229 = arith.constant 0 : i32
          %ne3A_230 = arith.cmpi ne, %rem3A_228, %ne3A_229 : i32
          %and3A_231 = arith.andi %ne3A_227, %ne3A_230 : i1
          %sub3A_232 = arith.constant 1 : i32
          %sub3A_233 = arith.subi %div3A_212, %sub3A_232 : i32
          %select_n3A_234 = arith.select %and3A_231, %sub3A_233, %div3A_212 : i32
          %mul3A_235 = arith.constant 8 : i32
          %mul3A_236 = arith.muli %select_n3A_234, %mul3A_235 : i32
          %multiple_of3A_237 = tpu.assume_multiple %mul3A_236, 8 : i32
          %dma_start3A = arith.constant 1 : i32
          %dma_start3A_238 = arith.constant 0 : i32
          %dma_start3A_239 = tpu.memref_slice %arg2[%dma_start3A, %multiple_of3A_237, %dma_start3A_238] : memref<2x320000x128xf32, #tpu.memory_space<hbm>> -> memref<1x240x128xf32, #tpu.memory_space<hbm>>
          %dma_start3A_240 = tpu.memref_squeeze %dma_start3A_239 : memref<1x240x128xf32, #tpu.memory_space<hbm>> -> memref<240x128xf32, #tpu.memory_space<hbm>>
          %dma_start3A_241 = arith.constant 0 : i32
          %dma_start3A_242 = tpu.memref_slice %arg2[%dma_start3A, %multiple_of3A_237, %dma_start3A_241] : memref<2x320000x128xf32, #tpu.memory_space<hbm>> -> memref<1x240x128xf32, #tpu.memory_space<hbm>>
          %dma_start3A_243 = tpu.memref_squeeze %dma_start3A_242 : memref<1x240x128xf32, #tpu.memory_space<hbm>> -> memref<240x128xf32, #tpu.memory_space<hbm>>
          tpu.enqueue_dma source(%dma_start3A_243 : memref<240x128xf32, #tpu.memory_space<hbm>>) target(%arg12 : memref<240x128xf32, #tpu.memory_space<vmem>>) target_semaphore(%arg20 : memref<!tpu.dma_semaphore, #tpu.memory_space<semaphore_mem>>)
          %dma_start3A_244 = arith.constant 0 : i32
          %dma_start3A_245 = tpu.memref_slice %arg18[%dma_start3A_244] : memref<256xi32, #tpu.memory_space<vmem>> -> memref<240xi32, #tpu.memory_space<vmem>>
          %dma_start3A_246 = tpu.memref_slice %arg3[%multiple_of3A_237] : memref<320000xi32, #tpu.memory_space<hbm>> -> memref<240xi32, #tpu.memory_space<hbm>>
          %dma_start3A_247 = arith.constant 0 : i32
          %dma_start3A_248 = tpu.memref_slice %arg18[%dma_start3A_247] : memref<256xi32, #tpu.memory_space<vmem>> -> memref<240xi32, #tpu.memory_space<vmem>>
          %dma_start3A_249 = tpu.memref_slice %arg3[%multiple_of3A_237] : memref<320000xi32, #tpu.memory_space<hbm>> -> memref<240xi32, #tpu.memory_space<hbm>>
          tpu.enqueue_dma source(%dma_start3A_249 : memref<240xi32, #tpu.memory_space<hbm>>) target(%dma_start3A_248 : memref<240xi32, #tpu.memory_space<vmem>>) target_semaphore(%arg20 : memref<!tpu.dma_semaphore, #tpu.memory_space<semaphore_mem>>)
        } else {
        }
      } else {
      }
      %sub3A_174 = arith.subi %while3A_133, %multiple_of3A_165 : i32
      %max3A = arith.constant 0 : i32
      %max3A_175 = arith.maxsi %sub3A_174, %max3A : i32
      %sub3A_176 = arith.subi %select_n3A_58, %multiple_of3A_165 : i32
      %min3A_177 = arith.constant 240 : i32
      %min3A_178 = arith.minsi %sub3A_176, %min3A_177 : i32
      %max3A_179 = arith.maxsi %min3A_178, %max3A_175 : i32
      %eq3A = arith.constant 0 : i32
      %eq3A_180 = arith.cmpi eq, %rem3A_167, %eq3A : i32
      %convert_element_type3A_181 = arith.extui %eq3A_180 : i1 to i32
      %cond3A_182 = arith.constant 0 : i32
      %cond3A_183 = arith.cmpi ne, %convert_element_type3A_181, %cond3A_182 : i32
      scf.if %cond3A_183 {
        %dma_wait3A = arith.constant 1 : i32
        %dma_wait3A_190 = arith.constant 0 : i32
        %dma_wait3A_191 = arith.constant 0 : i32
        %dma_wait3A_192 = tpu.memref_slice %arg2[%dma_wait3A, %dma_wait3A_190, %dma_wait3A_191] : memref<2x320000x128xf32, #tpu.memory_space<hbm>> -> memref<1x240x128xf32, #tpu.memory_space<hbm>>
        %dma_wait3A_193 = tpu.memref_squeeze %dma_wait3A_192 : memref<1x240x128xf32, #tpu.memory_space<hbm>> -> memref<240x128xf32, #tpu.memory_space<hbm>>
        %dma_wait3A_194 = arith.constant 0 : i32
        %dma_wait3A_195 = arith.constant 0 : i32
        %dma_wait3A_196 = tpu.memref_slice %arg2[%dma_wait3A, %dma_wait3A_194, %dma_wait3A_195] : memref<2x320000x128xf32, #tpu.memory_space<hbm>> -> memref<1x240x128xf32, #tpu.memory_space<hbm>>
        %dma_wait3A_197 = tpu.memref_squeeze %dma_wait3A_196 : memref<1x240x128xf32, #tpu.memory_space<hbm>> -> memref<240x128xf32, #tpu.memory_space<hbm>>
        tpu.wait_dma2 semaphore(%arg19 : memref<!tpu.dma_semaphore, #tpu.memory_space<semaphore_mem>>) src(%dma_wait3A_197 : memref<240x128xf32, #tpu.memory_space<hbm>>) dst(%arg11 : memref<240x128xf32, #tpu.memory_space<vmem>>)
        %dma_wait3A_198 = arith.constant 0 : i32
        %dma_wait3A_199 = tpu.memref_slice %arg17[%dma_wait3A_198] : memref<256xi32, #tpu.memory_space<vmem>> -> memref<240xi32, #tpu.memory_space<vmem>>
        %dma_wait3A_200 = arith.constant 0 : i32
        %dma_wait3A_201 = tpu.memref_slice %arg3[%dma_wait3A_200] : memref<320000xi32, #tpu.memory_space<hbm>> -> memref<240xi32, #tpu.memory_space<hbm>>
        %dma_wait3A_202 = arith.constant 0 : i32
        %dma_wait3A_203 = tpu.memref_slice %arg17[%dma_wait3A_202] : memref<256xi32, #tpu.memory_space<vmem>> -> memref<240xi32, #tpu.memory_space<vmem>>
        %dma_wait3A_204 = arith.constant 0 : i32
        %dma_wait3A_205 = tpu.memref_slice %arg3[%dma_wait3A_204] : memref<320000xi32, #tpu.memory_space<hbm>> -> memref<240xi32, #tpu.memory_space<hbm>>
        tpu.wait_dma2 semaphore(%arg19 : memref<!tpu.dma_semaphore, #tpu.memory_space<semaphore_mem>>) src(%dma_wait3A_205 : memref<240xi32, #tpu.memory_space<hbm>>) dst(%dma_wait3A_203 : memref<240xi32, #tpu.memory_space<vmem>>)
        %while3A_206 = arith.constant 0 : i32
        %while3A_207 = arith.subi %max3A_179, %max3A_175 : i32
        %while3A_208 = arith.addi %max3A_175, %while3A_207 : i32
        %while3A_209 = arith.constant 1 : i32
        %while3A_210 = arith.divsi %while3A_207, %while3A_209 : i32
        %while3A_211 = arith.muli %while3A_210, %while3A_209 : i32
        %while3A_212 = arith.addi %max3A_175, %while3A_211 : i32
        %while3A_213 = arith.constant 1 : i32
        %while3A_214 = scf.for %while3A_217 = %max3A_175 to %while3A_212 step %while3A_213 iter_args(%while3A_218 = %while3A_206) -> (i32)  : i32 {
          %broadcast_in_dim3A_219 = vector.broadcast %while3A_217 : i32 to vector<16xi32>
          %gather3A = tpu.vector_load_idx %arg17[%broadcast_in_dim3A_219] : memref<256xi32, #tpu.memory_space<vmem>>[vector<16xi32>], vector<16xi32>,
          %sub3A_220 = vector.broadcast %mul3A_2 : i32 to vector<16xi32>
          %sub3A_221 = arith.subi %gather3A, %sub3A_220 : vector<16xi32>
          %get3A_222 = arith.index_cast %while3A_217 : i32 to index
          %get3A_223 = arith.constant 0 : index
          %get3A_224 = tpu.vector_load %arg11[%get3A_222, %get3A_223] {strides = array<i32>} : memref<240x128xf32, #tpu.memory_space<vmem>>, vector<16xf32>,
          %get3A_225 = arith.index_cast %while3A_217 : i32 to index
          %get3A_226 = arith.constant 16 : index
          %get3A_227 = tpu.vector_load %arg11[%get3A_225, %get3A_226] {strides = array<i32>} : memref<240x128xf32, #tpu.memory_space<vmem>>, vector<16xf32>,
          %get3A_228 = arith.index_cast %while3A_217 : i32 to index
          %get3A_229 = arith.constant 32 : index
          %get3A_230 = tpu.vector_load %arg11[%get3A_228, %get3A_229] {strides = array<i32>} : memref<240x128xf32, #tpu.memory_space<vmem>>, vector<16xf32>,
          %get3A_231 = arith.index_cast %while3A_217 : i32 to index
          %get3A_232 = arith.constant 48 : index
          %get3A_233 = tpu.vector_load %arg11[%get3A_231, %get3A_232] {strides = array<i32>} : memref<240x128xf32, #tpu.memory_space<vmem>>, vector<16xf32>,
          %get3A_234 = arith.index_cast %while3A_217 : i32 to index
          %get3A_235 = arith.constant 64 : index
          %get3A_236 = tpu.vector_load %arg11[%get3A_234, %get3A_235] {strides = array<i32>} : memref<240x128xf32, #tpu.memory_space<vmem>>, vector<16xf32>,
          %get3A_237 = arith.index_cast %while3A_217 : i32 to index
          %get3A_238 = arith.constant 80 : index
          %get3A_239 = tpu.vector_load %arg11[%get3A_237, %get3A_238] {strides = array<i32>} : memref<240x128xf32, #tpu.memory_space<vmem>>, vector<16xf32>,
          %get3A_240 = arith.index_cast %while3A_217 : i32 to index
          %get3A_241 = arith.constant 96 : index
          %get3A_242 = tpu.vector_load %arg11[%get3A_240, %get3A_241] {strides = array<i32>} : memref<240x128xf32, #tpu.memory_space<vmem>>, vector<16xf32>,
          %get3A_243 = arith.index_cast %while3A_217 : i32 to index
          %get3A_244 = arith.constant 112 : index
          %get3A_245 = tpu.vector_load %arg11[%get3A_243, %get3A_244] {strides = array<i32>} : memref<240x128xf32, #tpu.memory_space<vmem>>, vector<16xf32>,
          %add3A_246 = arith.constant 0 : i32
          %add3A_247 = vector.broadcast %add3A_246 : i32 to vector<16xi32>
          %add3A_248 = arith.addi %iota3A_110, %add3A_247 : vector<16xi32>
          tpu.vector_store_idx %arg10[%sub3A_221, %add3A_248], %get3A_224 {add = true} : memref<320x128xf32, #tpu.memory_space<vmem>>[vector<16xi32>, vector<16xi32>], vector<16xf32>,
          %add3A_249 = arith.constant 16 : i32
          %add3A_250 = vector.broadcast %add3A_249 : i32 to vector<16xi32>
          %add3A_251 = arith.addi %iota3A_110, %add3A_250 : vector<16xi32>
          tpu.vector_store_idx %arg10[%sub3A_221, %add3A_251], %get3A_227 {add = true} : memref<320x128xf32, #tpu.memory_space<vmem>>[vector<16xi32>, vector<16xi32>], vector<16xf32>,
          %add3A_252 = arith.constant 32 : i32
          %add3A_253 = vector.broadcast %add3A_252 : i32 to vector<16xi32>
          %add3A_254 = arith.addi %iota3A_110, %add3A_253 : vector<16xi32>
          tpu.vector_store_idx %arg10[%sub3A_221, %add3A_254], %get3A_230 {add = true} : memref<320x128xf32, #tpu.memory_space<vmem>>[vector<16xi32>, vector<16xi32>], vector<16xf32>,
          %add3A_255 = arith.constant 48 : i32
          %add3A_256 = vector.broadcast %add3A_255 : i32 to vector<16xi32>
          %add3A_257 = arith.addi %iota3A_110, %add3A_256 : vector<16xi32>
          tpu.vector_store_idx %arg10[%sub3A_221, %add3A_257], %get3A_233 {add = true} : memref<320x128xf32, #tpu.memory_space<vmem>>[vector<16xi32>, vector<16xi32>], vector<16xf32>,
          %add3A_258 = arith.constant 64 : i32
          %add3A_259 = vector.broadcast %add3A_258 : i32 to vector<16xi32>
          %add3A_260 = arith.addi %iota3A_110, %add3A_259 : vector<16xi32>
          tpu.vector_store_idx %arg10[%sub3A_221, %add3A_260], %get3A_236 {add = true} : memref<320x128xf32, #tpu.memory_space<vmem>>[vector<16xi32>, vector<16xi32>], vector<16xf32>,
          %add3A_261 = arith.constant 80 : i32
          %add3A_262 = vector.broadcast %add3A_261 : i32 to vector<16xi32>
          %add3A_263 = arith.addi %iota3A_110, %add3A_262 : vector<16xi32>
          tpu.vector_store_idx %arg10[%sub3A_221, %add3A_263], %get3A_239 {add = true} : memref<320x128xf32, #tpu.memory_space<vmem>>[vector<16xi32>, vector<16xi32>], vector<16xf32>,
          %add3A_264 = arith.constant 96 : i32
          %add3A_265 = vector.broadcast %add3A_264 : i32 to vector<16xi32>
          %add3A_266 = arith.addi %iota3A_110, %add3A_265 : vector<16xi32>
          tpu.vector_store_idx %arg10[%sub3A_221, %add3A_266], %get3A_242 {add = true} : memref<320x128xf32, #tpu.memory_space<vmem>>[vector<16xi32>, vector<16xi32>], vector<16xf32>,
          %add3A_267 = arith.constant 112 : i32
          %add3A_268 = vector.broadcast %add3A_267 : i32 to vector<16xi32>
          %add3A_269 = arith.addi %iota3A_110, %add3A_268 : vector<16xi32>
          tpu.vector_store_idx %arg10[%sub3A_221, %add3A_269], %get3A_245 {add = true} : memref<320x128xf32, #tpu.memory_space<vmem>>[vector<16xi32>, vector<16xi32>], vector<16xf32>,
          %while3A_270 = arith.constant 0 : i32
          scf.yield %while3A_270 : i32
        }
        %while3A_215 = arith.constant 1 : i32
        %while3A_216 = scf.for %while3A_217 = %while3A_212 to %while3A_208 step %while3A_215 iter_args(%while3A_218 = %while3A_214) -> (i32)  : i32 {
          %broadcast_in_dim3A_219 = vector.broadcast %while3A_217 : i32 to vector<16xi32>
          %gather3A = tpu.vector_load_idx %arg17[%broadcast_in_dim3A_219] : memref<256xi32, #tpu.memory_space<vmem>>[vector<16xi32>], vector<16xi32>,
          %sub3A_220 = vector.broadcast %mul3A_2 : i32 to vector<16xi32>
          %sub3A_221 = arith.subi %gather3A, %sub3A_220 : vector<16xi32>
          %get3A_222 = arith.index_cast %while3A_217 : i32 to index
          %get3A_223 = arith.constant 0 : index
          %get3A_224 = tpu.vector_load %arg11[%get3A_222, %get3A_223] {strides = array<i32>} : memref<240x128xf32, #tpu.memory_space<vmem>>, vector<16xf32>,
          %get3A_225 = arith.index_cast %while3A_217 : i32 to index
          %get3A_226 = arith.constant 16 : index
          %get3A_227 = tpu.vector_load %arg11[%get3A_225, %get3A_226] {strides = array<i32>} : memref<240x128xf32, #tpu.memory_space<vmem>>, vector<16xf32>,
          %get3A_228 = arith.index_cast %while3A_217 : i32 to index
          %get3A_229 = arith.constant 32 : index
          %get3A_230 = tpu.vector_load %arg11[%get3A_228, %get3A_229] {strides = array<i32>} : memref<240x128xf32, #tpu.memory_space<vmem>>, vector<16xf32>,
          %get3A_231 = arith.index_cast %while3A_217 : i32 to index
          %get3A_232 = arith.constant 48 : index
          %get3A_233 = tpu.vector_load %arg11[%get3A_231, %get3A_232] {strides = array<i32>} : memref<240x128xf32, #tpu.memory_space<vmem>>, vector<16xf32>,
          %get3A_234 = arith.index_cast %while3A_217 : i32 to index
          %get3A_235 = arith.constant 64 : index
          %get3A_236 = tpu.vector_load %arg11[%get3A_234, %get3A_235] {strides = array<i32>} : memref<240x128xf32, #tpu.memory_space<vmem>>, vector<16xf32>,
          %get3A_237 = arith.index_cast %while3A_217 : i32 to index
          %get3A_238 = arith.constant 80 : index
          %get3A_239 = tpu.vector_load %arg11[%get3A_237, %get3A_238] {strides = array<i32>} : memref<240x128xf32, #tpu.memory_space<vmem>>, vector<16xf32>,
          %get3A_240 = arith.index_cast %while3A_217 : i32 to index
          %get3A_241 = arith.constant 96 : index
          %get3A_242 = tpu.vector_load %arg11[%get3A_240, %get3A_241] {strides = array<i32>} : memref<240x128xf32, #tpu.memory_space<vmem>>, vector<16xf32>,
          %get3A_243 = arith.index_cast %while3A_217 : i32 to index
          %get3A_244 = arith.constant 112 : index
          %get3A_245 = tpu.vector_load %arg11[%get3A_243, %get3A_244] {strides = array<i32>} : memref<240x128xf32, #tpu.memory_space<vmem>>, vector<16xf32>,
          %add3A_246 = arith.constant 0 : i32
          %add3A_247 = vector.broadcast %add3A_246 : i32 to vector<16xi32>
          %add3A_248 = arith.addi %iota3A_110, %add3A_247 : vector<16xi32>
          tpu.vector_store_idx %arg10[%sub3A_221, %add3A_248], %get3A_224 {add = true} : memref<320x128xf32, #tpu.memory_space<vmem>>[vector<16xi32>, vector<16xi32>], vector<16xf32>,
          %add3A_249 = arith.constant 16 : i32
          %add3A_250 = vector.broadcast %add3A_249 : i32 to vector<16xi32>
          %add3A_251 = arith.addi %iota3A_110, %add3A_250 : vector<16xi32>
          tpu.vector_store_idx %arg10[%sub3A_221, %add3A_251], %get3A_227 {add = true} : memref<320x128xf32, #tpu.memory_space<vmem>>[vector<16xi32>, vector<16xi32>], vector<16xf32>,
          %add3A_252 = arith.constant 32 : i32
          %add3A_253 = vector.broadcast %add3A_252 : i32 to vector<16xi32>
          %add3A_254 = arith.addi %iota3A_110, %add3A_253 : vector<16xi32>
          tpu.vector_store_idx %arg10[%sub3A_221, %add3A_254], %get3A_230 {add = true} : memref<320x128xf32, #tpu.memory_space<vmem>>[vector<16xi32>, vector<16xi32>], vector<16xf32>,
          %add3A_255 = arith.constant 48 : i32
          %add3A_256 = vector.broadcast %add3A_255 : i32 to vector<16xi32>
          %add3A_257 = arith.addi %iota3A_110, %add3A_256 : vector<16xi32>
          tpu.vector_store_idx %arg10[%sub3A_221, %add3A_257], %get3A_233 {add = true} : memref<320x128xf32, #tpu.memory_space<vmem>>[vector<16xi32>, vector<16xi32>], vector<16xf32>,
          %add3A_258 = arith.constant 64 : i32
          %add3A_259 = vector.broadcast %add3A_258 : i32 to vector<16xi32>
          %add3A_260 = arith.addi %iota3A_110, %add3A_259 : vector<16xi32>
          tpu.vector_store_idx %arg10[%sub3A_221, %add3A_260], %get3A_236 {add = true} : memref<320x128xf32, #tpu.memory_space<vmem>>[vector<16xi32>, vector<16xi32>], vector<16xf32>,
          %add3A_261 = arith.constant 80 : i32
          %add3A_262 = vector.broadcast %add3A_261 : i32 to vector<16xi32>
          %add3A_263 = arith.addi %iota3A_110, %add3A_262 : vector<16xi32>
          tpu.vector_store_idx %arg10[%sub3A_221, %add3A_263], %get3A_239 {add = true} : memref<320x128xf32, #tpu.memory_space<vmem>>[vector<16xi32>, vector<16xi32>], vector<16xf32>,
          %add3A_264 = arith.constant 96 : i32
          %add3A_265 = vector.broadcast %add3A_264 : i32 to vector<16xi32>
          %add3A_266 = arith.addi %iota3A_110, %add3A_265 : vector<16xi32>
          tpu.vector_store_idx %arg10[%sub3A_221, %add3A_266], %get3A_242 {add = true} : memref<320x128xf32, #tpu.memory_space<vmem>>[vector<16xi32>, vector<16xi32>], vector<16xf32>,
          %add3A_267 = arith.constant 112 : i32
          %add3A_268 = vector.broadcast %add3A_267 : i32 to vector<16xi32>
          %add3A_269 = arith.addi %iota3A_110, %add3A_268 : vector<16xi32>
          tpu.vector_store_idx %arg10[%sub3A_221, %add3A_269], %get3A_245 {add = true} : memref<320x128xf32, #tpu.memory_space<vmem>>[vector<16xi32>, vector<16xi32>], vector<16xf32>,
          %while3A_270 = arith.constant 0 : i32
          scf.yield %while3A_270 : i32
        }
      } else {
      }
      %eq3A_184 = arith.constant 1 : i32
      %eq3A_185 = arith.cmpi eq, %rem3A_167, %eq3A_184 : i32
      %convert_element_type3A_186 = arith.extui %eq3A_185 : i1 to i32
      %cond3A_187 = arith.constant 0 : i32
      %cond3A_188 = arith.cmpi ne, %convert_element_type3A_186, %cond3A_187 : i32
      scf.if %cond3A_188 {
        %dma_wait3A = arith.constant 1 : i32
        %dma_wait3A_190 = arith.constant 0 : i32
        %dma_wait3A_191 = arith.constant 0 : i32
        %dma_wait3A_192 = tpu.memref_slice %arg2[%dma_wait3A, %dma_wait3A_190, %dma_wait3A_191] : memref<2x320000x128xf32, #tpu.memory_space<hbm>> -> memref<1x240x128xf32, #tpu.memory_space<hbm>>
        %dma_wait3A_193 = tpu.memref_squeeze %dma_wait3A_192 : memref<1x240x128xf32, #tpu.memory_space<hbm>> -> memref<240x128xf32, #tpu.memory_space<hbm>>
        %dma_wait3A_194 = arith.constant 0 : i32
        %dma_wait3A_195 = arith.constant 0 : i32
        %dma_wait3A_196 = tpu.memref_slice %arg2[%dma_wait3A, %dma_wait3A_194, %dma_wait3A_195] : memref<2x320000x128xf32, #tpu.memory_space<hbm>> -> memref<1x240x128xf32, #tpu.memory_space<hbm>>
        %dma_wait3A_197 = tpu.memref_squeeze %dma_wait3A_196 : memref<1x240x128xf32, #tpu.memory_space<hbm>> -> memref<240x128xf32, #tpu.memory_space<hbm>>
        tpu.wait_dma2 semaphore(%arg20 : memref<!tpu.dma_semaphore, #tpu.memory_space<semaphore_mem>>) src(%dma_wait3A_197 : memref<240x128xf32, #tpu.memory_space<hbm>>) dst(%arg12 : memref<240x128xf32, #tpu.memory_space<vmem>>)
        %dma_wait3A_198 = arith.constant 0 : i32
        %dma_wait3A_199 = tpu.memref_slice %arg18[%dma_wait3A_198] : memref<256xi32, #tpu.memory_space<vmem>> -> memref<240xi32, #tpu.memory_space<vmem>>
        %dma_wait3A_200 = arith.constant 0 : i32
        %dma_wait3A_201 = tpu.memref_slice %arg3[%dma_wait3A_200] : memref<320000xi32, #tpu.memory_space<hbm>> -> memref<240xi32, #tpu.memory_space<hbm>>
        %dma_wait3A_202 = arith.constant 0 : i32
        %dma_wait3A_203 = tpu.memref_slice %arg18[%dma_wait3A_202] : memref<256xi32, #tpu.memory_space<vmem>> -> memref<240xi32, #tpu.memory_space<vmem>>
        %dma_wait3A_204 = arith.constant 0 : i32
        %dma_wait3A_205 = tpu.memref_slice %arg3[%dma_wait3A_204] : memref<320000xi32, #tpu.memory_space<hbm>> -> memref<240xi32, #tpu.memory_space<hbm>>
        tpu.wait_dma2 semaphore(%arg20 : memref<!tpu.dma_semaphore, #tpu.memory_space<semaphore_mem>>) src(%dma_wait3A_205 : memref<240xi32, #tpu.memory_space<hbm>>) dst(%dma_wait3A_203 : memref<240xi32, #tpu.memory_space<vmem>>)
        %while3A_206 = arith.constant 0 : i32
        %while3A_207 = arith.subi %max3A_179, %max3A_175 : i32
        %while3A_208 = arith.addi %max3A_175, %while3A_207 : i32
        %while3A_209 = arith.constant 1 : i32
        %while3A_210 = arith.divsi %while3A_207, %while3A_209 : i32
        %while3A_211 = arith.muli %while3A_210, %while3A_209 : i32
        %while3A_212 = arith.addi %max3A_175, %while3A_211 : i32
        %while3A_213 = arith.constant 1 : i32
        %while3A_214 = scf.for %while3A_217 = %max3A_175 to %while3A_212 step %while3A_213 iter_args(%while3A_218 = %while3A_206) -> (i32)  : i32 {
          %broadcast_in_dim3A_219 = vector.broadcast %while3A_217 : i32 to vector<16xi32>
          %gather3A = tpu.vector_load_idx %arg18[%broadcast_in_dim3A_219] : memref<256xi32, #tpu.memory_space<vmem>>[vector<16xi32>], vector<16xi32>,
          %sub3A_220 = vector.broadcast %mul3A_2 : i32 to vector<16xi32>
          %sub3A_221 = arith.subi %gather3A, %sub3A_220 : vector<16xi32>
          %get3A_222 = arith.index_cast %while3A_217 : i32 to index
          %get3A_223 = arith.constant 0 : index
          %get3A_224 = tpu.vector_load %arg12[%get3A_222, %get3A_223] {strides = array<i32>} : memref<240x128xf32, #tpu.memory_space<vmem>>, vector<16xf32>,
          %get3A_225 = arith.index_cast %while3A_217 : i32 to index
          %get3A_226 = arith.constant 16 : index
          %get3A_227 = tpu.vector_load %arg12[%get3A_225, %get3A_226] {strides = array<i32>} : memref<240x128xf32, #tpu.memory_space<vmem>>, vector<16xf32>,
          %get3A_228 = arith.index_cast %while3A_217 : i32 to index
          %get3A_229 = arith.constant 32 : index
          %get3A_230 = tpu.vector_load %arg12[%get3A_228, %get3A_229] {strides = array<i32>} : memref<240x128xf32, #tpu.memory_space<vmem>>, vector<16xf32>,
          %get3A_231 = arith.index_cast %while3A_217 : i32 to index
          %get3A_232 = arith.constant 48 : index
          %get3A_233 = tpu.vector_load %arg12[%get3A_231, %get3A_232] {strides = array<i32>} : memref<240x128xf32, #tpu.memory_space<vmem>>, vector<16xf32>,
          %get3A_234 = arith.index_cast %while3A_217 : i32 to index
          %get3A_235 = arith.constant 64 : index
          %get3A_236 = tpu.vector_load %arg12[%get3A_234, %get3A_235] {strides = array<i32>} : memref<240x128xf32, #tpu.memory_space<vmem>>, vector<16xf32>,
          %get3A_237 = arith.index_cast %while3A_217 : i32 to index
          %get3A_238 = arith.constant 80 : index
          %get3A_239 = tpu.vector_load %arg12[%get3A_237, %get3A_238] {strides = array<i32>} : memref<240x128xf32, #tpu.memory_space<vmem>>, vector<16xf32>,
          %get3A_240 = arith.index_cast %while3A_217 : i32 to index
          %get3A_241 = arith.constant 96 : index
          %get3A_242 = tpu.vector_load %arg12[%get3A_240, %get3A_241] {strides = array<i32>} : memref<240x128xf32, #tpu.memory_space<vmem>>, vector<16xf32>,
          %get3A_243 = arith.index_cast %while3A_217 : i32 to index
          %get3A_244 = arith.constant 112 : index
          %get3A_245 = tpu.vector_load %arg12[%get3A_243, %get3A_244] {strides = array<i32>} : memref<240x128xf32, #tpu.memory_space<vmem>>, vector<16xf32>,
          %add3A_246 = arith.constant 0 : i32
          %add3A_247 = vector.broadcast %add3A_246 : i32 to vector<16xi32>
          %add3A_248 = arith.addi %iota3A_110, %add3A_247 : vector<16xi32>
          tpu.vector_store_idx %arg10[%sub3A_221, %add3A_248], %get3A_224 {add = true} : memref<320x128xf32, #tpu.memory_space<vmem>>[vector<16xi32>, vector<16xi32>], vector<16xf32>,
          %add3A_249 = arith.constant 16 : i32
          %add3A_250 = vector.broadcast %add3A_249 : i32 to vector<16xi32>
          %add3A_251 = arith.addi %iota3A_110, %add3A_250 : vector<16xi32>
          tpu.vector_store_idx %arg10[%sub3A_221, %add3A_251], %get3A_227 {add = true} : memref<320x128xf32, #tpu.memory_space<vmem>>[vector<16xi32>, vector<16xi32>], vector<16xf32>,
          %add3A_252 = arith.constant 32 : i32
          %add3A_253 = vector.broadcast %add3A_252 : i32 to vector<16xi32>
          %add3A_254 = arith.addi %iota3A_110, %add3A_253 : vector<16xi32>
          tpu.vector_store_idx %arg10[%sub3A_221, %add3A_254], %get3A_230 {add = true} : memref<320x128xf32, #tpu.memory_space<vmem>>[vector<16xi32>, vector<16xi32>], vector<16xf32>,
          %add3A_255 = arith.constant 48 : i32
          %add3A_256 = vector.broadcast %add3A_255 : i32 to vector<16xi32>
          %add3A_257 = arith.addi %iota3A_110, %add3A_256 : vector<16xi32>
          tpu.vector_store_idx %arg10[%sub3A_221, %add3A_257], %get3A_233 {add = true} : memref<320x128xf32, #tpu.memory_space<vmem>>[vector<16xi32>, vector<16xi32>], vector<16xf32>,
          %add3A_258 = arith.constant 64 : i32
          %add3A_259 = vector.broadcast %add3A_258 : i32 to vector<16xi32>
          %add3A_260 = arith.addi %iota3A_110, %add3A_259 : vector<16xi32>
          tpu.vector_store_idx %arg10[%sub3A_221, %add3A_260], %get3A_236 {add = true} : memref<320x128xf32, #tpu.memory_space<vmem>>[vector<16xi32>, vector<16xi32>], vector<16xf32>,
          %add3A_261 = arith.constant 80 : i32
          %add3A_262 = vector.broadcast %add3A_261 : i32 to vector<16xi32>
          %add3A_263 = arith.addi %iota3A_110, %add3A_262 : vector<16xi32>
          tpu.vector_store_idx %arg10[%sub3A_221, %add3A_263], %get3A_239 {add = true} : memref<320x128xf32, #tpu.memory_space<vmem>>[vector<16xi32>, vector<16xi32>], vector<16xf32>,
          %add3A_264 = arith.constant 96 : i32
          %add3A_265 = vector.broadcast %add3A_264 : i32 to vector<16xi32>
          %add3A_266 = arith.addi %iota3A_110, %add3A_265 : vector<16xi32>
          tpu.vector_store_idx %arg10[%sub3A_221, %add3A_266], %get3A_242 {add = true} : memref<320x128xf32, #tpu.memory_space<vmem>>[vector<16xi32>, vector<16xi32>], vector<16xf32>,
          %add3A_267 = arith.constant 112 : i32
          %add3A_268 = vector.broadcast %add3A_267 : i32 to vector<16xi32>
          %add3A_269 = arith.addi %iota3A_110, %add3A_268 : vector<16xi32>
          tpu.vector_store_idx %arg10[%sub3A_221, %add3A_269], %get3A_245 {add = true} : memref<320x128xf32, #tpu.memory_space<vmem>>[vector<16xi32>, vector<16xi32>], vector<16xf32>,
          %while3A_270 = arith.constant 0 : i32
          scf.yield %while3A_270 : i32
        }
        %while3A_215 = arith.constant 1 : i32
        %while3A_216 = scf.for %while3A_217 = %while3A_212 to %while3A_208 step %while3A_215 iter_args(%while3A_218 = %while3A_214) -> (i32)  : i32 {
          %broadcast_in_dim3A_219 = vector.broadcast %while3A_217 : i32 to vector<16xi32>
          %gather3A = tpu.vector_load_idx %arg18[%broadcast_in_dim3A_219] : memref<256xi32, #tpu.memory_space<vmem>>[vector<16xi32>], vector<16xi32>,
          %sub3A_220 = vector.broadcast %mul3A_2 : i32 to vector<16xi32>
          %sub3A_221 = arith.subi %gather3A, %sub3A_220 : vector<16xi32>
          %get3A_222 = arith.index_cast %while3A_217 : i32 to index
          %get3A_223 = arith.constant 0 : index
          %get3A_224 = tpu.vector_load %arg12[%get3A_222, %get3A_223] {strides = array<i32>} : memref<240x128xf32, #tpu.memory_space<vmem>>, vector<16xf32>,
          %get3A_225 = arith.index_cast %while3A_217 : i32 to index
          %get3A_226 = arith.constant 16 : index
          %get3A_227 = tpu.vector_load %arg12[%get3A_225, %get3A_226] {strides = array<i32>} : memref<240x128xf32, #tpu.memory_space<vmem>>, vector<16xf32>,
          %get3A_228 = arith.index_cast %while3A_217 : i32 to index
          %get3A_229 = arith.constant 32 : index
          %get3A_230 = tpu.vector_load %arg12[%get3A_228, %get3A_229] {strides = array<i32>} : memref<240x128xf32, #tpu.memory_space<vmem>>, vector<16xf32>,
          %get3A_231 = arith.index_cast %while3A_217 : i32 to index
          %get3A_232 = arith.constant 48 : index
          %get3A_233 = tpu.vector_load %arg12[%get3A_231, %get3A_232] {strides = array<i32>} : memref<240x128xf32, #tpu.memory_space<vmem>>, vector<16xf32>,
          %get3A_234 = arith.index_cast %while3A_217 : i32 to index
          %get3A_235 = arith.constant 64 : index
          %get3A_236 = tpu.vector_load %arg12[%get3A_234, %get3A_235] {strides = array<i32>} : memref<240x128xf32, #tpu.memory_space<vmem>>, vector<16xf32>,
          %get3A_237 = arith.index_cast %while3A_217 : i32 to index
          %get3A_238 = arith.constant 80 : index
          %get3A_239 = tpu.vector_load %arg12[%get3A_237, %get3A_238] {strides = array<i32>} : memref<240x128xf32, #tpu.memory_space<vmem>>, vector<16xf32>,
          %get3A_240 = arith.index_cast %while3A_217 : i32 to index
          %get3A_241 = arith.constant 96 : index
          %get3A_242 = tpu.vector_load %arg12[%get3A_240, %get3A_241] {strides = array<i32>} : memref<240x128xf32, #tpu.memory_space<vmem>>, vector<16xf32>,
          %get3A_243 = arith.index_cast %while3A_217 : i32 to index
          %get3A_244 = arith.constant 112 : index
          %get3A_245 = tpu.vector_load %arg12[%get3A_243, %get3A_244] {strides = array<i32>} : memref<240x128xf32, #tpu.memory_space<vmem>>, vector<16xf32>,
          %add3A_246 = arith.constant 0 : i32
          %add3A_247 = vector.broadcast %add3A_246 : i32 to vector<16xi32>
          %add3A_248 = arith.addi %iota3A_110, %add3A_247 : vector<16xi32>
          tpu.vector_store_idx %arg10[%sub3A_221, %add3A_248], %get3A_224 {add = true} : memref<320x128xf32, #tpu.memory_space<vmem>>[vector<16xi32>, vector<16xi32>], vector<16xf32>,
          %add3A_249 = arith.constant 16 : i32
          %add3A_250 = vector.broadcast %add3A_249 : i32 to vector<16xi32>
          %add3A_251 = arith.addi %iota3A_110, %add3A_250 : vector<16xi32>
          tpu.vector_store_idx %arg10[%sub3A_221, %add3A_251], %get3A_227 {add = true} : memref<320x128xf32, #tpu.memory_space<vmem>>[vector<16xi32>, vector<16xi32>], vector<16xf32>,
          %add3A_252 = arith.constant 32 : i32
          %add3A_253 = vector.broadcast %add3A_252 : i32 to vector<16xi32>
          %add3A_254 = arith.addi %iota3A_110, %add3A_253 : vector<16xi32>
          tpu.vector_store_idx %arg10[%sub3A_221, %add3A_254], %get3A_230 {add = true} : memref<320x128xf32, #tpu.memory_space<vmem>>[vector<16xi32>, vector<16xi32>], vector<16xf32>,
          %add3A_255 = arith.constant 48 : i32
          %add3A_256 = vector.broadcast %add3A_255 : i32 to vector<16xi32>
          %add3A_257 = arith.addi %iota3A_110, %add3A_256 : vector<16xi32>
          tpu.vector_store_idx %arg10[%sub3A_221, %add3A_257], %get3A_233 {add = true} : memref<320x128xf32, #tpu.memory_space<vmem>>[vector<16xi32>, vector<16xi32>], vector<16xf32>,
          %add3A_258 = arith.constant 64 : i32
          %add3A_259 = vector.broadcast %add3A_258 : i32 to vector<16xi32>
          %add3A_260 = arith.addi %iota3A_110, %add3A_259 : vector<16xi32>
          tpu.vector_store_idx %arg10[%sub3A_221, %add3A_260], %get3A_236 {add = true} : memref<320x128xf32, #tpu.memory_space<vmem>>[vector<16xi32>, vector<16xi32>], vector<16xf32>,
          %add3A_261 = arith.constant 80 : i32
          %add3A_262 = vector.broadcast %add3A_261 : i32 to vector<16xi32>
          %add3A_263 = arith.addi %iota3A_110, %add3A_262 : vector<16xi32>
          tpu.vector_store_idx %arg10[%sub3A_221, %add3A_263], %get3A_239 {add = true} : memref<320x128xf32, #tpu.memory_space<vmem>>[vector<16xi32>, vector<16xi32>], vector<16xf32>,
          %add3A_264 = arith.constant 96 : i32
          %add3A_265 = vector.broadcast %add3A_264 : i32 to vector<16xi32>
          %add3A_266 = arith.addi %iota3A_110, %add3A_265 : vector<16xi32>
          tpu.vector_store_idx %arg10[%sub3A_221, %add3A_266], %get3A_242 {add = true} : memref<320x128xf32, #tpu.memory_space<vmem>>[vector<16xi32>, vector<16xi32>], vector<16xf32>,
          %add3A_267 = arith.constant 112 : i32
          %add3A_268 = vector.broadcast %add3A_267 : i32 to vector<16xi32>
          %add3A_269 = arith.addi %iota3A_110, %add3A_268 : vector<16xi32>
          tpu.vector_store_idx %arg10[%sub3A_221, %add3A_269], %get3A_245 {add = true} : memref<320x128xf32, #tpu.memory_space<vmem>>[vector<16xi32>, vector<16xi32>], vector<16xf32>,
          %while3A_270 = arith.constant 0 : i32
          scf.yield %while3A_270 : i32
        }
      } else {
      }
      %add3A_189 = arith.addi %multiple_of3A_165, %max3A_179 : i32
      scf.yield %add3A_189 : i32
    }
    %while3A_122 = arith.constant 1 : i32
    %while3A_123 = scf.for %while3A_132 = %while3A_119 to %while3A_115 step %while3A_122 iter_args(%while3A_133 = %while3A_121) -> (i32)  : i32 {
      %mul3A_134 = arith.constant 240 : i32
      %mul3A_135 = arith.muli %while3A_132, %mul3A_134 : i32
      %add3A_136 = arith.addi %multiple_of3A_80, %mul3A_135 : i32
      %min3A_137 = arith.constant 319760 : i32
      %min3A_138 = arith.minsi %add3A_136, %min3A_137 : i32
      %jit3A_139 = arith.constant 8 : i32
      %div3A_140 = arith.divsi %min3A_138, %jit3A_139 : i32
      %sign3A_141 = arith.constant 0 : i32
      %sign3A_142 = arith.cmpi sgt, %min3A_138, %sign3A_141 : i32
      %sign3A_143 = arith.extui %sign3A_142 : i1 to i32
      %sign3A_144 = arith.constant 0 : i32
      %sign3A_145 = arith.cmpi slt, %min3A_138, %sign3A_144 : i32
      %sign3A_146 = arith.extui %sign3A_145 : i1 to i32
      %sign3A_147 = arith.subi %sign3A_143, %sign3A_146 : i32
      %sign3A_148 = arith.constant 0 : i32
      %sign3A_149 = arith.cmpi sgt, %jit3A_139, %sign3A_148 : i32
      %sign3A_150 = arith.extui %sign3A_149 : i1 to i32
      %sign3A_151 = arith.constant 0 : i32
      %sign3A_152 = arith.cmpi slt, %jit3A_139, %sign3A_151 : i32
      %sign3A_153 = arith.extui %sign3A_152 : i1 to i32
      %sign3A_154 = arith.subi %sign3A_150, %sign3A_153 : i32
      %ne3A_155 = arith.cmpi ne, %sign3A_147, %sign3A_154 : i32
      %rem3A_156 = arith.remsi %min3A_138, %jit3A_139 : i32
      %ne3A_157 = arith.constant 0 : i32
      %ne3A_158 = arith.cmpi ne, %rem3A_156, %ne3A_157 : i32
      %and3A_159 = arith.andi %ne3A_155, %ne3A_158 : i1
      %sub3A_160 = arith.constant 1 : i32
      %sub3A_161 = arith.subi %div3A_140, %sub3A_160 : i32
      %select_n3A_162 = arith.select %and3A_159, %sub3A_161, %div3A_140 : i32
      %mul3A_163 = arith.constant 8 : i32
      %mul3A_164 = arith.muli %select_n3A_162, %mul3A_163 : i32
      %multiple_of3A_165 = tpu.assume_multiple %mul3A_164, 8 : i32
      %rem3A_166 = arith.constant 2 : i32
      %rem3A_167 = arith.remsi %while3A_132, %rem3A_166 : i32
      %add3A_168 = arith.constant 1 : i32
      %add3A_169 = arith.addi %while3A_132, %add3A_168 : i32
      %lt3A_170 = arith.cmpi slt, %add3A_169, %select_n3A_109 : i32
      %convert_element_type3A_171 = arith.extui %lt3A_170 : i1 to i32
      %cond3A_172 = arith.constant 0 : i32
      %cond3A_173 = arith.cmpi ne, %convert_element_type3A_171, %cond3A_172 : i32
      scf.if %cond3A_173 {
        %sub3A_190 = arith.constant 1 : i32
        %sub3A_191 = arith.subi %sub3A_190, %rem3A_167 : i32
        %eq3A_192 = arith.constant 0 : i32
        %eq3A_193 = arith.cmpi eq, %sub3A_191, %eq3A_192 : i32
        %convert_element_type3A_194 = arith.extui %eq3A_193 : i1 to i32
        %cond3A_195 = arith.constant 0 : i32
        %cond3A_196 = arith.cmpi ne, %convert_element_type3A_194, %cond3A_195 : i32
        scf.if %cond3A_196 {
          %add3A_204 = arith.constant 1 : i32
          %add3A_205 = arith.addi %while3A_132, %add3A_204 : i32
          %mul3A_206 = arith.constant 240 : i32
          %mul3A_207 = arith.muli %add3A_205, %mul3A_206 : i32
          %add3A_208 = arith.addi %multiple_of3A_80, %mul3A_207 : i32
          %min3A_209 = arith.constant 319760 : i32
          %min3A_210 = arith.minsi %add3A_208, %min3A_209 : i32
          %jit3A_211 = arith.constant 8 : i32
          %div3A_212 = arith.divsi %min3A_210, %jit3A_211 : i32
          %sign3A_213 = arith.constant 0 : i32
          %sign3A_214 = arith.cmpi sgt, %min3A_210, %sign3A_213 : i32
          %sign3A_215 = arith.extui %sign3A_214 : i1 to i32
          %sign3A_216 = arith.constant 0 : i32
          %sign3A_217 = arith.cmpi slt, %min3A_210, %sign3A_216 : i32
          %sign3A_218 = arith.extui %sign3A_217 : i1 to i32
          %sign3A_219 = arith.subi %sign3A_215, %sign3A_218 : i32
          %sign3A_220 = arith.constant 0 : i32
          %sign3A_221 = arith.cmpi sgt, %jit3A_211, %sign3A_220 : i32
          %sign3A_222 = arith.extui %sign3A_221 : i1 to i32
          %sign3A_223 = arith.constant 0 : i32
          %sign3A_224 = arith.cmpi slt, %jit3A_211, %sign3A_223 : i32
          %sign3A_225 = arith.extui %sign3A_224 : i1 to i32
          %sign3A_226 = arith.subi %sign3A_222, %sign3A_225 : i32
          %ne3A_227 = arith.cmpi ne, %sign3A_219, %sign3A_226 : i32
          %rem3A_228 = arith.remsi %min3A_210, %jit3A_211 : i32
          %ne3A_229 = arith.constant 0 : i32
          %ne3A_230 = arith.cmpi ne, %rem3A_228, %ne3A_229 : i32
          %and3A_231 = arith.andi %ne3A_227, %ne3A_230 : i1
          %sub3A_232 = arith.constant 1 : i32
          %sub3A_233 = arith.subi %div3A_212, %sub3A_232 : i32
          %select_n3A_234 = arith.select %and3A_231, %sub3A_233, %div3A_212 : i32
          %mul3A_235 = arith.constant 8 : i32
          %mul3A_236 = arith.muli %select_n3A_234, %mul3A_235 : i32
          %multiple_of3A_237 = tpu.assume_multiple %mul3A_236, 8 : i32
          %dma_start3A = arith.constant 1 : i32
          %dma_start3A_238 = arith.constant 0 : i32
          %dma_start3A_239 = tpu.memref_slice %arg2[%dma_start3A, %multiple_of3A_237, %dma_start3A_238] : memref<2x320000x128xf32, #tpu.memory_space<hbm>> -> memref<1x240x128xf32, #tpu.memory_space<hbm>>
          %dma_start3A_240 = tpu.memref_squeeze %dma_start3A_239 : memref<1x240x128xf32, #tpu.memory_space<hbm>> -> memref<240x128xf32, #tpu.memory_space<hbm>>
          %dma_start3A_241 = arith.constant 0 : i32
          %dma_start3A_242 = tpu.memref_slice %arg2[%dma_start3A, %multiple_of3A_237, %dma_start3A_241] : memref<2x320000x128xf32, #tpu.memory_space<hbm>> -> memref<1x240x128xf32, #tpu.memory_space<hbm>>
          %dma_start3A_243 = tpu.memref_squeeze %dma_start3A_242 : memref<1x240x128xf32, #tpu.memory_space<hbm>> -> memref<240x128xf32, #tpu.memory_space<hbm>>
          tpu.enqueue_dma source(%dma_start3A_243 : memref<240x128xf32, #tpu.memory_space<hbm>>) target(%arg11 : memref<240x128xf32, #tpu.memory_space<vmem>>) target_semaphore(%arg19 : memref<!tpu.dma_semaphore, #tpu.memory_space<semaphore_mem>>)
          %dma_start3A_244 = arith.constant 0 : i32
          %dma_start3A_245 = tpu.memref_slice %arg17[%dma_start3A_244] : memref<256xi32, #tpu.memory_space<vmem>> -> memref<240xi32, #tpu.memory_space<vmem>>
          %dma_start3A_246 = tpu.memref_slice %arg3[%multiple_of3A_237] : memref<320000xi32, #tpu.memory_space<hbm>> -> memref<240xi32, #tpu.memory_space<hbm>>
          %dma_start3A_247 = arith.constant 0 : i32
          %dma_start3A_248 = tpu.memref_slice %arg17[%dma_start3A_247] : memref<256xi32, #tpu.memory_space<vmem>> -> memref<240xi32, #tpu.memory_space<vmem>>
          %dma_start3A_249 = tpu.memref_slice %arg3[%multiple_of3A_237] : memref<320000xi32, #tpu.memory_space<hbm>> -> memref<240xi32, #tpu.memory_space<hbm>>
          tpu.enqueue_dma source(%dma_start3A_249 : memref<240xi32, #tpu.memory_space<hbm>>) target(%dma_start3A_248 : memref<240xi32, #tpu.memory_space<vmem>>) target_semaphore(%arg19 : memref<!tpu.dma_semaphore, #tpu.memory_space<semaphore_mem>>)
        } else {
        }
        %sub3A_197 = arith.constant 1 : i32
        %sub3A_198 = arith.subi %sub3A_197, %rem3A_167 : i32
        %eq3A_199 = arith.constant 1 : i32
        %eq3A_200 = arith.cmpi eq, %sub3A_198, %eq3A_199 : i32
        %convert_element_type3A_201 = arith.extui %eq3A_200 : i1 to i32
        %cond3A_202 = arith.constant 0 : i32
        %cond3A_203 = arith.cmpi ne, %convert_element_type3A_201, %cond3A_202 : i32
        scf.if %cond3A_203 {
          %add3A_204 = arith.constant 1 : i32
          %add3A_205 = arith.addi %while3A_132, %add3A_204 : i32
          %mul3A_206 = arith.constant 240 : i32
          %mul3A_207 = arith.muli %add3A_205, %mul3A_206 : i32
          %add3A_208 = arith.addi %multiple_of3A_80, %mul3A_207 : i32
          %min3A_209 = arith.constant 319760 : i32
          %min3A_210 = arith.minsi %add3A_208, %min3A_209 : i32
          %jit3A_211 = arith.constant 8 : i32
          %div3A_212 = arith.divsi %min3A_210, %jit3A_211 : i32
          %sign3A_213 = arith.constant 0 : i32
          %sign3A_214 = arith.cmpi sgt, %min3A_210, %sign3A_213 : i32
          %sign3A_215 = arith.extui %sign3A_214 : i1 to i32
          %sign3A_216 = arith.constant 0 : i32
          %sign3A_217 = arith.cmpi slt, %min3A_210, %sign3A_216 : i32
          %sign3A_218 = arith.extui %sign3A_217 : i1 to i32
          %sign3A_219 = arith.subi %sign3A_215, %sign3A_218 : i32
          %sign3A_220 = arith.constant 0 : i32
          %sign3A_221 = arith.cmpi sgt, %jit3A_211, %sign3A_220 : i32
          %sign3A_222 = arith.extui %sign3A_221 : i1 to i32
          %sign3A_223 = arith.constant 0 : i32
          %sign3A_224 = arith.cmpi slt, %jit3A_211, %sign3A_223 : i32
          %sign3A_225 = arith.extui %sign3A_224 : i1 to i32
          %sign3A_226 = arith.subi %sign3A_222, %sign3A_225 : i32
          %ne3A_227 = arith.cmpi ne, %sign3A_219, %sign3A_226 : i32
          %rem3A_228 = arith.remsi %min3A_210, %jit3A_211 : i32
          %ne3A_229 = arith.constant 0 : i32
          %ne3A_230 = arith.cmpi ne, %rem3A_228, %ne3A_229 : i32
          %and3A_231 = arith.andi %ne3A_227, %ne3A_230 : i1
          %sub3A_232 = arith.constant 1 : i32
          %sub3A_233 = arith.subi %div3A_212, %sub3A_232 : i32
          %select_n3A_234 = arith.select %and3A_231, %sub3A_233, %div3A_212 : i32
          %mul3A_235 = arith.constant 8 : i32
          %mul3A_236 = arith.muli %select_n3A_234, %mul3A_235 : i32
          %multiple_of3A_237 = tpu.assume_multiple %mul3A_236, 8 : i32
          %dma_start3A = arith.constant 1 : i32
          %dma_start3A_238 = arith.constant 0 : i32
          %dma_start3A_239 = tpu.memref_slice %arg2[%dma_start3A, %multiple_of3A_237, %dma_start3A_238] : memref<2x320000x128xf32, #tpu.memory_space<hbm>> -> memref<1x240x128xf32, #tpu.memory_space<hbm>>
          %dma_start3A_240 = tpu.memref_squeeze %dma_start3A_239 : memref<1x240x128xf32, #tpu.memory_space<hbm>> -> memref<240x128xf32, #tpu.memory_space<hbm>>
          %dma_start3A_241 = arith.constant 0 : i32
          %dma_start3A_242 = tpu.memref_slice %arg2[%dma_start3A, %multiple_of3A_237, %dma_start3A_241] : memref<2x320000x128xf32, #tpu.memory_space<hbm>> -> memref<1x240x128xf32, #tpu.memory_space<hbm>>
          %dma_start3A_243 = tpu.memref_squeeze %dma_start3A_242 : memref<1x240x128xf32, #tpu.memory_space<hbm>> -> memref<240x128xf32, #tpu.memory_space<hbm>>
          tpu.enqueue_dma source(%dma_start3A_243 : memref<240x128xf32, #tpu.memory_space<hbm>>) target(%arg12 : memref<240x128xf32, #tpu.memory_space<vmem>>) target_semaphore(%arg20 : memref<!tpu.dma_semaphore, #tpu.memory_space<semaphore_mem>>)
          %dma_start3A_244 = arith.constant 0 : i32
          %dma_start3A_245 = tpu.memref_slice %arg18[%dma_start3A_244] : memref<256xi32, #tpu.memory_space<vmem>> -> memref<240xi32, #tpu.memory_space<vmem>>
          %dma_start3A_246 = tpu.memref_slice %arg3[%multiple_of3A_237] : memref<320000xi32, #tpu.memory_space<hbm>> -> memref<240xi32, #tpu.memory_space<hbm>>
          %dma_start3A_247 = arith.constant 0 : i32
          %dma_start3A_248 = tpu.memref_slice %arg18[%dma_start3A_247] : memref<256xi32, #tpu.memory_space<vmem>> -> memref<240xi32, #tpu.memory_space<vmem>>
          %dma_start3A_249 = tpu.memref_slice %arg3[%multiple_of3A_237] : memref<320000xi32, #tpu.memory_space<hbm>> -> memref<240xi32, #tpu.memory_space<hbm>>
          tpu.enqueue_dma source(%dma_start3A_249 : memref<240xi32, #tpu.memory_space<hbm>>) target(%dma_start3A_248 : memref<240xi32, #tpu.memory_space<vmem>>) target_semaphore(%arg20 : memref<!tpu.dma_semaphore, #tpu.memory_space<semaphore_mem>>)
        } else {
        }
      } else {
      }
      %sub3A_174 = arith.subi %while3A_133, %multiple_of3A_165 : i32
      %max3A = arith.constant 0 : i32
      %max3A_175 = arith.maxsi %sub3A_174, %max3A : i32
      %sub3A_176 = arith.subi %select_n3A_58, %multiple_of3A_165 : i32
      %min3A_177 = arith.constant 240 : i32
      %min3A_178 = arith.minsi %sub3A_176, %min3A_177 : i32
      %max3A_179 = arith.maxsi %min3A_178, %max3A_175 : i32
      %eq3A = arith.constant 0 : i32
      %eq3A_180 = arith.cmpi eq, %rem3A_167, %eq3A : i32
      %convert_element_type3A_181 = arith.extui %eq3A_180 : i1 to i32
      %cond3A_182 = arith.constant 0 : i32
      %cond3A_183 = arith.cmpi ne, %convert_element_type3A_181, %cond3A_182 : i32
      scf.if %cond3A_183 {
        %dma_wait3A = arith.constant 1 : i32
        %dma_wait3A_190 = arith.constant 0 : i32
        %dma_wait3A_191 = arith.constant 0 : i32
        %dma_wait3A_192 = tpu.memref_slice %arg2[%dma_wait3A, %dma_wait3A_190, %dma_wait3A_191] : memref<2x320000x128xf32, #tpu.memory_space<hbm>> -> memref<1x240x128xf32, #tpu.memory_space<hbm>>
        %dma_wait3A_193 = tpu.memref_squeeze %dma_wait3A_192 : memref<1x240x128xf32, #tpu.memory_space<hbm>> -> memref<240x128xf32, #tpu.memory_space<hbm>>
        %dma_wait3A_194 = arith.constant 0 : i32
        %dma_wait3A_195 = arith.constant 0 : i32
        %dma_wait3A_196 = tpu.memref_slice %arg2[%dma_wait3A, %dma_wait3A_194, %dma_wait3A_195] : memref<2x320000x128xf32, #tpu.memory_space<hbm>> -> memref<1x240x128xf32, #tpu.memory_space<hbm>>
        %dma_wait3A_197 = tpu.memref_squeeze %dma_wait3A_196 : memref<1x240x128xf32, #tpu.memory_space<hbm>> -> memref<240x128xf32, #tpu.memory_space<hbm>>
        tpu.wait_dma2 semaphore(%arg19 : memref<!tpu.dma_semaphore, #tpu.memory_space<semaphore_mem>>) src(%dma_wait3A_197 : memref<240x128xf32, #tpu.memory_space<hbm>>) dst(%arg11 : memref<240x128xf32, #tpu.memory_space<vmem>>)
        %dma_wait3A_198 = arith.constant 0 : i32
        %dma_wait3A_199 = tpu.memref_slice %arg17[%dma_wait3A_198] : memref<256xi32, #tpu.memory_space<vmem>> -> memref<240xi32, #tpu.memory_space<vmem>>
        %dma_wait3A_200 = arith.constant 0 : i32
        %dma_wait3A_201 = tpu.memref_slice %arg3[%dma_wait3A_200] : memref<320000xi32, #tpu.memory_space<hbm>> -> memref<240xi32, #tpu.memory_space<hbm>>
        %dma_wait3A_202 = arith.constant 0 : i32
        %dma_wait3A_203 = tpu.memref_slice %arg17[%dma_wait3A_202] : memref<256xi32, #tpu.memory_space<vmem>> -> memref<240xi32, #tpu.memory_space<vmem>>
        %dma_wait3A_204 = arith.constant 0 : i32
        %dma_wait3A_205 = tpu.memref_slice %arg3[%dma_wait3A_204] : memref<320000xi32, #tpu.memory_space<hbm>> -> memref<240xi32, #tpu.memory_space<hbm>>
        tpu.wait_dma2 semaphore(%arg19 : memref<!tpu.dma_semaphore, #tpu.memory_space<semaphore_mem>>) src(%dma_wait3A_205 : memref<240xi32, #tpu.memory_space<hbm>>) dst(%dma_wait3A_203 : memref<240xi32, #tpu.memory_space<vmem>>)
        %while3A_206 = arith.constant 0 : i32
        %while3A_207 = arith.subi %max3A_179, %max3A_175 : i32
        %while3A_208 = arith.addi %max3A_175, %while3A_207 : i32
        %while3A_209 = arith.constant 1 : i32
        %while3A_210 = arith.divsi %while3A_207, %while3A_209 : i32
        %while3A_211 = arith.muli %while3A_210, %while3A_209 : i32
        %while3A_212 = arith.addi %max3A_175, %while3A_211 : i32
        %while3A_213 = arith.constant 1 : i32
        %while3A_214 = scf.for %while3A_217 = %max3A_175 to %while3A_212 step %while3A_213 iter_args(%while3A_218 = %while3A_206) -> (i32)  : i32 {
          %broadcast_in_dim3A_219 = vector.broadcast %while3A_217 : i32 to vector<16xi32>
          %gather3A = tpu.vector_load_idx %arg17[%broadcast_in_dim3A_219] : memref<256xi32, #tpu.memory_space<vmem>>[vector<16xi32>], vector<16xi32>,
          %sub3A_220 = vector.broadcast %mul3A_2 : i32 to vector<16xi32>
          %sub3A_221 = arith.subi %gather3A, %sub3A_220 : vector<16xi32>
          %get3A_222 = arith.index_cast %while3A_217 : i32 to index
          %get3A_223 = arith.constant 0 : index
          %get3A_224 = tpu.vector_load %arg11[%get3A_222, %get3A_223] {strides = array<i32>} : memref<240x128xf32, #tpu.memory_space<vmem>>, vector<16xf32>,
          %get3A_225 = arith.index_cast %while3A_217 : i32 to index
          %get3A_226 = arith.constant 16 : index
          %get3A_227 = tpu.vector_load %arg11[%get3A_225, %get3A_226] {strides = array<i32>} : memref<240x128xf32, #tpu.memory_space<vmem>>, vector<16xf32>,
          %get3A_228 = arith.index_cast %while3A_217 : i32 to index
          %get3A_229 = arith.constant 32 : index
          %get3A_230 = tpu.vector_load %arg11[%get3A_228, %get3A_229] {strides = array<i32>} : memref<240x128xf32, #tpu.memory_space<vmem>>, vector<16xf32>,
          %get3A_231 = arith.index_cast %while3A_217 : i32 to index
          %get3A_232 = arith.constant 48 : index
          %get3A_233 = tpu.vector_load %arg11[%get3A_231, %get3A_232] {strides = array<i32>} : memref<240x128xf32, #tpu.memory_space<vmem>>, vector<16xf32>,
          %get3A_234 = arith.index_cast %while3A_217 : i32 to index
          %get3A_235 = arith.constant 64 : index
          %get3A_236 = tpu.vector_load %arg11[%get3A_234, %get3A_235] {strides = array<i32>} : memref<240x128xf32, #tpu.memory_space<vmem>>, vector<16xf32>,
          %get3A_237 = arith.index_cast %while3A_217 : i32 to index
          %get3A_238 = arith.constant 80 : index
          %get3A_239 = tpu.vector_load %arg11[%get3A_237, %get3A_238] {strides = array<i32>} : memref<240x128xf32, #tpu.memory_space<vmem>>, vector<16xf32>,
          %get3A_240 = arith.index_cast %while3A_217 : i32 to index
          %get3A_241 = arith.constant 96 : index
          %get3A_242 = tpu.vector_load %arg11[%get3A_240, %get3A_241] {strides = array<i32>} : memref<240x128xf32, #tpu.memory_space<vmem>>, vector<16xf32>,
          %get3A_243 = arith.index_cast %while3A_217 : i32 to index
          %get3A_244 = arith.constant 112 : index
          %get3A_245 = tpu.vector_load %arg11[%get3A_243, %get3A_244] {strides = array<i32>} : memref<240x128xf32, #tpu.memory_space<vmem>>, vector<16xf32>,
          %add3A_246 = arith.constant 0 : i32
          %add3A_247 = vector.broadcast %add3A_246 : i32 to vector<16xi32>
          %add3A_248 = arith.addi %iota3A_110, %add3A_247 : vector<16xi32>
          tpu.vector_store_idx %arg10[%sub3A_221, %add3A_248], %get3A_224 {add = true} : memref<320x128xf32, #tpu.memory_space<vmem>>[vector<16xi32>, vector<16xi32>], vector<16xf32>,
          %add3A_249 = arith.constant 16 : i32
          %add3A_250 = vector.broadcast %add3A_249 : i32 to vector<16xi32>
          %add3A_251 = arith.addi %iota3A_110, %add3A_250 : vector<16xi32>
          tpu.vector_store_idx %arg10[%sub3A_221, %add3A_251], %get3A_227 {add = true} : memref<320x128xf32, #tpu.memory_space<vmem>>[vector<16xi32>, vector<16xi32>], vector<16xf32>,
          %add3A_252 = arith.constant 32 : i32
          %add3A_253 = vector.broadcast %add3A_252 : i32 to vector<16xi32>
          %add3A_254 = arith.addi %iota3A_110, %add3A_253 : vector<16xi32>
          tpu.vector_store_idx %arg10[%sub3A_221, %add3A_254], %get3A_230 {add = true} : memref<320x128xf32, #tpu.memory_space<vmem>>[vector<16xi32>, vector<16xi32>], vector<16xf32>,
          %add3A_255 = arith.constant 48 : i32
          %add3A_256 = vector.broadcast %add3A_255 : i32 to vector<16xi32>
          %add3A_257 = arith.addi %iota3A_110, %add3A_256 : vector<16xi32>
          tpu.vector_store_idx %arg10[%sub3A_221, %add3A_257], %get3A_233 {add = true} : memref<320x128xf32, #tpu.memory_space<vmem>>[vector<16xi32>, vector<16xi32>], vector<16xf32>,
          %add3A_258 = arith.constant 64 : i32
          %add3A_259 = vector.broadcast %add3A_258 : i32 to vector<16xi32>
          %add3A_260 = arith.addi %iota3A_110, %add3A_259 : vector<16xi32>
          tpu.vector_store_idx %arg10[%sub3A_221, %add3A_260], %get3A_236 {add = true} : memref<320x128xf32, #tpu.memory_space<vmem>>[vector<16xi32>, vector<16xi32>], vector<16xf32>,
          %add3A_261 = arith.constant 80 : i32
          %add3A_262 = vector.broadcast %add3A_261 : i32 to vector<16xi32>
          %add3A_263 = arith.addi %iota3A_110, %add3A_262 : vector<16xi32>
          tpu.vector_store_idx %arg10[%sub3A_221, %add3A_263], %get3A_239 {add = true} : memref<320x128xf32, #tpu.memory_space<vmem>>[vector<16xi32>, vector<16xi32>], vector<16xf32>,
          %add3A_264 = arith.constant 96 : i32
          %add3A_265 = vector.broadcast %add3A_264 : i32 to vector<16xi32>
          %add3A_266 = arith.addi %iota3A_110, %add3A_265 : vector<16xi32>
          tpu.vector_store_idx %arg10[%sub3A_221, %add3A_266], %get3A_242 {add = true} : memref<320x128xf32, #tpu.memory_space<vmem>>[vector<16xi32>, vector<16xi32>], vector<16xf32>,
          %add3A_267 = arith.constant 112 : i32
          %add3A_268 = vector.broadcast %add3A_267 : i32 to vector<16xi32>
          %add3A_269 = arith.addi %iota3A_110, %add3A_268 : vector<16xi32>
          tpu.vector_store_idx %arg10[%sub3A_221, %add3A_269], %get3A_245 {add = true} : memref<320x128xf32, #tpu.memory_space<vmem>>[vector<16xi32>, vector<16xi32>], vector<16xf32>,
          %while3A_270 = arith.constant 0 : i32
          scf.yield %while3A_270 : i32
        }
        %while3A_215 = arith.constant 1 : i32
        %while3A_216 = scf.for %while3A_217 = %while3A_212 to %while3A_208 step %while3A_215 iter_args(%while3A_218 = %while3A_214) -> (i32)  : i32 {
          %broadcast_in_dim3A_219 = vector.broadcast %while3A_217 : i32 to vector<16xi32>
          %gather3A = tpu.vector_load_idx %arg17[%broadcast_in_dim3A_219] : memref<256xi32, #tpu.memory_space<vmem>>[vector<16xi32>], vector<16xi32>,
          %sub3A_220 = vector.broadcast %mul3A_2 : i32 to vector<16xi32>
          %sub3A_221 = arith.subi %gather3A, %sub3A_220 : vector<16xi32>
          %get3A_222 = arith.index_cast %while3A_217 : i32 to index
          %get3A_223 = arith.constant 0 : index
          %get3A_224 = tpu.vector_load %arg11[%get3A_222, %get3A_223] {strides = array<i32>} : memref<240x128xf32, #tpu.memory_space<vmem>>, vector<16xf32>,
          %get3A_225 = arith.index_cast %while3A_217 : i32 to index
          %get3A_226 = arith.constant 16 : index
          %get3A_227 = tpu.vector_load %arg11[%get3A_225, %get3A_226] {strides = array<i32>} : memref<240x128xf32, #tpu.memory_space<vmem>>, vector<16xf32>,
          %get3A_228 = arith.index_cast %while3A_217 : i32 to index
          %get3A_229 = arith.constant 32 : index
          %get3A_230 = tpu.vector_load %arg11[%get3A_228, %get3A_229] {strides = array<i32>} : memref<240x128xf32, #tpu.memory_space<vmem>>, vector<16xf32>,
          %get3A_231 = arith.index_cast %while3A_217 : i32 to index
          %get3A_232 = arith.constant 48 : index
          %get3A_233 = tpu.vector_load %arg11[%get3A_231, %get3A_232] {strides = array<i32>} : memref<240x128xf32, #tpu.memory_space<vmem>>, vector<16xf32>,
          %get3A_234 = arith.index_cast %while3A_217 : i32 to index
          %get3A_235 = arith.constant 64 : index
          %get3A_236 = tpu.vector_load %arg11[%get3A_234, %get3A_235] {strides = array<i32>} : memref<240x128xf32, #tpu.memory_space<vmem>>, vector<16xf32>,
          %get3A_237 = arith.index_cast %while3A_217 : i32 to index
          %get3A_238 = arith.constant 80 : index
          %get3A_239 = tpu.vector_load %arg11[%get3A_237, %get3A_238] {strides = array<i32>} : memref<240x128xf32, #tpu.memory_space<vmem>>, vector<16xf32>,
          %get3A_240 = arith.index_cast %while3A_217 : i32 to index
          %get3A_241 = arith.constant 96 : index
          %get3A_242 = tpu.vector_load %arg11[%get3A_240, %get3A_241] {strides = array<i32>} : memref<240x128xf32, #tpu.memory_space<vmem>>, vector<16xf32>,
          %get3A_243 = arith.index_cast %while3A_217 : i32 to index
          %get3A_244 = arith.constant 112 : index
          %get3A_245 = tpu.vector_load %arg11[%get3A_243, %get3A_244] {strides = array<i32>} : memref<240x128xf32, #tpu.memory_space<vmem>>, vector<16xf32>,
          %add3A_246 = arith.constant 0 : i32
          %add3A_247 = vector.broadcast %add3A_246 : i32 to vector<16xi32>
          %add3A_248 = arith.addi %iota3A_110, %add3A_247 : vector<16xi32>
          tpu.vector_store_idx %arg10[%sub3A_221, %add3A_248], %get3A_224 {add = true} : memref<320x128xf32, #tpu.memory_space<vmem>>[vector<16xi32>, vector<16xi32>], vector<16xf32>,
          %add3A_249 = arith.constant 16 : i32
          %add3A_250 = vector.broadcast %add3A_249 : i32 to vector<16xi32>
          %add3A_251 = arith.addi %iota3A_110, %add3A_250 : vector<16xi32>
          tpu.vector_store_idx %arg10[%sub3A_221, %add3A_251], %get3A_227 {add = true} : memref<320x128xf32, #tpu.memory_space<vmem>>[vector<16xi32>, vector<16xi32>], vector<16xf32>,
          %add3A_252 = arith.constant 32 : i32
          %add3A_253 = vector.broadcast %add3A_252 : i32 to vector<16xi32>
          %add3A_254 = arith.addi %iota3A_110, %add3A_253 : vector<16xi32>
          tpu.vector_store_idx %arg10[%sub3A_221, %add3A_254], %get3A_230 {add = true} : memref<320x128xf32, #tpu.memory_space<vmem>>[vector<16xi32>, vector<16xi32>], vector<16xf32>,
          %add3A_255 = arith.constant 48 : i32
          %add3A_256 = vector.broadcast %add3A_255 : i32 to vector<16xi32>
          %add3A_257 = arith.addi %iota3A_110, %add3A_256 : vector<16xi32>
          tpu.vector_store_idx %arg10[%sub3A_221, %add3A_257], %get3A_233 {add = true} : memref<320x128xf32, #tpu.memory_space<vmem>>[vector<16xi32>, vector<16xi32>], vector<16xf32>,
          %add3A_258 = arith.constant 64 : i32
          %add3A_259 = vector.broadcast %add3A_258 : i32 to vector<16xi32>
          %add3A_260 = arith.addi %iota3A_110, %add3A_259 : vector<16xi32>
          tpu.vector_store_idx %arg10[%sub3A_221, %add3A_260], %get3A_236 {add = true} : memref<320x128xf32, #tpu.memory_space<vmem>>[vector<16xi32>, vector<16xi32>], vector<16xf32>,
          %add3A_261 = arith.constant 80 : i32
          %add3A_262 = vector.broadcast %add3A_261 : i32 to vector<16xi32>
          %add3A_263 = arith.addi %iota3A_110, %add3A_262 : vector<16xi32>
          tpu.vector_store_idx %arg10[%sub3A_221, %add3A_263], %get3A_239 {add = true} : memref<320x128xf32, #tpu.memory_space<vmem>>[vector<16xi32>, vector<16xi32>], vector<16xf32>,
          %add3A_264 = arith.constant 96 : i32
          %add3A_265 = vector.broadcast %add3A_264 : i32 to vector<16xi32>
          %add3A_266 = arith.addi %iota3A_110, %add3A_265 : vector<16xi32>
          tpu.vector_store_idx %arg10[%sub3A_221, %add3A_266], %get3A_242 {add = true} : memref<320x128xf32, #tpu.memory_space<vmem>>[vector<16xi32>, vector<16xi32>], vector<16xf32>,
          %add3A_267 = arith.constant 112 : i32
          %add3A_268 = vector.broadcast %add3A_267 : i32 to vector<16xi32>
          %add3A_269 = arith.addi %iota3A_110, %add3A_268 : vector<16xi32>
          tpu.vector_store_idx %arg10[%sub3A_221, %add3A_269], %get3A_245 {add = true} : memref<320x128xf32, #tpu.memory_space<vmem>>[vector<16xi32>, vector<16xi32>], vector<16xf32>,
          %while3A_270 = arith.constant 0 : i32
          scf.yield %while3A_270 : i32
        }
      } else {
      }
      %eq3A_184 = arith.constant 1 : i32
      %eq3A_185 = arith.cmpi eq, %rem3A_167, %eq3A_184 : i32
      %convert_element_type3A_186 = arith.extui %eq3A_185 : i1 to i32
      %cond3A_187 = arith.constant 0 : i32
      %cond3A_188 = arith.cmpi ne, %convert_element_type3A_186, %cond3A_187 : i32
      scf.if %cond3A_188 {
        %dma_wait3A = arith.constant 1 : i32
        %dma_wait3A_190 = arith.constant 0 : i32
        %dma_wait3A_191 = arith.constant 0 : i32
        %dma_wait3A_192 = tpu.memref_slice %arg2[%dma_wait3A, %dma_wait3A_190, %dma_wait3A_191] : memref<2x320000x128xf32, #tpu.memory_space<hbm>> -> memref<1x240x128xf32, #tpu.memory_space<hbm>>
        %dma_wait3A_193 = tpu.memref_squeeze %dma_wait3A_192 : memref<1x240x128xf32, #tpu.memory_space<hbm>> -> memref<240x128xf32, #tpu.memory_space<hbm>>
        %dma_wait3A_194 = arith.constant 0 : i32
        %dma_wait3A_195 = arith.constant 0 : i32
        %dma_wait3A_196 = tpu.memref_slice %arg2[%dma_wait3A, %dma_wait3A_194, %dma_wait3A_195] : memref<2x320000x128xf32, #tpu.memory_space<hbm>> -> memref<1x240x128xf32, #tpu.memory_space<hbm>>
        %dma_wait3A_197 = tpu.memref_squeeze %dma_wait3A_196 : memref<1x240x128xf32, #tpu.memory_space<hbm>> -> memref<240x128xf32, #tpu.memory_space<hbm>>
        tpu.wait_dma2 semaphore(%arg20 : memref<!tpu.dma_semaphore, #tpu.memory_space<semaphore_mem>>) src(%dma_wait3A_197 : memref<240x128xf32, #tpu.memory_space<hbm>>) dst(%arg12 : memref<240x128xf32, #tpu.memory_space<vmem>>)
        %dma_wait3A_198 = arith.constant 0 : i32
        %dma_wait3A_199 = tpu.memref_slice %arg18[%dma_wait3A_198] : memref<256xi32, #tpu.memory_space<vmem>> -> memref<240xi32, #tpu.memory_space<vmem>>
        %dma_wait3A_200 = arith.constant 0 : i32
        %dma_wait3A_201 = tpu.memref_slice %arg3[%dma_wait3A_200] : memref<320000xi32, #tpu.memory_space<hbm>> -> memref<240xi32, #tpu.memory_space<hbm>>
        %dma_wait3A_202 = arith.constant 0 : i32
        %dma_wait3A_203 = tpu.memref_slice %arg18[%dma_wait3A_202] : memref<256xi32, #tpu.memory_space<vmem>> -> memref<240xi32, #tpu.memory_space<vmem>>
        %dma_wait3A_204 = arith.constant 0 : i32
        %dma_wait3A_205 = tpu.memref_slice %arg3[%dma_wait3A_204] : memref<320000xi32, #tpu.memory_space<hbm>> -> memref<240xi32, #tpu.memory_space<hbm>>
        tpu.wait_dma2 semaphore(%arg20 : memref<!tpu.dma_semaphore, #tpu.memory_space<semaphore_mem>>) src(%dma_wait3A_205 : memref<240xi32, #tpu.memory_space<hbm>>) dst(%dma_wait3A_203 : memref<240xi32, #tpu.memory_space<vmem>>)
        %while3A_206 = arith.constant 0 : i32
        %while3A_207 = arith.subi %max3A_179, %max3A_175 : i32
        %while3A_208 = arith.addi %max3A_175, %while3A_207 : i32
        %while3A_209 = arith.constant 1 : i32
        %while3A_210 = arith.divsi %while3A_207, %while3A_209 : i32
        %while3A_211 = arith.muli %while3A_210, %while3A_209 : i32
        %while3A_212 = arith.addi %max3A_175, %while3A_211 : i32
        %while3A_213 = arith.constant 1 : i32
        %while3A_214 = scf.for %while3A_217 = %max3A_175 to %while3A_212 step %while3A_213 iter_args(%while3A_218 = %while3A_206) -> (i32)  : i32 {
          %broadcast_in_dim3A_219 = vector.broadcast %while3A_217 : i32 to vector<16xi32>
          %gather3A = tpu.vector_load_idx %arg18[%broadcast_in_dim3A_219] : memref<256xi32, #tpu.memory_space<vmem>>[vector<16xi32>], vector<16xi32>,
          %sub3A_220 = vector.broadcast %mul3A_2 : i32 to vector<16xi32>
          %sub3A_221 = arith.subi %gather3A, %sub3A_220 : vector<16xi32>
          %get3A_222 = arith.index_cast %while3A_217 : i32 to index
          %get3A_223 = arith.constant 0 : index
          %get3A_224 = tpu.vector_load %arg12[%get3A_222, %get3A_223] {strides = array<i32>} : memref<240x128xf32, #tpu.memory_space<vmem>>, vector<16xf32>,
          %get3A_225 = arith.index_cast %while3A_217 : i32 to index
          %get3A_226 = arith.constant 16 : index
          %get3A_227 = tpu.vector_load %arg12[%get3A_225, %get3A_226] {strides = array<i32>} : memref<240x128xf32, #tpu.memory_space<vmem>>, vector<16xf32>,
          %get3A_228 = arith.index_cast %while3A_217 : i32 to index
          %get3A_229 = arith.constant 32 : index
          %get3A_230 = tpu.vector_load %arg12[%get3A_228, %get3A_229] {strides = array<i32>} : memref<240x128xf32, #tpu.memory_space<vmem>>, vector<16xf32>,
          %get3A_231 = arith.index_cast %while3A_217 : i32 to index
          %get3A_232 = arith.constant 48 : index
          %get3A_233 = tpu.vector_load %arg12[%get3A_231, %get3A_232] {strides = array<i32>} : memref<240x128xf32, #tpu.memory_space<vmem>>, vector<16xf32>,
          %get3A_234 = arith.index_cast %while3A_217 : i32 to index
          %get3A_235 = arith.constant 64 : index
          %get3A_236 = tpu.vector_load %arg12[%get3A_234, %get3A_235] {strides = array<i32>} : memref<240x128xf32, #tpu.memory_space<vmem>>, vector<16xf32>,
          %get3A_237 = arith.index_cast %while3A_217 : i32 to index
          %get3A_238 = arith.constant 80 : index
          %get3A_239 = tpu.vector_load %arg12[%get3A_237, %get3A_238] {strides = array<i32>} : memref<240x128xf32, #tpu.memory_space<vmem>>, vector<16xf32>,
          %get3A_240 = arith.index_cast %while3A_217 : i32 to index
          %get3A_241 = arith.constant 96 : index
          %get3A_242 = tpu.vector_load %arg12[%get3A_240, %get3A_241] {strides = array<i32>} : memref<240x128xf32, #tpu.memory_space<vmem>>, vector<16xf32>,
          %get3A_243 = arith.index_cast %while3A_217 : i32 to index
          %get3A_244 = arith.constant 112 : index
          %get3A_245 = tpu.vector_load %arg12[%get3A_243, %get3A_244] {strides = array<i32>} : memref<240x128xf32, #tpu.memory_space<vmem>>, vector<16xf32>,
          %add3A_246 = arith.constant 0 : i32
          %add3A_247 = vector.broadcast %add3A_246 : i32 to vector<16xi32>
          %add3A_248 = arith.addi %iota3A_110, %add3A_247 : vector<16xi32>
          tpu.vector_store_idx %arg10[%sub3A_221, %add3A_248], %get3A_224 {add = true} : memref<320x128xf32, #tpu.memory_space<vmem>>[vector<16xi32>, vector<16xi32>], vector<16xf32>,
          %add3A_249 = arith.constant 16 : i32
          %add3A_250 = vector.broadcast %add3A_249 : i32 to vector<16xi32>
          %add3A_251 = arith.addi %iota3A_110, %add3A_250 : vector<16xi32>
          tpu.vector_store_idx %arg10[%sub3A_221, %add3A_251], %get3A_227 {add = true} : memref<320x128xf32, #tpu.memory_space<vmem>>[vector<16xi32>, vector<16xi32>], vector<16xf32>,
          %add3A_252 = arith.constant 32 : i32
          %add3A_253 = vector.broadcast %add3A_252 : i32 to vector<16xi32>
          %add3A_254 = arith.addi %iota3A_110, %add3A_253 : vector<16xi32>
          tpu.vector_store_idx %arg10[%sub3A_221, %add3A_254], %get3A_230 {add = true} : memref<320x128xf32, #tpu.memory_space<vmem>>[vector<16xi32>, vector<16xi32>], vector<16xf32>,
          %add3A_255 = arith.constant 48 : i32
          %add3A_256 = vector.broadcast %add3A_255 : i32 to vector<16xi32>
          %add3A_257 = arith.addi %iota3A_110, %add3A_256 : vector<16xi32>
          tpu.vector_store_idx %arg10[%sub3A_221, %add3A_257], %get3A_233 {add = true} : memref<320x128xf32, #tpu.memory_space<vmem>>[vector<16xi32>, vector<16xi32>], vector<16xf32>,
          %add3A_258 = arith.constant 64 : i32
          %add3A_259 = vector.broadcast %add3A_258 : i32 to vector<16xi32>
          %add3A_260 = arith.addi %iota3A_110, %add3A_259 : vector<16xi32>
          tpu.vector_store_idx %arg10[%sub3A_221, %add3A_260], %get3A_236 {add = true} : memref<320x128xf32, #tpu.memory_space<vmem>>[vector<16xi32>, vector<16xi32>], vector<16xf32>,
          %add3A_261 = arith.constant 80 : i32
          %add3A_262 = vector.broadcast %add3A_261 : i32 to vector<16xi32>
          %add3A_263 = arith.addi %iota3A_110, %add3A_262 : vector<16xi32>
          tpu.vector_store_idx %arg10[%sub3A_221, %add3A_263], %get3A_239 {add = true} : memref<320x128xf32, #tpu.memory_space<vmem>>[vector<16xi32>, vector<16xi32>], vector<16xf32>,
          %add3A_264 = arith.constant 96 : i32
          %add3A_265 = vector.broadcast %add3A_264 : i32 to vector<16xi32>
          %add3A_266 = arith.addi %iota3A_110, %add3A_265 : vector<16xi32>
          tpu.vector_store_idx %arg10[%sub3A_221, %add3A_266], %get3A_242 {add = true} : memref<320x128xf32, #tpu.memory_space<vmem>>[vector<16xi32>, vector<16xi32>], vector<16xf32>,
          %add3A_267 = arith.constant 112 : i32
          %add3A_268 = vector.broadcast %add3A_267 : i32 to vector<16xi32>
          %add3A_269 = arith.addi %iota3A_110, %add3A_268 : vector<16xi32>
          tpu.vector_store_idx %arg10[%sub3A_221, %add3A_269], %get3A_245 {add = true} : memref<320x128xf32, #tpu.memory_space<vmem>>[vector<16xi32>, vector<16xi32>], vector<16xf32>,
          %while3A_270 = arith.constant 0 : i32
          scf.yield %while3A_270 : i32
        }
        %while3A_215 = arith.constant 1 : i32
        %while3A_216 = scf.for %while3A_217 = %while3A_212 to %while3A_208 step %while3A_215 iter_args(%while3A_218 = %while3A_214) -> (i32)  : i32 {
          %broadcast_in_dim3A_219 = vector.broadcast %while3A_217 : i32 to vector<16xi32>
          %gather3A = tpu.vector_load_idx %arg18[%broadcast_in_dim3A_219] : memref<256xi32, #tpu.memory_space<vmem>>[vector<16xi32>], vector<16xi32>,
          %sub3A_220 = vector.broadcast %mul3A_2 : i32 to vector<16xi32>
          %sub3A_221 = arith.subi %gather3A, %sub3A_220 : vector<16xi32>
          %get3A_222 = arith.index_cast %while3A_217 : i32 to index
          %get3A_223 = arith.constant 0 : index
          %get3A_224 = tpu.vector_load %arg12[%get3A_222, %get3A_223] {strides = array<i32>} : memref<240x128xf32, #tpu.memory_space<vmem>>, vector<16xf32>,
          %get3A_225 = arith.index_cast %while3A_217 : i32 to index
          %get3A_226 = arith.constant 16 : index
          %get3A_227 = tpu.vector_load %arg12[%get3A_225, %get3A_226] {strides = array<i32>} : memref<240x128xf32, #tpu.memory_space<vmem>>, vector<16xf32>,
          %get3A_228 = arith.index_cast %while3A_217 : i32 to index
          %get3A_229 = arith.constant 32 : index
          %get3A_230 = tpu.vector_load %arg12[%get3A_228, %get3A_229] {strides = array<i32>} : memref<240x128xf32, #tpu.memory_space<vmem>>, vector<16xf32>,
          %get3A_231 = arith.index_cast %while3A_217 : i32 to index
          %get3A_232 = arith.constant 48 : index
          %get3A_233 = tpu.vector_load %arg12[%get3A_231, %get3A_232] {strides = array<i32>} : memref<240x128xf32, #tpu.memory_space<vmem>>, vector<16xf32>,
          %get3A_234 = arith.index_cast %while3A_217 : i32 to index
          %get3A_235 = arith.constant 64 : index
          %get3A_236 = tpu.vector_load %arg12[%get3A_234, %get3A_235] {strides = array<i32>} : memref<240x128xf32, #tpu.memory_space<vmem>>, vector<16xf32>,
          %get3A_237 = arith.index_cast %while3A_217 : i32 to index
          %get3A_238 = arith.constant 80 : index
          %get3A_239 = tpu.vector_load %arg12[%get3A_237, %get3A_238] {strides = array<i32>} : memref<240x128xf32, #tpu.memory_space<vmem>>, vector<16xf32>,
          %get3A_240 = arith.index_cast %while3A_217 : i32 to index
          %get3A_241 = arith.constant 96 : index
          %get3A_242 = tpu.vector_load %arg12[%get3A_240, %get3A_241] {strides = array<i32>} : memref<240x128xf32, #tpu.memory_space<vmem>>, vector<16xf32>,
          %get3A_243 = arith.index_cast %while3A_217 : i32 to index
          %get3A_244 = arith.constant 112 : index
          %get3A_245 = tpu.vector_load %arg12[%get3A_243, %get3A_244] {strides = array<i32>} : memref<240x128xf32, #tpu.memory_space<vmem>>, vector<16xf32>,
          %add3A_246 = arith.constant 0 : i32
          %add3A_247 = vector.broadcast %add3A_246 : i32 to vector<16xi32>
          %add3A_248 = arith.addi %iota3A_110, %add3A_247 : vector<16xi32>
          tpu.vector_store_idx %arg10[%sub3A_221, %add3A_248], %get3A_224 {add = true} : memref<320x128xf32, #tpu.memory_space<vmem>>[vector<16xi32>, vector<16xi32>], vector<16xf32>,
          %add3A_249 = arith.constant 16 : i32
          %add3A_250 = vector.broadcast %add3A_249 : i32 to vector<16xi32>
          %add3A_251 = arith.addi %iota3A_110, %add3A_250 : vector<16xi32>
          tpu.vector_store_idx %arg10[%sub3A_221, %add3A_251], %get3A_227 {add = true} : memref<320x128xf32, #tpu.memory_space<vmem>>[vector<16xi32>, vector<16xi32>], vector<16xf32>,
          %add3A_252 = arith.constant 32 : i32
          %add3A_253 = vector.broadcast %add3A_252 : i32 to vector<16xi32>
          %add3A_254 = arith.addi %iota3A_110, %add3A_253 : vector<16xi32>
          tpu.vector_store_idx %arg10[%sub3A_221, %add3A_254], %get3A_230 {add = true} : memref<320x128xf32, #tpu.memory_space<vmem>>[vector<16xi32>, vector<16xi32>], vector<16xf32>,
          %add3A_255 = arith.constant 48 : i32
          %add3A_256 = vector.broadcast %add3A_255 : i32 to vector<16xi32>
          %add3A_257 = arith.addi %iota3A_110, %add3A_256 : vector<16xi32>
          tpu.vector_store_idx %arg10[%sub3A_221, %add3A_257], %get3A_233 {add = true} : memref<320x128xf32, #tpu.memory_space<vmem>>[vector<16xi32>, vector<16xi32>], vector<16xf32>,
          %add3A_258 = arith.constant 64 : i32
          %add3A_259 = vector.broadcast %add3A_258 : i32 to vector<16xi32>
          %add3A_260 = arith.addi %iota3A_110, %add3A_259 : vector<16xi32>
          tpu.vector_store_idx %arg10[%sub3A_221, %add3A_260], %get3A_236 {add = true} : memref<320x128xf32, #tpu.memory_space<vmem>>[vector<16xi32>, vector<16xi32>], vector<16xf32>,
          %add3A_261 = arith.constant 80 : i32
          %add3A_262 = vector.broadcast %add3A_261 : i32 to vector<16xi32>
          %add3A_263 = arith.addi %iota3A_110, %add3A_262 : vector<16xi32>
          tpu.vector_store_idx %arg10[%sub3A_221, %add3A_263], %get3A_239 {add = true} : memref<320x128xf32, #tpu.memory_space<vmem>>[vector<16xi32>, vector<16xi32>], vector<16xf32>,
          %add3A_264 = arith.constant 96 : i32
          %add3A_265 = vector.broadcast %add3A_264 : i32 to vector<16xi32>
          %add3A_266 = arith.addi %iota3A_110, %add3A_265 : vector<16xi32>
          tpu.vector_store_idx %arg10[%sub3A_221, %add3A_266], %get3A_242 {add = true} : memref<320x128xf32, #tpu.memory_space<vmem>>[vector<16xi32>, vector<16xi32>], vector<16xf32>,
          %add3A_267 = arith.constant 112 : i32
          %add3A_268 = vector.broadcast %add3A_267 : i32 to vector<16xi32>
          %add3A_269 = arith.addi %iota3A_110, %add3A_268 : vector<16xi32>
          tpu.vector_store_idx %arg10[%sub3A_221, %add3A_269], %get3A_245 {add = true} : memref<320x128xf32, #tpu.memory_space<vmem>>[vector<16xi32>, vector<16xi32>], vector<16xf32>,
          %while3A_270 = arith.constant 0 : i32
          scf.yield %while3A_270 : i32
        }
      } else {
      }
      %add3A_189 = arith.addi %multiple_of3A_165, %max3A_179 : i32
      scf.yield %add3A_189 : i32
    }
    "tpu.region"() ({
      %run_scoped3A_132 = tpu.sem_alloc : memref<!tpu.dma_semaphore, #tpu.memory_space<semaphore_mem>>
      %dma_start3A = arith.constant 0 : i32
      %dma_start3A_133 = tpu.memref_slice %arg8[%mul3A_2, %dma_start3A] : memref<10240x128xf32, #tpu.memory_space<hbm>> -> memref<320x128xf32, #tpu.memory_space<hbm>>
      %dma_start3A_134 = arith.constant 0 : i32
      %dma_start3A_135 = tpu.memref_slice %arg8[%mul3A_2, %dma_start3A_134] : memref<10240x128xf32, #tpu.memory_space<hbm>> -> memref<320x128xf32, #tpu.memory_space<hbm>>
      tpu.enqueue_dma source(%arg10 : memref<320x128xf32, #tpu.memory_space<vmem>>) target(%dma_start3A_135 : memref<320x128xf32, #tpu.memory_space<hbm>>) target_semaphore(%run_scoped3A_132 : memref<!tpu.dma_semaphore, #tpu.memory_space<semaphore_mem>>)
      %dma_wait3A = arith.constant 0 : i32
      %dma_wait3A_136 = tpu.memref_slice %arg8[%mul3A_2, %dma_wait3A] : memref<10240x128xf32, #tpu.memory_space<hbm>> -> memref<320x128xf32, #tpu.memory_space<hbm>>
      %dma_wait3A_137 = arith.constant 0 : i32
      %dma_wait3A_138 = tpu.memref_slice %arg8[%mul3A_2, %dma_wait3A_137] : memref<10240x128xf32, #tpu.memory_space<hbm>> -> memref<320x128xf32, #tpu.memory_space<hbm>>
      tpu.wait_dma2 semaphore(%run_scoped3A_132 : memref<!tpu.dma_semaphore, #tpu.memory_space<semaphore_mem>>) src(%arg10 : memref<320x128xf32, #tpu.memory_space<vmem>>) dst(%dma_wait3A_138 : memref<320x128xf32, #tpu.memory_space<hbm>>)
      tpu.yield
    }) : () -> ()
    "tpu.region"() ({
      %run_scoped3A_132 = tpu.sem_alloc : memref<!tpu.dma_semaphore, #tpu.memory_space<semaphore_mem>>
      tpu.enqueue_dma source(%arg6 : memref<10240xf32, #tpu.memory_space<hbm>>) target(%arg13 : memref<10240xf32, #tpu.memory_space<vmem>>) target_semaphore(%run_scoped3A_132 : memref<!tpu.dma_semaphore, #tpu.memory_space<semaphore_mem>>)
      tpu.wait_dma2 semaphore(%run_scoped3A_132 : memref<!tpu.dma_semaphore, #tpu.memory_space<semaphore_mem>>) src(%arg6 : memref<10240xf32, #tpu.memory_space<hbm>>) dst(%arg13 : memref<10240xf32, #tpu.memory_space<vmem>>)
      tpu.yield
    }) : () -> ()
    %mul3A_124 = arith.constant 10000 : i32
    %mul3A_125 = arith.muli %add3A, %mul3A_124 : i32
    %scan3A = arith.constant 0 : i32
    %scan3A_126 = arith.constant 0 : i32
    %scan3A_127 = arith.constant 5 : i32
    %scan3A_128 = arith.addi %scan3A_126, %scan3A_127 : i32
    %scan3A_129 = arith.constant 1 : i32
    %scan3A_130 = scf.for %scan3A_132 = %scan3A_126 to %scan3A_128 step %scan3A_129 iter_args(%scan3A_133 = %scan3A) -> (i32)  : i32 {
      %mul3A_134 = arith.constant 2000 : i32
      %mul3A_135 = arith.muli %scan3A_132, %mul3A_134 : i32
      %add3A_136 = arith.addi %mul3A_125, %mul3A_135 : i32
      "tpu.region"() ({
        %run_scoped3A_145 = tpu.sem_alloc : memref<!tpu.dma_semaphore, #tpu.memory_space<semaphore_mem>>
        %dma_start3A = tpu.memref_slice %arg4[%add3A_136] : memref<320000xi32, #tpu.memory_space<hbm>> -> memref<2000xi32, #tpu.memory_space<hbm>>
        %dma_start3A_146 = tpu.memref_slice %arg4[%add3A_136] : memref<320000xi32, #tpu.memory_space<hbm>> -> memref<2000xi32, #tpu.memory_space<hbm>>
        tpu.enqueue_dma source(%dma_start3A_146 : memref<2000xi32, #tpu.memory_space<hbm>>) target(%arg14 : memref<2000xi32, #tpu.memory_space<vmem>>) target_semaphore(%run_scoped3A_145 : memref<!tpu.dma_semaphore, #tpu.memory_space<semaphore_mem>>)
        %dma_wait3A = tpu.memref_slice %arg4[%add3A_136] : memref<320000xi32, #tpu.memory_space<hbm>> -> memref<2000xi32, #tpu.memory_space<hbm>>
        %dma_wait3A_147 = tpu.memref_slice %arg4[%add3A_136] : memref<320000xi32, #tpu.memory_space<hbm>> -> memref<2000xi32, #tpu.memory_space<hbm>>
        tpu.wait_dma2 semaphore(%run_scoped3A_145 : memref<!tpu.dma_semaphore, #tpu.memory_space<semaphore_mem>>) src(%dma_wait3A_147 : memref<2000xi32, #tpu.memory_space<hbm>>) dst(%arg14 : memref<2000xi32, #tpu.memory_space<vmem>>)
        tpu.yield
      }) : () -> ()
      "tpu.region"() ({
        %run_scoped3A_145 = tpu.sem_alloc : memref<!tpu.dma_semaphore, #tpu.memory_space<semaphore_mem>>
        %dma_start3A = tpu.memref_slice %arg5[%add3A_136] : memref<320000xf32, #tpu.memory_space<hbm>> -> memref<2000xf32, #tpu.memory_space<hbm>>
        %dma_start3A_146 = tpu.memref_slice %arg5[%add3A_136] : memref<320000xf32, #tpu.memory_space<hbm>> -> memref<2000xf32, #tpu.memory_space<hbm>>
        tpu.enqueue_dma source(%dma_start3A_146 : memref<2000xf32, #tpu.memory_space<hbm>>) target(%arg15 : memref<2000xf32, #tpu.memory_space<vmem>>) target_semaphore(%run_scoped3A_145 : memref<!tpu.dma_semaphore, #tpu.memory_space<semaphore_mem>>)
        %dma_wait3A = tpu.memref_slice %arg5[%add3A_136] : memref<320000xf32, #tpu.memory_space<hbm>> -> memref<2000xf32, #tpu.memory_space<hbm>>
        %dma_wait3A_147 = tpu.memref_slice %arg5[%add3A_136] : memref<320000xf32, #tpu.memory_space<hbm>> -> memref<2000xf32, #tpu.memory_space<hbm>>
        tpu.wait_dma2 semaphore(%run_scoped3A_145 : memref<!tpu.dma_semaphore, #tpu.memory_space<semaphore_mem>>) src(%dma_wait3A_147 : memref<2000xf32, #tpu.memory_space<hbm>>) dst(%arg15 : memref<2000xf32, #tpu.memory_space<vmem>>)
        tpu.yield
      }) : () -> ()
      %scan3A_137 = arith.constant 0 : i32
      %scan3A_138 = arith.constant 0 : i32
      %scan3A_139 = arith.constant 25 : i32
      %scan3A_140 = arith.addi %scan3A_138, %scan3A_139 : i32
      %scan3A_141 = arith.constant 1 : i32
      %scan3A_142 = scf.for %scan3A_145 = %scan3A_138 to %scan3A_140 step %scan3A_141 iter_args(%scan3A_146 = %scan3A_137) -> (i32)  : i32 {
        %mul3A_147 = arith.constant 80 : i32
        %mul3A_148 = arith.muli %scan3A_145, %mul3A_147 : i32
        %add3A_149 = arith.constant 0 : i32
        %add3A_150 = arith.addi %mul3A_148, %add3A_149 : i32
        %get3A_151 = arith.index_cast %add3A_150 : i32 to index
        %get3A_152 = tpu.vector_load %arg14[%get3A_151] {strides = array<i32>} : memref<2000xi32, #tpu.memory_space<vmem>>, vector<16xi32>,
        %get3A_153 = arith.index_cast %add3A_150 : i32 to index
        %get3A_154 = tpu.vector_load %arg15[%get3A_153] {strides = array<i32>} : memref<2000xf32, #tpu.memory_space<vmem>>, vector<16xf32>,
        %mul3A_155 = arith.constant 80 : i32
        %mul3A_156 = arith.muli %scan3A_145, %mul3A_155 : i32
        %add3A_157 = arith.constant 16 : i32
        %add3A_158 = arith.addi %mul3A_156, %add3A_157 : i32
        %get3A_159 = arith.index_cast %add3A_158 : i32 to index
        %get3A_160 = tpu.vector_load %arg14[%get3A_159] {strides = array<i32>} : memref<2000xi32, #tpu.memory_space<vmem>>, vector<16xi32>,
        %get3A_161 = arith.index_cast %add3A_158 : i32 to index
        %get3A_162 = tpu.vector_load %arg15[%get3A_161] {strides = array<i32>} : memref<2000xf32, #tpu.memory_space<vmem>>, vector<16xf32>,
        %mul3A_163 = arith.constant 80 : i32
        %mul3A_164 = arith.muli %scan3A_145, %mul3A_163 : i32
        %add3A_165 = arith.constant 32 : i32
        %add3A_166 = arith.addi %mul3A_164, %add3A_165 : i32
        %get3A_167 = arith.index_cast %add3A_166 : i32 to index
        %get3A_168 = tpu.vector_load %arg14[%get3A_167] {strides = array<i32>} : memref<2000xi32, #tpu.memory_space<vmem>>, vector<16xi32>,
        %get3A_169 = arith.index_cast %add3A_166 : i32 to index
        %get3A_170 = tpu.vector_load %arg15[%get3A_169] {strides = array<i32>} : memref<2000xf32, #tpu.memory_space<vmem>>, vector<16xf32>,
        %mul3A_171 = arith.constant 80 : i32
        %mul3A_172 = arith.muli %scan3A_145, %mul3A_171 : i32
        %add3A_173 = arith.constant 48 : i32
        %add3A_174 = arith.addi %mul3A_172, %add3A_173 : i32
        %get3A_175 = arith.index_cast %add3A_174 : i32 to index
        %get3A_176 = tpu.vector_load %arg14[%get3A_175] {strides = array<i32>} : memref<2000xi32, #tpu.memory_space<vmem>>, vector<16xi32>,
        %get3A_177 = arith.index_cast %add3A_174 : i32 to index
        %get3A_178 = tpu.vector_load %arg15[%get3A_177] {strides = array<i32>} : memref<2000xf32, #tpu.memory_space<vmem>>, vector<16xf32>,
        %mul3A_179 = arith.constant 80 : i32
        %mul3A_180 = arith.muli %scan3A_145, %mul3A_179 : i32
        %add3A_181 = arith.constant 64 : i32
        %add3A_182 = arith.addi %mul3A_180, %add3A_181 : i32
        %get3A_183 = arith.index_cast %add3A_182 : i32 to index
        %get3A_184 = tpu.vector_load %arg14[%get3A_183] {strides = array<i32>} : memref<2000xi32, #tpu.memory_space<vmem>>, vector<16xi32>,
        %get3A_185 = arith.index_cast %add3A_182 : i32 to index
        %get3A_186 = tpu.vector_load %arg15[%get3A_185] {strides = array<i32>} : memref<2000xf32, #tpu.memory_space<vmem>>, vector<16xf32>,
        tpu.vector_store_idx %arg13[%get3A_152], %get3A_154 {add = true} : memref<10240xf32, #tpu.memory_space<vmem>>[vector<16xi32>], vector<16xf32>,
        tpu.vector_store_idx %arg13[%get3A_160], %get3A_162 {add = true} : memref<10240xf32, #tpu.memory_space<vmem>>[vector<16xi32>], vector<16xf32>,
        tpu.vector_store_idx %arg13[%get3A_168], %get3A_170 {add = true} : memref<10240xf32, #tpu.memory_space<vmem>>[vector<16xi32>], vector<16xf32>,
        tpu.vector_store_idx %arg13[%get3A_176], %get3A_178 {add = true} : memref<10240xf32, #tpu.memory_space<vmem>>[vector<16xi32>], vector<16xf32>,
        tpu.vector_store_idx %arg13[%get3A_184], %get3A_186 {add = true} : memref<10240xf32, #tpu.memory_space<vmem>>[vector<16xi32>], vector<16xf32>,
        %scan3A_187 = arith.constant 0 : i32
        scf.yield %scan3A_187 : i32
      }
      %scan3A_143 = arith.constant 25 : i32
      %scan3A_144 = arith.constant 0 : i32
      scf.yield %scan3A_144 : i32
    }
    %scan3A_131 = arith.constant 5 : i32
    %run_scoped3A = arith.constant 0 : i32
    "tpu.region"() ({
      %run_scoped3A_132 = tpu.sem_alloc : memref<!tpu.dma_semaphore, #tpu.memory_space<semaphore_mem>>
      %dma_start3A = arith.constant 0 : i32
      %dma_start3A_133 = tpu.memref_slice %arg9[%add3A, %run_scoped3A, %dma_start3A] : memref<32x8x10240xf32, #tpu.memory_space<hbm>> -> memref<1x1x10240xf32, #tpu.memory_space<hbm>>
      %dma_start3A_134 = tpu.memref_squeeze %dma_start3A_133 : memref<1x1x10240xf32, #tpu.memory_space<hbm>> -> memref<10240xf32, #tpu.memory_space<hbm>>
      %dma_start3A_135 = arith.constant 0 : i32
      %dma_start3A_136 = tpu.memref_slice %arg9[%add3A, %run_scoped3A, %dma_start3A_135] : memref<32x8x10240xf32, #tpu.memory_space<hbm>> -> memref<1x1x10240xf32, #tpu.memory_space<hbm>>
      %dma_start3A_137 = tpu.memref_squeeze %dma_start3A_136 : memref<1x1x10240xf32, #tpu.memory_space<hbm>> -> memref<10240xf32, #tpu.memory_space<hbm>>
      tpu.enqueue_dma source(%arg13 : memref<10240xf32, #tpu.memory_space<vmem>>) target(%dma_start3A_137 : memref<10240xf32, #tpu.memory_space<hbm>>) target_semaphore(%run_scoped3A_132 : memref<!tpu.dma_semaphore, #tpu.memory_space<semaphore_mem>>)
      %dma_wait3A = arith.constant 0 : i32
      %dma_wait3A_138 = tpu.memref_slice %arg9[%add3A, %run_scoped3A, %dma_wait3A] : memref<32x8x10240xf32, #tpu.memory_space<hbm>> -> memref<1x1x10240xf32, #tpu.memory_space<hbm>>
      %dma_wait3A_139 = tpu.memref_squeeze %dma_wait3A_138 : memref<1x1x10240xf32, #tpu.memory_space<hbm>> -> memref<10240xf32, #tpu.memory_space<hbm>>
      %dma_wait3A_140 = arith.constant 0 : i32
      %dma_wait3A_141 = tpu.memref_slice %arg9[%add3A, %run_scoped3A, %dma_wait3A_140] : memref<32x8x10240xf32, #tpu.memory_space<hbm>> -> memref<1x1x10240xf32, #tpu.memory_space<hbm>>
      %dma_wait3A_142 = tpu.memref_squeeze %dma_wait3A_141 : memref<1x1x10240xf32, #tpu.memory_space<hbm>> -> memref<10240xf32, #tpu.memory_space<hbm>>
      tpu.wait_dma2 semaphore(%run_scoped3A_132 : memref<!tpu.dma_semaphore, #tpu.memory_space<semaphore_mem>>) src(%arg13 : memref<10240xf32, #tpu.memory_space<vmem>>) dst(%dma_wait3A_142 : memref<10240xf32, #tpu.memory_space<hbm>>)
      tpu.yield
    }) : () -> ()
    return
  }
}

module attributes {stable_mosaic.version = 14 : i64} {
  func.func @_tc_edge_mlp_body(%arg0: memref<20000x128xf32, #tpu.memory_space<vmem>>, %arg1: memref<128x128xf32, #tpu.memory_space<vmem>>, %arg2: memref<1x128xf32, #tpu.memory_space<vmem>>, %arg3: memref<128x16xf32, #tpu.memory_space<vmem>>, %arg4: memref<1x1xf32, #tpu.memory_space<vmem>>, %arg5: memref<20000x16xf32, #tpu.memory_space<vmem>>) attributes {dimension_semantics = [], scalar_prefetch = 0 : i64, scratch_operands = 0 : i64, tpu.core_type = #tpu.core_type<tc>} {
    %get3A = arith.constant 0 : index
    %get3A_0 = arith.constant 0 : index
    %get3A_1 = vector.load %arg0[%get3A, %get3A_0] : memref<20000x128xf32, #tpu.memory_space<vmem>>, vector<20000x128xf32>
    %get3A_2 = arith.constant 0 : index
    %get3A_3 = arith.constant 0 : index
    %get3A_4 = vector.load %arg1[%get3A_2, %get3A_3] : memref<128x128xf32, #tpu.memory_space<vmem>>, vector<128x128xf32>
    %dot_general3A = arith.constant dense<0.000000e+00> : vector<20000x128xf32>
    %dot_general3A_5 = tpu.matmul %get3A_1, %get3A_4, %dot_general3A {dimension_numbers = #tpu.dot_dimension_numbers<[1], [0], [0], [1], [0, 0, 1, 1], [], []>, transpose_lhs_hint = false} : vector<20000x128xf32>, vector<128x128xf32>, vector<20000x128xf32> -> vector<20000x128xf32>
    %get3A_6 = arith.constant 0 : index
    %get3A_7 = arith.constant 0 : index
    %get3A_8 = vector.load %arg2[%get3A_6, %get3A_7] : memref<1x128xf32, #tpu.memory_space<vmem>>, vector<1x128xf32>
    %add3A = vector.broadcast %get3A_8 : vector<1x128xf32> to vector<20000x128xf32>
    %add3A_9 = arith.addf %dot_general3A_5, %add3A : vector<20000x128xf32>
    %max3A = arith.constant 0.000000e+00 : f32
    %max3A_10 = vector.broadcast %max3A : f32 to vector<20000x128xf32>
    %max3A_11 = arith.maximumf %add3A_9, %max3A_10 : vector<20000x128xf32>
    %get3A_12 = arith.constant 0 : index
    %get3A_13 = arith.constant 0 : index
    %get3A_14 = vector.load %arg3[%get3A_12, %get3A_13] : memref<128x16xf32, #tpu.memory_space<vmem>>, vector<128x16xf32>
    %dot_general3A_15 = arith.constant dense<0.000000e+00> : vector<20000x16xf32>
    %dot_general3A_16 = tpu.matmul %max3A_11, %get3A_14, %dot_general3A_15 {dimension_numbers = #tpu.dot_dimension_numbers<[1], [0], [0], [1], [0, 0, 1, 1], [], []>, transpose_lhs_hint = false} : vector<20000x128xf32>, vector<128x16xf32>, vector<20000x16xf32> -> vector<20000x16xf32>
    %get3A_17 = arith.constant 0 : index
    %get3A_18 = arith.constant 0 : index
    %get3A_19 = vector.load %arg4[%get3A_17, %get3A_18] : memref<1x1xf32, #tpu.memory_space<vmem>>, vector<1x1xf32>
    %add3A_20 = vector.broadcast %get3A_19 : vector<1x1xf32> to vector<20000x16xf32>
    %add3A_21 = arith.addf %dot_general3A_16, %add3A_20 : vector<20000x16xf32>
    %logistic3A = arith.negf %add3A_21 : vector<20000x16xf32>
    %logistic3A_22 = math.exp %logistic3A : vector<20000x16xf32>
    %logistic3A_23 = arith.constant 1.000000e+00 : f32
    %logistic3A_24 = vector.broadcast %logistic3A_23 : f32 to vector<20000x16xf32>
    %logistic3A_25 = arith.addf %logistic3A_24, %logistic3A_22 : vector<20000x16xf32>
    %logistic3A_26 = arith.divf %logistic3A_24, %logistic3A_25 : vector<20000x16xf32>
    %swap3A = arith.constant 0 : index
    %swap3A_27 = arith.constant 0 : index
    %swap3A_28 = vector.load %arg5[%swap3A, %swap3A_27] : memref<20000x16xf32, #tpu.memory_space<vmem>>, vector<20000x16xf32>
    tpu.vector_store %arg5[%swap3A, %swap3A_27], %logistic3A_26 {strides = array<i32>} : memref<20000x16xf32, #tpu.memory_space<vmem>>, vector<20000x16xf32>,
    return
  }
}

module attributes {stable_mosaic.version = 14 : i64} {
  func.func @_tc_pre_body(%arg0: memref<10240x128xf32, #tpu.memory_space<vmem>>, %arg1: memref<32x8x10240xf32, #tpu.memory_space<vmem>>, %arg2: memref<10240x7xf32, #tpu.memory_space<vmem>>, %arg3: memref<128x128xf32, #tpu.memory_space<vmem>>, %arg4: memref<128x7xf32, #tpu.memory_space<vmem>>, %arg5: memref<1x128xf32, #tpu.memory_space<vmem>>, %arg6: memref<128x128xf32, #tpu.memory_space<vmem>>, %arg7: memref<32x4x10240xf32, #tpu.memory_space<vmem>>, %arg8: memref<1x10240xf32, #tpu.memory_space<vmem>>) attributes {dimension_semantics = [], scalar_prefetch = 0 : i64, scratch_operands = 0 : i64, tpu.core_type = #tpu.core_type<tc>} {
    %get3A = arith.constant 0 : index
    %get3A_0 = arith.constant 0 : index
    %get3A_1 = vector.load %arg0[%get3A, %get3A_0] : memref<10240x128xf32, #tpu.memory_space<vmem>>, vector<10240x128xf32>
    %get3A_2 = arith.constant 0 : index
    %get3A_3 = arith.constant 0 : index
    %get3A_4 = vector.load %arg3[%get3A_2, %get3A_3] : memref<128x128xf32, #tpu.memory_space<vmem>>, vector<128x128xf32>
    %dot_general3A = arith.constant dense<0.000000e+00> : vector<10240x128xf32>
    %dot_general3A_5 = tpu.matmul %get3A_1, %get3A_4, %dot_general3A {dimension_numbers = #tpu.dot_dimension_numbers<[1], [1], [0], [0], [0, 0, 1, 0], [], []>, transpose_lhs_hint = false} : vector<10240x128xf32>, vector<128x128xf32>, vector<10240x128xf32> -> vector<10240x128xf32>
    %get3A_6 = arith.constant 0 : index
    %get3A_7 = arith.constant 0 : index
    %get3A_8 = vector.load %arg2[%get3A_6, %get3A_7] : memref<10240x7xf32, #tpu.memory_space<vmem>>, vector<10240x7xf32>
    %get3A_9 = arith.constant 0 : index
    %get3A_10 = arith.constant 0 : index
    %get3A_11 = vector.load %arg4[%get3A_9, %get3A_10] : memref<128x7xf32, #tpu.memory_space<vmem>>, vector<128x7xf32>
    %dot_general3A_12 = arith.constant dense<0.000000e+00> : vector<10240x128xf32>
    %dot_general3A_13 = tpu.matmul %get3A_8, %get3A_11, %dot_general3A_12 {dimension_numbers = #tpu.dot_dimension_numbers<[1], [1], [0], [0], [0, 0, 1, 0], [], []>, transpose_lhs_hint = false} : vector<10240x7xf32>, vector<128x7xf32>, vector<10240x128xf32> -> vector<10240x128xf32>
    %add3A = arith.addf %dot_general3A_5, %dot_general3A_13 : vector<10240x128xf32>
    %get3A_14 = arith.constant 0 : index
    %get3A_15 = arith.constant 0 : index
    %get3A_16 = vector.load %arg5[%get3A_14, %get3A_15] : memref<1x128xf32, #tpu.memory_space<vmem>>, vector<1x128xf32>
    %add3A_17 = vector.broadcast %get3A_16 : vector<1x128xf32> to vector<10240x128xf32>
    %add3A_18 = arith.addf %add3A, %add3A_17 : vector<10240x128xf32>
    %get3A_19 = arith.constant 0 : index
    %get3A_20 = arith.constant 0 : index
    %get3A_21 = arith.constant 0 : index
    %get3A_22 = vector.load %arg1[%get3A_19, %get3A_20, %get3A_21] : memref<32x8x10240xf32, #tpu.memory_space<vmem>>, vector<32x1x10240xf32>
    %get3A_23 = vector.shape_cast %get3A_22 : vector<32x1x10240xf32> to vector<32x10240xf32>
    %reduce_sum3A = arith.constant dense<0.000000e+00> : vector<10240xf32>
    %reduce_sum3A_24 = vector.multi_reduction <add>, %get3A_23, %reduce_sum3A [0] : vector<32x10240xf32> to vector<10240xf32>
    %gt3A = arith.constant 0.000000e+00 : f32
    %gt3A_25 = vector.broadcast %gt3A : f32 to vector<10240xf32>
    %gt3A_26 = arith.cmpf ogt, %reduce_sum3A_24, %gt3A_25 : vector<10240xf32>
    %max3A = arith.constant 1.000000e-30 : f32
    %max3A_27 = vector.broadcast %max3A : f32 to vector<10240xf32>
    %max3A_28 = arith.maximumf %reduce_sum3A_24, %max3A_27 : vector<10240xf32>
    %rsqrt3A = math.rsqrt %max3A_28 : vector<10240xf32>
    %jit3A = arith.constant 0.000000e+00 : f32
    %broadcast_in_dim3A = vector.broadcast %jit3A : f32 to vector<10240xf32>
    %select_n3A = arith.select %gt3A_26, %rsqrt3A, %broadcast_in_dim3A : vector<10240xi1>, vector<10240xf32>
    %get3A_29 = arith.constant 0 : index
    %get3A_30 = arith.constant 0 : index
    %get3A_31 = vector.load %arg6[%get3A_29, %get3A_30] : memref<128x128xf32, #tpu.memory_space<vmem>>, vector<128x128xf32>
    %dot_general3A_32 = arith.constant dense<0.000000e+00> : vector<128x10240xf32>
    %dot_general3A_33 = tpu.matmul %get3A_31, %add3A_18, %dot_general3A_32 {dimension_numbers = #tpu.dot_dimension_numbers<[1], [1], [0], [0], [0, 0, 1, 0], [], []>, transpose_lhs_hint = false} : vector<128x128xf32>, vector<10240x128xf32>, vector<128x10240xf32> -> vector<128x10240xf32>
    %broadcast_in_dim3A_34 = vector.shape_cast %select_n3A : vector<10240xf32> to vector<1x10240xf32>
    %mul3A = vector.broadcast %broadcast_in_dim3A_34 : vector<1x10240xf32> to vector<128x10240xf32>
    %mul3A_35 = arith.mulf %dot_general3A_33, %mul3A : vector<128x10240xf32>
    %reshape3A = vector.shape_cast %mul3A_35 : vector<128x10240xf32> to vector<32x4x10240xf32>
    %swap3A = arith.constant 0 : index
    %swap3A_36 = arith.constant 0 : index
    %swap3A_37 = arith.constant 0 : index
    %swap3A_38 = vector.load %arg7[%swap3A, %swap3A_36, %swap3A_37] : memref<32x4x10240xf32, #tpu.memory_space<vmem>>, vector<32x4x10240xf32>
    tpu.vector_store %arg7[%swap3A, %swap3A_36, %swap3A_37], %reshape3A {strides = array<i32>} : memref<32x4x10240xf32, #tpu.memory_space<vmem>>, vector<32x4x10240xf32>,
    %broadcast_in_dim3A_39 = vector.shape_cast %select_n3A : vector<10240xf32> to vector<1x10240xf32>
    %swap3A_40 = arith.constant 0 : index
    %swap3A_41 = arith.constant 0 : index
    %swap3A_42 = vector.load %arg8[%swap3A_40, %swap3A_41] : memref<1x10240xf32, #tpu.memory_space<vmem>>, vector<1x10240xf32>
    tpu.vector_store %arg8[%swap3A_40, %swap3A_41], %broadcast_in_dim3A_39 {strides = array<i32>} : memref<1x10240xf32, #tpu.memory_space<vmem>>, vector<1x10240xf32>,
    return
  }
}

module attributes {stable_mosaic.version = 14 : i64} {
  func.func @_tc_mid_body(%arg0: memref<32x4x10240xf32, #tpu.memory_space<vmem>>, %arg1: memref<1x10240xf32, #tpu.memory_space<vmem>>, %arg2: memref<128x1xf32, #tpu.memory_space<vmem>>, %arg3: memref<128x128xf32, #tpu.memory_space<vmem>>, %arg4: memref<32x4x10240xf32, #tpu.memory_space<vmem>>) attributes {dimension_semantics = [], scalar_prefetch = 0 : i64, scratch_operands = 0 : i64, tpu.core_type = #tpu.core_type<tc>} {
    %get3A = arith.constant 0 : index
    %get3A_0 = arith.constant 0 : index
    %get3A_1 = arith.constant 0 : index
    %get3A_2 = vector.load %arg0[%get3A, %get3A_0, %get3A_1] : memref<32x4x10240xf32, #tpu.memory_space<vmem>>, vector<32x4x10240xf32>
    %reshape3A = vector.shape_cast %get3A_2 : vector<32x4x10240xf32> to vector<128x10240xf32>
    %get3A_3 = arith.constant 0 : index
    %get3A_4 = arith.constant 0 : index
    %get3A_5 = vector.load %arg1[%get3A_3, %get3A_4] : memref<1x10240xf32, #tpu.memory_space<vmem>>, vector<1x10240xf32>
    %mul3A = vector.broadcast %get3A_5 : vector<1x10240xf32> to vector<128x10240xf32>
    %mul3A_6 = arith.mulf %reshape3A, %mul3A : vector<128x10240xf32>
    %get3A_7 = arith.constant 0 : index
    %get3A_8 = arith.constant 0 : index
    %get3A_9 = vector.load %arg2[%get3A_7, %get3A_8] : memref<128x1xf32, #tpu.memory_space<vmem>>, vector<128x1xf32>
    %add3A = vector.broadcast %get3A_9 : vector<128x1xf32> to vector<128x10240xf32>
    %add3A_10 = arith.addf %mul3A_6, %add3A : vector<128x10240xf32>
    %get3A_11 = arith.constant 0 : index
    %get3A_12 = arith.constant 0 : index
    %get3A_13 = vector.load %arg3[%get3A_11, %get3A_12] : memref<128x128xf32, #tpu.memory_space<vmem>>, vector<128x128xf32>
    %dot_general3A = arith.constant dense<0.000000e+00> : vector<128x10240xf32>
    %dot_general3A_14 = tpu.matmul %get3A_13, %add3A_10, %dot_general3A {dimension_numbers = #tpu.dot_dimension_numbers<[1], [0], [0], [1], [0, 0, 1, 1], [], []>, transpose_lhs_hint = false} : vector<128x128xf32>, vector<128x10240xf32>, vector<128x10240xf32> -> vector<128x10240xf32>
    %get3A_15 = arith.constant 0 : index
    %get3A_16 = arith.constant 0 : index
    %get3A_17 = vector.load %arg1[%get3A_15, %get3A_16] : memref<1x10240xf32, #tpu.memory_space<vmem>>, vector<1x10240xf32>
    %mul3A_18 = vector.broadcast %get3A_17 : vector<1x10240xf32> to vector<128x10240xf32>
    %mul3A_19 = arith.mulf %dot_general3A_14, %mul3A_18 : vector<128x10240xf32>
    %reshape3A_20 = vector.shape_cast %mul3A_19 : vector<128x10240xf32> to vector<32x4x10240xf32>
    %swap3A = arith.constant 0 : index
    %swap3A_21 = arith.constant 0 : index
    %swap3A_22 = arith.constant 0 : index
    %swap3A_23 = vector.load %arg4[%swap3A, %swap3A_21, %swap3A_22] : memref<32x4x10240xf32, #tpu.memory_space<vmem>>, vector<32x4x10240xf32>
    tpu.vector_store %arg4[%swap3A, %swap3A_21, %swap3A_22], %reshape3A_20 {strides = array<i32>} : memref<32x4x10240xf32, #tpu.memory_space<vmem>>, vector<32x4x10240xf32>,
    return
  }
}

module attributes {stable_mosaic.version = 14 : i64} {
  func.func @_tc_head_body(%arg0: memref<32x4x10240xf32, #tpu.memory_space<vmem>>, %arg1: memref<1x10240xf32, #tpu.memory_space<vmem>>, %arg2: memref<128x1xf32, #tpu.memory_space<vmem>>, %arg3: memref<256x128xf32, #tpu.memory_space<vmem>>, %arg4: memref<256x1xf32, #tpu.memory_space<vmem>>, %arg5: memref<256x256xf32, #tpu.memory_space<vmem>>, %arg6: memref<256x1xf32, #tpu.memory_space<vmem>>, %arg7: memref<256x256xf32, #tpu.memory_space<vmem>>, %arg8: memref<256x1xf32, #tpu.memory_space<vmem>>, %arg9: memref<256x256xf32, #tpu.memory_space<vmem>>, %arg10: memref<256x1xf32, #tpu.memory_space<vmem>>, %arg11: memref<1x256xf32, #tpu.memory_space<vmem>>, %arg12: memref<1x10240xf32, #tpu.memory_space<vmem>>) attributes {dimension_semantics = [], scalar_prefetch = 0 : i64, scratch_operands = 0 : i64, tpu.core_type = #tpu.core_type<tc>} {
    %get3A = arith.constant 0 : index
    %get3A_0 = arith.constant 0 : index
    %get3A_1 = arith.constant 0 : index
    %get3A_2 = vector.load %arg0[%get3A, %get3A_0, %get3A_1] : memref<32x4x10240xf32, #tpu.memory_space<vmem>>, vector<32x4x10240xf32>
    %reshape3A = vector.shape_cast %get3A_2 : vector<32x4x10240xf32> to vector<128x10240xf32>
    %get3A_3 = arith.constant 0 : index
    %get3A_4 = arith.constant 0 : index
    %get3A_5 = vector.load %arg1[%get3A_3, %get3A_4] : memref<1x10240xf32, #tpu.memory_space<vmem>>, vector<1x10240xf32>
    %mul3A = vector.broadcast %get3A_5 : vector<1x10240xf32> to vector<128x10240xf32>
    %mul3A_6 = arith.mulf %reshape3A, %mul3A : vector<128x10240xf32>
    %get3A_7 = arith.constant 0 : index
    %get3A_8 = arith.constant 0 : index
    %get3A_9 = vector.load %arg2[%get3A_7, %get3A_8] : memref<128x1xf32, #tpu.memory_space<vmem>>, vector<128x1xf32>
    %add3A = vector.broadcast %get3A_9 : vector<128x1xf32> to vector<128x10240xf32>
    %add3A_10 = arith.addf %mul3A_6, %add3A : vector<128x10240xf32>
    %max3A = arith.constant 0.000000e+00 : f32
    %max3A_11 = vector.broadcast %max3A : f32 to vector<128x10240xf32>
    %max3A_12 = arith.maximumf %add3A_10, %max3A_11 : vector<128x10240xf32>
    %get3A_13 = arith.constant 0 : index
    %get3A_14 = arith.constant 0 : index
    %get3A_15 = vector.load %arg3[%get3A_13, %get3A_14] : memref<256x128xf32, #tpu.memory_space<vmem>>, vector<256x128xf32>
    %dot_general3A = arith.constant dense<0.000000e+00> : vector<256x10240xf32>
    %dot_general3A_16 = tpu.matmul %get3A_15, %max3A_12, %dot_general3A {dimension_numbers = #tpu.dot_dimension_numbers<[1], [0], [0], [1], [0, 0, 1, 1], [], []>, transpose_lhs_hint = false} : vector<256x128xf32>, vector<128x10240xf32>, vector<256x10240xf32> -> vector<256x10240xf32>
    %get3A_17 = arith.constant 0 : index
    %get3A_18 = arith.constant 0 : index
    %get3A_19 = vector.load %arg4[%get3A_17, %get3A_18] : memref<256x1xf32, #tpu.memory_space<vmem>>, vector<256x1xf32>
    %add3A_20 = vector.broadcast %get3A_19 : vector<256x1xf32> to vector<256x10240xf32>
    %add3A_21 = arith.addf %dot_general3A_16, %add3A_20 : vector<256x10240xf32>
    %get3A_22 = arith.constant 0 : index
    %get3A_23 = arith.constant 0 : index
    %get3A_24 = vector.load %arg5[%get3A_22, %get3A_23] : memref<256x256xf32, #tpu.memory_space<vmem>>, vector<256x256xf32>
    %dot_general3A_25 = arith.constant dense<0.000000e+00> : vector<256x10240xf32>
    %dot_general3A_26 = tpu.matmul %get3A_24, %add3A_21, %dot_general3A_25 {dimension_numbers = #tpu.dot_dimension_numbers<[1], [0], [0], [1], [0, 0, 1, 1], [], []>, transpose_lhs_hint = false} : vector<256x256xf32>, vector<256x10240xf32>, vector<256x10240xf32> -> vector<256x10240xf32>
    %get3A_27 = arith.constant 0 : index
    %get3A_28 = arith.constant 0 : index
    %get3A_29 = vector.load %arg6[%get3A_27, %get3A_28] : memref<256x1xf32, #tpu.memory_space<vmem>>, vector<256x1xf32>
    %add3A_30 = vector.broadcast %get3A_29 : vector<256x1xf32> to vector<256x10240xf32>
    %add3A_31 = arith.addf %dot_general3A_26, %add3A_30 : vector<256x10240xf32>
    %max3A_32 = arith.constant 0.000000e+00 : f32
    %max3A_33 = vector.broadcast %max3A_32 : f32 to vector<256x10240xf32>
    %max3A_34 = arith.maximumf %add3A_31, %max3A_33 : vector<256x10240xf32>
    %get3A_35 = arith.constant 0 : index
    %get3A_36 = arith.constant 0 : index
    %get3A_37 = vector.load %arg7[%get3A_35, %get3A_36] : memref<256x256xf32, #tpu.memory_space<vmem>>, vector<256x256xf32>
    %dot_general3A_38 = arith.constant dense<0.000000e+00> : vector<256x10240xf32>
    %dot_general3A_39 = tpu.matmul %get3A_37, %max3A_34, %dot_general3A_38 {dimension_numbers = #tpu.dot_dimension_numbers<[1], [0], [0], [1], [0, 0, 1, 1], [], []>, transpose_lhs_hint = false} : vector<256x256xf32>, vector<256x10240xf32>, vector<256x10240xf32> -> vector<256x10240xf32>
    %get3A_40 = arith.constant 0 : index
    %get3A_41 = arith.constant 0 : index
    %get3A_42 = vector.load %arg8[%get3A_40, %get3A_41] : memref<256x1xf32, #tpu.memory_space<vmem>>, vector<256x1xf32>
    %add3A_43 = vector.broadcast %get3A_42 : vector<256x1xf32> to vector<256x10240xf32>
    %add3A_44 = arith.addf %dot_general3A_39, %add3A_43 : vector<256x10240xf32>
    %max3A_45 = arith.constant 0.000000e+00 : f32
    %max3A_46 = vector.broadcast %max3A_45 : f32 to vector<256x10240xf32>
    %max3A_47 = arith.maximumf %add3A_44, %max3A_46 : vector<256x10240xf32>
    %get3A_48 = arith.constant 0 : index
    %get3A_49 = arith.constant 0 : index
    %get3A_50 = vector.load %arg9[%get3A_48, %get3A_49] : memref<256x256xf32, #tpu.memory_space<vmem>>, vector<256x256xf32>
    %dot_general3A_51 = arith.constant dense<0.000000e+00> : vector<256x10240xf32>
    %dot_general3A_52 = tpu.matmul %get3A_50, %max3A_47, %dot_general3A_51 {dimension_numbers = #tpu.dot_dimension_numbers<[1], [0], [0], [1], [0, 0, 1, 1], [], []>, transpose_lhs_hint = false} : vector<256x256xf32>, vector<256x10240xf32>, vector<256x10240xf32> -> vector<256x10240xf32>
    %get3A_53 = arith.constant 0 : index
    %get3A_54 = arith.constant 0 : index
    %get3A_55 = vector.load %arg10[%get3A_53, %get3A_54] : memref<256x1xf32, #tpu.memory_space<vmem>>, vector<256x1xf32>
    %add3A_56 = vector.broadcast %get3A_55 : vector<256x1xf32> to vector<256x10240xf32>
    %add3A_57 = arith.addf %dot_general3A_52, %add3A_56 : vector<256x10240xf32>
    %max3A_58 = arith.constant 0.000000e+00 : f32
    %max3A_59 = vector.broadcast %max3A_58 : f32 to vector<256x10240xf32>
    %max3A_60 = arith.maximumf %add3A_57, %max3A_59 : vector<256x10240xf32>
    %get3A_61 = arith.constant 0 : index
    %get3A_62 = arith.constant 0 : index
    %get3A_63 = vector.load %arg11[%get3A_61, %get3A_62] : memref<1x256xf32, #tpu.memory_space<vmem>>, vector<1x256xf32>
    %dot_general3A_64 = arith.constant dense<0.000000e+00> : vector<1x10240xf32>
    %dot_general3A_65 = tpu.matmul %get3A_63, %max3A_60, %dot_general3A_64 {dimension_numbers = #tpu.dot_dimension_numbers<[1], [0], [0], [1], [0, 0, 1, 1], [], []>, transpose_lhs_hint = false} : vector<1x256xf32>, vector<256x10240xf32>, vector<1x10240xf32> -> vector<1x10240xf32>
    %swap3A = arith.constant 0 : index
    %swap3A_66 = arith.constant 0 : index
    %swap3A_67 = vector.load %arg12[%swap3A, %swap3A_66] : memref<1x10240xf32, #tpu.memory_space<vmem>>, vector<1x10240xf32>
    tpu.vector_store %arg12[%swap3A, %swap3A_66], %dot_general3A_65 {strides = array<i32>} : memref<1x10240xf32, #tpu.memory_space<vmem>>, vector<1x10240xf32>,
    return
  }
}

</mosaic_0001>

<sc_bundles>
// kernel: kernel.12.cloned.1.call-start
scs
__scs_entry_jumppad:
0x0: {  	(pc) =	sbr.rel $0x88, $3  }
0x1: {  	(tag) =	ssettag $0x0;
	lr =	simm.s32 $0x1  }
0x2: {  	[smem:$0x3F8B] =	sst lr;
	_ =	strace $0xD0000000  }
0x3: {  	_ = 	snop  }
0x4: {  	_ = 	snop  }
0x5: {  	_ = 	snop  }
0x6: {  	_ = 	snop  }
0x7: {  	_ = 	snop  }
__scs_overlays_trampoline_lowered:
0x8: {  	[smem:$0x3F9A] =	sst s0  }
0x9: {  	[smem:$0x3F9B] =	sst s1  }
0xa: {  	[smem:$0x3F9C] =	sst s2  }
0xb: {  	[smem:$0x3F9D] =	sst s3  }
0xc: {  	[smem:$0x3F9E] =	sst s4  }
0xd: {  	[smem:$0x3F9F] =	sst s5  }
0xe: {  	[smem:$0x3FA0] =	sst s6  }
0xf: {  	[smem:$0x3FA1] =	sst s7  }
0x10: {  	[smem:$0x3FA2] =	sst s8  }
0x11: {  	[smem:$0x3FA3] =	sst s9;
	s0 =	simm.s32 @!p0 $0x0  }
0x12: {  	s1 =	sld [smem:$0x3F89];
	s0 =	simm.s32 @p0 $0x1  }
0x13: {  	[smem:$0x3FA4] =	sst s0;
	s0 =	simm.s32 @!p1 $0x0  }
0x14: {  	s2 =	sld [smem:$0x3F88];
	s0 =	simm.s32 @p1 $0x1  }
0x15: {  	[smem:$0x3FA5] =	sst s0;
	s0 =	simm.s32 @!p2 $0x0  }
0x16: {  	s3 =	sld [smem:$0x3FDB];
	s0 =	simm.s32 @p2 $0x1  }
0x17: {  	s4 =	simm.s32 $0x1BF5;
	[smem:$0x3FA7] =	sst s0  }
0x18: {  	s0 =	sld [smem:$0x3F8A];
	_ =	swait.ge [sflag:s4], $0x0  }
0x19: {  	s7 =	sld [smem:$0x3F8B]  }
0x1a: {  	s8 =	sadd.s32 $0xFFFFE003, lr  }
0x1b: {  	s9 =	sadd.s32 $0xFFFFFEF7, lr;
	s5 =	simm.s32 $0xFFFFFFFF;
	p2 =	slt.u32 s8, $0xFFFFF086  }
0x1c: {  	p1 =	slt.u32 s9, $0xF7A;
	s5 =	simm.s32 @!p2 $0x0  }
0x1d: {  	s5 =	simm.s32 @p1 $0x1;
	p0 =	seq.s32 s7, s2  }
0x1e: {  	s7 =	smul.u32 @!p0 $0xF7A, s2;
	p2 =	seq.s32 @!p0 s5, $0x0  }
0x1f: {  	s9 =	smul.u32 $0xF7A, s1;
	s8 =	simm.s32 @!p0 $0x1BF5;
	p2 =	por !p2, p0  }
0x20: {  	[sflag:s8] =	ssyncset.s32 @!p0 $0xFFFFF086;
	s6 =	sadd.s32 @!p0 s3, s7;
	s7 =	simm.s32 @!p0 $0x108  }
0x21: {  	s3 =	sadd.s32 s3, s9;
	s6 =	sadd.s32 @!p0 $0x88, s6;
	s7 =	simm.s32 @p2 $0x1082  }
0x22: {  	[simem:s7], [sflag:s8] =	dma.local @!p0 [hbm:s6], $0xF7A  }
0x23: {  	s9 =	sor.u32 $0xD0000000, s2;
	s6 =	simm.s32 $0x108;
	_ =	swait.ge @!p0 [sflag:s8], $0x0  }
0x24: {  	s3 =	sadd.s32 $0x88, s3;
	s6 =	simm.s32 @!p1 $0x1082;
	[sflag:s4] =	ssyncset.s32 $0xFFFFF086  }
0x25: {  	[simem:s6], [sflag:s4] =	dma.local [hbm:s3], $0xF7A  }
0x26: {  	[smem:$0x3F8B] =	sst s1;
	(tag) =	ssettag s2;
	_ =	strace s9  }
0x27: {  	s1 =	sld [smem:$0x3F9B]  }
0x28: {  	s2 =	sld [smem:$0x3F9C]  }
0x29: {  	s4 =	sld [smem:$0x3F9E]  }
0x2a: {  	p0 =	seq.s32 s5, $0x0;
	s5 =	sld [smem:$0x3F9F]  }
0x2b: {  	s6 =	sld [smem:$0x3FA0]  }
0x2c: {  	s7 =	sld [smem:$0x3FA1]  }
0x2d: {  	s3 =	simm.s32 $0x108;
	s8 =	sld [smem:$0x3FA2]  }
0x2e: {  	s3 =	simm.s32 @!p0 $0x1082;
	s9 =	sld [smem:$0x3FA3]  }
0x2f: {  	lr =	sadd.s32 s0, s3;
	s0 =	sld [smem:$0x3F9A]  }
0x30: {  	s3 =	sld [smem:$0x3F9D]  }
0x31: {  	[smem:$0x3FA6] =	sst s10  }
0x32: {  	s10 =	sld [smem:$0x3FA4];
	_ =	sdelay $0x3  }
0x33: {  	p0 =	seq.s32 s10, $0x1;
	s10 =	sld [smem:$0x3FA6];
	_ =	sdelay $0x3  }
0x34: {  	[smem:$0x3FA6] =	sst s10  }
0x35: {  	s10 =	sld [smem:$0x3FA5];
	_ =	sdelay $0x3  }
0x36: {  	p1 =	seq.s32 s10, $0x1;
	s10 =	sld [smem:$0x3FA6];
	_ =	sdelay $0x3  }
0x37: {  	[smem:$0x3FA6] =	sst s10  }
0x38: {  	s10 =	sld [smem:$0x3FA7]  }
0x39: {  	_ = 	snop;
	(pc) =	sbr.ind lr, $3  }
0x3a: {  	_ = 	snop  }
0x3b: {  	_ = 	snop  }
0x3c: {  	p2 =	seq.s32 s10, $0x1;
	s10 =	sld [smem:$0x3FA6]  }
0x3d: {  	_ =	shalt  }
0x3e: {  	_ =	shalt  }
0x3f: {  	_ =	shalt  }
0x40: {  	_ =	shalt  }
0x41: {  	_ =	shalt  }
0x42: {  	_ =	shalt  }
0x43: {  	_ =	shalt  }
0x44: {  	_ =	shalt  }
0x45: {  	_ =	shalt  }
0x46: {  	_ =	shalt  }
0x47: {  	_ =	shalt  }
0x48: {  	_ =	shalt  }
0x49: {  	_ =	shalt  }
0x4a: {  	_ =	shalt  }
0x4b: {  	_ =	shalt  }
0x4c: {  	_ =	shalt  }
0x4d: {  	_ =	shalt  }
0x4e: {  	_ =	shalt  }
0x4f: {  	_ =	shalt  }
0x50: {  	_ =	shalt  }
0x51: {  	_ =	shalt  }
0x52: {  	_ =	shalt  }
0x53: {  	_ =	shalt  }
0x54: {  	_ =	shalt  }
0x55: {  	_ =	shalt  }
0x56: {  	_ =	shalt  }
0x57: {  	_ =	shalt  }
0x58: {  	_ =	shalt  }
0x59: {  	_ =	shalt  }
0x5a: {  	_ =	shalt  }
0x5b: {  	_ =	shalt  }
0x5c: {  	_ =	shalt  }
0x5d: {  	_ =	shalt  }
0x5e: {  	_ =	shalt  }
0x5f: {  	_ =	shalt  }
0x60: {  	_ =	shalt  }
0x61: {  	_ =	shalt  }
0x62: {  	_ =	shalt  }
0x63: {  	_ =	shalt  }
0x64: {  	_ =	shalt  }
0x65: {  	_ =	shalt  }
0x66: {  	_ =	shalt  }
0x67: {  	_ =	shalt  }
0x68: {  	_ =	shalt  }
0x69: {  	_ =	shalt  }
0x6a: {  	_ =	shalt  }
0x6b: {  	_ =	shalt  }
0x6c: {  	_ =	shalt  }
0x6d: {  	_ =	shalt  }
0x6e: {  	_ =	shalt  }
0x6f: {  	_ =	shalt  }
0x70: {  	_ =	shalt  }
0x71: {  	_ =	shalt  }
0x72: {  	_ =	shalt  }
0x73: {  	_ =	shalt  }
0x74: {  	_ =	shalt  }
0x75: {  	_ =	shalt  }
0x76: {  	_ =	shalt  }
0x77: {  	_ =	shalt  }
0x78: {  	_ =	shalt  }
0x79: {  	_ =	shalt  }
0x7a: {  	_ =	shalt  }
0x7b: {  	_ =	shalt  }
0x7c: {  	_ =	shalt  }
0x7d: {  	_ =	shalt  }
0x7e: {  	_ =	shalt  }
0x7f: {  	_ =	shalt  }
0x80: {  	_ =	shalt  }
0x81: {  	_ =	shalt  }
0x82: {  	_ =	shalt  }
0x83: {  	_ =	shalt  }
0x84: {  	_ =	shalt  }
0x85: {  	_ =	shalt  }
0x86: {  	_ =	shalt  }
0x87: {  	_ =	shalt  }
.Lfunc_end0:
.L_simem_size_0:
called_computation.1_lowered:
.L_overlay_start_0:
0x88: {  	s2 =	sld [smem:$0x3FD9]  }
0x89: {  	s3 =	sld [smem:$0x3FFE];
	_ =	sdelay $0x1  }
0x8a: {  	s1 =	srdreg.scid  }
0x8b: {  	s0 =	sand.u32 $0x1, s1  }
0x8c: {  	s16 =	sshll.u32 s0, $0xA;
	s2 =	sadd.s32 s3, s2  }
0x8d: {  	s2 =	sadd.s32 s2, s16  }
0x8e: {  	[smem:$0x3FB2] =	sst s2  }
0x8f: {  	_ = 	snop  }
0x90: {  	(tm) =	ssettm $0x1  }
0x91: {  	s17 =	sld [smem:$0x3FFB];
	_ =	sdelay $0x3  }
0x92: {  	_ =	strace s17  }
0x93: {  	s2 =	sld [smem:$0x3FFC];
	_ =	sdelay $0x3  }
0x94: {  	_ =	strace s2  }
0x95: {  	s2 =	sld [smem:$0x3FFD];
	_ =	sdelay $0x3  }
0x96: {  	_ =	strace s2  }
0x97: {  	_ =	strace $0x8FFFFFFF  }
0x98: {  	s18 =	sld [smem:$0x3FDB];
	_ =	sdelay $0x1  }
0x99: {  	s19 =	simm.s32 $_scs_section_size  }
0x9a: {  	s4 =	simm.s32 $_size__tile_overlayer_lowered;
	s5 =	simm.s32 $_tile_overlayer_lowered  }
0x9b: {  	s22 =	simm.s32 $0x1BFF;
	s21 =	sshll.u32 s5, $0x1;
	s2 =	sadd.s32 s19, s18  }
0x9c: {  	s6 =	simm.s32 $0x0;
	s20 =	sshll.u32 s4, $0x1;
	s4 =	sadd.s32 s21, s2  }
0x9d: {  	[timem:s6], [sflag:s22] =	dma.local [hbm:s4], s20  }
0x9e: {  	_ =	swait.ge [sflag:s22], s20  }
0x9f: {  	s3 =	ssub.s32 $0x0, s20;
	[sflag:s22] =	ssyncset.done $0x0  }
0xa0: {  	[sflag:s22] =	ssyncadd.s32 s3;
	_ =	sdelay $0x1  }
0xa1: {  	s23 =	simm.s32 $0x1B8B  }
0xa2: {  	_ =	swait.ge [sflag:s23], $0x1  }
0xa3: {  	[sflag:s23] =	ssyncset.done $0x0  }
0xa4: {  	s25 =	simm.s32 $0x1B8E;
	s24 =	sld [smem:$0x3FFE];
	[sflag:s23] =	ssyncadd.s32 $0xFFFFFFFF  }
0xa5: {  	s26 =	simm.s32 $execute0_lowered;
	[smem:$0x3FD2] =	sst s25  }
0xa6: {  	s4 =	sshll.u32 s26, $0x1;
	_ =	strace $0x80000049;
	[dreg:$0x1] =	wrdreg $0xFFFFFFFF  }
0xa7: {  	s28 =	simm.s32 $_size_execute0_lowered;
	s2 =	sadd.s32 s2, s4;
	[dreg:$0x0] =	wrdreg $0x0  }
0xa8: {  	s4 =	sshll.u32 s28, $0x1;
	[dreg:$0x2] =	wrdreg s2  }
0xa9: {  	[dreg:$0x3] =	wrdreg s4  }
0xaa: {  	[dreg:$0x4] =	wrdreg $0xC0  }
0xab: {  	_ =	task [dreg:s6], $0x5FFFF  }
0xac: {  	[dreg:$0x1] =	wrdreg $0xFFFFFFFF  }
0xad: {  	[dreg:$0x0] =	wrdreg $0x60  }
0xae: {  	[dreg:$0x2] =	wrdreg s24  }
0xaf: {  	[dreg:$0x3] =	wrdreg $0x9  }
0xb0: {  	_ =	task.clear_ibuf [dreg:s6], $0x4FFFF;
	_ =	strace $0x90000049  }
0xb1: {  	s29 =	simm.s32 $0x9;
	_ =	strace $0x8000004B  }
0xb2: {  	_ =	swait.ge [sflag:s29], $0x1  }
0xb3: {  	[sflag:s29] =	ssyncadd.s32 $0xFFFFFFFF  }
0xb4: {  	_ =	strace $0x9000004B  }
0xb5: {  	_ =	sfence  }
0xb6: {  	s30 =	sld [smem:$0x0];
	_ =	sdelay $0x2  }
0xb7: {  	s31 =	sshll.u32 s1, $0xD;
	s1 =	sshrl.u32 s1, $0x2  }
0xb8: {  	s3 =	sand.u32 $0x4000, s31;
	s1 =	sadd.s32 s1, s30  }
0xb9: {  	s0 =	sor.u32 s3, s0;
	s1 =	sshll.u32 s1, $0x11  }
0xba: {  	s0 =	sor.u32 s1, s0  }
0xbb: {  	s0 =	sadd.s32 $0x8F2B, s0  }
0xbc: {  	[sflag:s0] =	ssyncadd.remote.s32 $0x1  }
0xbd: {  	_ =	sfence.sel $0xFFFF  }
0xbe: {  	[dreg:$0x0] =	wrdreg $0xFFFFFFFF;
	(pc) =	sbr.abs _section_cstart, $3  }
0xbf: {  	[dreg:$0x1] =	wrdreg $0xFFFFFFFF  }
0xc0: {  	_ =	task.clear_ibuf [dreg:s6], $0x2FFFF;
	_ =	strace $0x9FFFFFFF  }
0xc1: {  	(tm) =	ssettm $0x7FFFFFFF  }
tec
execute0_lowered:
.L_overlay_start_1:
0x0: {  	(tag) =	ssettag $0x1  }
0x1: {  	s7 =	rddreg [dreg:$0x0]  }
0x2: {  	s1 =	srdreg.scid;
	s0 =	rddreg [dreg:$0x1]  }
0x3: {  	s2 =	simm.s32 $0x0;
	s15 =	simm.s32 $0xA000;
	s16 =	simm.s32 $0x14000  }
0x4: {  	s17 =	simm.s32 $0x16000;
	s18 =	simm.s32 $0x18000;
	s19 =	simm.s32 $0x2  }
0x5: {  	s20 =	simm.s32 $0x15000;
	s21 =	simm.s32 $0x17000;
	s5 =	sand.u32 $0x1, s1  }
0x6: {  	s22 =	simm.s32 $0x19000;
	s1 =	stileid.u32;
	s4 =	sshll.u32 s5, $0x4  }
0x7: {  	s23 =	simm.s32 $0x1;
	s24 =	simm.s32 $0x0;
	s8 =	sor.u32 s1, s4  }
0x8: {  	[smem:$0x7FF] =	sst s2;
	s3 =	sadd.s32 $0xD800, s7;
	s9 =	smul.u32 $0x1400, s8  }
0x9: {  	s6 =	sadd.s32 $0x49400, s7;
	s10 =	ssub.s32 $0x2, s5;
	s12 =	smul.u32 $0x3E8, s8  }
.Ltmp0:
0xa: {  	_ =	strace $0x8000004A;
	s11 =	sshrl.u32 s10, $0x1;
	(pc) =	sbr.rel .LBB2_1-.Ltmp0, $4  }
0xb: {  	s5 =	sadd.s32 $0x3A00, s7;
	s4 =	sadd.s32 $0x17600, s7;
	s14 =	ssub.s32 s10, s11  }
0xc: {  	s8 =	sshll.u32 s8, $0x1;
	s13 =	sadd.s32 s9, s7;
	s9 =	sadd.s32 s3, s12  }
0xd: {  	s10 =	sadd.s32 s4, s12;
	s11 =	sadd.s32 s5, s12;
	s7 =	sadd.s32 $0x21400, s13  }
0xe: {  	s12 =	sadd.s32 $0x4A800, s13;
	s13 =	smax.u32 s14, $0x1;
	s14 =	simm.s32 $0x3  }
.LBB2_12:
0xf: {  	s24 =	sadd.s32 $0x1, s24  }
0x10: {  	p0 =	sne.s32 s24, s13  }
.Ltmp1:
0x11: {  	_ = 	snop;
	(pc) =	sbr.rel @!p0 .LBB2_13-.Ltmp1, $4  }
0x12: {  	[hbm4b:s12+s2] =	stream.linear.scatter [tilespmem:s15], [sflag:$0x3], $0xA000, $0x38;
	[tilespmem:$0x1A000] =	vst v63  }
0x13: {  	_ =	swait.ge [sflag:s14], $0xA000  }
0x14: {  	[sflag:s14] =	ssyncset.done $0x0  }
0x15: {  	[sflag:s14] =	ssyncadd.s32 $0xFFFF6000  }
.LBB2_1:
0x16: {  	[tilespmem:s2], [sflag:$0x3] =	stream.linear.gather [hbm4b:s7+s2], $0xA000, $0x38;
	[tilespmem:$0x1A000] =	vst v63  }
0x17: {  	_ =	swait.ge [sflag:s14], $0xA000  }
0x18: {  	[sflag:s14] =	ssyncset.done $0x0  }
0x19: {  	[sflag:s14] =	ssyncadd.s32 $0xFFFF6000  }
0x1a: {  	[tilespmem:s15], [sflag:$0x3] =	stream.linear.gather [hbm4b:s6+s2], $0xA000, $0x38;
	[tilespmem:$0x1A000] =	vst v63  }
0x1b: {  	_ =	swait.ge [sflag:s14], $0xA000  }
0x1c: {  	[sflag:s14] =	ssyncset.done $0x0  }
0x1d: {  	[sflag:s14] =	ssyncadd.s32 $0xFFFF6000  }
0x1e: {  	[tilespmem:s16], [sflag:$0x1] =	stream.linear.gather [hbm4b:s9+s2], $0xFA0, $0x38;
	[tilespmem:$0x1A000] =	vst v63  }
.Ltmp2:
0x1f: {  	_ = 	snop;
	(pc) =	sbr.rel .LBB2_2-.Ltmp2, $4  }
0x20: {  	_ = 	snop  }
0x21: {  	[tilespmem:s17], [sflag:$0x1] =	stream.linear.gather [hbm4b:s10+s2], $0xFA0, $0x38;
	[tilespmem:$0x1A000] =	vst v63  }
0x22: {  	s26 =	simm.s32 $0x0  }
0x23: {  	[tilespmem:s18], [sflag:$0x1] =	stream.linear.gather [hbm4b:s11+s2], $0xFA0, $0x38;
	[tilespmem:$0x1A000] =	vst v63  }
.LBB2_10:
0x24: {  	_ =	sdelay $0x3  }
0x25: {  	s26 =	sshra.s32 s26, $0x2;
	[tilespmem:v0+s15+$0x0] =	vst.idx.add.f32.msk $0xffff, v1  }
0x26: {  	v0 =	vld [tilespmem:s26+$0x14000]  }
0x27: {  	v1 =	vld [tilespmem:s26+$0x14010];
	_ =	sdelay $0x3  }
0x28: {  	v2 =	vshll.u32 v0, $0x2  }
0x29: {  	v0 =	vand.u32 $0x7F, v0;
	v6 =	vshll.u32 v1, $0x2;
	v2 =	vand.u32 $0xFFFFFE00, v2  }
0x2a: {  	v1 =	vand.u32 $0x7F, v1;
	v6 =	vand.u32 $0xFFFFFE00, v6;
	v0 =	vor.u32 v0, v2  }
0x2b: {  	v57 =	vld [tilespmem:s26+$0x16000];
	v1 =	vor.u32 v1, v6  }
0x2c: {  	v5 =	vld [tilespmem:s26+$0x18010];
	v3 =	vor.u32 $0x80, v0  }
0x2d: {  	v8 =	vld [tilespmem:s26+$0x18000];
	v4 =	vor.u32 $0x100, v0  }
0x2e: {  	v9 =	vld [tilespmem:s26+$0x16010];
	v7 =	vor.u32 $0x180, v0  }
0x2f: {  	v6 =	vor.u32 $0x80, v1;
	v0 =	vld.idx.msk [tilespmem:v0+s2+$0x0], $0xffff  }
0x30: {  	v11 =	vshll.u32 v57, $0x2;
	v10 =	vor.u32 $0x100, v1;
	v12 =	vor.u32 $0x180, v1;
	v1 =	vld.idx.msk [tilespmem:v1+s2+$0x0], $0xffff  }
0x31: {  	v11 =	vand.u32 $0xFFFFFE00, v11;
	v2 =	vand.u32 $0x7F, v57;
	v3 =	vld.idx.msk [tilespmem:v3+s2+$0x0], $0xffff  }
0x32: {  	v2 =	vor.u32 v2, v11;
	v4 =	vld.idx.msk [tilespmem:v4+s2+$0x0], $0xffff  }
0x33: {  	v11 =	vor.u32 $0x80, v2;
	v7 =	vld.idx.msk [tilespmem:v7+s2+$0x0], $0xffff  }
0x34: {  	v13 =	vshll.u32 v9, $0x2;
	v9 =	vand.u32 $0x7F, v9;
	v14 =	vor.u32 $0x100, v2;
	v6 =	vld.idx.msk [tilespmem:v6+s2+$0x0], $0xffff  }
0x35: {  	v13 =	vand.u32 $0xFFFFFE00, v13;
	v15 =	vor.u32 $0x180, v2;
	v10 =	vld.idx.msk [tilespmem:v10+s2+$0x0], $0xffff;
	v0 =	vmul.f32 v0, v8  }
0x36: {  	v9 =	vor.u32 v9, v13;
	v12 =	vld.idx.msk [tilespmem:v12+s2+$0x0], $0xffff;
	v3 =	vmul.f32 v3, v8  }
0x37: {  	v58 =	vor.u32 $0x80, v9;
	v4 =	vmul.f32 v4, v8;
	[tilespmem:v2+s15+$0x0] =	vst.idx.add.f32.msk $0xffff, v0  }
0x38: {  	v60 =	vor.u32 $0x100, v9;
	v59 =	vmul.f32 v7, v8;
	[tilespmem:v11+s15+$0x0] =	vst.idx.add.f32.msk $0xffff, v3  }
0x39: {  	v61 =	vor.u32 $0x180, v9;
	v1 =	vmul.f32 v1, v5;
	[tilespmem:v14+s15+$0x0] =	vst.idx.add.f32.msk $0xffff, v4  }
0x3a: {  	v6 =	vmul.f32 v6, v5;
	[tilespmem:v15+s15+$0x0] =	vst.idx.add.f32.msk $0xffff, v59  }
0x3b: {  	v62 =	vmul.f32 v10, v5;
	[tilespmem:v9+s15+$0x0] =	vst.idx.add.f32.msk $0xffff, v1  }
0x3c: {  	v63 =	vmul.f32 v12, v5;
	[tilespmem:v58+s15+$0x0] =	vst.idx.add.f32.msk $0xffff, v6  }
0x3d: {  	[tilespmem:v60+s15+$0x0] =	vst.idx.add.f32.msk $0xffff, v62  }
0x3e: {  	[tilespmem:v61+s15+$0x0] =	vst.idx.add.f32.msk $0xffff, v63  }
.LBB2_11:
0x3f: {  	p0 =	sne.s32 s25, $0x50  }
.Ltmp3:
0x40: {  	_ = 	snop;
	(pc) =	sbr.rel @!p0 .LBB2_12-.Ltmp3, $2  }
0x41: {  	_ =	sdelay $0x2  }
0x42: {  	s26 =	smov.u32 s25  }
.LBB2_2:
0x43: {  	p0 =	seq.s32 s26, $0x4F  }
.Ltmp4:
0x44: {  	_ = 	snop;
	(pc) =	sbr.rel @p0 .LBB2_5-.Ltmp4, $2  }
0x45: {  	_ =	sdelay $0x2  }
0x46: {  	s25 =	sadd.s32 $0x1, s26  }
0x47: {  	s28 =	sadd.s32 s8, s25;
	s26 =	sand.u32 $0x1, s26  }
0x48: {  	s29 =	sadd.s32 $0xFFFFFFB0, s28;
	p0 =	seq.s32 s26, $0x0  }
.Ltmp5:
0x49: {  	s28 =	smin.u32 s29, s28;
	(pc) =	sbr.rel @p0 .LBB2_8-.Ltmp5, $3  }
0x4a: {  	s28 =	smul.u32 $0xFA0, s28;
	_ =	sdelay $0x1  }
0x4b: {  	s30 =	sshrl.u32 s28, $0x3  }
0x4c: {  	s29 =	sadd.s32 s3, s30;
	s28 =	sadd.s32 s4, s30;
	s26 =	sadd.s32 s5, s30  }
0x4d: {  	[tilespmem:s16], [sflag:$0x1] =	stream.linear.gather [hbm4b:s29+s2], $0xFA0, $0x38;
	[tilespmem:$0x1A000] =	vst v63  }
0x4e: {  	_ = 	snop  }
0x4f: {  	[tilespmem:s17], [sflag:$0x1] =	stream.linear.gather [hbm4b:s28+s2], $0xFA0, $0x38;
	[tilespmem:$0x1A000] =	vst v63  }
0x50: {  	_ = 	snop  }
0x51: {  	[tilespmem:s18], [sflag:$0x1] =	stream.linear.gather [hbm4b:s26+s2], $0xFA0, $0x38;
	[tilespmem:$0x1A000] =	vst v63  }
.LBB2_5:
0x52: {  	_ =	swait.ge [sflag:s19], $0xFA0  }
0x53: {  	[sflag:s19] =	ssyncset.done $0x0  }
0x54: {  	[sflag:s19] =	ssyncadd.s32 $0xFFFFF060  }
0x55: {  	_ =	swait.ge [sflag:s19], $0xFA0  }
0x56: {  	[sflag:s19] =	ssyncset.done $0x0  }
0x57: {  	[sflag:s19] =	ssyncadd.s32 $0xFFFFF060  }
0x58: {  	_ =	swait.ge [sflag:s19], $0xFA0  }
0x59: {  	[sflag:s19] =	ssyncset.done $0x0  }
0x5a: {  	s26 =	simm.s32 $0x0;
	[sflag:s19] =	ssyncadd.s32 $0xFFFFF060  }
0x5b: {  	v0 =	vld [tilespmem:s26+$0x15000]  }
0x5c: {  	v1 =	vld [tilespmem:s26+$0x15010];
	_ =	sdelay $0x3  }
0x5d: {  	v2 =	vshll.u32 v0, $0x2  }
0x5e: {  	v0 =	vand.u32 $0x7F, v0;
	v6 =	vshll.u32 v1, $0x2;
	v2 =	vand.u32 $0xFFFFFE00, v2  }
0x5f: {  	v1 =	vand.u32 $0x7F, v1;
	v6 =	vand.u32 $0xFFFFFE00, v6;
	v0 =	vor.u32 v0, v2  }
0x60: {  	v2 =	vld [tilespmem:s26+$0x17000];
	v1 =	vor.u32 v1, v6  }
0x61: {  	v5 =	vld [tilespmem:s26+$0x19010];
	v3 =	vor.u32 $0x80, v0  }
0x62: {  	v8 =	vld [tilespmem:s26+$0x19000];
	v4 =	vor.u32 $0x100, v0  }
0x63: {  	v9 =	vld [tilespmem:s26+$0x17010];
	v7 =	vor.u32 $0x180, v0  }
0x64: {  	v6 =	vor.u32 $0x80, v1;
	v0 =	vld.idx.msk [tilespmem:v0+s2+$0x0], $0xffff  }
0x65: {  	v10 =	vor.u32 $0x100, v1;
	v12 =	vor.u32 $0x180, v1;
	v11 =	vshll.u32 v2, $0x2;
	v1 =	vld.idx.msk [tilespmem:v1+s2+$0x0], $0xffff  }
0x66: {  	v2 =	vand.u32 $0x7F, v2;
	v3 =	vld.idx.msk [tilespmem:v3+s2+$0x0], $0xffff;
	v11 =	vand.u32 $0xFFFFFE00, v11  }
0x67: {  	v4 =	vld.idx.msk [tilespmem:v4+s2+$0x0], $0xffff;
	v2 =	vor.u32 v2, v11  }
0x68: {  	v7 =	vld.idx.msk [tilespmem:v7+s2+$0x0], $0xffff;
	v11 =	vor.u32 $0x80, v2  }
0x69: {  	v13 =	vshll.u32 v9, $0x2;
	v9 =	vand.u32 $0x7F, v9;
	v6 =	vld.idx.msk [tilespmem:v6+s2+$0x0], $0xffff;
	v14 =	vor.u32 $0x100, v2  }
0x6a: {  	v13 =	vand.u32 $0xFFFFFE00, v13;
	v10 =	vld.idx.msk [tilespmem:v10+s2+$0x0], $0xffff;
	v15 =	vor.u32 $0x180, v2;
	v0 =	vmul.f32 v0, v8  }
0x6b: {  	v9 =	vor.u32 v9, v13;
	v12 =	vld.idx.msk [tilespmem:v12+s2+$0x0], $0xffff;
	v3 =	vmul.f32 v3, v8  }
0x6c: {  	v4 =	vmul.f32 v4, v8;
	[tilespmem:v2+s15+$0x0] =	vst.idx.add.f32.msk $0xffff, v0;
	v0 =	vor.u32 $0x80, v9  }
0x6d: {  	v2 =	vmul.f32 v7, v8;
	[tilespmem:v11+s15+$0x0] =	vst.idx.add.f32.msk $0xffff, v3  }
0x6e: {  	v1 =	vmul.f32 v1, v5;
	[tilespmem:v14+s15+$0x0] =	vst.idx.add.f32.msk $0xffff, v4  }
0x6f: {  	v63 =	vmul.f32 v6, v5;
	v3 =	vor.u32 $0x100, v9;
	[tilespmem:v15+s15+$0x0] =	vst.idx.add.f32.msk $0xffff, v2  }
0x70: {  	[tilespmem:v9+s15+$0x0] =	vst.idx.add.f32.msk $0xffff, v1  }
0x71: {  	[tilespmem:v0+s15+$0x0] =	vst.idx.add.f32.msk $0xffff, v63;
	v0 =	vor.u32 $0x180, v9  }
0x72: {  	v2 =	vmul.f32 v10, v5;
	_ =	sdelay $0x1  }
0x73: {  	s28 =	simm.s32 $0x100;
	s26 =	simm.s32 $0x80;
	v1 =	vmul.f32 v12, v5;
	[tilespmem:v3+s15+$0x0] =	vst.idx.add.f32.msk $0xffff, v2  }
.LBB2_6:
0x74: {  	p0 =	sne.s32 s28, $0x3E00  }
0x75: {  	s29 =	sshra.s32 s26, $0x2;
	[tilespmem:v0+s15+$0x0] =	vst.idx.add.f32.msk $0xffff, v1;
	s26 =	smov.u32 s28;
	s28 =	sadd.s32 $0x80, s28  }
0x76: {  	v0 =	vld [tilespmem:s29+$0x15000];
	_ =	sdelay $0x3  }
0x77: {  	v1 =	vld [tilespmem:s29+$0x15010]  }
0x78: {  	v2 =	vshll.u32 v0, $0x2  }
0x79: {  	v0 =	vand.u32 $0x7F, v0;
	v2 =	vand.u32 $0xFFFFFE00, v2  }
0x7a: {  	v0 =	vor.u32 v0, v2  }
0x7b: {  	v2 =	vld [tilespmem:s29+$0x17000];
	v3 =	vor.u32 $0x80, v0;
	v4 =	vor.u32 $0x100, v0;
	v5 =	vor.u32 $0x180, v0  }
0x7c: {  	v6 =	vld [tilespmem:s29+$0x19010];
	v7 =	vshll.u32 v1, $0x2  }
0x7d: {  	v1 =	vand.u32 $0x7F, v1;
	v8 =	vld [tilespmem:s29+$0x19000];
	v7 =	vand.u32 $0xFFFFFE00, v7  }
0x7e: {  	v9 =	vld [tilespmem:s29+$0x17010];
	v1 =	vor.u32 v1, v7  }
0x7f: {  	v0 =	vld.idx.msk [tilespmem:v0+s2+$0x0], $0xffff;
	v7 =	vor.u32 $0x80, v1;
	v10 =	vor.u32 $0x100, v1;
	v11 =	vor.u32 $0x180, v1  }
0x80: {  	v3 =	vld.idx.msk [tilespmem:v3+s2+$0x0], $0xffff;
	v12 =	vshll.u32 v2, $0x2  }
0x81: {  	v2 =	vand.u32 $0x7F, v2;
	v4 =	vld.idx.msk [tilespmem:v4+s2+$0x0], $0xffff;
	v12 =	vand.u32 $0xFFFFFE00, v12  }
0x82: {  	v5 =	vld.idx.msk [tilespmem:v5+s2+$0x0], $0xffff;
	v2 =	vor.u32 v2, v12  }
0x83: {  	v1 =	vld.idx.msk [tilespmem:v1+s2+$0x0], $0xffff;
	v12 =	vor.u32 $0x80, v2;
	v13 =	vshll.u32 v9, $0x2  }
0x84: {  	v14 =	vor.u32 $0x100, v2;
	v7 =	vld.idx.msk [tilespmem:v7+s2+$0x0], $0xffff;
	v13 =	vand.u32 $0xFFFFFE00, v13  }
0x85: {  	v15 =	vor.u32 $0x180, v2;
	v9 =	vand.u32 $0x7F, v9;
	v0 =	vmul.f32 v0, v8;
	v10 =	vld.idx.msk [tilespmem:v10+s2+$0x0], $0xffff  }
0x86: {  	v3 =	vmul.f32 v3, v8;
	v9 =	vor.u32 v9, v13;
	v11 =	vld.idx.msk [tilespmem:v11+s2+$0x0], $0xffff  }
0x87: {  	v4 =	vmul.f32 v4, v8;
	[tilespmem:v2+s15+$0x0] =	vst.idx.add.f32.msk $0xffff, v0;
	v2 =	vor.u32 $0x80, v9  }
0x88: {  	v5 =	vmul.f32 v5, v8;
	[tilespmem:v12+s15+$0x0] =	vst.idx.add.f32.msk $0xffff, v3;
	v3 =	vor.u32 $0x100, v9  }
.Ltmp6:
0x89: {  	v0 =	vor.u32 $0x180, v9;
	v1 =	vmul.f32 v1, v6;
	[tilespmem:v14+s15+$0x0] =	vst.idx.add.f32.msk $0xffff, v4;
	(pc) =	sbr.rel @p0 .LBB2_6-.Ltmp6, $4  }
0x8a: {  	v4 =	vmul.f32 v7, v6;
	[tilespmem:v15+s15+$0x0] =	vst.idx.add.f32.msk $0xffff, v5  }
0x8b: {  	v5 =	vmul.f32 v10, v6;
	[tilespmem:v9+s15+$0x0] =	vst.idx.add.f32.msk $0xffff, v1  }
0x8c: {  	v1 =	vmul.f32 v11, v6;
	[tilespmem:v2+s15+$0x0] =	vst.idx.add.f32.msk $0xffff, v4  }
0x8d: {  	[tilespmem:v3+s15+$0x0] =	vst.idx.add.f32.msk $0xffff, v5  }
0x8e: {  	_ =	sdelay $0x3  }
0x8f: {  	s26 =	sshra.s32 s26, $0x2;
	[tilespmem:v0+s15+$0x0] =	vst.idx.add.f32.msk $0xffff, v1  }
0x90: {  	v0 =	vld [tilespmem:s26+$0x15000]  }
0x91: {  	v1 =	vld [tilespmem:s26+$0x15010];
	_ =	sdelay $0x3  }
0x92: {  	v2 =	vshll.u32 v0, $0x2  }
0x93: {  	v0 =	vand.u32 $0x7F, v0;
	v6 =	vshll.u32 v1, $0x2;
	v2 =	vand.u32 $0xFFFFFE00, v2  }
0x94: {  	v1 =	vand.u32 $0x7F, v1;
	v6 =	vand.u32 $0xFFFFFE00, v6;
	v0 =	vor.u32 v0, v2  }
0x95: {  	v57 =	vld [tilespmem:s26+$0x17000];
	v1 =	vor.u32 v1, v6  }
0x96: {  	v5 =	vld [tilespmem:s26+$0x19010];
	v3 =	vor.u32 $0x80, v0  }
0x97: {  	v8 =	vld [tilespmem:s26+$0x19000];
	v4 =	vor.u32 $0x100, v0  }
0x98: {  	v9 =	vld [tilespmem:s26+$0x17010];
	v7 =	vor.u32 $0x180, v0  }
0x99: {  	v6 =	vor.u32 $0x80, v1;
	v0 =	vld.idx.msk [tilespmem:v0+s2+$0x0], $0xffff  }
0x9a: {  	v11 =	vshll.u32 v57, $0x2;
	v10 =	vor.u32 $0x100, v1;
	v12 =	vor.u32 $0x180, v1;
	v1 =	vld.idx.msk [tilespmem:v1+s2+$0x0], $0xffff  }
0x9b: {  	v11 =	vand.u32 $0xFFFFFE00, v11;
	v2 =	vand.u32 $0x7F, v57;
	v3 =	vld.idx.msk [tilespmem:v3+s2+$0x0], $0xffff  }
0x9c: {  	v2 =	vor.u32 v2, v11;
	v4 =	vld.idx.msk [tilespmem:v4+s2+$0x0], $0xffff  }
0x9d: {  	v11 =	vor.u32 $0x80, v2;
	v7 =	vld.idx.msk [tilespmem:v7+s2+$0x0], $0xffff  }
0x9e: {  	v13 =	vshll.u32 v9, $0x2;
	v9 =	vand.u32 $0x7F, v9;
	v14 =	vor.u32 $0x100, v2;
	v6 =	vld.idx.msk [tilespmem:v6+s2+$0x0], $0xffff  }
0x9f: {  	v13 =	vand.u32 $0xFFFFFE00, v13;
	v15 =	vor.u32 $0x180, v2;
	v10 =	vld.idx.msk [tilespmem:v10+s2+$0x0], $0xffff;
	v0 =	vmul.f32 v0, v8  }
0xa0: {  	v9 =	vor.u32 v9, v13;
	v12 =	vld.idx.msk [tilespmem:v12+s2+$0x0], $0xffff;
	v3 =	vmul.f32 v3, v8  }
0xa1: {  	v58 =	vor.u32 $0x80, v9;
	v4 =	vmul.f32 v4, v8;
	[tilespmem:v2+s15+$0x0] =	vst.idx.add.f32.msk $0xffff, v0  }
0xa2: {  	v60 =	vor.u32 $0x100, v9;
	v59 =	vmul.f32 v7, v8;
	[tilespmem:v11+s15+$0x0] =	vst.idx.add.f32.msk $0xffff, v3  }
0xa3: {  	v61 =	vor.u32 $0x180, v9;
	v1 =	vmul.f32 v1, v5;
	[tilespmem:v14+s15+$0x0] =	vst.idx.add.f32.msk $0xffff, v4  }
.Ltmp7:
0xa4: {  	v6 =	vmul.f32 v6, v5;
	[tilespmem:v15+s15+$0x0] =	vst.idx.add.f32.msk $0xffff, v59;
	(pc) =	sbr.rel .LBB2_11-.Ltmp7, $4  }
0xa5: {  	v62 =	vmul.f32 v10, v5;
	[tilespmem:v9+s15+$0x0] =	vst.idx.add.f32.msk $0xffff, v1  }
0xa6: {  	v63 =	vmul.f32 v12, v5;
	[tilespmem:v58+s15+$0x0] =	vst.idx.add.f32.msk $0xffff, v6  }
0xa7: {  	[tilespmem:v60+s15+$0x0] =	vst.idx.add.f32.msk $0xffff, v62  }
0xa8: {  	[tilespmem:v61+s15+$0x0] =	vst.idx.add.f32.msk $0xffff, v63  }
.LBB2_8:
0xa9: {  	s30 =	simm.s32 $0x0  }
0xaa: {  	[tilespmem:s20], [sflag:$0x2] =	stream.linear.gather [hbm4b:s29+s30], $0xFA0, $0x38;
	[tilespmem:$0x1A000] =	vst v63  }
0xab: {  	_ = 	snop  }
0xac: {  	[tilespmem:s21], [sflag:$0x2] =	stream.linear.gather [hbm4b:s28+s30], $0xFA0, $0x38;
	[tilespmem:$0x1A000] =	vst v63  }
0xad: {  	_ = 	snop  }
0xae: {  	[tilespmem:s22], [sflag:$0x2] =	stream.linear.gather [hbm4b:s26+s30], $0xFA0, $0x38;
	[tilespmem:$0x1A000] =	vst v63  }
0xaf: {  	_ =	swait.ge [sflag:s23], $0xFA0  }
0xb0: {  	[sflag:s23] =	ssyncset.done $0x0  }
0xb1: {  	[sflag:s23] =	ssyncadd.s32 $0xFFFFF060  }
0xb2: {  	_ =	swait.ge [sflag:s23], $0xFA0  }
0xb3: {  	[sflag:s23] =	ssyncset.done $0x0  }
0xb4: {  	[sflag:s23] =	ssyncadd.s32 $0xFFFFF060  }
0xb5: {  	_ =	swait.ge [sflag:s23], $0xFA0  }
0xb6: {  	[sflag:s23] =	ssyncset.done $0x0  }
0xb7: {  	s31 =	simm.s32 $0x0;
	[sflag:s23] =	ssyncadd.s32 $0xFFFFF060  }
0xb8: {  	v0 =	vld [tilespmem:s31+$0x14000]  }
0xb9: {  	v1 =	vld [tilespmem:s31+$0x14010];
	_ =	sdelay $0x3  }
0xba: {  	v2 =	vshll.u32 v0, $0x2  }
0xbb: {  	v0 =	vand.u32 $0x7F, v0;
	v6 =	vshll.u32 v1, $0x2;
	v2 =	vand.u32 $0xFFFFFE00, v2  }
0xbc: {  	v1 =	vand.u32 $0x7F, v1;
	v6 =	vand.u32 $0xFFFFFE00, v6;
	v0 =	vor.u32 v0, v2  }
0xbd: {  	v2 =	vld [tilespmem:s31+$0x16000];
	v1 =	vor.u32 v1, v6  }
0xbe: {  	v5 =	vld [tilespmem:s31+$0x18010];
	v3 =	vor.u32 $0x80, v0  }
0xbf: {  	v8 =	vld [tilespmem:s31+$0x18000];
	v4 =	vor.u32 $0x100, v0  }
0xc0: {  	v9 =	vld [tilespmem:s31+$0x16010];
	v7 =	vor.u32 $0x180, v0  }
0xc1: {  	v6 =	vor.u32 $0x80, v1;
	v0 =	vld.idx.msk [tilespmem:v0+s2+$0x0], $0xffff  }
0xc2: {  	v10 =	vor.u32 $0x100, v1;
	v12 =	vor.u32 $0x180, v1;
	v11 =	vshll.u32 v2, $0x2;
	v1 =	vld.idx.msk [tilespmem:v1+s2+$0x0], $0xffff  }
0xc3: {  	v2 =	vand.u32 $0x7F, v2;
	v3 =	vld.idx.msk [tilespmem:v3+s2+$0x0], $0xffff;
	v11 =	vand.u32 $0xFFFFFE00, v11  }
0xc4: {  	v4 =	vld.idx.msk [tilespmem:v4+s2+$0x0], $0xffff;
	v2 =	vor.u32 v2, v11  }
0xc5: {  	v7 =	vld.idx.msk [tilespmem:v7+s2+$0x0], $0xffff;
	v11 =	vor.u32 $0x80, v2  }
0xc6: {  	v13 =	vshll.u32 v9, $0x2;
	v9 =	vand.u32 $0x7F, v9;
	v6 =	vld.idx.msk [tilespmem:v6+s2+$0x0], $0xffff;
	v14 =	vor.u32 $0x100, v2  }
0xc7: {  	v13 =	vand.u32 $0xFFFFFE00, v13;
	v10 =	vld.idx.msk [tilespmem:v10+s2+$0x0], $0xffff;
	v15 =	vor.u32 $0x180, v2;
	v0 =	vmul.f32 v0, v8  }
0xc8: {  	v9 =	vor.u32 v9, v13;
	v12 =	vld.idx.msk [tilespmem:v12+s2+$0x0], $0xffff;
	v3 =	vmul.f32 v3, v8  }
0xc9: {  	v4 =	vmul.f32 v4, v8;
	[tilespmem:v2+s15+$0x0] =	vst.idx.add.f32.msk $0xffff, v0;
	v0 =	vor.u32 $0x80, v9  }
0xca: {  	v2 =	vmul.f32 v7, v8;
	[tilespmem:v11+s15+$0x0] =	vst.idx.add.f32.msk $0xffff, v3  }
0xcb: {  	v1 =	vmul.f32 v1, v5;
	[tilespmem:v14+s15+$0x0] =	vst.idx.add.f32.msk $0xffff, v4  }
0xcc: {  	v63 =	vmul.f32 v6, v5;
	v3 =	vor.u32 $0x100, v9;
	[tilespmem:v15+s15+$0x0] =	vst.idx.add.f32.msk $0xffff, v2  }
0xcd: {  	[tilespmem:v9+s15+$0x0] =	vst.idx.add.f32.msk $0xffff, v1  }
0xce: {  	[tilespmem:v0+s15+$0x0] =	vst.idx.add.f32.msk $0xffff, v63;
	v0 =	vor.u32 $0x180, v9  }
0xcf: {  	v2 =	vmul.f32 v10, v5;
	_ =	sdelay $0x1  }
0xd0: {  	s28 =	simm.s32 $0x100;
	s26 =	simm.s32 $0x80;
	v1 =	vmul.f32 v12, v5;
	[tilespmem:v3+s15+$0x0] =	vst.idx.add.f32.msk $0xffff, v2  }
.LBB2_9:
0xd1: {  	p0 =	seq.s32 s28, $0x3E00  }
0xd2: {  	s29 =	sshra.s32 s26, $0x2;
	[tilespmem:v0+s15+$0x0] =	vst.idx.add.f32.msk $0xffff, v1;
	s26 =	smov.u32 s28;
	s28 =	sadd.s32 $0x80, s28  }
0xd3: {  	v0 =	vld [tilespmem:s29+$0x14000];
	_ =	sdelay $0x3  }
0xd4: {  	v1 =	vld [tilespmem:s29+$0x14010]  }
0xd5: {  	v2 =	vshll.u32 v0, $0x2  }
0xd6: {  	v0 =	vand.u32 $0x7F, v0;
	v2 =	vand.u32 $0xFFFFFE00, v2  }
0xd7: {  	v0 =	vor.u32 v0, v2  }
0xd8: {  	v2 =	vld [tilespmem:s29+$0x16000];
	v3 =	vor.u32 $0x80, v0;
	v4 =	vor.u32 $0x100, v0;
	v5 =	vor.u32 $0x180, v0  }
0xd9: {  	v6 =	vld [tilespmem:s29+$0x18010];
	v7 =	vshll.u32 v1, $0x2  }
0xda: {  	v1 =	vand.u32 $0x7F, v1;
	v8 =	vld [tilespmem:s29+$0x18000];
	v7 =	vand.u32 $0xFFFFFE00, v7  }
0xdb: {  	v9 =	vld [tilespmem:s29+$0x16010];
	v1 =	vor.u32 v1, v7  }
0xdc: {  	v0 =	vld.idx.msk [tilespmem:v0+s2+$0x0], $0xffff;
	v7 =	vor.u32 $0x80, v1;
	v10 =	vor.u32 $0x100, v1;
	v11 =	vor.u32 $0x180, v1  }
0xdd: {  	v3 =	vld.idx.msk [tilespmem:v3+s2+$0x0], $0xffff;
	v12 =	vshll.u32 v2, $0x2  }
0xde: {  	v2 =	vand.u32 $0x7F, v2;
	v4 =	vld.idx.msk [tilespmem:v4+s2+$0x0], $0xffff;
	v12 =	vand.u32 $0xFFFFFE00, v12  }
0xdf: {  	v5 =	vld.idx.msk [tilespmem:v5+s2+$0x0], $0xffff;
	v2 =	vor.u32 v2, v12  }
0xe0: {  	v1 =	vld.idx.msk [tilespmem:v1+s2+$0x0], $0xffff;
	v12 =	vor.u32 $0x80, v2;
	v13 =	vshll.u32 v9, $0x2  }
0xe1: {  	v14 =	vor.u32 $0x100, v2;
	v7 =	vld.idx.msk [tilespmem:v7+s2+$0x0], $0xffff;
	v13 =	vand.u32 $0xFFFFFE00, v13  }
0xe2: {  	v15 =	vor.u32 $0x180, v2;
	v9 =	vand.u32 $0x7F, v9;
	v0 =	vmul.f32 v0, v8;
	v10 =	vld.idx.msk [tilespmem:v10+s2+$0x0], $0xffff  }
0xe3: {  	v3 =	vmul.f32 v3, v8;
	v9 =	vor.u32 v9, v13;
	v11 =	vld.idx.msk [tilespmem:v11+s2+$0x0], $0xffff  }
0xe4: {  	v4 =	vmul.f32 v4, v8;
	[tilespmem:v2+s15+$0x0] =	vst.idx.add.f32.msk $0xffff, v0;
	v2 =	vor.u32 $0x80, v9  }
0xe5: {  	v5 =	vmul.f32 v5, v8;
	[tilespmem:v12+s15+$0x0] =	vst.idx.add.f32.msk $0xffff, v3;
	v3 =	vor.u32 $0x100, v9  }
.Ltmp8:
0xe6: {  	v0 =	vor.u32 $0x180, v9;
	v1 =	vmul.f32 v1, v6;
	[tilespmem:v14+s15+$0x0] =	vst.idx.add.f32.msk $0xffff, v4;
	(pc) =	sbr.rel @!p0 .LBB2_9-.Ltmp8, $4  }
0xe7: {  	v4 =	vmul.f32 v7, v6;
	[tilespmem:v15+s15+$0x0] =	vst.idx.add.f32.msk $0xffff, v5  }
0xe8: {  	v5 =	vmul.f32 v10, v6;
	[tilespmem:v9+s15+$0x0] =	vst.idx.add.f32.msk $0xffff, v1  }
0xe9: {  	v1 =	vmul.f32 v11, v6;
	[tilespmem:v2+s15+$0x0] =	vst.idx.add.f32.msk $0xffff, v4  }
0xea: {  	[tilespmem:v3+s15+$0x0] =	vst.idx.add.f32.msk $0xffff, v5  }
.Ltmp9:
0xeb: {  	_ = 	snop;
	(pc) =	sbr.rel .LBB2_10-.Ltmp9, $1  }
0xec: {  	_ =	sdelay $0x3  }
.LBB2_13:
0xed: {  	_ =	sfence.sel $0x180000  }
0xee: {  	[bflag:$0x0] =	sbarrier.arrive $0xFFFF  }
0xef: {  	p0 =	sne.s32 s1, $0x0;
	_ =	strace $0x9000004A  }
0xf0: {  	s0 =	sadd.s32 @!p0 $0x100000, s0;
	[bflag:$0x2] =	sbarrier.arrive $0xFFFF  }
0xf1: {  	[sflag:s0] =	ssyncadd.tile.s32 @!p0 $0x1;
	_ =	shalt  }
.Lfunc_end2:
_tile_overlayer_lowered:
.L_overlay_start_2:
0xf2: {  	(tag) =	ssettag $0x2  }
0xf3: {  	s0 =	rddreg [dreg:$0x0];
	s2 =	stileid.u32  }
0xf4: {  	s1 =	rddreg [dreg:$0x1];
	p0 =	sne.s32 s2, $0x0  }
0xf5: {  	s3 =	rddreg [dreg:$0x2];
	[bflag:$0x3] =	sbarrier.arrive $0xFFFF;
	s2 =	simm.s32 @!p0 $0x1C03  }
0xf6: {  	[timem:s3], [sflag:s2] =	dma.local @!p0 [hbm:s0], s1  }
0xf7: {  	s0 =	simm.s32 @!p0 $0x3  }
0xf8: {  	_ =	swait.ge @!p0 [sflag:s0], s1  }
0xf9: {  	s1 =	ssub.s32 @!p0 $0x0, s1;
	[sflag:s0] =	ssyncset.done @!p0 $0x0  }
0xfa: {  	[sflag:s0] =	ssyncadd.s32 @!p0 s1  }
0xfb: {  	[bflag:$0x3] =	sbarrier.arrive $0xFFFF  }
0xfc: {  	_ =	shalt  }

// kernel: kernel.15.cloned.1.call-start
scs
__scs_entry_jumppad:
0x0: {  	(pc) =	sbr.rel $0x88, $3  }
0x1: {  	(tag) =	ssettag $0x0;
	lr =	simm.s32 $0x1  }
0x2: {  	[smem:$0x3F8B] =	sst lr;
	_ =	strace $0xD0000000  }
0x3: {  	_ = 	snop  }
0x4: {  	_ = 	snop  }
0x5: {  	_ = 	snop  }
0x6: {  	_ = 	snop  }
0x7: {  	_ = 	snop  }
__scs_overlays_trampoline_lowered:
0x8: {  	[smem:$0x3F9A] =	sst s0  }
0x9: {  	[smem:$0x3F9B] =	sst s1  }
0xa: {  	[smem:$0x3F9C] =	sst s2  }
0xb: {  	[smem:$0x3F9D] =	sst s3  }
0xc: {  	[smem:$0x3F9E] =	sst s4  }
0xd: {  	[smem:$0x3F9F] =	sst s5  }
0xe: {  	[smem:$0x3FA0] =	sst s6  }
0xf: {  	[smem:$0x3FA1] =	sst s7  }
0x10: {  	[smem:$0x3FA2] =	sst s8  }
0x11: {  	[smem:$0x3FA3] =	sst s9;
	s0 =	simm.s32 @!p0 $0x0  }
0x12: {  	s1 =	sld [smem:$0x3F89];
	s0 =	simm.s32 @p0 $0x1  }
0x13: {  	[smem:$0x3FA4] =	sst s0;
	s0 =	simm.s32 @!p1 $0x0  }
0x14: {  	s2 =	sld [smem:$0x3F88];
	s0 =	simm.s32 @p1 $0x1  }
0x15: {  	[smem:$0x3FA5] =	sst s0;
	s0 =	simm.s32 @!p2 $0x0  }
0x16: {  	s3 =	sld [smem:$0x3FDB];
	s0 =	simm.s32 @p2 $0x1  }
0x17: {  	s4 =	simm.s32 $0x1BF5;
	[smem:$0x3FA7] =	sst s0  }
0x18: {  	s0 =	sld [smem:$0x3F8A];
	_ =	swait.ge [sflag:s4], $0x0  }
0x19: {  	s7 =	sld [smem:$0x3F8B]  }
0x1a: {  	s8 =	sadd.s32 $0xFFFFE003, lr  }
0x1b: {  	s9 =	sadd.s32 $0xFFFFFEF7, lr;
	s5 =	simm.s32 $0xFFFFFFFF;
	p2 =	slt.u32 s8, $0xFFFFF086  }
0x1c: {  	p1 =	slt.u32 s9, $0xF7A;
	s5 =	simm.s32 @!p2 $0x0  }
0x1d: {  	s5 =	simm.s32 @p1 $0x1;
	p0 =	seq.s32 s7, s2  }
0x1e: {  	s7 =	smul.u32 @!p0 $0xF7A, s2;
	p2 =	seq.s32 @!p0 s5, $0x0  }
0x1f: {  	s9 =	smul.u32 $0xF7A, s1;
	s8 =	simm.s32 @!p0 $0x1BF5;
	p2 =	por !p2, p0  }
0x20: {  	[sflag:s8] =	ssyncset.s32 @!p0 $0xFFFFF086;
	s6 =	sadd.s32 @!p0 s3, s7;
	s7 =	simm.s32 @!p0 $0x108  }
0x21: {  	s3 =	sadd.s32 s3, s9;
	s6 =	sadd.s32 @!p0 $0x88, s6;
	s7 =	simm.s32 @p2 $0x1082  }
0x22: {  	[simem:s7], [sflag:s8] =	dma.local @!p0 [hbm:s6], $0xF7A  }
0x23: {  	s9 =	sor.u32 $0xD0000000, s2;
	s6 =	simm.s32 $0x108;
	_ =	swait.ge @!p0 [sflag:s8], $0x0  }
0x24: {  	s3 =	sadd.s32 $0x88, s3;
	s6 =	simm.s32 @!p1 $0x1082;
	[sflag:s4] =	ssyncset.s32 $0xFFFFF086  }
0x25: {  	[simem:s6], [sflag:s4] =	dma.local [hbm:s3], $0xF7A  }
0x26: {  	[smem:$0x3F8B] =	sst s1;
	(tag) =	ssettag s2;
	_ =	strace s9  }
0x27: {  	s1 =	sld [smem:$0x3F9B]  }
0x28: {  	s2 =	sld [smem:$0x3F9C]  }
0x29: {  	s4 =	sld [smem:$0x3F9E]  }
0x2a: {  	p0 =	seq.s32 s5, $0x0;
	s5 =	sld [smem:$0x3F9F]  }
0x2b: {  	s6 =	sld [smem:$0x3FA0]  }
0x2c: {  	s7 =	sld [smem:$0x3FA1]  }
0x2d: {  	s3 =	simm.s32 $0x108;
	s8 =	sld [smem:$0x3FA2]  }
0x2e: {  	s3 =	simm.s32 @!p0 $0x1082;
	s9 =	sld [smem:$0x3FA3]  }
0x2f: {  	lr =	sadd.s32 s0, s3;
	s0 =	sld [smem:$0x3F9A]  }
0x30: {  	s3 =	sld [smem:$0x3F9D]  }
0x31: {  	[smem:$0x3FA6] =	sst s10  }
0x32: {  	s10 =	sld [smem:$0x3FA4];
	_ =	sdelay $0x3  }
0x33: {  	p0 =	seq.s32 s10, $0x1;
	s10 =	sld [smem:$0x3FA6];
	_ =	sdelay $0x3  }
0x34: {  	[smem:$0x3FA6] =	sst s10  }
0x35: {  	s10 =	sld [smem:$0x3FA5];
	_ =	sdelay $0x3  }
0x36: {  	p1 =	seq.s32 s10, $0x1;
	s10 =	sld [smem:$0x3FA6];
	_ =	sdelay $0x3  }
0x37: {  	[smem:$0x3FA6] =	sst s10  }
0x38: {  	s10 =	sld [smem:$0x3FA7]  }
0x39: {  	_ = 	snop;
	(pc) =	sbr.ind lr, $3  }
0x3a: {  	_ = 	snop  }
0x3b: {  	_ = 	snop  }
0x3c: {  	p2 =	seq.s32 s10, $0x1;
	s10 =	sld [smem:$0x3FA6]  }
0x3d: {  	_ =	shalt  }
0x3e: {  	_ =	shalt  }
0x3f: {  	_ =	shalt  }
0x40: {  	_ =	shalt  }
0x41: {  	_ =	shalt  }
0x42: {  	_ =	shalt  }
0x43: {  	_ =	shalt  }
0x44: {  	_ =	shalt  }
0x45: {  	_ =	shalt  }
0x46: {  	_ =	shalt  }
0x47: {  	_ =	shalt  }
0x48: {  	_ =	shalt  }
0x49: {  	_ =	shalt  }
0x4a: {  	_ =	shalt  }
0x4b: {  	_ =	shalt  }
0x4c: {  	_ =	shalt  }
0x4d: {  	_ =	shalt  }
0x4e: {  	_ =	shalt  }
0x4f: {  	_ =	shalt  }
0x50: {  	_ =	shalt  }
0x51: {  	_ =	shalt  }
0x52: {  	_ =	shalt  }
0x53: {  	_ =	shalt  }
0x54: {  	_ =	shalt  }
0x55: {  	_ =	shalt  }
0x56: {  	_ =	shalt  }
0x57: {  	_ =	shalt  }
0x58: {  	_ =	shalt  }
0x59: {  	_ =	shalt  }
0x5a: {  	_ =	shalt  }
0x5b: {  	_ =	shalt  }
0x5c: {  	_ =	shalt  }
0x5d: {  	_ =	shalt  }
0x5e: {  	_ =	shalt  }
0x5f: {  	_ =	shalt  }
0x60: {  	_ =	shalt  }
0x61: {  	_ =	shalt  }
0x62: {  	_ =	shalt  }
0x63: {  	_ =	shalt  }
0x64: {  	_ =	shalt  }
0x65: {  	_ =	shalt  }
0x66: {  	_ =	shalt  }
0x67: {  	_ =	shalt  }
0x68: {  	_ =	shalt  }
0x69: {  	_ =	shalt  }
0x6a: {  	_ =	shalt  }
0x6b: {  	_ =	shalt  }
0x6c: {  	_ =	shalt  }
0x6d: {  	_ =	shalt  }
0x6e: {  	_ =	shalt  }
0x6f: {  	_ =	shalt  }
0x70: {  	_ =	shalt  }
0x71: {  	_ =	shalt  }
0x72: {  	_ =	shalt  }
0x73: {  	_ =	shalt  }
0x74: {  	_ =	shalt  }
0x75: {  	_ =	shalt  }
0x76: {  	_ =	shalt  }
0x77: {  	_ =	shalt  }
0x78: {  	_ =	shalt  }
0x79: {  	_ =	shalt  }
0x7a: {  	_ =	shalt  }
0x7b: {  	_ =	shalt  }
0x7c: {  	_ =	shalt  }
0x7d: {  	_ =	shalt  }
0x7e: {  	_ =	shalt  }
0x7f: {  	_ =	shalt  }
0x80: {  	_ =	shalt  }
0x81: {  	_ =	shalt  }
0x82: {  	_ =	shalt  }
0x83: {  	_ =	shalt  }
0x84: {  	_ =	shalt  }
0x85: {  	_ =	shalt  }
0x86: {  	_ =	shalt  }
0x87: {  	_ =	shalt  }
.Lfunc_end0:
.L_simem_size_0:
called_computation.2_lowered:
.L_overlay_start_0:
0x88: {  	s2 =	sld [smem:$0x3FD9]  }
0x89: {  	s3 =	sld [smem:$0x3FFE];
	_ =	sdelay $0x1  }
0x8a: {  	s1 =	srdreg.scid  }
0x8b: {  	s0 =	sand.u32 $0x1, s1  }
0x8c: {  	s16 =	sshll.u32 s0, $0xA;
	s2 =	sadd.s32 s3, s2  }
0x8d: {  	s2 =	sadd.s32 s2, s16  }
0x8e: {  	[smem:$0x3FB2] =	sst s2  }
0x8f: {  	_ = 	snop  }
0x90: {  	(tm) =	ssettm $0x1  }
0x91: {  	s17 =	sld [smem:$0x3FFB];
	_ =	sdelay $0x3  }
0x92: {  	_ =	strace s17  }
0x93: {  	s2 =	sld [smem:$0x3FFC];
	_ =	sdelay $0x3  }
0x94: {  	_ =	strace s2  }
0x95: {  	s2 =	sld [smem:$0x3FFD];
	_ =	sdelay $0x3  }
0x96: {  	_ =	strace s2  }
0x97: {  	_ =	strace $0x8FFFFFFF  }
0x98: {  	s18 =	sld [smem:$0x3FDB];
	_ =	sdelay $0x1  }
0x99: {  	s19 =	simm.s32 $_scs_section_size  }
0x9a: {  	s4 =	simm.s32 $_size__tile_overlayer_lowered;
	s5 =	simm.s32 $_tile_overlayer_lowered  }
0x9b: {  	s22 =	simm.s32 $0x1BFF;
	s21 =	sshll.u32 s5, $0x1;
	s2 =	sadd.s32 s19, s18  }
0x9c: {  	s6 =	simm.s32 $0x0;
	s20 =	sshll.u32 s4, $0x1;
	s4 =	sadd.s32 s21, s2  }
0x9d: {  	[timem:s6], [sflag:s22] =	dma.local [hbm:s4], s20  }
0x9e: {  	_ =	swait.ge [sflag:s22], s20  }
0x9f: {  	s3 =	ssub.s32 $0x0, s20;
	[sflag:s22] =	ssyncset.done $0x0  }
0xa0: {  	[sflag:s22] =	ssyncadd.s32 s3;
	_ =	sdelay $0x1  }
0xa1: {  	s23 =	simm.s32 $0x1B8B  }
0xa2: {  	_ =	swait.ge [sflag:s23], $0x1  }
0xa3: {  	[sflag:s23] =	ssyncset.done $0x0  }
0xa4: {  	s25 =	simm.s32 $0x1B8E;
	s24 =	sld [smem:$0x3FFE];
	[sflag:s23] =	ssyncadd.s32 $0xFFFFFFFF  }
0xa5: {  	s26 =	simm.s32 $execute0_lowered;
	[smem:$0x3FD2] =	sst s25  }
0xa6: {  	s4 =	sshll.u32 s26, $0x1;
	_ =	strace $0x8000004C;
	[dreg:$0x1] =	wrdreg $0xFFFFFFFF  }
0xa7: {  	s28 =	simm.s32 $_size_execute0_lowered;
	s2 =	sadd.s32 s2, s4;
	[dreg:$0x0] =	wrdreg $0x0  }
0xa8: {  	s4 =	sshll.u32 s28, $0x1;
	[dreg:$0x2] =	wrdreg s2  }
0xa9: {  	[dreg:$0x3] =	wrdreg s4  }
0xaa: {  	[dreg:$0x4] =	wrdreg $0xC0  }
0xab: {  	_ =	task [dreg:s6], $0x5FFFF  }
0xac: {  	[dreg:$0x1] =	wrdreg $0xFFFFFFFF  }
0xad: {  	[dreg:$0x0] =	wrdreg $0x60  }
0xae: {  	[dreg:$0x2] =	wrdreg s24  }
0xaf: {  	[dreg:$0x3] =	wrdreg $0x9  }
0xb0: {  	_ =	task.clear_ibuf [dreg:s6], $0x4FFFF;
	_ =	strace $0x9000004C  }
0xb1: {  	s29 =	simm.s32 $0x9;
	_ =	strace $0x8000004E  }
0xb2: {  	_ =	swait.ge [sflag:s29], $0x1  }
0xb3: {  	[sflag:s29] =	ssyncadd.s32 $0xFFFFFFFF  }
0xb4: {  	_ =	strace $0x9000004E  }
0xb5: {  	_ =	sfence  }
0xb6: {  	s30 =	sld [smem:$0x0];
	_ =	sdelay $0x2  }
0xb7: {  	s31 =	sshll.u32 s1, $0xD;
	s1 =	sshrl.u32 s1, $0x2  }
0xb8: {  	s3 =	sand.u32 $0x4000, s31;
	s1 =	sadd.s32 s1, s30  }
0xb9: {  	s0 =	sor.u32 s3, s0;
	s1 =	sshll.u32 s1, $0x11  }
0xba: {  	s0 =	sor.u32 s1, s0  }
0xbb: {  	s0 =	sadd.s32 $0x8F2B, s0  }
0xbc: {  	[sflag:s0] =	ssyncadd.remote.s32 $0x1  }
0xbd: {  	_ =	sfence.sel $0xFFFF  }
0xbe: {  	[dreg:$0x0] =	wrdreg $0xFFFFFFFF;
	(pc) =	sbr.abs _section_cstart, $3  }
0xbf: {  	[dreg:$0x1] =	wrdreg $0xFFFFFFFF  }
0xc0: {  	_ =	task.clear_ibuf [dreg:s6], $0x2FFFF;
	_ =	strace $0x9FFFFFFF  }
0xc1: {  	(tm) =	ssettm $0x7FFFFFFF  }
tec
execute0_lowered:
.L_overlay_start_1:
0x0: {  	(tag) =	ssettag $0x1  }
0x1: {  	s7 =	rddreg [dreg:$0x0]  }
0x2: {  	s1 =	srdreg.scid;
	s0 =	rddreg [dreg:$0x1]  }
0x3: {  	s2 =	simm.s32 $0x0;
	s15 =	simm.s32 $0xA000;
	s16 =	simm.s32 $0x14000  }
0x4: {  	s17 =	simm.s32 $0x16000;
	s18 =	simm.s32 $0x18000;
	s19 =	simm.s32 $0x2  }
0x5: {  	s20 =	simm.s32 $0x15000;
	s21 =	simm.s32 $0x17000;
	s5 =	sand.u32 $0x1, s1  }
0x6: {  	s22 =	simm.s32 $0x19000;
	s1 =	stileid.u32;
	s4 =	sshll.u32 s5, $0x4  }
0x7: {  	s23 =	simm.s32 $0x1;
	s24 =	simm.s32 $0x0;
	s8 =	sor.u32 s1, s4  }
0x8: {  	[smem:$0x7FF] =	sst s2;
	s3 =	sadd.s32 $0xD800, s7;
	s9 =	smul.u32 $0x1400, s8  }
0x9: {  	s6 =	sadd.s32 $0x49400, s7;
	s10 =	ssub.s32 $0x2, s5;
	s12 =	smul.u32 $0x3E8, s8  }
.Ltmp0:
0xa: {  	_ =	strace $0x8000004D;
	s11 =	sshrl.u32 s10, $0x1;
	(pc) =	sbr.rel .LBB2_1-.Ltmp0, $4  }
0xb: {  	s5 =	sadd.s32 $0x3A00, s7;
	s4 =	sadd.s32 $0x17600, s7;
	s14 =	ssub.s32 s10, s11  }
0xc: {  	s8 =	sshll.u32 s8, $0x1;
	s13 =	sadd.s32 s9, s7;
	s9 =	sadd.s32 s3, s12  }
0xd: {  	s10 =	sadd.s32 s4, s12;
	s11 =	sadd.s32 s5, s12;
	s7 =	sadd.s32 $0x21400, s13  }
0xe: {  	s12 =	sadd.s32 $0x4A800, s13;
	s13 =	smax.u32 s14, $0x1;
	s14 =	simm.s32 $0x3  }
.LBB2_12:
0xf: {  	s24 =	sadd.s32 $0x1, s24  }
0x10: {  	p0 =	sne.s32 s24, s13  }
.Ltmp1:
0x11: {  	_ = 	snop;
	(pc) =	sbr.rel @!p0 .LBB2_13-.Ltmp1, $4  }
0x12: {  	[hbm4b:s12+s2] =	stream.linear.scatter [tilespmem:s15], [sflag:$0x3], $0xA000, $0x38;
	[tilespmem:$0x1A000] =	vst v63  }
0x13: {  	_ =	swait.ge [sflag:s14], $0xA000  }
0x14: {  	[sflag:s14] =	ssyncset.done $0x0  }
0x15: {  	[sflag:s14] =	ssyncadd.s32 $0xFFFF6000  }
.LBB2_1:
0x16: {  	[tilespmem:s2], [sflag:$0x3] =	stream.linear.gather [hbm4b:s7+s2], $0xA000, $0x38;
	[tilespmem:$0x1A000] =	vst v63  }
0x17: {  	_ =	swait.ge [sflag:s14], $0xA000  }
0x18: {  	[sflag:s14] =	ssyncset.done $0x0  }
0x19: {  	[sflag:s14] =	ssyncadd.s32 $0xFFFF6000  }
0x1a: {  	[tilespmem:s15], [sflag:$0x3] =	stream.linear.gather [hbm4b:s6+s2], $0xA000, $0x38;
	[tilespmem:$0x1A000] =	vst v63  }
0x1b: {  	_ =	swait.ge [sflag:s14], $0xA000  }
0x1c: {  	[sflag:s14] =	ssyncset.done $0x0  }
0x1d: {  	[sflag:s14] =	ssyncadd.s32 $0xFFFF6000  }
0x1e: {  	[tilespmem:s16], [sflag:$0x1] =	stream.linear.gather [hbm4b:s9+s2], $0xFA0, $0x38;
	[tilespmem:$0x1A000] =	vst v63  }
.Ltmp2:
0x1f: {  	_ = 	snop;
	(pc) =	sbr.rel .LBB2_2-.Ltmp2, $4  }
0x20: {  	_ = 	snop  }
0x21: {  	[tilespmem:s17], [sflag:$0x1] =	stream.linear.gather [hbm4b:s10+s2], $0xFA0, $0x38;
	[tilespmem:$0x1A000] =	vst v63  }
0x22: {  	s26 =	simm.s32 $0x0  }
0x23: {  	[tilespmem:s18], [sflag:$0x1] =	stream.linear.gather [hbm4b:s11+s2], $0xFA0, $0x38;
	[tilespmem:$0x1A000] =	vst v63  }
.LBB2_10:
0x24: {  	_ =	sdelay $0x3  }
0x25: {  	s26 =	sshra.s32 s26, $0x2;
	[tilespmem:v0+s15+$0x0] =	vst.idx.add.f32.msk $0xffff, v1  }
0x26: {  	v0 =	vld [tilespmem:s26+$0x14000]  }
0x27: {  	v1 =	vld [tilespmem:s26+$0x14010];
	_ =	sdelay $0x3  }
0x28: {  	v2 =	vshll.u32 v0, $0x2  }
0x29: {  	v0 =	vand.u32 $0x7F, v0;
	v6 =	vshll.u32 v1, $0x2;
	v2 =	vand.u32 $0xFFFFFE00, v2  }
0x2a: {  	v1 =	vand.u32 $0x7F, v1;
	v6 =	vand.u32 $0xFFFFFE00, v6;
	v0 =	vor.u32 v0, v2  }
0x2b: {  	v57 =	vld [tilespmem:s26+$0x16000];
	v1 =	vor.u32 v1, v6  }
0x2c: {  	v5 =	vld [tilespmem:s26+$0x18010];
	v3 =	vor.u32 $0x80, v0  }
0x2d: {  	v8 =	vld [tilespmem:s26+$0x18000];
	v4 =	vor.u32 $0x100, v0  }
0x2e: {  	v9 =	vld [tilespmem:s26+$0x16010];
	v7 =	vor.u32 $0x180, v0  }
0x2f: {  	v6 =	vor.u32 $0x80, v1;
	v0 =	vld.idx.msk [tilespmem:v0+s2+$0x0], $0xffff  }
0x30: {  	v11 =	vshll.u32 v57, $0x2;
	v10 =	vor.u32 $0x100, v1;
	v12 =	vor.u32 $0x180, v1;
	v1 =	vld.idx.msk [tilespmem:v1+s2+$0x0], $0xffff  }
0x31: {  	v11 =	vand.u32 $0xFFFFFE00, v11;
	v2 =	vand.u32 $0x7F, v57;
	v3 =	vld.idx.msk [tilespmem:v3+s2+$0x0], $0xffff  }
0x32: {  	v2 =	vor.u32 v2, v11;
	v4 =	vld.idx.msk [tilespmem:v4+s2+$0x0], $0xffff  }
0x33: {  	v11 =	vor.u32 $0x80, v2;
	v7 =	vld.idx.msk [tilespmem:v7+s2+$0x0], $0xffff  }
0x34: {  	v13 =	vshll.u32 v9, $0x2;
	v9 =	vand.u32 $0x7F, v9;
	v14 =	vor.u32 $0x100, v2;
	v6 =	vld.idx.msk [tilespmem:v6+s2+$0x0], $0xffff  }
0x35: {  	v13 =	vand.u32 $0xFFFFFE00, v13;
	v15 =	vor.u32 $0x180, v2;
	v10 =	vld.idx.msk [tilespmem:v10+s2+$0x0], $0xffff;
	v0 =	vmul.f32 v0, v8  }
0x36: {  	v9 =	vor.u32 v9, v13;
	v12 =	vld.idx.msk [tilespmem:v12+s2+$0x0], $0xffff;
	v3 =	vmul.f32 v3, v8  }
0x37: {  	v58 =	vor.u32 $0x80, v9;
	v4 =	vmul.f32 v4, v8;
	[tilespmem:v2+s15+$0x0] =	vst.idx.add.f32.msk $0xffff, v0  }
0x38: {  	v60 =	vor.u32 $0x100, v9;
	v59 =	vmul.f32 v7, v8;
	[tilespmem:v11+s15+$0x0] =	vst.idx.add.f32.msk $0xffff, v3  }
0x39: {  	v61 =	vor.u32 $0x180, v9;
	v1 =	vmul.f32 v1, v5;
	[tilespmem:v14+s15+$0x0] =	vst.idx.add.f32.msk $0xffff, v4  }
0x3a: {  	v6 =	vmul.f32 v6, v5;
	[tilespmem:v15+s15+$0x0] =	vst.idx.add.f32.msk $0xffff, v59  }
0x3b: {  	v62 =	vmul.f32 v10, v5;
	[tilespmem:v9+s15+$0x0] =	vst.idx.add.f32.msk $0xffff, v1  }
0x3c: {  	v63 =	vmul.f32 v12, v5;
	[tilespmem:v58+s15+$0x0] =	vst.idx.add.f32.msk $0xffff, v6  }
0x3d: {  	[tilespmem:v60+s15+$0x0] =	vst.idx.add.f32.msk $0xffff, v62  }
0x3e: {  	[tilespmem:v61+s15+$0x0] =	vst.idx.add.f32.msk $0xffff, v63  }
.LBB2_11:
0x3f: {  	p0 =	sne.s32 s25, $0x50  }
.Ltmp3:
0x40: {  	_ = 	snop;
	(pc) =	sbr.rel @!p0 .LBB2_12-.Ltmp3, $2  }
0x41: {  	_ =	sdelay $0x2  }
0x42: {  	s26 =	smov.u32 s25  }
.LBB2_2:
0x43: {  	p0 =	seq.s32 s26, $0x4F  }
.Ltmp4:
0x44: {  	_ = 	snop;
	(pc) =	sbr.rel @p0 .LBB2_5-.Ltmp4, $2  }
0x45: {  	_ =	sdelay $0x2  }
0x46: {  	s25 =	sadd.s32 $0x1, s26  }
0x47: {  	s28 =	sadd.s32 s8, s25;
	s26 =	sand.u32 $0x1, s26  }
0x48: {  	s29 =	sadd.s32 $0xFFFFFFB0, s28;
	p0 =	seq.s32 s26, $0x0  }
.Ltmp5:
0x49: {  	s28 =	smin.u32 s29, s28;
	(pc) =	sbr.rel @p0 .LBB2_8-.Ltmp5, $3  }
0x4a: {  	s28 =	smul.u32 $0xFA0, s28;
	_ =	sdelay $0x1  }
0x4b: {  	s30 =	sshrl.u32 s28, $0x3  }
0x4c: {  	s29 =	sadd.s32 s3, s30;
	s28 =	sadd.s32 s4, s30;
	s26 =	sadd.s32 s5, s30  }
0x4d: {  	[tilespmem:s16], [sflag:$0x1] =	stream.linear.gather [hbm4b:s29+s2], $0xFA0, $0x38;
	[tilespmem:$0x1A000] =	vst v63  }
0x4e: {  	_ = 	snop  }
0x4f: {  	[tilespmem:s17], [sflag:$0x1] =	stream.linear.gather [hbm4b:s28+s2], $0xFA0, $0x38;
	[tilespmem:$0x1A000] =	vst v63  }
0x50: {  	_ = 	snop  }
0x51: {  	[tilespmem:s18], [sflag:$0x1] =	stream.linear.gather [hbm4b:s26+s2], $0xFA0, $0x38;
	[tilespmem:$0x1A000] =	vst v63  }
.LBB2_5:
0x52: {  	_ =	swait.ge [sflag:s19], $0xFA0  }
0x53: {  	[sflag:s19] =	ssyncset.done $0x0  }
0x54: {  	[sflag:s19] =	ssyncadd.s32 $0xFFFFF060  }
0x55: {  	_ =	swait.ge [sflag:s19], $0xFA0  }
0x56: {  	[sflag:s19] =	ssyncset.done $0x0  }
0x57: {  	[sflag:s19] =	ssyncadd.s32 $0xFFFFF060  }
0x58: {  	_ =	swait.ge [sflag:s19], $0xFA0  }
0x59: {  	[sflag:s19] =	ssyncset.done $0x0  }
0x5a: {  	s26 =	simm.s32 $0x0;
	[sflag:s19] =	ssyncadd.s32 $0xFFFFF060  }
0x5b: {  	v0 =	vld [tilespmem:s26+$0x15000]  }
0x5c: {  	v1 =	vld [tilespmem:s26+$0x15010];
	_ =	sdelay $0x3  }
0x5d: {  	v2 =	vshll.u32 v0, $0x2  }
0x5e: {  	v0 =	vand.u32 $0x7F, v0;
	v6 =	vshll.u32 v1, $0x2;
	v2 =	vand.u32 $0xFFFFFE00, v2  }
0x5f: {  	v1 =	vand.u32 $0x7F, v1;
	v6 =	vand.u32 $0xFFFFFE00, v6;
	v0 =	vor.u32 v0, v2  }
0x60: {  	v2 =	vld [tilespmem:s26+$0x17000];
	v1 =	vor.u32 v1, v6  }
0x61: {  	v5 =	vld [tilespmem:s26+$0x19010];
	v3 =	vor.u32 $0x80, v0  }
0x62: {  	v8 =	vld [tilespmem:s26+$0x19000];
	v4 =	vor.u32 $0x100, v0  }
0x63: {  	v9 =	vld [tilespmem:s26+$0x17010];
	v7 =	vor.u32 $0x180, v0  }
0x64: {  	v6 =	vor.u32 $0x80, v1;
	v0 =	vld.idx.msk [tilespmem:v0+s2+$0x0], $0xffff  }
0x65: {  	v10 =	vor.u32 $0x100, v1;
	v12 =	vor.u32 $0x180, v1;
	v11 =	vshll.u32 v2, $0x2;
	v1 =	vld.idx.msk [tilespmem:v1+s2+$0x0], $0xffff  }
0x66: {  	v2 =	vand.u32 $0x7F, v2;
	v3 =	vld.idx.msk [tilespmem:v3+s2+$0x0], $0xffff;
	v11 =	vand.u32 $0xFFFFFE00, v11  }
0x67: {  	v4 =	vld.idx.msk [tilespmem:v4+s2+$0x0], $0xffff;
	v2 =	vor.u32 v2, v11  }
0x68: {  	v7 =	vld.idx.msk [tilespmem:v7+s2+$0x0], $0xffff;
	v11 =	vor.u32 $0x80, v2  }
0x69: {  	v13 =	vshll.u32 v9, $0x2;
	v9 =	vand.u32 $0x7F, v9;
	v6 =	vld.idx.msk [tilespmem:v6+s2+$0x0], $0xffff;
	v14 =	vor.u32 $0x100, v2  }
0x6a: {  	v13 =	vand.u32 $0xFFFFFE00, v13;
	v10 =	vld.idx.msk [tilespmem:v10+s2+$0x0], $0xffff;
	v15 =	vor.u32 $0x180, v2;
	v0 =	vmul.f32 v0, v8  }
0x6b: {  	v9 =	vor.u32 v9, v13;
	v12 =	vld.idx.msk [tilespmem:v12+s2+$0x0], $0xffff;
	v3 =	vmul.f32 v3, v8  }
0x6c: {  	v4 =	vmul.f32 v4, v8;
	[tilespmem:v2+s15+$0x0] =	vst.idx.add.f32.msk $0xffff, v0;
	v0 =	vor.u32 $0x80, v9  }
0x6d: {  	v2 =	vmul.f32 v7, v8;
	[tilespmem:v11+s15+$0x0] =	vst.idx.add.f32.msk $0xffff, v3  }
0x6e: {  	v1 =	vmul.f32 v1, v5;
	[tilespmem:v14+s15+$0x0] =	vst.idx.add.f32.msk $0xffff, v4  }
0x6f: {  	v63 =	vmul.f32 v6, v5;
	v3 =	vor.u32 $0x100, v9;
	[tilespmem:v15+s15+$0x0] =	vst.idx.add.f32.msk $0xffff, v2  }
0x70: {  	[tilespmem:v9+s15+$0x0] =	vst.idx.add.f32.msk $0xffff, v1  }
0x71: {  	[tilespmem:v0+s15+$0x0] =	vst.idx.add.f32.msk $0xffff, v63;
	v0 =	vor.u32 $0x180, v9  }
0x72: {  	v2 =	vmul.f32 v10, v5;
	_ =	sdelay $0x1  }
0x73: {  	s28 =	simm.s32 $0x100;
	s26 =	simm.s32 $0x80;
	v1 =	vmul.f32 v12, v5;
	[tilespmem:v3+s15+$0x0] =	vst.idx.add.f32.msk $0xffff, v2  }
.LBB2_6:
0x74: {  	p0 =	sne.s32 s28, $0x3E00  }
0x75: {  	s29 =	sshra.s32 s26, $0x2;
	[tilespmem:v0+s15+$0x0] =	vst.idx.add.f32.msk $0xffff, v1;
	s26 =	smov.u32 s28;
	s28 =	sadd.s32 $0x80, s28  }
0x76: {  	v0 =	vld [tilespmem:s29+$0x15000];
	_ =	sdelay $0x3  }
0x77: {  	v1 =	vld [tilespmem:s29+$0x15010]  }
0x78: {  	v2 =	vshll.u32 v0, $0x2  }
0x79: {  	v0 =	vand.u32 $0x7F, v0;
	v2 =	vand.u32 $0xFFFFFE00, v2  }
0x7a: {  	v0 =	vor.u32 v0, v2  }
0x7b: {  	v2 =	vld [tilespmem:s29+$0x17000];
	v3 =	vor.u32 $0x80, v0;
	v4 =	vor.u32 $0x100, v0;
	v5 =	vor.u32 $0x180, v0  }
0x7c: {  	v6 =	vld [tilespmem:s29+$0x19010];
	v7 =	vshll.u32 v1, $0x2  }
0x7d: {  	v1 =	vand.u32 $0x7F, v1;
	v8 =	vld [tilespmem:s29+$0x19000];
	v7 =	vand.u32 $0xFFFFFE00, v7  }
0x7e: {  	v9 =	vld [tilespmem:s29+$0x17010];
	v1 =	vor.u32 v1, v7  }
0x7f: {  	v0 =	vld.idx.msk [tilespmem:v0+s2+$0x0], $0xffff;
	v7 =	vor.u32 $0x80, v1;
	v10 =	vor.u32 $0x100, v1;
	v11 =	vor.u32 $0x180, v1  }
0x80: {  	v3 =	vld.idx.msk [tilespmem:v3+s2+$0x0], $0xffff;
	v12 =	vshll.u32 v2, $0x2  }
0x81: {  	v2 =	vand.u32 $0x7F, v2;
	v4 =	vld.idx.msk [tilespmem:v4+s2+$0x0], $0xffff;
	v12 =	vand.u32 $0xFFFFFE00, v12  }
0x82: {  	v5 =	vld.idx.msk [tilespmem:v5+s2+$0x0], $0xffff;
	v2 =	vor.u32 v2, v12  }
0x83: {  	v1 =	vld.idx.msk [tilespmem:v1+s2+$0x0], $0xffff;
	v12 =	vor.u32 $0x80, v2;
	v13 =	vshll.u32 v9, $0x2  }
0x84: {  	v14 =	vor.u32 $0x100, v2;
	v7 =	vld.idx.msk [tilespmem:v7+s2+$0x0], $0xffff;
	v13 =	vand.u32 $0xFFFFFE00, v13  }
0x85: {  	v15 =	vor.u32 $0x180, v2;
	v9 =	vand.u32 $0x7F, v9;
	v0 =	vmul.f32 v0, v8;
	v10 =	vld.idx.msk [tilespmem:v10+s2+$0x0], $0xffff  }
0x86: {  	v3 =	vmul.f32 v3, v8;
	v9 =	vor.u32 v9, v13;
	v11 =	vld.idx.msk [tilespmem:v11+s2+$0x0], $0xffff  }
0x87: {  	v4 =	vmul.f32 v4, v8;
	[tilespmem:v2+s15+$0x0] =	vst.idx.add.f32.msk $0xffff, v0;
	v2 =	vor.u32 $0x80, v9  }
0x88: {  	v5 =	vmul.f32 v5, v8;
	[tilespmem:v12+s15+$0x0] =	vst.idx.add.f32.msk $0xffff, v3;
	v3 =	vor.u32 $0x100, v9  }
.Ltmp6:
0x89: {  	v0 =	vor.u32 $0x180, v9;
	v1 =	vmul.f32 v1, v6;
	[tilespmem:v14+s15+$0x0] =	vst.idx.add.f32.msk $0xffff, v4;
	(pc) =	sbr.rel @p0 .LBB2_6-.Ltmp6, $4  }
0x8a: {  	v4 =	vmul.f32 v7, v6;
	[tilespmem:v15+s15+$0x0] =	vst.idx.add.f32.msk $0xffff, v5  }
0x8b: {  	v5 =	vmul.f32 v10, v6;
	[tilespmem:v9+s15+$0x0] =	vst.idx.add.f32.msk $0xffff, v1  }
0x8c: {  	v1 =	vmul.f32 v11, v6;
	[tilespmem:v2+s15+$0x0] =	vst.idx.add.f32.msk $0xffff, v4  }
0x8d: {  	[tilespmem:v3+s15+$0x0] =	vst.idx.add.f32.msk $0xffff, v5  }
0x8e: {  	_ =	sdelay $0x3  }
0x8f: {  	s26 =	sshra.s32 s26, $0x2;
	[tilespmem:v0+s15+$0x0] =	vst.idx.add.f32.msk $0xffff, v1  }
0x90: {  	v0 =	vld [tilespmem:s26+$0x15000]  }
0x91: {  	v1 =	vld [tilespmem:s26+$0x15010];
	_ =	sdelay $0x3  }
0x92: {  	v2 =	vshll.u32 v0, $0x2  }
0x93: {  	v0 =	vand.u32 $0x7F, v0;
	v6 =	vshll.u32 v1, $0x2;
	v2 =	vand.u32 $0xFFFFFE00, v2  }
0x94: {  	v1 =	vand.u32 $0x7F, v1;
	v6 =	vand.u32 $0xFFFFFE00, v6;
	v0 =	vor.u32 v0, v2  }
0x95: {  	v57 =	vld [tilespmem:s26+$0x17000];
	v1 =	vor.u32 v1, v6  }
0x96: {  	v5 =	vld [tilespmem:s26+$0x19010];
	v3 =	vor.u32 $0x80, v0  }
0x97: {  	v8 =	vld [tilespmem:s26+$0x19000];
	v4 =	vor.u32 $0x100, v0  }
0x98: {  	v9 =	vld [tilespmem:s26+$0x17010];
	v7 =	vor.u32 $0x180, v0  }
0x99: {  	v6 =	vor.u32 $0x80, v1;
	v0 =	vld.idx.msk [tilespmem:v0+s2+$0x0], $0xffff  }
0x9a: {  	v11 =	vshll.u32 v57, $0x2;
	v10 =	vor.u32 $0x100, v1;
	v12 =	vor.u32 $0x180, v1;
	v1 =	vld.idx.msk [tilespmem:v1+s2+$0x0], $0xffff  }
0x9b: {  	v11 =	vand.u32 $0xFFFFFE00, v11;
	v2 =	vand.u32 $0x7F, v57;
	v3 =	vld.idx.msk [tilespmem:v3+s2+$0x0], $0xffff  }
0x9c: {  	v2 =	vor.u32 v2, v11;
	v4 =	vld.idx.msk [tilespmem:v4+s2+$0x0], $0xffff  }
0x9d: {  	v11 =	vor.u32 $0x80, v2;
	v7 =	vld.idx.msk [tilespmem:v7+s2+$0x0], $0xffff  }
0x9e: {  	v13 =	vshll.u32 v9, $0x2;
	v9 =	vand.u32 $0x7F, v9;
	v14 =	vor.u32 $0x100, v2;
	v6 =	vld.idx.msk [tilespmem:v6+s2+$0x0], $0xffff  }
0x9f: {  	v13 =	vand.u32 $0xFFFFFE00, v13;
	v15 =	vor.u32 $0x180, v2;
	v10 =	vld.idx.msk [tilespmem:v10+s2+$0x0], $0xffff;
	v0 =	vmul.f32 v0, v8  }
0xa0: {  	v9 =	vor.u32 v9, v13;
	v12 =	vld.idx.msk [tilespmem:v12+s2+$0x0], $0xffff;
	v3 =	vmul.f32 v3, v8  }
0xa1: {  	v58 =	vor.u32 $0x80, v9;
	v4 =	vmul.f32 v4, v8;
	[tilespmem:v2+s15+$0x0] =	vst.idx.add.f32.msk $0xffff, v0  }
0xa2: {  	v60 =	vor.u32 $0x100, v9;
	v59 =	vmul.f32 v7, v8;
	[tilespmem:v11+s15+$0x0] =	vst.idx.add.f32.msk $0xffff, v3  }
0xa3: {  	v61 =	vor.u32 $0x180, v9;
	v1 =	vmul.f32 v1, v5;
	[tilespmem:v14+s15+$0x0] =	vst.idx.add.f32.msk $0xffff, v4  }
.Ltmp7:
0xa4: {  	v6 =	vmul.f32 v6, v5;
	[tilespmem:v15+s15+$0x0] =	vst.idx.add.f32.msk $0xffff, v59;
	(pc) =	sbr.rel .LBB2_11-.Ltmp7, $4  }
0xa5: {  	v62 =	vmul.f32 v10, v5;
	[tilespmem:v9+s15+$0x0] =	vst.idx.add.f32.msk $0xffff, v1  }
0xa6: {  	v63 =	vmul.f32 v12, v5;
	[tilespmem:v58+s15+$0x0] =	vst.idx.add.f32.msk $0xffff, v6  }
0xa7: {  	[tilespmem:v60+s15+$0x0] =	vst.idx.add.f32.msk $0xffff, v62  }
0xa8: {  	[tilespmem:v61+s15+$0x0] =	vst.idx.add.f32.msk $0xffff, v63  }
.LBB2_8:
0xa9: {  	s30 =	simm.s32 $0x0  }
0xaa: {  	[tilespmem:s20], [sflag:$0x2] =	stream.linear.gather [hbm4b:s29+s30], $0xFA0, $0x38;
	[tilespmem:$0x1A000] =	vst v63  }
0xab: {  	_ = 	snop  }
0xac: {  	[tilespmem:s21], [sflag:$0x2] =	stream.linear.gather [hbm4b:s28+s30], $0xFA0, $0x38;
	[tilespmem:$0x1A000] =	vst v63  }
0xad: {  	_ = 	snop  }
0xae: {  	[tilespmem:s22], [sflag:$0x2] =	stream.linear.gather [hbm4b:s26+s30], $0xFA0, $0x38;
	[tilespmem:$0x1A000] =	vst v63  }
0xaf: {  	_ =	swait.ge [sflag:s23], $0xFA0  }
0xb0: {  	[sflag:s23] =	ssyncset.done $0x0  }
0xb1: {  	[sflag:s23] =	ssyncadd.s32 $0xFFFFF060  }
0xb2: {  	_ =	swait.ge [sflag:s23], $0xFA0  }
0xb3: {  	[sflag:s23] =	ssyncset.done $0x0  }
0xb4: {  	[sflag:s23] =	ssyncadd.s32 $0xFFFFF060  }
0xb5: {  	_ =	swait.ge [sflag:s23], $0xFA0  }
0xb6: {  	[sflag:s23] =	ssyncset.done $0x0  }
0xb7: {  	s31 =	simm.s32 $0x0;
	[sflag:s23] =	ssyncadd.s32 $0xFFFFF060  }
0xb8: {  	v0 =	vld [tilespmem:s31+$0x14000]  }
0xb9: {  	v1 =	vld [tilespmem:s31+$0x14010];
	_ =	sdelay $0x3  }
0xba: {  	v2 =	vshll.u32 v0, $0x2  }
0xbb: {  	v0 =	vand.u32 $0x7F, v0;
	v6 =	vshll.u32 v1, $0x2;
	v2 =	vand.u32 $0xFFFFFE00, v2  }
0xbc: {  	v1 =	vand.u32 $0x7F, v1;
	v6 =	vand.u32 $0xFFFFFE00, v6;
	v0 =	vor.u32 v0, v2  }
0xbd: {  	v2 =	vld [tilespmem:s31+$0x16000];
	v1 =	vor.u32 v1, v6  }
0xbe: {  	v5 =	vld [tilespmem:s31+$0x18010];
	v3 =	vor.u32 $0x80, v0  }
0xbf: {  	v8 =	vld [tilespmem:s31+$0x18000];
	v4 =	vor.u32 $0x100, v0  }
0xc0: {  	v9 =	vld [tilespmem:s31+$0x16010];
	v7 =	vor.u32 $0x180, v0  }
0xc1: {  	v6 =	vor.u32 $0x80, v1;
	v0 =	vld.idx.msk [tilespmem:v0+s2+$0x0], $0xffff  }
0xc2: {  	v10 =	vor.u32 $0x100, v1;
	v12 =	vor.u32 $0x180, v1;
	v11 =	vshll.u32 v2, $0x2;
	v1 =	vld.idx.msk [tilespmem:v1+s2+$0x0], $0xffff  }
0xc3: {  	v2 =	vand.u32 $0x7F, v2;
	v3 =	vld.idx.msk [tilespmem:v3+s2+$0x0], $0xffff;
	v11 =	vand.u32 $0xFFFFFE00, v11  }
0xc4: {  	v4 =	vld.idx.msk [tilespmem:v4+s2+$0x0], $0xffff;
	v2 =	vor.u32 v2, v11  }
0xc5: {  	v7 =	vld.idx.msk [tilespmem:v7+s2+$0x0], $0xffff;
	v11 =	vor.u32 $0x80, v2  }
0xc6: {  	v13 =	vshll.u32 v9, $0x2;
	v9 =	vand.u32 $0x7F, v9;
	v6 =	vld.idx.msk [tilespmem:v6+s2+$0x0], $0xffff;
	v14 =	vor.u32 $0x100, v2  }
0xc7: {  	v13 =	vand.u32 $0xFFFFFE00, v13;
	v10 =	vld.idx.msk [tilespmem:v10+s2+$0x0], $0xffff;
	v15 =	vor.u32 $0x180, v2;
	v0 =	vmul.f32 v0, v8  }
0xc8: {  	v9 =	vor.u32 v9, v13;
	v12 =	vld.idx.msk [tilespmem:v12+s2+$0x0], $0xffff;
	v3 =	vmul.f32 v3, v8  }
0xc9: {  	v4 =	vmul.f32 v4, v8;
	[tilespmem:v2+s15+$0x0] =	vst.idx.add.f32.msk $0xffff, v0;
	v0 =	vor.u32 $0x80, v9  }
0xca: {  	v2 =	vmul.f32 v7, v8;
	[tilespmem:v11+s15+$0x0] =	vst.idx.add.f32.msk $0xffff, v3  }
0xcb: {  	v1 =	vmul.f32 v1, v5;
	[tilespmem:v14+s15+$0x0] =	vst.idx.add.f32.msk $0xffff, v4  }
0xcc: {  	v63 =	vmul.f32 v6, v5;
	v3 =	vor.u32 $0x100, v9;
	[tilespmem:v15+s15+$0x0] =	vst.idx.add.f32.msk $0xffff, v2  }
0xcd: {  	[tilespmem:v9+s15+$0x0] =	vst.idx.add.f32.msk $0xffff, v1  }
0xce: {  	[tilespmem:v0+s15+$0x0] =	vst.idx.add.f32.msk $0xffff, v63;
	v0 =	vor.u32 $0x180, v9  }
0xcf: {  	v2 =	vmul.f32 v10, v5;
	_ =	sdelay $0x1  }
0xd0: {  	s28 =	simm.s32 $0x100;
	s26 =	simm.s32 $0x80;
	v1 =	vmul.f32 v12, v5;
	[tilespmem:v3+s15+$0x0] =	vst.idx.add.f32.msk $0xffff, v2  }
.LBB2_9:
0xd1: {  	p0 =	seq.s32 s28, $0x3E00  }
0xd2: {  	s29 =	sshra.s32 s26, $0x2;
	[tilespmem:v0+s15+$0x0] =	vst.idx.add.f32.msk $0xffff, v1;
	s26 =	smov.u32 s28;
	s28 =	sadd.s32 $0x80, s28  }
0xd3: {  	v0 =	vld [tilespmem:s29+$0x14000];
	_ =	sdelay $0x3  }
0xd4: {  	v1 =	vld [tilespmem:s29+$0x14010]  }
0xd5: {  	v2 =	vshll.u32 v0, $0x2  }
0xd6: {  	v0 =	vand.u32 $0x7F, v0;
	v2 =	vand.u32 $0xFFFFFE00, v2  }
0xd7: {  	v0 =	vor.u32 v0, v2  }
0xd8: {  	v2 =	vld [tilespmem:s29+$0x16000];
	v3 =	vor.u32 $0x80, v0;
	v4 =	vor.u32 $0x100, v0;
	v5 =	vor.u32 $0x180, v0  }
0xd9: {  	v6 =	vld [tilespmem:s29+$0x18010];
	v7 =	vshll.u32 v1, $0x2  }
0xda: {  	v1 =	vand.u32 $0x7F, v1;
	v8 =	vld [tilespmem:s29+$0x18000];
	v7 =	vand.u32 $0xFFFFFE00, v7  }
0xdb: {  	v9 =	vld [tilespmem:s29+$0x16010];
	v1 =	vor.u32 v1, v7  }
0xdc: {  	v0 =	vld.idx.msk [tilespmem:v0+s2+$0x0], $0xffff;
	v7 =	vor.u32 $0x80, v1;
	v10 =	vor.u32 $0x100, v1;
	v11 =	vor.u32 $0x180, v1  }
0xdd: {  	v3 =	vld.idx.msk [tilespmem:v3+s2+$0x0], $0xffff;
	v12 =	vshll.u32 v2, $0x2  }
0xde: {  	v2 =	vand.u32 $0x7F, v2;
	v4 =	vld.idx.msk [tilespmem:v4+s2+$0x0], $0xffff;
	v12 =	vand.u32 $0xFFFFFE00, v12  }
0xdf: {  	v5 =	vld.idx.msk [tilespmem:v5+s2+$0x0], $0xffff;
	v2 =	vor.u32 v2, v12  }
0xe0: {  	v1 =	vld.idx.msk [tilespmem:v1+s2+$0x0], $0xffff;
	v12 =	vor.u32 $0x80, v2;
	v13 =	vshll.u32 v9, $0x2  }
0xe1: {  	v14 =	vor.u32 $0x100, v2;
	v7 =	vld.idx.msk [tilespmem:v7+s2+$0x0], $0xffff;
	v13 =	vand.u32 $0xFFFFFE00, v13  }
0xe2: {  	v15 =	vor.u32 $0x180, v2;
	v9 =	vand.u32 $0x7F, v9;
	v0 =	vmul.f32 v0, v8;
	v10 =	vld.idx.msk [tilespmem:v10+s2+$0x0], $0xffff  }
0xe3: {  	v3 =	vmul.f32 v3, v8;
	v9 =	vor.u32 v9, v13;
	v11 =	vld.idx.msk [tilespmem:v11+s2+$0x0], $0xffff  }
0xe4: {  	v4 =	vmul.f32 v4, v8;
	[tilespmem:v2+s15+$0x0] =	vst.idx.add.f32.msk $0xffff, v0;
	v2 =	vor.u32 $0x80, v9  }
0xe5: {  	v5 =	vmul.f32 v5, v8;
	[tilespmem:v12+s15+$0x0] =	vst.idx.add.f32.msk $0xffff, v3;
	v3 =	vor.u32 $0x100, v9  }
.Ltmp8:
0xe6: {  	v0 =	vor.u32 $0x180, v9;
	v1 =	vmul.f32 v1, v6;
	[tilespmem:v14+s15+$0x0] =	vst.idx.add.f32.msk $0xffff, v4;
	(pc) =	sbr.rel @!p0 .LBB2_9-.Ltmp8, $4  }
0xe7: {  	v4 =	vmul.f32 v7, v6;
	[tilespmem:v15+s15+$0x0] =	vst.idx.add.f32.msk $0xffff, v5  }
0xe8: {  	v5 =	vmul.f32 v10, v6;
	[tilespmem:v9+s15+$0x0] =	vst.idx.add.f32.msk $0xffff, v1  }
0xe9: {  	v1 =	vmul.f32 v11, v6;
	[tilespmem:v2+s15+$0x0] =	vst.idx.add.f32.msk $0xffff, v4  }
0xea: {  	[tilespmem:v3+s15+$0x0] =	vst.idx.add.f32.msk $0xffff, v5  }
.Ltmp9:
0xeb: {  	_ = 	snop;
	(pc) =	sbr.rel .LBB2_10-.Ltmp9, $1  }
0xec: {  	_ =	sdelay $0x3  }
.LBB2_13:
0xed: {  	_ =	sfence.sel $0x180000  }
0xee: {  	[bflag:$0x0] =	sbarrier.arrive $0xFFFF  }
0xef: {  	p0 =	sne.s32 s1, $0x0;
	_ =	strace $0x9000004D  }
0xf0: {  	s0 =	sadd.s32 @!p0 $0x100000, s0;
	[bflag:$0x2] =	sbarrier.arrive $0xFFFF  }
0xf1: {  	[sflag:s0] =	ssyncadd.tile.s32 @!p0 $0x1;
	_ =	shalt  }
.Lfunc_end2:
_tile_overlayer_lowered:
.L_overlay_start_2:
0xf2: {  	(tag) =	ssettag $0x2  }
0xf3: {  	s0 =	rddreg [dreg:$0x0];
	s2 =	stileid.u32  }
0xf4: {  	s1 =	rddreg [dreg:$0x1];
	p0 =	sne.s32 s2, $0x0  }
0xf5: {  	s3 =	rddreg [dreg:$0x2];
	[bflag:$0x3] =	sbarrier.arrive $0xFFFF;
	s2 =	simm.s32 @!p0 $0x1C03  }
0xf6: {  	[timem:s3], [sflag:s2] =	dma.local @!p0 [hbm:s0], s1  }
0xf7: {  	s0 =	simm.s32 @!p0 $0x3  }
0xf8: {  	_ =	swait.ge @!p0 [sflag:s0], s1  }
0xf9: {  	s1 =	ssub.s32 @!p0 $0x0, s1;
	[sflag:s0] =	ssyncset.done @!p0 $0x0  }
0xfa: {  	[sflag:s0] =	ssyncadd.s32 @!p0 s1  }
0xfb: {  	[bflag:$0x3] =	sbarrier.arrive $0xFFFF  }
0xfc: {  	_ =	shalt  }

// kernel: kernel.9.cloned.1.call-start
scs
__scs_entry_jumppad:
0x0: {  	(pc) =	sbr.rel $0x88, $3  }
0x1: {  	(tag) =	ssettag $0x0;
	lr =	simm.s32 $0x1  }
0x2: {  	[smem:$0x3F8B] =	sst lr;
	_ =	strace $0xD0000000  }
0x3: {  	_ = 	snop  }
0x4: {  	_ = 	snop  }
0x5: {  	_ = 	snop  }
0x6: {  	_ = 	snop  }
0x7: {  	_ = 	snop  }
__scs_overlays_trampoline_lowered:
0x8: {  	[smem:$0x3F9A] =	sst s0  }
0x9: {  	[smem:$0x3F9B] =	sst s1  }
0xa: {  	[smem:$0x3F9C] =	sst s2  }
0xb: {  	[smem:$0x3F9D] =	sst s3  }
0xc: {  	[smem:$0x3F9E] =	sst s4  }
0xd: {  	[smem:$0x3F9F] =	sst s5  }
0xe: {  	[smem:$0x3FA0] =	sst s6  }
0xf: {  	[smem:$0x3FA1] =	sst s7  }
0x10: {  	[smem:$0x3FA2] =	sst s8  }
0x11: {  	[smem:$0x3FA3] =	sst s9;
	s0 =	simm.s32 @!p0 $0x0  }
0x12: {  	s1 =	sld [smem:$0x3F89];
	s0 =	simm.s32 @p0 $0x1  }
0x13: {  	[smem:$0x3FA4] =	sst s0;
	s0 =	simm.s32 @!p1 $0x0  }
0x14: {  	s2 =	sld [smem:$0x3F88];
	s0 =	simm.s32 @p1 $0x1  }
0x15: {  	[smem:$0x3FA5] =	sst s0;
	s0 =	simm.s32 @!p2 $0x0  }
0x16: {  	s3 =	sld [smem:$0x3FDB];
	s0 =	simm.s32 @p2 $0x1  }
0x17: {  	s4 =	simm.s32 $0x1BF5;
	[smem:$0x3FA7] =	sst s0  }
0x18: {  	s0 =	sld [smem:$0x3F8A];
	_ =	swait.ge [sflag:s4], $0x0  }
0x19: {  	s7 =	sld [smem:$0x3F8B]  }
0x1a: {  	s8 =	sadd.s32 $0xFFFFE003, lr  }
0x1b: {  	s9 =	sadd.s32 $0xFFFFFEF7, lr;
	s5 =	simm.s32 $0xFFFFFFFF;
	p2 =	slt.u32 s8, $0xFFFFF086  }
0x1c: {  	p1 =	slt.u32 s9, $0xF7A;
	s5 =	simm.s32 @!p2 $0x0  }
0x1d: {  	s5 =	simm.s32 @p1 $0x1;
	p0 =	seq.s32 s7, s2  }
0x1e: {  	s7 =	smul.u32 @!p0 $0xF7A, s2;
	p2 =	seq.s32 @!p0 s5, $0x0  }
0x1f: {  	s9 =	smul.u32 $0xF7A, s1;
	s8 =	simm.s32 @!p0 $0x1BF5;
	p2 =	por !p2, p0  }
0x20: {  	[sflag:s8] =	ssyncset.s32 @!p0 $0xFFFFF086;
	s6 =	sadd.s32 @!p0 s3, s7;
	s7 =	simm.s32 @!p0 $0x108  }
0x21: {  	s3 =	sadd.s32 s3, s9;
	s6 =	sadd.s32 @!p0 $0x88, s6;
	s7 =	simm.s32 @p2 $0x1082  }
0x22: {  	[simem:s7], [sflag:s8] =	dma.local @!p0 [hbm:s6], $0xF7A  }
0x23: {  	s9 =	sor.u32 $0xD0000000, s2;
	s6 =	simm.s32 $0x108;
	_ =	swait.ge @!p0 [sflag:s8], $0x0  }
0x24: {  	s3 =	sadd.s32 $0x88, s3;
	s6 =	simm.s32 @!p1 $0x1082;
	[sflag:s4] =	ssyncset.s32 $0xFFFFF086  }
0x25: {  	[simem:s6], [sflag:s4] =	dma.local [hbm:s3], $0xF7A  }
0x26: {  	[smem:$0x3F8B] =	sst s1;
	(tag) =	ssettag s2;
	_ =	strace s9  }
0x27: {  	s1 =	sld [smem:$0x3F9B]  }
0x28: {  	s2 =	sld [smem:$0x3F9C]  }
0x29: {  	s4 =	sld [smem:$0x3F9E]  }
0x2a: {  	p0 =	seq.s32 s5, $0x0;
	s5 =	sld [smem:$0x3F9F]  }
0x2b: {  	s6 =	sld [smem:$0x3FA0]  }
0x2c: {  	s7 =	sld [smem:$0x3FA1]  }
0x2d: {  	s3 =	simm.s32 $0x108;
	s8 =	sld [smem:$0x3FA2]  }
0x2e: {  	s3 =	simm.s32 @!p0 $0x1082;
	s9 =	sld [smem:$0x3FA3]  }
0x2f: {  	lr =	sadd.s32 s0, s3;
	s0 =	sld [smem:$0x3F9A]  }
0x30: {  	s3 =	sld [smem:$0x3F9D]  }
0x31: {  	[smem:$0x3FA6] =	sst s10  }
0x32: {  	s10 =	sld [smem:$0x3FA4];
	_ =	sdelay $0x3  }
0x33: {  	p0 =	seq.s32 s10, $0x1;
	s10 =	sld [smem:$0x3FA6];
	_ =	sdelay $0x3  }
0x34: {  	[smem:$0x3FA6] =	sst s10  }
0x35: {  	s10 =	sld [smem:$0x3FA5];
	_ =	sdelay $0x3  }
0x36: {  	p1 =	seq.s32 s10, $0x1;
	s10 =	sld [smem:$0x3FA6];
	_ =	sdelay $0x3  }
0x37: {  	[smem:$0x3FA6] =	sst s10  }
0x38: {  	s10 =	sld [smem:$0x3FA7]  }
0x39: {  	_ = 	snop;
	(pc) =	sbr.ind lr, $3  }
0x3a: {  	_ = 	snop  }
0x3b: {  	_ = 	snop  }
0x3c: {  	p2 =	seq.s32 s10, $0x1;
	s10 =	sld [smem:$0x3FA6]  }
0x3d: {  	_ =	shalt  }
0x3e: {  	_ =	shalt  }
0x3f: {  	_ =	shalt  }
0x40: {  	_ =	shalt  }
0x41: {  	_ =	shalt  }
0x42: {  	_ =	shalt  }
0x43: {  	_ =	shalt  }
0x44: {  	_ =	shalt  }
0x45: {  	_ =	shalt  }
0x46: {  	_ =	shalt  }
0x47: {  	_ =	shalt  }
0x48: {  	_ =	shalt  }
0x49: {  	_ =	shalt  }
0x4a: {  	_ =	shalt  }
0x4b: {  	_ =	shalt  }
0x4c: {  	_ =	shalt  }
0x4d: {  	_ =	shalt  }
0x4e: {  	_ =	shalt  }
0x4f: {  	_ =	shalt  }
0x50: {  	_ =	shalt  }
0x51: {  	_ =	shalt  }
0x52: {  	_ =	shalt  }
0x53: {  	_ =	shalt  }
0x54: {  	_ =	shalt  }
0x55: {  	_ =	shalt  }
0x56: {  	_ =	shalt  }
0x57: {  	_ =	shalt  }
0x58: {  	_ =	shalt  }
0x59: {  	_ =	shalt  }
0x5a: {  	_ =	shalt  }
0x5b: {  	_ =	shalt  }
0x5c: {  	_ =	shalt  }
0x5d: {  	_ =	shalt  }
0x5e: {  	_ =	shalt  }
0x5f: {  	_ =	shalt  }
0x60: {  	_ =	shalt  }
0x61: {  	_ =	shalt  }
0x62: {  	_ =	shalt  }
0x63: {  	_ =	shalt  }
0x64: {  	_ =	shalt  }
0x65: {  	_ =	shalt  }
0x66: {  	_ =	shalt  }
0x67: {  	_ =	shalt  }
0x68: {  	_ =	shalt  }
0x69: {  	_ =	shalt  }
0x6a: {  	_ =	shalt  }
0x6b: {  	_ =	shalt  }
0x6c: {  	_ =	shalt  }
0x6d: {  	_ =	shalt  }
0x6e: {  	_ =	shalt  }
0x6f: {  	_ =	shalt  }
0x70: {  	_ =	shalt  }
0x71: {  	_ =	shalt  }
0x72: {  	_ =	shalt  }
0x73: {  	_ =	shalt  }
0x74: {  	_ =	shalt  }
0x75: {  	_ =	shalt  }
0x76: {  	_ =	shalt  }
0x77: {  	_ =	shalt  }
0x78: {  	_ =	shalt  }
0x79: {  	_ =	shalt  }
0x7a: {  	_ =	shalt  }
0x7b: {  	_ =	shalt  }
0x7c: {  	_ =	shalt  }
0x7d: {  	_ =	shalt  }
0x7e: {  	_ =	shalt  }
0x7f: {  	_ =	shalt  }
0x80: {  	_ =	shalt  }
0x81: {  	_ =	shalt  }
0x82: {  	_ =	shalt  }
0x83: {  	_ =	shalt  }
0x84: {  	_ =	shalt  }
0x85: {  	_ =	shalt  }
0x86: {  	_ =	shalt  }
0x87: {  	_ =	shalt  }
.Lfunc_end0:
.L_simem_size_0:
called_computation_lowered:
.L_overlay_start_0:
0x88: {  	s2 =	sld [smem:$0x3FD9]  }
0x89: {  	s3 =	sld [smem:$0x3FFE];
	_ =	sdelay $0x1  }
0x8a: {  	s1 =	srdreg.scid  }
0x8b: {  	s0 =	sand.u32 $0x1, s1  }
0x8c: {  	s17 =	sshll.u32 s0, $0xA;
	s2 =	sadd.s32 s3, s2  }
0x8d: {  	s2 =	sadd.s32 s2, s17  }
0x8e: {  	[smem:$0x3FB2] =	sst s2  }
0x8f: {  	_ = 	snop  }
0x90: {  	s2 =	sld [smem:$0x3FC9]  }
0x91: {  	s18 =	sld [smem:$0x3FC8];
	(tm) =	ssettm $0x1  }
0x92: {  	s4 =	sld [smem:$0x3FFB];
	_ =	sdelay $0x3  }
0x93: {  	_ =	strace s4  }
0x94: {  	s4 =	sld [smem:$0x3FFC];
	_ =	sdelay $0x3  }
0x95: {  	_ =	strace s4  }
0x96: {  	s4 =	sld [smem:$0x3FFD];
	_ =	sdelay $0x3  }
0x97: {  	_ =	strace s4  }
0x98: {  	_ =	strace $0x8FFFFFFF  }
0x99: {  	s19 =	sld [smem:$0x3FDB];
	_ =	sdelay $0x1  }
0x9a: {  	s5 =	simm.s32 $_scs_section_size  }
0x9b: {  	s6 =	simm.s32 $_size__tile_overlayer_lowered;
	s7 =	simm.s32 $_tile_overlayer_lowered  }
0x9c: {  	s22 =	simm.s32 $0x1BFF;
	s21 =	sshll.u32 s7, $0x1;
	s4 =	sadd.s32 s5, s19  }
0x9d: {  	s8 =	simm.s32 $0x0;
	s20 =	sshll.u32 s6, $0x1;
	s6 =	sadd.s32 s21, s4  }
0x9e: {  	[timem:s8], [sflag:s22] =	dma.local [hbm:s6], s20  }
0x9f: {  	_ =	swait.ge [sflag:s22], s20  }
0xa0: {  	s5 =	ssub.s32 $0x0, s20;
	[sflag:s22] =	ssyncset.done $0x0  }
0xa1: {  	[sflag:s22] =	ssyncadd.s32 s5;
	_ =	sdelay $0x1  }
0xa2: {  	s23 =	simm.s32 $0x1B8B  }
0xa3: {  	_ =	swait.ge [sflag:s23], $0x1  }
0xa4: {  	[sflag:s23] =	ssyncset.done $0x0  }
0xa5: {  	s25 =	simm.s32 $0x1B8E;
	s24 =	sld [smem:$0x3FFE];
	[sflag:s23] =	ssyncadd.s32 $0xFFFFFFFF  }
0xa6: {  	s26 =	simm.s32 $execute0_lowered;
	[smem:$0x3FD2] =	sst s25  }
0xa7: {  	s6 =	sshll.u32 s26, $0x1;
	_ =	strace $0x80000046;
	[dreg:$0x1] =	wrdreg $0xFFFFFFFF  }
0xa8: {  	s28 =	simm.s32 $_size_execute0_lowered;
	s4 =	sadd.s32 s4, s6;
	[dreg:$0x0] =	wrdreg $0x0  }
0xa9: {  	s6 =	sshll.u32 s28, $0x1;
	[dreg:$0x2] =	wrdreg s4  }
0xaa: {  	[dreg:$0x3] =	wrdreg s6  }
0xab: {  	[dreg:$0x4] =	wrdreg $0xC0  }
0xac: {  	_ =	task [dreg:s8], $0x5FFFF  }
0xad: {  	[dreg:$0x1] =	wrdreg $0xFFFFFFFF  }
0xae: {  	[dreg:$0x0] =	wrdreg $0x60  }
0xaf: {  	[dreg:$0x2] =	wrdreg s2  }
0xb0: {  	[dreg:$0x3] =	wrdreg s18  }
0xb1: {  	[dreg:$0x4] =	wrdreg s24  }
0xb2: {  	[dreg:$0x5] =	wrdreg $0x9  }
0xb3: {  	_ =	task.clear_ibuf [dreg:s8], $0x6FFFF;
	_ =	strace $0x90000046  }
0xb4: {  	s29 =	simm.s32 $0x9;
	_ =	strace $0x80000048  }
0xb5: {  	_ =	swait.ge [sflag:s29], $0x1  }
0xb6: {  	[sflag:s29] =	ssyncadd.s32 $0xFFFFFFFF  }
0xb7: {  	_ =	strace $0x90000048  }
0xb8: {  	_ =	sfence  }
0xb9: {  	s30 =	sld [smem:$0x0];
	_ =	sdelay $0x2  }
0xba: {  	s31 =	sshll.u32 s1, $0xD;
	s1 =	sshrl.u32 s1, $0x2  }
0xbb: {  	s3 =	sand.u32 $0x4000, s31;
	s1 =	sadd.s32 s1, s30  }
0xbc: {  	s0 =	sor.u32 s3, s0;
	s1 =	sshll.u32 s1, $0x11  }
0xbd: {  	s0 =	sor.u32 s1, s0  }
0xbe: {  	s0 =	sadd.s32 $0x8F2B, s0  }
0xbf: {  	[sflag:s0] =	ssyncadd.remote.s32 $0x1  }
0xc0: {  	_ =	sfence.sel $0xFFFF  }
0xc1: {  	[dreg:$0x0] =	wrdreg $0xFFFFFFFF;
	(pc) =	sbr.abs _section_cstart, $3  }
0xc2: {  	[dreg:$0x1] =	wrdreg $0xFFFFFFFF  }
0xc3: {  	_ =	task.clear_ibuf [dreg:s8], $0x2FFFF;
	_ =	strace $0x9FFFFFFF  }
0xc4: {  	(tm) =	ssettm $0x7FFFFFFF  }
0xc5: {  	_ =	shalt  }
tec
execute0_lowered:
.L_overlay_start_1:
0x0: {  	(tag) =	ssettag $0x1  }
0x1: {  	s1 =	rddreg [dreg:$0x0]  }
0x2: {  	s2 =	rddreg [dreg:$0x1]  }
0x3: {  	s0 =	rddreg [dreg:$0x2];
	s3 =	srdreg.scid;
	s4 =	simm.s32 $0x0  }
0x4: {  	s6 =	stileid.u32;
	s15 =	simm.s32 $0x1;
	s16 =	simm.s32 $0x1C800  }
0x5: {  	s17 =	simm.s32 $0x3;
	s19 =	simm.s32 $0x1C880;
	s20 =	simm.s32 $0x2  }
0x6: {  	s21 =	simm.s32 $0x1C980;
	s22 =	simm.s32 $0x19000;
	s23 =	simm.s32 $0x1B800  }
0x7: {  	s24 =	simm.s32 $0x1C000;
	s28 =	simm.s32 $0x0;
	s3 =	sand.u32 $0x1, s3  }
0x8: {  	[smem:$0x7FF] =	sst s4;
	s9 =	sadd.s32 $0x22800, s0;
	s5 =	sshll.u32 s3, $0x4  }
0x9: {  	s31 =	sadd.s32 $0x21400, s0;
	_ =	strace $0x80000047;
	s7 =	sor.u32 s6, s5  }
0xa: {  	[dreg:$0x4] =	wrdreg s9;
	s3 =	ssub.s32 $0x2, s3;
	s8 =	smul.u32 $0x1400, s7  }
0xb: {  	[dreg:$0x5] =	wrdreg s31;
	s5 =	sadd.s32 $0x17600, s0;
	s10 =	smul.u32 $0x2800, s7  }
0xc: {  	v2 =	vlaneseq.u32;
	vm0 =	vmmov $0xff;
	v3 =	vimm.s32 $0x0;
	s6 =	sadd.s32 $0x3A00, s0;
	s11 =	sshrl.u32 s3, $0x1;
	s9 =	smul.u32 $0x140, s7  }
0xd: {  	v4 =	vor.u32 $0x10, v2;
	v5 =	vor.u32 $0x20, v2;
	v6 =	vor.u32 $0x30, v2;
	s3 =	ssub.s32 s3, s11;
	s12 =	smul.u32 $0x2710, s7;
	s8 =	sadd.s32 s8, s0  }
0xe: {  	v7 =	vor.u32 $0x40, v2;
	v8 =	vor.u32 $0x50, v2;
	v9 =	vor.u32 $0x60, v2;
	s0 =	sadd.s32 s10, s0;
	s10 =	sadd.s32 $0x140, s9;
	s8 =	sadd.s32 $0x22E00, s8  }
0xf: {  	v10 =	vor.u32 $0x70, v2;
	s14 =	smax.u32 s3, $0x1;
	v0 =	vmov s9;
	s13 =	sadd.s32 $0x4AE00, s0;
	v1 =	vmov s10;
	[dreg:$0x6] =	wrdreg s8  }
.LBB2_1:
0x10: {  	s3 =	simm.s32 $0x9C40;
	s0 =	simm.s32 $0x0  }
.LBB2_2:
0x11: {  	s29 =	sadd.s32 s0, s3  }
0x12: {  	s8 =	sand.u32 $0x1, s29  }
0x13: {  	p0 =	slt.s32 s29, $0x1;
	p1 =	seq.s32 s8, $0x1  }
0x14: {  	s7 =	smov.u32 s3;
	s30 =	sshrl.u32 s29, $0x1F;
	p0 =	por !p0, !p1  }
0x15: {  	s3 =	sadd.s32 s30, s29;
	s8 =	simm.s32 $0x1;
	p0 =	por !p0, !p0  }
0x16: {  	s3 =	sshra.s32 s3, $0x1;
	s8 =	simm.s32 @!p0 $0x0  }
0x17: {  	s3 =	ssub.s32 s3, s8  }
0x18: {  	s8 =	sand.u32 $0x1FFFFFFF, s3  }
0x19: {  	s8 =	sadd.s32 s2, s8  }
0x1a: {  	[tilespmem:s16], [sflag:$0x3] =	stream.linear.gather [hbm4b:s8+s4], $0x8, $0x38;
	[tilespmem:$0x1CA80] =	vst v63  }
0x1b: {  	_ =	swait.ge [sflag:s17], $0x8  }
0x1c: {  	[sflag:s17] =	ssyncset.done $0x0  }
0x1d: {  	[sflag:s17] =	ssyncadd.s32 $0xFFFFFFF8  }
0x1e: {  	v11 =	vld [tilespmem:$0x1C800];
	_ =	sdelay $0x4  }
0x1f: {  	(v2sf) =	vpush v11, $0x7;
	_ =	sdelay $0xe  }
0x20: {  	s31 =	spop (v2sf)  }
0x21: {  	s8 =	sadd.s32 $0x1, s3;
	p0 =	slt.s32 s31, s9  }
0x22: {  	s0 =	smov.u32 @p0 s8;
	s3 =	smov.u32 @p0 s7  }
0x23: {  	p0 =	slt.s32 s0, s3  }
.Ltmp0:
0x24: {  	_ = 	snop;
	(pc) =	sbr.rel @p0 .LBB2_2-.Ltmp0, $1  }
0x25: {  	_ =	sdelay $0x3  }
0x26: {  	p0 =	slt.s32 s0, $0x9C3F;
	s18 =	smov.u32 s0  }
0x27: {  	s18 =	simm.s32 @!p0 $0x9C3F  }
0x28: {  	s3 =	sand.u32 $0x1FFFFFFF, s18  }
0x29: {  	s7 =	sadd.s32 s2, s3;
	s3 =	simm.s32 $0x0  }
0x2a: {  	[tilespmem:s16], [sflag:$0x3] =	stream.linear.gather [hbm4b:s7+s3], $0x8, $0x38;
	[tilespmem:$0x1CA80] =	vst v63  }
0x2b: {  	_ =	swait.ge [sflag:s17], $0x8  }
0x2c: {  	[sflag:s17] =	ssyncset.done $0x0  }
0x2d: {  	[sflag:s17] =	ssyncadd.s32 $0xFFFFFFF8  }
0x2e: {  	s7 =	simm.s32 $0x9C40;
	v11 =	vld [tilespmem:$0x1C800]  }
.LBB2_4:
0x2f: {  	s29 =	sadd.s32 s3, s7  }
0x30: {  	s25 =	sand.u32 $0x1, s29  }
0x31: {  	p0 =	slt.s32 s29, $0x1;
	p1 =	seq.s32 s25, $0x1  }
0x32: {  	s8 =	smov.u32 s7;
	s30 =	sshrl.u32 s29, $0x1F;
	p0 =	por !p0, !p1  }
0x33: {  	s7 =	sadd.s32 s30, s29;
	s25 =	simm.s32 $0x1;
	p0 =	por !p0, !p0  }
0x34: {  	s7 =	sshra.s32 s7, $0x1;
	s25 =	simm.s32 @!p0 $0x0  }
0x35: {  	s7 =	ssub.s32 s7, s25  }
0x36: {  	s25 =	sand.u32 $0x1FFFFFFF, s7  }
0x37: {  	s25 =	sadd.s32 s2, s25  }
0x38: {  	[tilespmem:s16], [sflag:$0x3] =	stream.linear.gather [hbm4b:s25+s4], $0x8, $0x38;
	[tilespmem:$0x1CA80] =	vst v63  }
0x39: {  	_ =	swait.ge [sflag:s17], $0x8  }
0x3a: {  	[sflag:s17] =	ssyncset.done $0x0  }
0x3b: {  	[sflag:s17] =	ssyncadd.s32 $0xFFFFFFF8  }
0x3c: {  	v12 =	vld [tilespmem:$0x1C800];
	_ =	sdelay $0x4  }
0x3d: {  	(v2sf) =	vpush v12, $0x7;
	_ =	sdelay $0xe  }
0x3e: {  	s31 =	spop (v2sf)  }
0x3f: {  	s25 =	sadd.s32 $0x1, s7;
	p0 =	slt.s32 s31, s10  }
0x40: {  	s3 =	smov.u32 @p0 s25;
	s7 =	smov.u32 @p0 s8  }
0x41: {  	p0 =	slt.s32 s3, s7  }
.Ltmp1:
0x42: {  	_ = 	snop;
	(pc) =	sbr.rel @p0 .LBB2_4-.Ltmp1, $1  }
0x43: {  	_ =	sdelay $0x3  }
0x44: {  	vm1 =	vlt.s32 v11, v0  }
0x45: {  	vm1 =	vmand vm1, vm0  }
0x46: {  	v11 =	vsel vm1, $0x1, v3  }
0x47: {  	(xrf0) =	vadd.scan.msk.s32 $0xffff, v11;
	_ =	sdelay $0x5  }
0x48: {  	v11, _, _ =	vpop (xrf0)  }
0x49: {  	(v2sf) =	vpush v11, $0xF;
	_ =	sdelay $0x9  }
0x4a: {  	p1 =	slt.s32 s3, $0x9C3F  }
0x4b: {  	p0 =	sgt.s32 s3, $0x9C3F;
	s3 =	simm.s32 @!p1 $0x9C3F  }
0x4c: {  	s7 =	sand.u32 $0x1FFFFFFF, s3  }
0x4d: {  	s7 =	sadd.s32 s2, s7  }
0x4e: {  	[tilespmem:s16], [sflag:$0x3] =	stream.linear.gather [hbm4b:s7+s4], $0x8, $0x38;
	[tilespmem:$0x1CA80] =	vst v63  }
0x4f: {  	s8 =	spop (v2sf)  }
0x50: {  	_ =	swait.ge [sflag:s17], $0x8  }
0x51: {  	[sflag:s17] =	ssyncset.done $0x0  }
0x52: {  	[sflag:s17] =	ssyncadd.s32 $0xFFFFFFF8  }
0x53: {  	v11 =	vld [tilespmem:$0x1C800];
	_ =	sdelay $0x4  }
0x54: {  	vm1 =	vlt.s32 v11, v1  }
0x55: {  	vm1 =	vmand vm1, vm0  }
0x56: {  	v11 =	vsel vm1, $0x1, v3  }
0x57: {  	(xrf0) =	vadd.scan.msk.s32 $0xffff, v11;
	_ =	sdelay $0x5  }
0x58: {  	v11, _, _ =	vpop (xrf0)  }
0x59: {  	(v2sf) =	vpush v11, $0xF;
	_ =	sdelay $0x7  }
0x5a: {  	s30 =	sshll.u32 s18, $0x3  }
0x5b: {  	p1 =	sgt.s32 s0, $0x9C3F;
	s26 =	sadd.s32 s30, s8  }
0x5c: {  	s26 =	simm.s32 @p1 $0x4E200  }
0x5d: {  	s8 =	sand.u32 $0x7, s26  }
0x5e: {  	s11 =	sshra.s32 s26, $0x1F;
	p1 =	slt.s32 s26, $0x1;
	p2 =	sne.s32 s8, $0x0  }
0x5f: {  	s18 =	sshll.u32 s3, $0x3;
	s25 =	sshrl.u32 s11, $0x1D;
	p1 =	por !p1, !p2  }
0x60: {  	s7 =	simm.s32 $0x1;
	s3 =	sadd.s32 s25, s26;
	p1 =	por !p1, !p1  }
0x61: {  	s3 =	sshrl.u32 s3, $0x3;
	s7 =	simm.s32 @!p1 $0x0;
	s30 =	spop (v2sf)  }
0x62: {  	s8 =	ssub.s32 s3, s7;
	s29 =	sadd.s32 s18, s30  }
0x63: {  	s3 =	sshll.u32 s8, $0x3;
	s29 =	simm.s32 @p0 $0x4E200  }
0x64: {  	s0 =	ssub.s32 s29, s3  }
0x65: {  	s7 =	sadd.s32 $0xEF, s0  }
0x66: {  	s11 =	smulhi.u32 $0x88888889, s7;
	s25 =	sshra.s32 s7, $0x1F  }
0x67: {  	s0 =	ssub.s32 $0xFFFFFF11, s0;
	s18 =	smul.u32 $0x88888889, s25  }
0x68: {  	s8 =	sadd.s32 s0, s11  }
0x69: {  	s8 =	sadd.s32 s18, s8  }
0x6a: {  	s8 =	sadd.s32 s7, s8  }
0x6b: {  	s30 =	sshrl.u32 s8, $0x1F;
	s8 =	sshra.s32 s8, $0x7  }
0x6c: {  	s8 =	sadd.s32 s30, s8  }
0x6d: {  	s18 =	smul.u32 $0xFFFFFF10, s8;
	_ =	sdelay $0x1  }
0x6e: {  	p5 =	slt.s32 s7, $0x1;
	p6 =	sne.s32 s18, s0  }
0x6f: {  	p0 =	por !p5, !p6  }
0x70: {  	s0 =	simm.s32 $0x1;
	p0 =	por !p0, !p0  }
0x71: {  	s0 =	simm.s32 @!p0 $0x0  }
0x72: {  	s31 =	ssub.s32 s8, s0  }
0x73: {  	p0 =	slt.s32 s31, $0x1  }
.Ltmp2:
0x74: {  	s11 =	rddreg [dreg:$0x5];
	(pc) =	sbr.rel @p0 .LBB2_23-.Ltmp2, $4  }
0x75: {  	[tilespmem:s4], [sflag:$0x3] =	stream.linear.gather [hbm4b:s11+s4], $0xA000, $0x38;
	[tilespmem:$0x1CA80] =	vst v63  }
0x76: {  	_ =	swait.ge [sflag:s17], $0xA000  }
0x77: {  	[sflag:s17] =	ssyncset.done $0x0  }
0x78: {  	[sflag:s17] =	ssyncadd.s32 $0xFFFF6000  }
0x79: {  	p0 =	slt.s32 s3, $0x4E110;
	s7 =	smov.u32 s3  }
0x7a: {  	s7 =	simm.s32 @!p0 $0x4E110  }
0x7b: {  	s0 =	sshll.u32 s7, $0x4  }
0x7c: {  	s0 =	sand.u32 $0x1FFFFFF0, s0  }
.Ltmp3:
0x7d: {  	s11 =	simm.s32 $0xA000;
	s0 =	sadd.s32 s1, s0;
	(pc) =	sbr.rel .LBB2_7-.Ltmp3, $4  }
0x7e: {  	s7 =	sshrl.u32 s7, $0x3;
	s8 =	sadd.s32 $0x4E2000, s0;
	s0 =	simm.s32 $0x0  }
0x7f: {  	[tilespmem:s11], [sflag:$0x1] =	stream.linear.gather [hbm4b:s8+s0], $0x7800, $0x38;
	[tilespmem:$0x1CA80] =	vst v63  }
0x80: {  	s30 =	smov.u32 s3;
	s7 =	sadd.s32 s2, s7  }
0x81: {  	[tilespmem:s19], [sflag:$0x1] =	stream.linear.gather [hbm4b:s7+s0], $0xF0, $0x38;
	[tilespmem:$0x1CA80] =	vst v63  }
.LBB2_17:
0x82: {  	s8 =	smov.u32 s26  }
.LBB2_21:
0x83: {  	_ =	sdelay $0x3  }
0x84: {  	[tilespmem:v13+s4+$0x0] =	vst.idx.add.f32.msk @p0 $0xffff, v11  }
0x85: {  	v11 =	vld.idx.msk [tilespmem:v12+s21+$0x0], $0xffff;
	_ =	sdelay $0x1  }
0x86: {  	s7 =	sadd.s32 @p0 $0x80, s8  }
0x87: {  	s26 =	smov.u32 @p0 s7  }
0x88: {  	v61 =	vld [tilespmem:s26+$0x30]  }
0x89: {  	v13 =	vld [tilespmem:s26+$0x20];
	v11 =	vsub.s32 v11, v0  }
0x8a: {  	v14 =	vld [tilespmem:s26+$0x10];
	v11 =	vshll.u32 v11, $0x7  }
0x8b: {  	v15 =	vld [tilespmem:s26+$0xFFFFFFC0];
	v16 =	vor.u32 v2, v11  }
0x8c: {  	v17 =	vld [tilespmem:s26+$0xFFFFFFD0];
	v18 =	vor.u32 v4, v11  }
0x8d: {  	v19 =	vld [tilespmem:s26+$0xFFFFFFE0];
	v20 =	vor.u32 v5, v11  }
0x8e: {  	v21 =	vld [tilespmem:s26+$0xFFFFFFF0];
	v22 =	vor.u32 v6, v11  }
0x8f: {  	v23 =	vld [tilespmem:s26+$0x0];
	v24 =	vor.u32 v7, v11  }
0x90: {  	v62 =	vor.u32 v8, v11;
	[tilespmem:v16+s4+$0x0] =	vst.idx.add.f32.msk $0xffff, v15  }
0x91: {  	v63 =	vor.u32 v9, v11;
	[tilespmem:v18+s4+$0x0] =	vst.idx.add.f32.msk $0xffff, v17  }
0x92: {  	v11 =	vor.u32 v10, v11;
	[tilespmem:v20+s4+$0x0] =	vst.idx.add.f32.msk $0xffff, v19  }
0x93: {  	[tilespmem:v22+s4+$0x0] =	vst.idx.add.f32.msk $0xffff, v21  }
0x94: {  	[tilespmem:v24+s4+$0x0] =	vst.idx.add.f32.msk $0xffff, v23  }
0x95: {  	[tilespmem:v62+s4+$0x0] =	vst.idx.add.f32.msk $0xffff, v14  }
0x96: {  	[tilespmem:v63+s4+$0x0] =	vst.idx.add.f32.msk $0xffff, v13  }
0x97: {  	[tilespmem:v11+s4+$0x0] =	vst.idx.add.f32.msk $0xffff, v61  }
.LBB2_22:
0x98: {  	p0 =	sne.s32 s0, s31  }
.Ltmp4:
0x99: {  	_ = 	snop;
	(pc) =	sbr.rel @!p0 .LBB2_23-.Ltmp4, $2  }
0x9a: {  	_ =	sdelay $0x2  }
0x9b: {  	s26 =	sadd.s32 s18, s25;
	s30 =	sadd.s32 $0xF0, s30  }
.LBB2_7:
0x9c: {  	s7 =	smov.u32 s0;
	s0 =	sadd.s32 $0x1, s0  }
0x9d: {  	p0 =	sge.s32 s0, s31  }
0x9e: {  	s8 =	smul.u32 @!p0 $0xF0, s0;
	_ =	sdelay $0x1  }
0x9f: {  	s8 =	sadd.s32 @!p0 s3, s8  }
0xa0: {  	p1 =	slt.s32 @!p0 s8, $0x4E110  }
0xa1: {  	p1 =	por !p1, p0  }
0xa2: {  	s8 =	simm.s32 @p1 $0x4E110  }
0xa3: {  	s25 =	sand.u32 $0x1, s7;
	s18 =	sshll.u32 @!p0 s8, $0x4  }
0xa4: {  	p1 =	seq.s32 s25, $0x1;
	s18 =	sand.u32 @!p0 $0x1FFFFFF0, s18  }
0xa5: {  	p2 =	por p1, p0;
	s8 =	sshrl.u32 @!p0 s8, $0x3;
	s18 =	sadd.s32 @!p0 s1, s18  }
0xa6: {  	s11 =	simm.s32 @!p2 $0x11800;
	s25 =	sadd.s32 @!p0 $0x4E2000, s18;
	s18 =	simm.s32 @!p2 $0x0  }
0xa7: {  	[tilespmem:s11], [sflag:$0x2] =	stream.linear.gather @!p2 [hbm4b:s25+s18], $0x7800, $0x38;
	[tilespmem:$0x1CA80] =	vst v63  }
0xa8: {  	s7 =	smul.u32 $0xF0, s7;
	s8 =	sadd.s32 @!p0 s2, s8;
	s11 =	simm.s32 @!p2 $0x1C980  }
0xa9: {  	[tilespmem:s11], [sflag:$0x2] =	stream.linear.gather @!p2 [hbm4b:s8+s18], $0xF0, $0x38;
	[tilespmem:$0x1CA80] =	vst v63  }
0xaa: {  	p3 =	por !p1, p0;
	s18 =	sadd.s32 s3, s7  }
0xab: {  	s7 =	simm.s32 @!p3 $0x0;
	s11 =	simm.s32 @!p3 $0xA000;
	p4 =	slt.s32 s18, $0x4E110  }
0xac: {  	[tilespmem:s11], [sflag:$0x1] =	stream.linear.gather @!p3 [hbm4b:s25+s7], $0x7800, $0x38;
	[tilespmem:$0x1CA80] =	vst v63  }
0xad: {  	p2 =	por @!p2 $0x0, $0x0;
	s18 =	simm.s32 @!p4 $0x4E110;
	p4 =	por @!p3 $0x1, $0x1  }
0xae: {  	s11 =	simm.s32 @!p3 $0x1C880;
	p2 =	por @!p3 p4, p4  }
0xaf: {  	[tilespmem:s11], [sflag:$0x1] =	stream.linear.gather @!p3 [hbm4b:s8+s7], $0xF0, $0x38;
	[tilespmem:$0x1CA80] =	vst v63  }
0xb0: {  	p1 =	por @!p0 p2, p2  }
.Ltmp5:
0xb1: {  	s7 =	ssub.s32 s26, s18;
	s11 =	ssub.s32 s29, s18;
	(pc) =	sbr.rel @!p1 .LBB2_8-.Ltmp5, $4  }
0xb2: {  	p3 =	sgt.s32 s7, $0x0;
	p4 =	slt.s32 s11, $0xF0  }
0xb3: {  	s8 =	smov.u32 s30;
	s7 =	simm.s32 @!p3 $0x0;
	s11 =	simm.s32 @!p4 $0xF0  }
0xb4: {  	p3 =	slt.s32 s30, $0x4E110;
	p0 =	sgt.s32 s11, s7;
	s25 =	smov.u32 s7  }
0xb5: {  	s8 =	simm.s32 @!p3 $0x4E110;
	s25 =	smov.u32 @p0 s11;
	p0 =	sle.s32 s11, s7  }
0xb6: {  	_ =	swait.ge [sflag:s20], $0x7800  }
.Ltmp6:
0xb7: {  	[sflag:s20] =	ssyncset.done $0x0;
	(pc) =	sbr.rel @p0 .LBB2_22-.Ltmp6, $4  }
0xb8: {  	[sflag:s20] =	ssyncadd.s32 $0xFFFF8800  }
0xb9: {  	_ =	swait.ge [sflag:s20], $0xF0  }
0xba: {  	[sflag:s20] =	ssyncset.done $0x0  }
0xbb: {  	[sflag:s20] =	ssyncadd.s32 $0xFFFFFF10  }
0xbc: {  	s8 =	ssub.s32 s26, s8  }
0xbd: {  	p0 =	sgt.s32 s8, $0x0  }
0xbe: {  	s8 =	simm.s32 @!p0 $0x0  }
0xbf: {  	s11 =	sshll.u32 s8, $0x9;
	s8 =	sadd.s32 $0x1, s7  }
0xc0: {  	p1 =	slt.u32 s8, s25  }
.Ltmp7:
0xc1: {  	_ = 	snop;
	(pc) =	sbr.rel @!p1 .LBB2_17-.Ltmp7, $3  }
0xc2: {  	_ =	sdelay $0x1  }
0xc3: {  	s11 =	sshra.s32 s11, $0x2  }
0xc4: {  	v12 =	vmov s7;
	p0 =	por $0x0, $0x0;
	s26 =	sadd.s32 $0x11840, s11  }
0xc5: {  	_ =	sdelay $0x3  }
0xc6: {  	v12 =	vld.idx.msk [tilespmem:v12+s21+$0x0], $0xffff;
	_ =	sdelay $0x3  }
0xc7: {  	v11 =	vld [tilespmem:s26+$0x30]  }
0xc8: {  	v14 =	vld [tilespmem:s26+$0x20];
	v12 =	vsub.s32 v12, v0  }
0xc9: {  	v13 =	vld [tilespmem:s26+$0x10];
	v12 =	vshll.u32 v12, $0x7  }
0xca: {  	v15 =	vld [tilespmem:s26+$0xFFFFFFC0];
	v16 =	vor.u32 v2, v12  }
0xcb: {  	v17 =	vld [tilespmem:s26+$0xFFFFFFD0];
	v18 =	vor.u32 v4, v12  }
0xcc: {  	v19 =	vld [tilespmem:s26+$0xFFFFFFE0];
	v20 =	vor.u32 v5, v12  }
0xcd: {  	v21 =	vld [tilespmem:s26+$0xFFFFFFF0];
	v22 =	vor.u32 v6, v12  }
0xce: {  	v23 =	vld [tilespmem:s26+$0x0];
	v24 =	vor.u32 v7, v12  }
0xcf: {  	[tilespmem:v16+s4+$0x0] =	vst.idx.add.f32.msk $0xffff, v15;
	v15 =	vor.u32 v8, v12  }
0xd0: {  	[tilespmem:v18+s4+$0x0] =	vst.idx.add.f32.msk $0xffff, v17  }
0xd1: {  	[tilespmem:v20+s4+$0x0] =	vst.idx.add.f32.msk $0xffff, v19  }
0xd2: {  	s7 =	sadd.s32 $0x1, s8;
	[tilespmem:v22+s4+$0x0] =	vst.idx.add.f32.msk $0xffff, v21  }
0xd3: {  	p1 =	slt.u32 s7, s25;
	v63 =	vor.u32 v9, v12;
	[tilespmem:v24+s4+$0x0] =	vst.idx.add.f32.msk $0xffff, v23  }
.Ltmp8:
0xd4: {  	[tilespmem:v15+s4+$0x0] =	vst.idx.add.f32.msk $0xffff, v13;
	v13 =	vor.u32 v10, v12;
	(pc) =	sbr.rel @!p1 .LBB2_19-.Ltmp8, $2  }
0xd5: {  	v12 =	vmov s8;
	_ =	sdelay $0x2  }
0xd6: {  	p0 =	por $0x1, $0x1;
	s8 =	smov.u32 s26;
	[tilespmem:v63+s4+$0x0] =	vst.idx.add.f32.msk $0xffff, v14  }
.LBB2_20:
0xd7: {  	[tilespmem:v13+s4+$0x0] =	vst.idx.add.f32.msk $0xffff, v11;
	s8 =	sadd.s32 $0x80, s8;
	s11 =	smov.u32 s7;
	s7 =	sadd.s32 $0x1, s7  }
0xd8: {  	p1 =	slt.u32 s7, s25;
	v12 =	vld.idx.msk [tilespmem:v12+s21+$0x0], $0xffff;
	_ =	sdelay $0x4  }
0xd9: {  	v11 =	vld [tilespmem:s8+$0x30]  }
0xda: {  	v12 =	vsub.s32 v12, v0;
	v14 =	vld [tilespmem:s8+$0x20]  }
0xdb: {  	v12 =	vshll.u32 v12, $0x7;
	v15 =	vld [tilespmem:s8+$0x10]  }
0xdc: {  	v16 =	vor.u32 v2, v12;
	v13 =	vld [tilespmem:s8+$0xFFFFFFC0]  }
0xdd: {  	v18 =	vor.u32 v4, v12;
	v17 =	vld [tilespmem:s8+$0xFFFFFFD0]  }
0xde: {  	v20 =	vor.u32 v5, v12;
	v19 =	vld [tilespmem:s8+$0xFFFFFFE0]  }
0xdf: {  	v22 =	vor.u32 v6, v12;
	v21 =	vld [tilespmem:s8+$0xFFFFFFF0]  }
0xe0: {  	v24 =	vor.u32 v7, v12;
	v23 =	vld [tilespmem:s8+$0x0]  }
0xe1: {  	[tilespmem:v16+s4+$0x0] =	vst.idx.add.f32.msk $0xffff, v13;
	v16 =	vor.u32 v8, v12  }
0xe2: {  	[tilespmem:v18+s4+$0x0] =	vst.idx.add.f32.msk $0xffff, v17;
	v17 =	vor.u32 v9, v12  }
.Ltmp9:
0xe3: {  	v13 =	vor.u32 v10, v12;
	[tilespmem:v20+s4+$0x0] =	vst.idx.add.f32.msk $0xffff, v19;
	(pc) =	sbr.rel @p1 .LBB2_20-.Ltmp9, $4  }
0xe4: {  	v12 =	vmov s11;
	[tilespmem:v22+s4+$0x0] =	vst.idx.add.f32.msk $0xffff, v21  }
0xe5: {  	[tilespmem:v24+s4+$0x0] =	vst.idx.add.f32.msk $0xffff, v23  }
0xe6: {  	[tilespmem:v16+s4+$0x0] =	vst.idx.add.f32.msk $0xffff, v15  }
0xe7: {  	[tilespmem:v17+s4+$0x0] =	vst.idx.add.f32.msk $0xffff, v14  }
.Ltmp10:
0xe8: {  	_ = 	snop;
	(pc) =	sbr.rel .LBB2_21-.Ltmp10, $1  }
0xe9: {  	_ =	sdelay $0x3  }
.LBB2_8:
0xea: {  	_ =	swait.ge [sflag:s15], $0x7800  }
.Ltmp11:
0xeb: {  	[sflag:s15] =	ssyncset.done $0x0;
	(pc) =	sbr.rel @p0 .LBB2_22-.Ltmp11, $4  }
0xec: {  	[sflag:s15] =	ssyncadd.s32 $0xFFFF8800  }
0xed: {  	_ =	swait.ge [sflag:s15], $0xF0  }
0xee: {  	[sflag:s15] =	ssyncset.done $0x0  }
0xef: {  	[sflag:s15] =	ssyncadd.s32 $0xFFFFFF10  }
0xf0: {  	s8 =	ssub.s32 s26, s8;
	s26 =	sadd.s32 $0x1, s7  }
0xf1: {  	p1 =	slt.u32 s26, s25  }
.Ltmp12:
0xf2: {  	p0 =	sgt.s32 s8, $0x0;
	(pc) =	sbr.rel @!p1 .LBB2_10-.Ltmp12, $4  }
0xf3: {  	s8 =	simm.s32 @!p0 $0x0  }
0xf4: {  	s8 =	sshll.u32 s8, $0x9  }
0xf5: {  	s8 =	sshra.s32 s8, $0x2  }
0xf6: {  	v12 =	vmov s7;
	p0 =	por $0x0, $0x0;
	s8 =	sadd.s32 $0xA040, s8  }
0xf7: {  	_ =	sdelay $0x3  }
0xf8: {  	v12 =	vld.idx.msk [tilespmem:v12+s19+$0x0], $0xffff;
	_ =	sdelay $0x3  }
0xf9: {  	v11 =	vld [tilespmem:s8+$0x30]  }
0xfa: {  	v14 =	vld [tilespmem:s8+$0x20];
	v12 =	vsub.s32 v12, v0  }
0xfb: {  	v13 =	vld [tilespmem:s8+$0x10];
	v12 =	vshll.u32 v12, $0x7  }
0xfc: {  	v15 =	vld [tilespmem:s8+$0xFFFFFFC0];
	v16 =	vor.u32 v2, v12  }
0xfd: {  	v17 =	vld [tilespmem:s8+$0xFFFFFFD0];
	v18 =	vor.u32 v4, v12  }
0xfe: {  	v19 =	vld [tilespmem:s8+$0xFFFFFFE0];
	v20 =	vor.u32 v5, v12  }
0xff: {  	v21 =	vld [tilespmem:s8+$0xFFFFFFF0];
	v22 =	vor.u32 v6, v12  }
0x100: {  	v23 =	vld [tilespmem:s8+$0x0];
	v24 =	vor.u32 v7, v12  }
0x101: {  	[tilespmem:v16+s4+$0x0] =	vst.idx.add.f32.msk $0xffff, v15;
	v15 =	vor.u32 v8, v12  }
0x102: {  	[tilespmem:v18+s4+$0x0] =	vst.idx.add.f32.msk $0xffff, v17  }
0x103: {  	[tilespmem:v20+s4+$0x0] =	vst.idx.add.f32.msk $0xffff, v19  }
0x104: {  	s7 =	sadd.s32 $0x1, s26;
	[tilespmem:v22+s4+$0x0] =	vst.idx.add.f32.msk $0xffff, v21  }
0x105: {  	p1 =	slt.u32 s7, s25;
	v63 =	vor.u32 v9, v12;
	[tilespmem:v24+s4+$0x0] =	vst.idx.add.f32.msk $0xffff, v23  }
.Ltmp13:
0x106: {  	[tilespmem:v15+s4+$0x0] =	vst.idx.add.f32.msk $0xffff, v13;
	v13 =	vor.u32 v10, v12;
	(pc) =	sbr.rel @!p1 .LBB2_12-.Ltmp13, $2  }
0x107: {  	v12 =	vmov s26;
	_ =	sdelay $0x2  }
0x108: {  	p0 =	por $0x1, $0x1;
	s26 =	smov.u32 s8;
	[tilespmem:v63+s4+$0x0] =	vst.idx.add.f32.msk $0xffff, v14  }
.LBB2_13:
0x109: {  	[tilespmem:v13+s4+$0x0] =	vst.idx.add.f32.msk $0xffff, v11;
	s26 =	sadd.s32 $0x80, s26;
	s11 =	smov.u32 s7;
	s7 =	sadd.s32 $0x1, s7  }
0x10a: {  	p1 =	slt.u32 s7, s25;
	v12 =	vld.idx.msk [tilespmem:v12+s19+$0x0], $0xffff;
	_ =	sdelay $0x4  }
0x10b: {  	v11 =	vld [tilespmem:s26+$0x30]  }
0x10c: {  	v12 =	vsub.s32 v12, v0;
	v14 =	vld [tilespmem:s26+$0x20]  }
0x10d: {  	v12 =	vshll.u32 v12, $0x7;
	v15 =	vld [tilespmem:s26+$0x10]  }
0x10e: {  	v16 =	vor.u32 v2, v12;
	v13 =	vld [tilespmem:s26+$0xFFFFFFC0]  }
0x10f: {  	v18 =	vor.u32 v4, v12;
	v17 =	vld [tilespmem:s26+$0xFFFFFFD0]  }
0x110: {  	v20 =	vor.u32 v5, v12;
	v19 =	vld [tilespmem:s26+$0xFFFFFFE0]  }
0x111: {  	v22 =	vor.u32 v6, v12;
	v21 =	vld [tilespmem:s26+$0xFFFFFFF0]  }
0x112: {  	v24 =	vor.u32 v7, v12;
	v23 =	vld [tilespmem:s26+$0x0]  }
0x113: {  	[tilespmem:v16+s4+$0x0] =	vst.idx.add.f32.msk $0xffff, v13;
	v16 =	vor.u32 v8, v12  }
0x114: {  	[tilespmem:v18+s4+$0x0] =	vst.idx.add.f32.msk $0xffff, v17;
	v17 =	vor.u32 v9, v12  }
.Ltmp14:
0x115: {  	v13 =	vor.u32 v10, v12;
	[tilespmem:v20+s4+$0x0] =	vst.idx.add.f32.msk $0xffff, v19;
	(pc) =	sbr.rel @p1 .LBB2_13-.Ltmp14, $4  }
0x116: {  	v12 =	vmov s11;
	[tilespmem:v22+s4+$0x0] =	vst.idx.add.f32.msk $0xffff, v21  }
0x117: {  	[tilespmem:v24+s4+$0x0] =	vst.idx.add.f32.msk $0xffff, v23  }
0x118: {  	[tilespmem:v16+s4+$0x0] =	vst.idx.add.f32.msk $0xffff, v15  }
0x119: {  	[tilespmem:v17+s4+$0x0] =	vst.idx.add.f32.msk $0xffff, v14  }
.LBB2_14:
0x11a: {  	_ =	sdelay $0x3  }
0x11b: {  	[tilespmem:v13+s4+$0x0] =	vst.idx.add.f32.msk @p0 $0xffff, v11  }
0x11c: {  	v11 =	vld.idx.msk [tilespmem:v12+s19+$0x0], $0xffff;
	_ =	sdelay $0x1  }
0x11d: {  	s7 =	sadd.s32 @p0 $0x80, s26  }
0x11e: {  	s8 =	smov.u32 @p0 s7  }
0x11f: {  	v61 =	vld [tilespmem:s8+$0x30]  }
0x120: {  	v13 =	vld [tilespmem:s8+$0x20];
	v11 =	vsub.s32 v11, v0  }
0x121: {  	v14 =	vld [tilespmem:s8+$0x10];
	v11 =	vshll.u32 v11, $0x7  }
0x122: {  	v15 =	vld [tilespmem:s8+$0xFFFFFFC0];
	v16 =	vor.u32 v2, v11  }
0x123: {  	v17 =	vld [tilespmem:s8+$0xFFFFFFD0];
	v18 =	vor.u32 v4, v11  }
0x124: {  	v19 =	vld [tilespmem:s8+$0xFFFFFFE0];
	v20 =	vor.u32 v5, v11  }
0x125: {  	v21 =	vld [tilespmem:s8+$0xFFFFFFF0];
	v22 =	vor.u32 v6, v11  }
0x126: {  	v23 =	vld [tilespmem:s8+$0x0];
	v24 =	vor.u32 v7, v11  }
0x127: {  	v62 =	vor.u32 v8, v11;
	[tilespmem:v16+s4+$0x0] =	vst.idx.add.f32.msk $0xffff, v15  }
0x128: {  	v63 =	vor.u32 v9, v11;
	[tilespmem:v18+s4+$0x0] =	vst.idx.add.f32.msk $0xffff, v17  }
0x129: {  	v11 =	vor.u32 v10, v11;
	[tilespmem:v20+s4+$0x0] =	vst.idx.add.f32.msk $0xffff, v19  }
.Ltmp15:
0x12a: {  	[tilespmem:v22+s4+$0x0] =	vst.idx.add.f32.msk $0xffff, v21;
	(pc) =	sbr.rel .LBB2_22-.Ltmp15, $4  }
0x12b: {  	[tilespmem:v24+s4+$0x0] =	vst.idx.add.f32.msk $0xffff, v23  }
0x12c: {  	[tilespmem:v62+s4+$0x0] =	vst.idx.add.f32.msk $0xffff, v14  }
0x12d: {  	[tilespmem:v63+s4+$0x0] =	vst.idx.add.f32.msk $0xffff, v13  }
0x12e: {  	[tilespmem:v11+s4+$0x0] =	vst.idx.add.f32.msk $0xffff, v61  }
.LBB2_10:
.Ltmp16:
0x12f: {  	(pc) =	sbr.rel .LBB2_14-.Ltmp16, $2  }
0x130: {  	_ =	sdelay $0x2  }
0x131: {  	s26 =	smov.u32 s8  }
.LBB2_19:
.Ltmp17:
0x132: {  	(pc) =	sbr.rel .LBB2_21-.Ltmp17, $2  }
0x133: {  	_ =	sdelay $0x2  }
0x134: {  	s8 =	smov.u32 s26  }
.LBB2_12:
.Ltmp18:
0x135: {  	(pc) =	sbr.rel .LBB2_14-.Ltmp18, $2  }
0x136: {  	_ =	sdelay $0x2  }
0x137: {  	s26 =	smov.u32 s8  }
.LBB2_23:
0x138: {  	s0 =	simm.s32 $0x0;
	s3 =	rddreg [dreg:$0x6]  }
0x139: {  	[hbm4b:s3+s0] =	stream.linear.scatter [tilespmem:s0], [sflag:$0x3], $0xA000, $0x38;
	[tilespmem:$0x1CA80] =	vst v63  }
0x13a: {  	_ =	swait.ge [sflag:s17], $0xA000  }
0x13b: {  	[sflag:s17] =	ssyncset.done $0x0  }
0x13c: {  	s31 =	rddreg [dreg:$0x4];
	[sflag:s17] =	ssyncadd.s32 $0xFFFF6000  }
0x13d: {  	[tilespmem:s22], [sflag:$0x3] =	stream.linear.gather [hbm4b:s31+s0], $0x2800, $0x38;
	[tilespmem:$0x1CA80] =	vst v63  }
0x13e: {  	_ =	swait.ge [sflag:s17], $0x2800  }
0x13f: {  	[sflag:s17] =	ssyncset.done $0x0  }
0x140: {  	s3 =	simm.s32 $0x0;
	[sflag:s17] =	ssyncadd.s32 $0xFFFFD800  }
.LBB2_24:
0x141: {  	s7 =	smul.u32 $0x7D0, s3;
	_ =	sdelay $0x1  }
0x142: {  	s7 =	sadd.s32 s12, s7  }
0x143: {  	s7 =	sshrl.u32 s7, $0x3  }
0x144: {  	s8 =	sadd.s32 s5, s7  }
0x145: {  	[tilespmem:s23], [sflag:$0x3] =	stream.linear.gather [hbm4b:s8+s0], $0x7D0, $0x38;
	[tilespmem:$0x1CA80] =	vst v63  }
0x146: {  	_ =	swait.ge [sflag:s17], $0x7D0  }
0x147: {  	[sflag:s17] =	ssyncset.done $0x0  }
0x148: {  	s7 =	sadd.s32 s6, s7;
	[sflag:s17] =	ssyncadd.s32 $0xFFFFF830  }
0x149: {  	[tilespmem:s24], [sflag:$0x3] =	stream.linear.gather [hbm4b:s7+s0], $0x7D0, $0x38;
	[tilespmem:$0x1CA80] =	vst v63  }
0x14a: {  	_ =	swait.ge [sflag:s17], $0x7D0  }
0x14b: {  	[sflag:s17] =	ssyncset.done $0x0  }
0x14c: {  	s7 =	simm.s32 $0x0;
	[sflag:s17] =	ssyncadd.s32 $0xFFFFF830  }
.LBB2_25:
0x14d: {  	s8 =	sshra.s32 s7, $0x2  }
0x14e: {  	v11 =	vld [tilespmem:s8+$0x1B800]  }
0x14f: {  	v12 =	vld [tilespmem:s8+$0x1C000]  }
0x150: {  	v13 =	vld [tilespmem:s8+$0x1B810]  }
0x151: {  	v14 =	vld [tilespmem:s8+$0x1C010]  }
0x152: {  	v15 =	vld [tilespmem:s8+$0x1B820]  }
0x153: {  	v16 =	vld [tilespmem:s8+$0x1B830]  }
0x154: {  	v17 =	vld [tilespmem:s8+$0x1B840]  }
0x155: {  	v18 =	vld [tilespmem:s8+$0x1C020]  }
0x156: {  	v19 =	vld [tilespmem:s8+$0x1C030]  }
0x157: {  	p0 =	sne.s32 s7, $0x1E00;
	v20 =	vld [tilespmem:s8+$0x1C040]  }
.Ltmp19:
0x158: {  	[tilespmem:v11+s22+$0x0] =	vst.idx.add.f32.msk $0xffff, v12;
	(pc) =	sbr.rel @p0 .LBB2_25-.Ltmp19, $4  }
0x159: {  	[tilespmem:v13+s22+$0x0] =	vst.idx.add.f32.msk $0xffff, v14  }
0x15a: {  	[tilespmem:v15+s22+$0x0] =	vst.idx.add.f32.msk $0xffff, v18  }
0x15b: {  	[tilespmem:v16+s22+$0x0] =	vst.idx.add.f32.msk $0xffff, v19  }
0x15c: {  	s7 =	sadd.s32 $0x140, s7;
	[tilespmem:v17+s22+$0x0] =	vst.idx.add.f32.msk $0xffff, v20  }
0x15d: {  	s3 =	sadd.s32 $0x1, s3  }
0x15e: {  	p0 =	sne.s32 s3, $0x5  }
.Ltmp20:
0x15f: {  	_ = 	snop;
	(pc) =	sbr.rel @p0 .LBB2_24-.Ltmp20, $1  }
0x160: {  	_ =	sdelay $0x3  }
0x161: {  	s28 =	sadd.s32 $0x1, s28  }
0x162: {  	p0 =	sne.s32 s28, s14  }
.Ltmp21:
0x163: {  	s0 =	simm.s32 $0x80;
	s3 =	simm.s32 $0x400;
	(pc) =	sbr.rel @p0 .LBB2_1-.Ltmp21, $4  }
0x164: {  	[hbm4b:s13+s0] =	stream.strided.scatter [tilespmem:s22], [sflag:$0x3], $0x2800, s3, s0, $0x38;
	[tilespmem:$0x1CA80] =	vst v63  }
0x165: {  	_ =	swait.ge [sflag:s17], $0x2800  }
0x166: {  	[sflag:s17] =	ssyncset.done $0x0  }
0x167: {  	[sflag:s17] =	ssyncadd.s32 $0xFFFFD800  }
0x168: {  	_ =	sfence.sel $0x180000  }
0x169: {  	[bflag:$0x0] =	sbarrier.arrive $0xFFFF  }
0x16a: {  	_ =	strace $0x90000047  }
0x16b: {  	s0 =	stileid.u32;
	[bflag:$0x2] =	sbarrier.arrive $0xFFFF  }
0x16c: {  	p0 =	sne.s32 s0, $0x0;
	s0 =	rddreg [dreg:$0x3]  }
0x16d: {  	s0 =	sadd.s32 @!p0 $0x100000, s0  }
0x16e: {  	[sflag:s0] =	ssyncadd.tile.s32 @!p0 $0x1;
	_ =	shalt  }
.Lfunc_end2:
_tile_overlayer_lowered:
.L_overlay_start_2:
0x16f: {  	(tag) =	ssettag $0x2  }
0x170: {  	s0 =	rddreg [dreg:$0x0];
	s2 =	stileid.u32  }
0x171: {  	s1 =	rddreg [dreg:$0x1];
	p0 =	sne.s32 s2, $0x0  }
0x172: {  	s3 =	rddreg [dreg:$0x2];
	[bflag:$0x3] =	sbarrier.arrive $0xFFFF;
	s2 =	simm.s32 @!p0 $0x1C03  }
0x173: {  	[timem:s3], [sflag:s2] =	dma.local @!p0 [hbm:s0], s1  }
0x174: {  	s0 =	simm.s32 @!p0 $0x3  }
0x175: {  	_ =	swait.ge @!p0 [sflag:s0], s1  }
0x176: {  	s1 =	ssub.s32 @!p0 $0x0, s1;
	[sflag:s0] =	ssyncset.done @!p0 $0x0  }
0x177: {  	[sflag:s0] =	ssyncadd.s32 @!p0 s1  }
0x178: {  	[bflag:$0x3] =	sbarrier.arrive $0xFFFF  }
0x179: {  	_ =	shalt  }

</sc_bundles>
